<compile_context>
chip_gen: v7x
topology: tpu7x:2x2x1
jax: 0.10.2.dev20260603
libtpu: 0.0.44.dev20260713+nightly
codegen_flags: <defaults>
</compile_context>

<pallas_src>
import functools
import math

import jax
import jax.numpy as jnp
import numpy as np
from jax import lax
from jax.experimental import pallas as pl
from jax.experimental.pallas import tpu as pltpu
from jax.experimental.pallas import tpu_sc as plsc

N_LEVELS = 16
N_FEATS = 4
LOG2_HASH = 18
BASE_RES = 16
FINEST_RES = 512
N_POINTS = 262144

_b = math.exp((math.log(FINEST_RES) - math.log(BASE_RES)) / (N_LEVELS - 1))
_RES = [int(math.floor(BASE_RES * (_b ** l))) for l in range(N_LEVELS)]
_SIZES = [min(r ** 3, 2 ** LOG2_HASH) for r in _RES]
_P2 = np.int32(np.uint32(2654435761).view(np.int32))
_P3 = np.int32(np.uint32(805459861).view(np.int32))

NW = 32
LANES = 16
CHUNK = 512
PW = N_POINTS // NW
CPB = CHUNK // 128
NB = 8 * CPB


def _is_pow2(m):
    return (m & (m - 1)) == 0


def _umod(h, m):
    hf = h.astype(jnp.float32)
    hf = jnp.where(h < 0, hf + jnp.float32(4294967296.0), hf)
    q = (hf * jnp.float32(1.0 / m)).astype(jnp.int32)
    r = h - q * jnp.int32(m)
    r = jnp.where(r < 0, r + jnp.int32(m), r)
    r = jnp.where(r >= jnp.int32(m), r - jnp.int32(m), r)
    return r


_BASES = [0]
for _s in _SIZES:
    _BASES.append(_BASES[-1] + _s)
TOTAL_ROWS = _BASES[N_LEVELS]

_CH = [-(-(-(-s // -NW)) // -LANES) * LANES for s in _SIZES]
_CH = [((s + NW - 1) // NW + LANES - 1) // LANES * LANES for s in _SIZES]
_BP = [0]
for _c in _CH:
    _BP.append(_BP[-1] + NW * _c)
RP = _BP[N_LEVELS]
_PL = [(s + 7) // 8 * 8 for s in _SIZES]
_SEG = [0]
for _p in _PL:
    _SEG.append(_SEG[-1] + 4 * _p)


def _relayout_body(src_hbm, big_hbm, p0, p1, p2, p3, rowbuf, sem):
    wid = lax.axis_index("s") * 2 + lax.axis_index("c")
    iota = lax.iota(jnp.int32, LANES)
    pat = iota * 8
    planes = (p0, p1, p2, p3)
    for l in range(N_LEVELS):
        ch = _CH[l]
        seg = _SEG[l]
        pln = _PL[l]
        r0 = wid * ch
        for f in range(4):
            pltpu.sync_copy(src_hbm.at[pl.ds(seg + f * pln + r0, ch)],
                            planes[f].at[pl.ds(0, ch)])

        def grp(g, _, ch=ch):
            for f in range(4):
                v = planes[f][pl.ds(g * LANES, LANES)]
                plsc.store_scatter(rowbuf, [pat + (g * 128 + f)], v)
            return 0

        lax.fori_loop(0, ch // LANES, grp, 0)
        pltpu.sync_copy(rowbuf.at[pl.ds(0, ch * 8)],
                        big_hbm.at[pl.ds((_BP[l] + r0) * 8, ch * 8)])


@jax.jit
def _relayout(tall):
    fn = pl.kernel(
        _relayout_body,
        out_type=jax.ShapeDtypeStruct((RP * 8,), jnp.float32),
        mesh=plsc.VectorSubcoreMesh(core_axis_name="c", subcore_axis_name="s"),
        compiler_params=pltpu.CompilerParams(
            needs_layout_passes=False, use_tc_tiling_on_sc=False
        ),
        scratch_types=[
            pltpu.VMEM((max(_CH),), jnp.float32),
            pltpu.VMEM((max(_CH),), jnp.float32),
            pltpu.VMEM((max(_CH),), jnp.float32),
            pltpu.VMEM((max(_CH),), jnp.float32),
            pltpu.VMEM((max(_CH) * 8,), jnp.float32),
            pltpu.SemaphoreType.DMA,
        ],
    )
    return fn(tall)


def _encode_body(x_hbm, y_hbm, z_hbm, tbl, out_hbm,
                 xb, yb, zb, xf0, xf1, idx0, idx1, g0, g1, feats_buf, sem):

    wid = lax.axis_index("s") * 2 + lax.axis_index("c")
    base = wid * PW
    iota = lax.iota(jnp.int32, LANES)
    iota64 = iota * 64
    fvecs = [jnp.full((LANES,), f, jnp.int32) for f in range(4)]
    xfs = (xf0, xf1)
    idxs = (idx0, idx1)
    gs = (g0, g1)

    def hash_level(l, idx_buf, xf):
        r = _RES[l]
        m = _SIZES[l]
        bs = _BP[l]

        def hash_body(i, _):
            xs = xb[pl.ds(i * LANES, LANES)] * jnp.float32(r)
            ys = yb[pl.ds(i * LANES, LANES)] * jnp.float32(r)
            zs = zb[pl.ds(i * LANES, LANES)] * jnp.float32(r)
            xi = xs.astype(jnp.int32)
            yi = ys.astype(jnp.int32)
            zi = zs.astype(jnp.int32)
            xf[0, pl.ds(i * LANES, LANES)] = xs - xi.astype(jnp.float32)
            xf[1, pl.ds(i * LANES, LANES)] = ys - yi.astype(jnp.float32)
            xf[2, pl.ds(i * LANES, LANES)] = zs - zi.astype(jnp.float32)
            hx0, hx1 = xi, xi + 1
            hy0 = yi * _P2
            hy1 = hy0 + _P2
            hz0 = zi * _P3
            hz1 = hz0 + _P3
            r0 = i * LANES - (i // 8) * 128
            for c in range(8):
                h = (hx1 if (c >> 2) & 1 else hx0) ^ \
                    (hy1 if (c >> 1) & 1 else hy0) ^ \
                    (hz1 if c & 1 else hz0)
                if _is_pow2(m):
                    idx = h & jnp.int32(m - 1)
                else:
                    idx = _umod(h, m)
                idx_buf[c * CPB + i // 8, pl.ds(r0, LANES)] = idx + jnp.int32(bs)
            return 0

        lax.fori_loop(0, CHUNK // LANES, hash_body, 0)

    def fire_level(idx_buf, g_buf):
        def fire(b, _):
            pltpu.make_async_copy(tbl.at[idx_buf.at[b]],
                                  g_buf.at[pl.ds(b * 128, 128)], sem).start()
            return 0

        lax.fori_loop(0, NB, fire, 0)

    def drain_level(idx_buf, g_buf):
        def drain(b, _):
            pltpu.make_async_copy(tbl.at[idx_buf.at[b]],
                                  g_buf.at[pl.ds(b * 128, 128)], sem).wait()
            return 0

        lax.fori_loop(0, NB, drain, 0)

    def accum_level(l, g_buf, xf):
        def accum_body(i, _):
            tx1 = xf[0, pl.ds(i * LANES, LANES)]
            ty1 = xf[1, pl.ds(i * LANES, LANES)]
            tz1 = xf[2, pl.ds(i * LANES, LANES)]
            tx0 = 1.0 - tx1
            ty0 = 1.0 - ty1
            tz0 = 1.0 - tz1
            rv0 = iota + i * LANES
            acc = [jnp.zeros((LANES,), jnp.float32) for _ in range(4)]
            for c in range(8):
                w = ((tx1 if (c >> 2) & 1 else tx0)
                     * (ty1 if (c >> 1) & 1 else ty0)
                     * (tz1 if c & 1 else tz0))
                rv = rv0 + c * CHUNK
                for f in range(4):
                    g = plsc.load_gather(g_buf, [rv, fvecs[f]])
                    acc[f] = acc[f] + g * w
            off = i * (LANES * 64) + l * 4
            for f in range(4):
                plsc.store_scatter(feats_buf, [iota64 + (off + f)], acc[f])
            return 0

        lax.fori_loop(0, CHUNK // LANES, accum_body, 0)

    def chunk_body(k, _):
        start = base + k * CHUNK
        pltpu.sync_copy(x_hbm.at[pl.ds(start, CHUNK)], xb)
        pltpu.sync_copy(y_hbm.at[pl.ds(start, CHUNK)], yb)
        pltpu.sync_copy(z_hbm.at[pl.ds(start, CHUNK)], zb)

        hash_level(0, idxs[0], xfs[0])
        for l in range(N_LEVELS):
            p = l % 2
            fire_level(idxs[p], gs[p])
            if l + 1 < N_LEVELS:
                hash_level(l + 1, idxs[1 - p], xfs[1 - p])
            drain_level(idxs[p], gs[p])
            accum_level(l, gs[p], xfs[p])

        pltpu.sync_copy(feats_buf, out_hbm.at[pl.ds(start * 64, CHUNK * 64)])
        return 0

    lax.fori_loop(0, PW // CHUNK, chunk_body, 0)


@jax.jit
def _encode(x, y, z, tbl):
    fn = pl.kernel(
        _encode_body,
        out_type=jax.ShapeDtypeStruct((N_POINTS * 64,), jnp.float32),
        mesh=plsc.VectorSubcoreMesh(core_axis_name="c", subcore_axis_name="s"),
        compiler_params=pltpu.CompilerParams(
            needs_layout_passes=False, use_tc_tiling_on_sc=False
        ),
        scratch_types=[
            pltpu.VMEM((CHUNK,), jnp.float32),
            pltpu.VMEM((CHUNK,), jnp.float32),
            pltpu.VMEM((CHUNK,), jnp.float32),
            pltpu.VMEM((3, CHUNK), jnp.float32),
            pltpu.VMEM((3, CHUNK), jnp.float32),
            pltpu.VMEM((NB, 128), jnp.int32),
            pltpu.VMEM((NB, 128), jnp.int32),
            pltpu.VMEM((NB * 128, 8), jnp.float32),
            pltpu.VMEM((NB * 128, 8), jnp.float32),
            pltpu.VMEM((CHUNK * 64,), jnp.float32),
            pltpu.SemaphoreType.DMA,
        ],
    )
    return fn(x, y, z, tbl)


BM = 2048


def _mlp_body(f_ref, w1_ref, b1_ref, w2_ref, b2_ref, w3_ref, b3_ref, o_ref):
    x = f_ref[...]
    h = jnp.dot(x, w1_ref[...], preferred_element_type=jnp.float32) + b1_ref[...]
    h = jnp.maximum(h, 0.0)
    h = jnp.dot(h, w2_ref[...], preferred_element_type=jnp.float32) + b2_ref[...]
    h = jnp.maximum(h, 0.0)
    t = jnp.dot(h, w3_ref[...], preferred_element_type=jnp.float32) + b3_ref[...]
    o_ref[...] = 1.0 / (1.0 + jnp.exp(-t))


@functools.partial(jax.jit, static_argnames=("n_out",))
def _mlp(feats, W1, b1, W2, b2, W3, b3, n_out):
    return pl.pallas_call(
        _mlp_body,
        grid=(N_POINTS // BM,),
        in_specs=[
            pl.BlockSpec((BM, 64), lambda i: (i, 0)),
            pl.BlockSpec((64, 64), lambda i: (0, 0)),
            pl.BlockSpec((1, 64), lambda i: (0, 0)),
            pl.BlockSpec((64, 64), lambda i: (0, 0)),
            pl.BlockSpec((1, 64), lambda i: (0, 0)),
            pl.BlockSpec((64, n_out), lambda i: (0, 0)),
            pl.BlockSpec((1, n_out), lambda i: (0, 0)),
        ],
        out_specs=pl.BlockSpec((BM, n_out), lambda i: (i, 0)),
        out_shape=jax.ShapeDtypeStruct((N_POINTS, n_out), jnp.float32),
    )(feats, W1, b1, W2, b2, W3, b3)


def kernel(ipos, tables, W1, b1, W2, b2, W3, b3):
    x = ipos[:, 0]
    y = ipos[:, 1]
    z = ipos[:, 2]
    tall = jnp.concatenate(
        [jnp.pad(t.T, ((0, 0), (0, pl_ - t.shape[0]))).reshape(-1)
         for t, pl_ in zip(tables, _PL)]
        + [jnp.zeros((4096,), jnp.float32)]
    )
    tbl = _relayout(tall).reshape(RP, 8)
    feats = _encode(x, y, z, tbl).reshape(N_POINTS, 64)
    n_out = W3.shape[1]
    return _mlp(feats, W1, b1[None, :], W2, b2[None, :], W3, b3[None, :], n_out)

# --- scband reference (transcript-rebuilt; emitter-appended) ---
"""Pipeline reference for scband-hash-grid-material-29884382445934 (READ-ONLY COPY).

The authoritative reference and input builder live on the scoring server;
editing this copy changes nothing except your own understanding.
"""

import jax, jax.numpy as jnp
import numpy as np
import math

N_LEVELS = 16
N_FEATS = 4
LOG2_HASH = 18
BASE_RES = 16
FINEST_RES = 512
DIM = 3
N_PARAMS = 9
N_POINTS = 262144


def _level_params():
    b = math.exp((math.log(FINEST_RES) - math.log(BASE_RES)) / (N_LEVELS - 1))
    res, sizes = [], []
    for l in range(N_LEVELS):
        r = int(math.floor(BASE_RES * (b ** l)))
        res.append(r)
        sizes.append(min(r ** DIM, 2 ** LOG2_HASH))
    return res, sizes

RESOLUTIONS, HASHMAP_SIZES = _level_params()
PRIMES = np.array([1, 2654435761, 805459861], dtype=np.uint32)
OFFSETS = np.array([[i, j, k] for i in (0, 1) for j in (0, 1) for k in (0, 1)], dtype=np.uint32)  # [8,3]


def hash_encode(x, tables):
    offs_u = jnp.asarray(OFFSETS)
    offs_f = offs_u.astype(jnp.float32)[None]  # [1,8,3]
    primes = jnp.asarray(PRIMES)[None, None, :]
    outs = []
    for l in range(N_LEVELS):
        r = RESOLUTIONS[l]
        hs = HASHMAP_SIZES[l]
        xs = x * r
        xi_f = jnp.floor(xs)
        xf = xs - xi_f  # fractional part, [N,3]
        xi = xi_f.astype(jnp.uint32)
        corners = xi[:, None, :] + offs_u[None]  # [N,8,3] uint32
        h = corners * primes  # uint32 wraps mod 2^32
        idx = (h[..., 0] ^ h[..., 1] ^ h[..., 2]) % jnp.uint32(hs)  # [N,8]
        feats = jnp.take(tables[l], idx.astype(jnp.int32), axis=0)  # [N,8,F]
        w = jnp.prod(offs_f * xf[:, None, :] + (1.0 - offs_f) * (1.0 - xf[:, None, :]), axis=-1)  # [N,8]
        outs.append(jnp.sum(feats * w[..., None], axis=1))  # [N,F]
    return jnp.concatenate(outs, axis=-1)  # [N, 64]


def setup_inputs(seed: int = 0) -> dict:
    key = jax.random.key(seed)
    ks = jax.random.split(key, N_LEVELS + 8)
    ipos = jax.random.uniform(ks[0], (N_POINTS, 3), dtype=jnp.float32)
    tables = [
        jax.random.uniform(ks[1 + l], (HASHMAP_SIZES[l], N_FEATS), minval=-1e-4, maxval=1e-4, dtype=jnp.float32)
        for l in range(N_LEVELS)
    ]
    d_in = N_LEVELS * N_FEATS  # 64
    W1 = jax.random.normal(ks[N_LEVELS + 1], (d_in, 64), dtype=jnp.float32) * (1.0 / math.sqrt(d_in))
    b1 = jnp.zeros((64,), dtype=jnp.float32)
    W2 = jax.random.normal(ks[N_LEVELS + 2], (64, 64), dtype=jnp.float32) * 0.125
    b2 = jnp.zeros((64,), dtype=jnp.float32)
    W3 = jax.random.normal(ks[N_LEVELS + 3], (64, N_PARAMS), dtype=jnp.float32) * 0.125
    b3 = jnp.zeros((N_PARAMS,), dtype=jnp.float32)
    return {"ipos": ipos, "tables": tables, "W1": W1, "b1": b1, "W2": W2, "b2": b2, "W3": W3, "b3": b3}


def reference(ipos, tables, W1, b1, W2, b2, W3, b3):
    feats = hash_encode(ipos, tables)  # [N, 64]
    h = jax.nn.relu(feats @ W1 + b1)
    h = jax.nn.relu(h @ W2 + b2)
    out = jax.nn.sigmoid(h @ W3 + b3)  # [N, n_params]
    return out

if __name__ == "__main__":
    import jax
    _d = setup_inputs()
    print(jax.jit(kernel)(*tuple(_d.values())))

</pallas_src>

<mosaic_0001>
#map = affine_map<(d0, d1) -> (0)>
module attributes {stable_mosaic.version = 14 : i64} {
  func.func @_relayout_body(%arg0: i32, %arg1: i32, %arg2: memref<11487840xf32, #tpu.memory_space<hbm>>, %arg3: memref<22974464xf32, #tpu.memory_space<hbm>>, %arg4: memref<8192xf32, #tpu.memory_space<vmem>>, %arg5: memref<8192xf32, #tpu.memory_space<vmem>>, %arg6: memref<8192xf32, #tpu.memory_space<vmem>>, %arg7: memref<8192xf32, #tpu.memory_space<vmem>>, %arg8: memref<65536xf32, #tpu.memory_space<vmem>>, %arg9: memref<!tpu.dma_semaphore, #tpu.memory_space<semaphore_mem>>) attributes {dimension_semantics = [#tpu.dimension_semantics<core_parallel>, #tpu.dimension_semantics<subcore_parallel>], iteration_bounds = array<i64: 2, 16>, scalar_prefetch = 0 : i64, scratch_operands = 6 : i64, tpu.core_type = #tpu.core_type<sc_vector_subcore>, window_params = [{transform_indices = #map}, {transform_indices = #map}]} {
    %mul3A = arith.constant 2 : i32
    %mul3A_0 = arith.muli %arg1, %mul3A : i32
    %add3A = arith.addi %mul3A_0, %arg0 : i32
    %iota3A = tpu.iota {dimensions = array<i32: 0>} : vector<16xi32>
    %mul3A_1 = arith.constant 8 : i32
    %mul3A_2 = vector.broadcast %mul3A_1 : i32 to vector<16xi32>
    %mul3A_3 = arith.muli %iota3A, %mul3A_2 : vector<16xi32>
    %mul3A_4 = arith.constant 128 : i32
    %mul3A_5 = arith.muli %add3A, %mul3A_4 : i32
    %add3A_6 = arith.constant 0 : i32
    %add3A_7 = arith.addi %add3A_6, %mul3A_5 : i32
    "tpu.region"() ({
      %run_scoped3A = tpu.sem_alloc : memref<!tpu.dma_semaphore, #tpu.memory_space<semaphore_mem>>
      %dma_start3A = arith.constant 0 : i32
      %dma_start3A_339 = tpu.memref_slice %arg4[%dma_start3A] : memref<8192xf32, #tpu.memory_space<vmem>> -> memref<128xf32, #tpu.memory_space<vmem>>
      %dma_start3A_340 = tpu.memref_slice %arg2[%add3A_7] : memref<11487840xf32, #tpu.memory_space<hbm>> -> memref<128xf32, #tpu.memory_space<hbm>>
      %dma_start3A_341 = arith.constant 0 : i32
      %dma_start3A_342 = tpu.memref_slice %arg4[%dma_start3A_341] : memref<8192xf32, #tpu.memory_space<vmem>> -> memref<128xf32, #tpu.memory_space<vmem>>
      %dma_start3A_343 = tpu.memref_slice %arg2[%add3A_7] : memref<11487840xf32, #tpu.memory_space<hbm>> -> memref<128xf32, #tpu.memory_space<hbm>>
      tpu.enqueue_dma source(%dma_start3A_343 : memref<128xf32, #tpu.memory_space<hbm>>) target(%dma_start3A_342 : memref<128xf32, #tpu.memory_space<vmem>>) target_semaphore(%run_scoped3A : memref<!tpu.dma_semaphore, #tpu.memory_space<semaphore_mem>>)
      %dma_wait3A = arith.constant 0 : i32
      %dma_wait3A_344 = tpu.memref_slice %arg4[%dma_wait3A] : memref<8192xf32, #tpu.memory_space<vmem>> -> memref<128xf32, #tpu.memory_space<vmem>>
      %dma_wait3A_345 = tpu.memref_slice %arg2[%add3A_7] : memref<11487840xf32, #tpu.memory_space<hbm>> -> memref<128xf32, #tpu.memory_space<hbm>>
      %dma_wait3A_346 = arith.constant 0 : i32
      %dma_wait3A_347 = tpu.memref_slice %arg4[%dma_wait3A_346] : memref<8192xf32, #tpu.memory_space<vmem>> -> memref<128xf32, #tpu.memory_space<vmem>>
      %dma_wait3A_348 = tpu.memref_slice %arg2[%add3A_7] : memref<11487840xf32, #tpu.memory_space<hbm>> -> memref<128xf32, #tpu.memory_space<hbm>>
      tpu.wait_dma2 semaphore(%run_scoped3A : memref<!tpu.dma_semaphore, #tpu.memory_space<semaphore_mem>>) src(%dma_wait3A_348 : memref<128xf32, #tpu.memory_space<hbm>>) dst(%dma_wait3A_347 : memref<128xf32, #tpu.memory_space<vmem>>)
      tpu.yield
    }) : () -> ()
    %add3A_8 = arith.constant 4096 : i32
    %add3A_9 = arith.addi %add3A_8, %mul3A_5 : i32
    "tpu.region"() ({
      %run_scoped3A = tpu.sem_alloc : memref<!tpu.dma_semaphore, #tpu.memory_space<semaphore_mem>>
      %dma_start3A = arith.constant 0 : i32
      %dma_start3A_339 = tpu.memref_slice %arg5[%dma_start3A] : memref<8192xf32, #tpu.memory_space<vmem>> -> memref<128xf32, #tpu.memory_space<vmem>>
      %dma_start3A_340 = tpu.memref_slice %arg2[%add3A_9] : memref<11487840xf32, #tpu.memory_space<hbm>> -> memref<128xf32, #tpu.memory_space<hbm>>
      %dma_start3A_341 = arith.constant 0 : i32
      %dma_start3A_342 = tpu.memref_slice %arg5[%dma_start3A_341] : memref<8192xf32, #tpu.memory_space<vmem>> -> memref<128xf32, #tpu.memory_space<vmem>>
      %dma_start3A_343 = tpu.memref_slice %arg2[%add3A_9] : memref<11487840xf32, #tpu.memory_space<hbm>> -> memref<128xf32, #tpu.memory_space<hbm>>
      tpu.enqueue_dma source(%dma_start3A_343 : memref<128xf32, #tpu.memory_space<hbm>>) target(%dma_start3A_342 : memref<128xf32, #tpu.memory_space<vmem>>) target_semaphore(%run_scoped3A : memref<!tpu.dma_semaphore, #tpu.memory_space<semaphore_mem>>)
      %dma_wait3A = arith.constant 0 : i32
      %dma_wait3A_344 = tpu.memref_slice %arg5[%dma_wait3A] : memref<8192xf32, #tpu.memory_space<vmem>> -> memref<128xf32, #tpu.memory_space<vmem>>
      %dma_wait3A_345 = tpu.memref_slice %arg2[%add3A_9] : memref<11487840xf32, #tpu.memory_space<hbm>> -> memref<128xf32, #tpu.memory_space<hbm>>
      %dma_wait3A_346 = arith.constant 0 : i32
      %dma_wait3A_347 = tpu.memref_slice %arg5[%dma_wait3A_346] : memref<8192xf32, #tpu.memory_space<vmem>> -> memref<128xf32, #tpu.memory_space<vmem>>
      %dma_wait3A_348 = tpu.memref_slice %arg2[%add3A_9] : memref<11487840xf32, #tpu.memory_space<hbm>> -> memref<128xf32, #tpu.memory_space<hbm>>
      tpu.wait_dma2 semaphore(%run_scoped3A : memref<!tpu.dma_semaphore, #tpu.memory_space<semaphore_mem>>) src(%dma_wait3A_348 : memref<128xf32, #tpu.memory_space<hbm>>) dst(%dma_wait3A_347 : memref<128xf32, #tpu.memory_space<vmem>>)
      tpu.yield
    }) : () -> ()
    %add3A_10 = arith.constant 8192 : i32
    %add3A_11 = arith.addi %add3A_10, %mul3A_5 : i32
    "tpu.region"() ({
      %run_scoped3A = tpu.sem_alloc : memref<!tpu.dma_semaphore, #tpu.memory_space<semaphore_mem>>
      %dma_start3A = arith.constant 0 : i32
      %dma_start3A_339 = tpu.memref_slice %arg6[%dma_start3A] : memref<8192xf32, #tpu.memory_space<vmem>> -> memref<128xf32, #tpu.memory_space<vmem>>
      %dma_start3A_340 = tpu.memref_slice %arg2[%add3A_11] : memref<11487840xf32, #tpu.memory_space<hbm>> -> memref<128xf32, #tpu.memory_space<hbm>>
      %dma_start3A_341 = arith.constant 0 : i32
      %dma_start3A_342 = tpu.memref_slice %arg6[%dma_start3A_341] : memref<8192xf32, #tpu.memory_space<vmem>> -> memref<128xf32, #tpu.memory_space<vmem>>
      %dma_start3A_343 = tpu.memref_slice %arg2[%add3A_11] : memref<11487840xf32, #tpu.memory_space<hbm>> -> memref<128xf32, #tpu.memory_space<hbm>>
      tpu.enqueue_dma source(%dma_start3A_343 : memref<128xf32, #tpu.memory_space<hbm>>) target(%dma_start3A_342 : memref<128xf32, #tpu.memory_space<vmem>>) target_semaphore(%run_scoped3A : memref<!tpu.dma_semaphore, #tpu.memory_space<semaphore_mem>>)
      %dma_wait3A = arith.constant 0 : i32
      %dma_wait3A_344 = tpu.memref_slice %arg6[%dma_wait3A] : memref<8192xf32, #tpu.memory_space<vmem>> -> memref<128xf32, #tpu.memory_space<vmem>>
      %dma_wait3A_345 = tpu.memref_slice %arg2[%add3A_11] : memref<11487840xf32, #tpu.memory_space<hbm>> -> memref<128xf32, #tpu.memory_space<hbm>>
      %dma_wait3A_346 = arith.constant 0 : i32
      %dma_wait3A_347 = tpu.memref_slice %arg6[%dma_wait3A_346] : memref<8192xf32, #tpu.memory_space<vmem>> -> memref<128xf32, #tpu.memory_space<vmem>>
      %dma_wait3A_348 = tpu.memref_slice %arg2[%add3A_11] : memref<11487840xf32, #tpu.memory_space<hbm>> -> memref<128xf32, #tpu.memory_space<hbm>>
      tpu.wait_dma2 semaphore(%run_scoped3A : memref<!tpu.dma_semaphore, #tpu.memory_space<semaphore_mem>>) src(%dma_wait3A_348 : memref<128xf32, #tpu.memory_space<hbm>>) dst(%dma_wait3A_347 : memref<128xf32, #tpu.memory_space<vmem>>)
      tpu.yield
    }) : () -> ()
    %add3A_12 = arith.constant 12288 : i32
    %add3A_13 = arith.addi %add3A_12, %mul3A_5 : i32
    "tpu.region"() ({
      %run_scoped3A = tpu.sem_alloc : memref<!tpu.dma_semaphore, #tpu.memory_space<semaphore_mem>>
      %dma_start3A = arith.constant 0 : i32
      %dma_start3A_339 = tpu.memref_slice %arg7[%dma_start3A] : memref<8192xf32, #tpu.memory_space<vmem>> -> memref<128xf32, #tpu.memory_space<vmem>>
      %dma_start3A_340 = tpu.memref_slice %arg2[%add3A_13] : memref<11487840xf32, #tpu.memory_space<hbm>> -> memref<128xf32, #tpu.memory_space<hbm>>
      %dma_start3A_341 = arith.constant 0 : i32
      %dma_start3A_342 = tpu.memref_slice %arg7[%dma_start3A_341] : memref<8192xf32, #tpu.memory_space<vmem>> -> memref<128xf32, #tpu.memory_space<vmem>>
      %dma_start3A_343 = tpu.memref_slice %arg2[%add3A_13] : memref<11487840xf32, #tpu.memory_space<hbm>> -> memref<128xf32, #tpu.memory_space<hbm>>
      tpu.enqueue_dma source(%dma_start3A_343 : memref<128xf32, #tpu.memory_space<hbm>>) target(%dma_start3A_342 : memref<128xf32, #tpu.memory_space<vmem>>) target_semaphore(%run_scoped3A : memref<!tpu.dma_semaphore, #tpu.memory_space<semaphore_mem>>)
      %dma_wait3A = arith.constant 0 : i32
      %dma_wait3A_344 = tpu.memref_slice %arg7[%dma_wait3A] : memref<8192xf32, #tpu.memory_space<vmem>> -> memref<128xf32, #tpu.memory_space<vmem>>
      %dma_wait3A_345 = tpu.memref_slice %arg2[%add3A_13] : memref<11487840xf32, #tpu.memory_space<hbm>> -> memref<128xf32, #tpu.memory_space<hbm>>
      %dma_wait3A_346 = arith.constant 0 : i32
      %dma_wait3A_347 = tpu.memref_slice %arg7[%dma_wait3A_346] : memref<8192xf32, #tpu.memory_space<vmem>> -> memref<128xf32, #tpu.memory_space<vmem>>
      %dma_wait3A_348 = tpu.memref_slice %arg2[%add3A_13] : memref<11487840xf32, #tpu.memory_space<hbm>> -> memref<128xf32, #tpu.memory_space<hbm>>
      tpu.wait_dma2 semaphore(%run_scoped3A : memref<!tpu.dma_semaphore, #tpu.memory_space<semaphore_mem>>) src(%dma_wait3A_348 : memref<128xf32, #tpu.memory_space<hbm>>) dst(%dma_wait3A_347 : memref<128xf32, #tpu.memory_space<vmem>>)
      tpu.yield
    }) : () -> ()
    %scan3A = arith.constant 0 : i32
    %scan3A_14 = arith.constant 0 : i32
    %scan3A_15 = arith.constant 8 : i32
    %scan3A_16 = arith.addi %scan3A_14, %scan3A_15 : i32
    %scan3A_17 = arith.constant 1 : i32
    %scan3A_18 = scf.for %scan3A_339 = %scan3A_14 to %scan3A_16 step %scan3A_17 iter_args(%scan3A_340 = %scan3A) -> (i32)  : i32 {
      %mul3A_341 = arith.constant 16 : i32
      %mul3A_342 = arith.muli %scan3A_339, %mul3A_341 : i32
      %get3A = arith.index_cast %mul3A_342 : i32 to index
      %get3A_343 = tpu.vector_load %arg4[%get3A] {strides = array<i32>} : memref<8192xf32, #tpu.memory_space<vmem>>, vector<16xf32>,
      %mul3A_344 = arith.constant 128 : i32
      %mul3A_345 = arith.muli %scan3A_339, %mul3A_344 : i32
      %add3A_346 = arith.constant 0 : i32
      %add3A_347 = arith.addi %mul3A_345, %add3A_346 : i32
      %add3A_348 = vector.broadcast %add3A_347 : i32 to vector<16xi32>
      %add3A_349 = arith.addi %mul3A_3, %add3A_348 : vector<16xi32>
      tpu.vector_store_idx %arg8[%add3A_349], %get3A_343 : memref<65536xf32, #tpu.memory_space<vmem>>[vector<16xi32>], vector<16xf32>,
      %mul3A_350 = arith.constant 16 : i32
      %mul3A_351 = arith.muli %scan3A_339, %mul3A_350 : i32
      %get3A_352 = arith.index_cast %mul3A_351 : i32 to index
      %get3A_353 = tpu.vector_load %arg5[%get3A_352] {strides = array<i32>} : memref<8192xf32, #tpu.memory_space<vmem>>, vector<16xf32>,
      %mul3A_354 = arith.constant 128 : i32
      %mul3A_355 = arith.muli %scan3A_339, %mul3A_354 : i32
      %add3A_356 = arith.constant 1 : i32
      %add3A_357 = arith.addi %mul3A_355, %add3A_356 : i32
      %add3A_358 = vector.broadcast %add3A_357 : i32 to vector<16xi32>
      %add3A_359 = arith.addi %mul3A_3, %add3A_358 : vector<16xi32>
      tpu.vector_store_idx %arg8[%add3A_359], %get3A_353 : memref<65536xf32, #tpu.memory_space<vmem>>[vector<16xi32>], vector<16xf32>,
      %mul3A_360 = arith.constant 16 : i32
      %mul3A_361 = arith.muli %scan3A_339, %mul3A_360 : i32
      %get3A_362 = arith.index_cast %mul3A_361 : i32 to index
      %get3A_363 = tpu.vector_load %arg6[%get3A_362] {strides = array<i32>} : memref<8192xf32, #tpu.memory_space<vmem>>, vector<16xf32>,
      %mul3A_364 = arith.constant 128 : i32
      %mul3A_365 = arith.muli %scan3A_339, %mul3A_364 : i32
      %add3A_366 = arith.constant 2 : i32
      %add3A_367 = arith.addi %mul3A_365, %add3A_366 : i32
      %add3A_368 = vector.broadcast %add3A_367 : i32 to vector<16xi32>
      %add3A_369 = arith.addi %mul3A_3, %add3A_368 : vector<16xi32>
      tpu.vector_store_idx %arg8[%add3A_369], %get3A_363 : memref<65536xf32, #tpu.memory_space<vmem>>[vector<16xi32>], vector<16xf32>,
      %mul3A_370 = arith.constant 16 : i32
      %mul3A_371 = arith.muli %scan3A_339, %mul3A_370 : i32
      %get3A_372 = arith.index_cast %mul3A_371 : i32 to index
      %get3A_373 = tpu.vector_load %arg7[%get3A_372] {strides = array<i32>} : memref<8192xf32, #tpu.memory_space<vmem>>, vector<16xf32>,
      %mul3A_374 = arith.constant 128 : i32
      %mul3A_375 = arith.muli %scan3A_339, %mul3A_374 : i32
      %add3A_376 = arith.constant 3 : i32
      %add3A_377 = arith.addi %mul3A_375, %add3A_376 : i32
      %add3A_378 = vector.broadcast %add3A_377 : i32 to vector<16xi32>
      %add3A_379 = arith.addi %mul3A_3, %add3A_378 : vector<16xi32>
      tpu.vector_store_idx %arg8[%add3A_379], %get3A_373 : memref<65536xf32, #tpu.memory_space<vmem>>[vector<16xi32>], vector<16xf32>,
      %scan3A_380 = arith.constant 0 : i32
      scf.yield %scan3A_380 : i32
    }
    %scan3A_19 = arith.constant 8 : i32
    %add3A_20 = arith.constant 0 : i32
    %add3A_21 = arith.addi %add3A_20, %mul3A_5 : i32
    %mul3A_22 = arith.constant 8 : i32
    %mul3A_23 = arith.muli %add3A_21, %mul3A_22 : i32
    "tpu.region"() ({
      %run_scoped3A = tpu.sem_alloc : memref<!tpu.dma_semaphore, #tpu.memory_space<semaphore_mem>>
      %dma_start3A = arith.constant 0 : i32
      %dma_start3A_339 = tpu.memref_slice %arg8[%dma_start3A] : memref<65536xf32, #tpu.memory_space<vmem>> -> memref<1024xf32, #tpu.memory_space<vmem>>
      %dma_start3A_340 = tpu.memref_slice %arg3[%mul3A_23] : memref<22974464xf32, #tpu.memory_space<hbm>> -> memref<1024xf32, #tpu.memory_space<hbm>>
      %dma_start3A_341 = tpu.memref_slice %arg3[%mul3A_23] : memref<22974464xf32, #tpu.memory_space<hbm>> -> memref<1024xf32, #tpu.memory_space<hbm>>
      %dma_start3A_342 = arith.constant 0 : i32
      %dma_start3A_343 = tpu.memref_slice %arg8[%dma_start3A_342] : memref<65536xf32, #tpu.memory_space<vmem>> -> memref<1024xf32, #tpu.memory_space<vmem>>
      tpu.enqueue_dma source(%dma_start3A_343 : memref<1024xf32, #tpu.memory_space<vmem>>) target(%dma_start3A_341 : memref<1024xf32, #tpu.memory_space<hbm>>) target_semaphore(%run_scoped3A : memref<!tpu.dma_semaphore, #tpu.memory_space<semaphore_mem>>)
      %dma_wait3A = arith.constant 0 : i32
      %dma_wait3A_344 = tpu.memref_slice %arg8[%dma_wait3A] : memref<65536xf32, #tpu.memory_space<vmem>> -> memref<1024xf32, #tpu.memory_space<vmem>>
      %dma_wait3A_345 = tpu.memref_slice %arg3[%mul3A_23] : memref<22974464xf32, #tpu.memory_space<hbm>> -> memref<1024xf32, #tpu.memory_space<hbm>>
      %dma_wait3A_346 = tpu.memref_slice %arg3[%mul3A_23] : memref<22974464xf32, #tpu.memory_space<hbm>> -> memref<1024xf32, #tpu.memory_space<hbm>>
      %dma_wait3A_347 = arith.constant 0 : i32
      %dma_wait3A_348 = tpu.memref_slice %arg8[%dma_wait3A_347] : memref<65536xf32, #tpu.memory_space<vmem>> -> memref<1024xf32, #tpu.memory_space<vmem>>
      tpu.wait_dma2 semaphore(%run_scoped3A : memref<!tpu.dma_semaphore, #tpu.memory_space<semaphore_mem>>) src(%dma_wait3A_348 : memref<1024xf32, #tpu.memory_space<vmem>>) dst(%dma_wait3A_346 : memref<1024xf32, #tpu.memory_space<hbm>>)
      tpu.yield
    }) : () -> ()
    %mul3A_24 = arith.constant 256 : i32
    %mul3A_25 = arith.muli %add3A, %mul3A_24 : i32
    %add3A_26 = arith.constant 16384 : i32
    %add3A_27 = arith.addi %add3A_26, %mul3A_25 : i32
    "tpu.region"() ({
      %run_scoped3A = tpu.sem_alloc : memref<!tpu.dma_semaphore, #tpu.memory_space<semaphore_mem>>
      %dma_start3A = arith.constant 0 : i32
      %dma_start3A_339 = tpu.memref_slice %arg4[%dma_start3A] : memref<8192xf32, #tpu.memory_space<vmem>> -> memref<256xf32, #tpu.memory_space<vmem>>
      %dma_start3A_340 = tpu.memref_slice %arg2[%add3A_27] : memref<11487840xf32, #tpu.memory_space<hbm>> -> memref<256xf32, #tpu.memory_space<hbm>>
      %dma_start3A_341 = arith.constant 0 : i32
      %dma_start3A_342 = tpu.memref_slice %arg4[%dma_start3A_341] : memref<8192xf32, #tpu.memory_space<vmem>> -> memref<256xf32, #tpu.memory_space<vmem>>
      %dma_start3A_343 = tpu.memref_slice %arg2[%add3A_27] : memref<11487840xf32, #tpu.memory_space<hbm>> -> memref<256xf32, #tpu.memory_space<hbm>>
      tpu.enqueue_dma source(%dma_start3A_343 : memref<256xf32, #tpu.memory_space<hbm>>) target(%dma_start3A_342 : memref<256xf32, #tpu.memory_space<vmem>>) target_semaphore(%run_scoped3A : memref<!tpu.dma_semaphore, #tpu.memory_space<semaphore_mem>>)
      %dma_wait3A = arith.constant 0 : i32
      %dma_wait3A_344 = tpu.memref_slice %arg4[%dma_wait3A] : memref<8192xf32, #tpu.memory_space<vmem>> -> memref<256xf32, #tpu.memory_space<vmem>>
      %dma_wait3A_345 = tpu.memref_slice %arg2[%add3A_27] : memref<11487840xf32, #tpu.memory_space<hbm>> -> memref<256xf32, #tpu.memory_space<hbm>>
      %dma_wait3A_346 = arith.constant 0 : i32
      %dma_wait3A_347 = tpu.memref_slice %arg4[%dma_wait3A_346] : memref<8192xf32, #tpu.memory_space<vmem>> -> memref<256xf32, #tpu.memory_space<vmem>>
      %dma_wait3A_348 = tpu.memref_slice %arg2[%add3A_27] : memref<11487840xf32, #tpu.memory_space<hbm>> -> memref<256xf32, #tpu.memory_space<hbm>>
      tpu.wait_dma2 semaphore(%run_scoped3A : memref<!tpu.dma_semaphore, #tpu.memory_space<semaphore_mem>>) src(%dma_wait3A_348 : memref<256xf32, #tpu.memory_space<hbm>>) dst(%dma_wait3A_347 : memref<256xf32, #tpu.memory_space<vmem>>)
      tpu.yield
    }) : () -> ()
    %add3A_28 = arith.constant 24384 : i32
    %add3A_29 = arith.addi %add3A_28, %mul3A_25 : i32
    "tpu.region"() ({
      %run_scoped3A = tpu.sem_alloc : memref<!tpu.dma_semaphore, #tpu.memory_space<semaphore_mem>>
      %dma_start3A = arith.constant 0 : i32
      %dma_start3A_339 = tpu.memref_slice %arg5[%dma_start3A] : memref<8192xf32, #tpu.memory_space<vmem>> -> memref<256xf32, #tpu.memory_space<vmem>>
      %dma_start3A_340 = tpu.memref_slice %arg2[%add3A_29] : memref<11487840xf32, #tpu.memory_space<hbm>> -> memref<256xf32, #tpu.memory_space<hbm>>
      %dma_start3A_341 = arith.constant 0 : i32
      %dma_start3A_342 = tpu.memref_slice %arg5[%dma_start3A_341] : memref<8192xf32, #tpu.memory_space<vmem>> -> memref<256xf32, #tpu.memory_space<vmem>>
      %dma_start3A_343 = tpu.memref_slice %arg2[%add3A_29] : memref<11487840xf32, #tpu.memory_space<hbm>> -> memref<256xf32, #tpu.memory_space<hbm>>
      tpu.enqueue_dma source(%dma_start3A_343 : memref<256xf32, #tpu.memory_space<hbm>>) target(%dma_start3A_342 : memref<256xf32, #tpu.memory_space<vmem>>) target_semaphore(%run_scoped3A : memref<!tpu.dma_semaphore, #tpu.memory_space<semaphore_mem>>)
      %dma_wait3A = arith.constant 0 : i32
      %dma_wait3A_344 = tpu.memref_slice %arg5[%dma_wait3A] : memref<8192xf32, #tpu.memory_space<vmem>> -> memref<256xf32, #tpu.memory_space<vmem>>
      %dma_wait3A_345 = tpu.memref_slice %arg2[%add3A_29] : memref<11487840xf32, #tpu.memory_space<hbm>> -> memref<256xf32, #tpu.memory_space<hbm>>
      %dma_wait3A_346 = arith.constant 0 : i32
      %dma_wait3A_347 = tpu.memref_slice %arg5[%dma_wait3A_346] : memref<8192xf32, #tpu.memory_space<vmem>> -> memref<256xf32, #tpu.memory_space<vmem>>
      %dma_wait3A_348 = tpu.memref_slice %arg2[%add3A_29] : memref<11487840xf32, #tpu.memory_space<hbm>> -> memref<256xf32, #tpu.memory_space<hbm>>
      tpu.wait_dma2 semaphore(%run_scoped3A : memref<!tpu.dma_semaphore, #tpu.memory_space<semaphore_mem>>) src(%dma_wait3A_348 : memref<256xf32, #tpu.memory_space<hbm>>) dst(%dma_wait3A_347 : memref<256xf32, #tpu.memory_space<vmem>>)
      tpu.yield
    }) : () -> ()
    %add3A_30 = arith.constant 32384 : i32
    %add3A_31 = arith.addi %add3A_30, %mul3A_25 : i32
    "tpu.region"() ({
      %run_scoped3A = tpu.sem_alloc : memref<!tpu.dma_semaphore, #tpu.memory_space<semaphore_mem>>
      %dma_start3A = arith.constant 0 : i32
      %dma_start3A_339 = tpu.memref_slice %arg6[%dma_start3A] : memref<8192xf32, #tpu.memory_space<vmem>> -> memref<256xf32, #tpu.memory_space<vmem>>
      %dma_start3A_340 = tpu.memref_slice %arg2[%add3A_31] : memref<11487840xf32, #tpu.memory_space<hbm>> -> memref<256xf32, #tpu.memory_space<hbm>>
      %dma_start3A_341 = arith.constant 0 : i32
      %dma_start3A_342 = tpu.memref_slice %arg6[%dma_start3A_341] : memref<8192xf32, #tpu.memory_space<vmem>> -> memref<256xf32, #tpu.memory_space<vmem>>
      %dma_start3A_343 = tpu.memref_slice %arg2[%add3A_31] : memref<11487840xf32, #tpu.memory_space<hbm>> -> memref<256xf32, #tpu.memory_space<hbm>>
      tpu.enqueue_dma source(%dma_start3A_343 : memref<256xf32, #tpu.memory_space<hbm>>) target(%dma_start3A_342 : memref<256xf32, #tpu.memory_space<vmem>>) target_semaphore(%run_scoped3A : memref<!tpu.dma_semaphore, #tpu.memory_space<semaphore_mem>>)
      %dma_wait3A = arith.constant 0 : i32
      %dma_wait3A_344 = tpu.memref_slice %arg6[%dma_wait3A] : memref<8192xf32, #tpu.memory_space<vmem>> -> memref<256xf32, #tpu.memory_space<vmem>>
      %dma_wait3A_345 = tpu.memref_slice %arg2[%add3A_31] : memref<11487840xf32, #tpu.memory_space<hbm>> -> memref<256xf32, #tpu.memory_space<hbm>>
      %dma_wait3A_346 = arith.constant 0 : i32
      %dma_wait3A_347 = tpu.memref_slice %arg6[%dma_wait3A_346] : memref<8192xf32, #tpu.memory_space<vmem>> -> memref<256xf32, #tpu.memory_space<vmem>>
      %dma_wait3A_348 = tpu.memref_slice %arg2[%add3A_31] : memref<11487840xf32, #tpu.memory_space<hbm>> -> memref<256xf32, #tpu.memory_space<hbm>>
      tpu.wait_dma2 semaphore(%run_scoped3A : memref<!tpu.dma_semaphore, #tpu.memory_space<semaphore_mem>>) src(%dma_wait3A_348 : memref<256xf32, #tpu.memory_space<hbm>>) dst(%dma_wait3A_347 : memref<256xf32, #tpu.memory_space<vmem>>)
      tpu.yield
    }) : () -> ()
    %add3A_32 = arith.constant 40384 : i32
    %add3A_33 = arith.addi %add3A_32, %mul3A_25 : i32
    "tpu.region"() ({
      %run_scoped3A = tpu.sem_alloc : memref<!tpu.dma_semaphore, #tpu.memory_space<semaphore_mem>>
      %dma_start3A = arith.constant 0 : i32
      %dma_start3A_339 = tpu.memref_slice %arg7[%dma_start3A] : memref<8192xf32, #tpu.memory_space<vmem>> -> memref<256xf32, #tpu.memory_space<vmem>>
      %dma_start3A_340 = tpu.memref_slice %arg2[%add3A_33] : memref<11487840xf32, #tpu.memory_space<hbm>> -> memref<256xf32, #tpu.memory_space<hbm>>
      %dma_start3A_341 = arith.constant 0 : i32
      %dma_start3A_342 = tpu.memref_slice %arg7[%dma_start3A_341] : memref<8192xf32, #tpu.memory_space<vmem>> -> memref<256xf32, #tpu.memory_space<vmem>>
      %dma_start3A_343 = tpu.memref_slice %arg2[%add3A_33] : memref<11487840xf32, #tpu.memory_space<hbm>> -> memref<256xf32, #tpu.memory_space<hbm>>
      tpu.enqueue_dma source(%dma_start3A_343 : memref<256xf32, #tpu.memory_space<hbm>>) target(%dma_start3A_342 : memref<256xf32, #tpu.memory_space<vmem>>) target_semaphore(%run_scoped3A : memref<!tpu.dma_semaphore, #tpu.memory_space<semaphore_mem>>)
      %dma_wait3A = arith.constant 0 : i32
      %dma_wait3A_344 = tpu.memref_slice %arg7[%dma_wait3A] : memref<8192xf32, #tpu.memory_space<vmem>> -> memref<256xf32, #tpu.memory_space<vmem>>
      %dma_wait3A_345 = tpu.memref_slice %arg2[%add3A_33] : memref<11487840xf32, #tpu.memory_space<hbm>> -> memref<256xf32, #tpu.memory_space<hbm>>
      %dma_wait3A_346 = arith.constant 0 : i32
      %dma_wait3A_347 = tpu.memref_slice %arg7[%dma_wait3A_346] : memref<8192xf32, #tpu.memory_space<vmem>> -> memref<256xf32, #tpu.memory_space<vmem>>
      %dma_wait3A_348 = tpu.memref_slice %arg2[%add3A_33] : memref<11487840xf32, #tpu.memory_space<hbm>> -> memref<256xf32, #tpu.memory_space<hbm>>
      tpu.wait_dma2 semaphore(%run_scoped3A : memref<!tpu.dma_semaphore, #tpu.memory_space<semaphore_mem>>) src(%dma_wait3A_348 : memref<256xf32, #tpu.memory_space<hbm>>) dst(%dma_wait3A_347 : memref<256xf32, #tpu.memory_space<vmem>>)
      tpu.yield
    }) : () -> ()
    %scan3A_34 = arith.constant 0 : i32
    %scan3A_35 = arith.constant 0 : i32
    %scan3A_36 = arith.constant 16 : i32
    %scan3A_37 = arith.addi %scan3A_35, %scan3A_36 : i32
    %scan3A_38 = arith.constant 1 : i32
    %scan3A_39 = scf.for %scan3A_339 = %scan3A_35 to %scan3A_37 step %scan3A_38 iter_args(%scan3A_340 = %scan3A_34) -> (i32)  : i32 {
      %mul3A_341 = arith.constant 16 : i32
      %mul3A_342 = arith.muli %scan3A_339, %mul3A_341 : i32
      %get3A = arith.index_cast %mul3A_342 : i32 to index
      %get3A_343 = tpu.vector_load %arg4[%get3A] {strides = array<i32>} : memref<8192xf32, #tpu.memory_space<vmem>>, vector<16xf32>,
      %mul3A_344 = arith.constant 128 : i32
      %mul3A_345 = arith.muli %scan3A_339, %mul3A_344 : i32
      %add3A_346 = arith.constant 0 : i32
      %add3A_347 = arith.addi %mul3A_345, %add3A_346 : i32
      %add3A_348 = vector.broadcast %add3A_347 : i32 to vector<16xi32>
      %add3A_349 = arith.addi %mul3A_3, %add3A_348 : vector<16xi32>
      tpu.vector_store_idx %arg8[%add3A_349], %get3A_343 : memref<65536xf32, #tpu.memory_space<vmem>>[vector<16xi32>], vector<16xf32>,
      %mul3A_350 = arith.constant 16 : i32
      %mul3A_351 = arith.muli %scan3A_339, %mul3A_350 : i32
      %get3A_352 = arith.index_cast %mul3A_351 : i32 to index
      %get3A_353 = tpu.vector_load %arg5[%get3A_352] {strides = array<i32>} : memref<8192xf32, #tpu.memory_space<vmem>>, vector<16xf32>,
      %mul3A_354 = arith.constant 128 : i32
      %mul3A_355 = arith.muli %scan3A_339, %mul3A_354 : i32
      %add3A_356 = arith.constant 1 : i32
      %add3A_357 = arith.addi %mul3A_355, %add3A_356 : i32
      %add3A_358 = vector.broadcast %add3A_357 : i32 to vector<16xi32>
      %add3A_359 = arith.addi %mul3A_3, %add3A_358 : vector<16xi32>
      tpu.vector_store_idx %arg8[%add3A_359], %get3A_353 : memref<65536xf32, #tpu.memory_space<vmem>>[vector<16xi32>], vector<16xf32>,
      %mul3A_360 = arith.constant 16 : i32
      %mul3A_361 = arith.muli %scan3A_339, %mul3A_360 : i32
      %get3A_362 = arith.index_cast %mul3A_361 : i32 to index
      %get3A_363 = tpu.vector_load %arg6[%get3A_362] {strides = array<i32>} : memref<8192xf32, #tpu.memory_space<vmem>>, vector<16xf32>,
      %mul3A_364 = arith.constant 128 : i32
      %mul3A_365 = arith.muli %scan3A_339, %mul3A_364 : i32
      %add3A_366 = arith.constant 2 : i32
      %add3A_367 = arith.addi %mul3A_365, %add3A_366 : i32
      %add3A_368 = vector.broadcast %add3A_367 : i32 to vector<16xi32>
      %add3A_369 = arith.addi %mul3A_3, %add3A_368 : vector<16xi32>
      tpu.vector_store_idx %arg8[%add3A_369], %get3A_363 : memref<65536xf32, #tpu.memory_space<vmem>>[vector<16xi32>], vector<16xf32>,
      %mul3A_370 = arith.constant 16 : i32
      %mul3A_371 = arith.muli %scan3A_339, %mul3A_370 : i32
      %get3A_372 = arith.index_cast %mul3A_371 : i32 to index
      %get3A_373 = tpu.vector_load %arg7[%get3A_372] {strides = array<i32>} : memref<8192xf32, #tpu.memory_space<vmem>>, vector<16xf32>,
      %mul3A_374 = arith.constant 128 : i32
      %mul3A_375 = arith.muli %scan3A_339, %mul3A_374 : i32
      %add3A_376 = arith.constant 3 : i32
      %add3A_377 = arith.addi %mul3A_375, %add3A_376 : i32
      %add3A_378 = vector.broadcast %add3A_377 : i32 to vector<16xi32>
      %add3A_379 = arith.addi %mul3A_3, %add3A_378 : vector<16xi32>
      tpu.vector_store_idx %arg8[%add3A_379], %get3A_373 : memref<65536xf32, #tpu.memory_space<vmem>>[vector<16xi32>], vector<16xf32>,
      %scan3A_380 = arith.constant 0 : i32
      scf.yield %scan3A_380 : i32
    }
    %scan3A_40 = arith.constant 16 : i32
    %add3A_41 = arith.constant 4096 : i32
    %add3A_42 = arith.addi %add3A_41, %mul3A_25 : i32
    %mul3A_43 = arith.constant 8 : i32
    %mul3A_44 = arith.muli %add3A_42, %mul3A_43 : i32
    "tpu.region"() ({
      %run_scoped3A = tpu.sem_alloc : memref<!tpu.dma_semaphore, #tpu.memory_space<semaphore_mem>>
      %dma_start3A = arith.constant 0 : i32
      %dma_start3A_339 = tpu.memref_slice %arg8[%dma_start3A] : memref<65536xf32, #tpu.memory_space<vmem>> -> memref<2048xf32, #tpu.memory_space<vmem>>
      %dma_start3A_340 = tpu.memref_slice %arg3[%mul3A_44] : memref<22974464xf32, #tpu.memory_space<hbm>> -> memref<2048xf32, #tpu.memory_space<hbm>>
      %dma_start3A_341 = tpu.memref_slice %arg3[%mul3A_44] : memref<22974464xf32, #tpu.memory_space<hbm>> -> memref<2048xf32, #tpu.memory_space<hbm>>
      %dma_start3A_342 = arith.constant 0 : i32
      %dma_start3A_343 = tpu.memref_slice %arg8[%dma_start3A_342] : memref<65536xf32, #tpu.memory_space<vmem>> -> memref<2048xf32, #tpu.memory_space<vmem>>
      tpu.enqueue_dma source(%dma_start3A_343 : memref<2048xf32, #tpu.memory_space<vmem>>) target(%dma_start3A_341 : memref<2048xf32, #tpu.memory_space<hbm>>) target_semaphore(%run_scoped3A : memref<!tpu.dma_semaphore, #tpu.memory_space<semaphore_mem>>)
      %dma_wait3A = arith.constant 0 : i32
      %dma_wait3A_344 = tpu.memref_slice %arg8[%dma_wait3A] : memref<65536xf32, #tpu.memory_space<vmem>> -> memref<2048xf32, #tpu.memory_space<vmem>>
      %dma_wait3A_345 = tpu.memref_slice %arg3[%mul3A_44] : memref<22974464xf32, #tpu.memory_space<hbm>> -> memref<2048xf32, #tpu.memory_space<hbm>>
      %dma_wait3A_346 = tpu.memref_slice %arg3[%mul3A_44] : memref<22974464xf32, #tpu.memory_space<hbm>> -> memref<2048xf32, #tpu.memory_space<hbm>>
      %dma_wait3A_347 = arith.constant 0 : i32
      %dma_wait3A_348 = tpu.memref_slice %arg8[%dma_wait3A_347] : memref<65536xf32, #tpu.memory_space<vmem>> -> memref<2048xf32, #tpu.memory_space<vmem>>
      tpu.wait_dma2 semaphore(%run_scoped3A : memref<!tpu.dma_semaphore, #tpu.memory_space<semaphore_mem>>) src(%dma_wait3A_348 : memref<2048xf32, #tpu.memory_space<vmem>>) dst(%dma_wait3A_346 : memref<2048xf32, #tpu.memory_space<hbm>>)
      tpu.yield
    }) : () -> ()
    %mul3A_45 = arith.constant 496 : i32
    %mul3A_46 = arith.muli %add3A, %mul3A_45 : i32
    %add3A_47 = arith.constant 48384 : i32
    %add3A_48 = arith.addi %add3A_47, %mul3A_46 : i32
    "tpu.region"() ({
      %run_scoped3A = tpu.sem_alloc : memref<!tpu.dma_semaphore, #tpu.memory_space<semaphore_mem>>
      %dma_start3A = arith.constant 0 : i32
      %dma_start3A_339 = tpu.memref_slice %arg4[%dma_start3A] : memref<8192xf32, #tpu.memory_space<vmem>> -> memref<496xf32, #tpu.memory_space<vmem>>
      %dma_start3A_340 = tpu.memref_slice %arg2[%add3A_48] : memref<11487840xf32, #tpu.memory_space<hbm>> -> memref<496xf32, #tpu.memory_space<hbm>>
      %dma_start3A_341 = arith.constant 0 : i32
      %dma_start3A_342 = tpu.memref_slice %arg4[%dma_start3A_341] : memref<8192xf32, #tpu.memory_space<vmem>> -> memref<496xf32, #tpu.memory_space<vmem>>
      %dma_start3A_343 = tpu.memref_slice %arg2[%add3A_48] : memref<11487840xf32, #tpu.memory_space<hbm>> -> memref<496xf32, #tpu.memory_space<hbm>>
      tpu.enqueue_dma source(%dma_start3A_343 : memref<496xf32, #tpu.memory_space<hbm>>) target(%dma_start3A_342 : memref<496xf32, #tpu.memory_space<vmem>>) target_semaphore(%run_scoped3A : memref<!tpu.dma_semaphore, #tpu.memory_space<semaphore_mem>>)
      %dma_wait3A = arith.constant 0 : i32
      %dma_wait3A_344 = tpu.memref_slice %arg4[%dma_wait3A] : memref<8192xf32, #tpu.memory_space<vmem>> -> memref<496xf32, #tpu.memory_space<vmem>>
      %dma_wait3A_345 = tpu.memref_slice %arg2[%add3A_48] : memref<11487840xf32, #tpu.memory_space<hbm>> -> memref<496xf32, #tpu.memory_space<hbm>>
      %dma_wait3A_346 = arith.constant 0 : i32
      %dma_wait3A_347 = tpu.memref_slice %arg4[%dma_wait3A_346] : memref<8192xf32, #tpu.memory_space<vmem>> -> memref<496xf32, #tpu.memory_space<vmem>>
      %dma_wait3A_348 = tpu.memref_slice %arg2[%add3A_48] : memref<11487840xf32, #tpu.memory_space<hbm>> -> memref<496xf32, #tpu.memory_space<hbm>>
      tpu.wait_dma2 semaphore(%run_scoped3A : memref<!tpu.dma_semaphore, #tpu.memory_space<semaphore_mem>>) src(%dma_wait3A_348 : memref<496xf32, #tpu.memory_space<hbm>>) dst(%dma_wait3A_347 : memref<496xf32, #tpu.memory_space<vmem>>)
      tpu.yield
    }) : () -> ()
    %add3A_49 = arith.constant 64016 : i32
    %add3A_50 = arith.addi %add3A_49, %mul3A_46 : i32
    "tpu.region"() ({
      %run_scoped3A = tpu.sem_alloc : memref<!tpu.dma_semaphore, #tpu.memory_space<semaphore_mem>>
      %dma_start3A = arith.constant 0 : i32
      %dma_start3A_339 = tpu.memref_slice %arg5[%dma_start3A] : memref<8192xf32, #tpu.memory_space<vmem>> -> memref<496xf32, #tpu.memory_space<vmem>>
      %dma_start3A_340 = tpu.memref_slice %arg2[%add3A_50] : memref<11487840xf32, #tpu.memory_space<hbm>> -> memref<496xf32, #tpu.memory_space<hbm>>
      %dma_start3A_341 = arith.constant 0 : i32
      %dma_start3A_342 = tpu.memref_slice %arg5[%dma_start3A_341] : memref<8192xf32, #tpu.memory_space<vmem>> -> memref<496xf32, #tpu.memory_space<vmem>>
      %dma_start3A_343 = tpu.memref_slice %arg2[%add3A_50] : memref<11487840xf32, #tpu.memory_space<hbm>> -> memref<496xf32, #tpu.memory_space<hbm>>
      tpu.enqueue_dma source(%dma_start3A_343 : memref<496xf32, #tpu.memory_space<hbm>>) target(%dma_start3A_342 : memref<496xf32, #tpu.memory_space<vmem>>) target_semaphore(%run_scoped3A : memref<!tpu.dma_semaphore, #tpu.memory_space<semaphore_mem>>)
      %dma_wait3A = arith.constant 0 : i32
      %dma_wait3A_344 = tpu.memref_slice %arg5[%dma_wait3A] : memref<8192xf32, #tpu.memory_space<vmem>> -> memref<496xf32, #tpu.memory_space<vmem>>
      %dma_wait3A_345 = tpu.memref_slice %arg2[%add3A_50] : memref<11487840xf32, #tpu.memory_space<hbm>> -> memref<496xf32, #tpu.memory_space<hbm>>
      %dma_wait3A_346 = arith.constant 0 : i32
      %dma_wait3A_347 = tpu.memref_slice %arg5[%dma_wait3A_346] : memref<8192xf32, #tpu.memory_space<vmem>> -> memref<496xf32, #tpu.memory_space<vmem>>
      %dma_wait3A_348 = tpu.memref_slice %arg2[%add3A_50] : memref<11487840xf32, #tpu.memory_space<hbm>> -> memref<496xf32, #tpu.memory_space<hbm>>
      tpu.wait_dma2 semaphore(%run_scoped3A : memref<!tpu.dma_semaphore, #tpu.memory_space<semaphore_mem>>) src(%dma_wait3A_348 : memref<496xf32, #tpu.memory_space<hbm>>) dst(%dma_wait3A_347 : memref<496xf32, #tpu.memory_space<vmem>>)
      tpu.yield
    }) : () -> ()
    %add3A_51 = arith.constant 79648 : i32
    %add3A_52 = arith.addi %add3A_51, %mul3A_46 : i32
    "tpu.region"() ({
      %run_scoped3A = tpu.sem_alloc : memref<!tpu.dma_semaphore, #tpu.memory_space<semaphore_mem>>
      %dma_start3A = arith.constant 0 : i32
      %dma_start3A_339 = tpu.memref_slice %arg6[%dma_start3A] : memref<8192xf32, #tpu.memory_space<vmem>> -> memref<496xf32, #tpu.memory_space<vmem>>
      %dma_start3A_340 = tpu.memref_slice %arg2[%add3A_52] : memref<11487840xf32, #tpu.memory_space<hbm>> -> memref<496xf32, #tpu.memory_space<hbm>>
      %dma_start3A_341 = arith.constant 0 : i32
      %dma_start3A_342 = tpu.memref_slice %arg6[%dma_start3A_341] : memref<8192xf32, #tpu.memory_space<vmem>> -> memref<496xf32, #tpu.memory_space<vmem>>
      %dma_start3A_343 = tpu.memref_slice %arg2[%add3A_52] : memref<11487840xf32, #tpu.memory_space<hbm>> -> memref<496xf32, #tpu.memory_space<hbm>>
      tpu.enqueue_dma source(%dma_start3A_343 : memref<496xf32, #tpu.memory_space<hbm>>) target(%dma_start3A_342 : memref<496xf32, #tpu.memory_space<vmem>>) target_semaphore(%run_scoped3A : memref<!tpu.dma_semaphore, #tpu.memory_space<semaphore_mem>>)
      %dma_wait3A = arith.constant 0 : i32
      %dma_wait3A_344 = tpu.memref_slice %arg6[%dma_wait3A] : memref<8192xf32, #tpu.memory_space<vmem>> -> memref<496xf32, #tpu.memory_space<vmem>>
      %dma_wait3A_345 = tpu.memref_slice %arg2[%add3A_52] : memref<11487840xf32, #tpu.memory_space<hbm>> -> memref<496xf32, #tpu.memory_space<hbm>>
      %dma_wait3A_346 = arith.constant 0 : i32
      %dma_wait3A_347 = tpu.memref_slice %arg6[%dma_wait3A_346] : memref<8192xf32, #tpu.memory_space<vmem>> -> memref<496xf32, #tpu.memory_space<vmem>>
      %dma_wait3A_348 = tpu.memref_slice %arg2[%add3A_52] : memref<11487840xf32, #tpu.memory_space<hbm>> -> memref<496xf32, #tpu.memory_space<hbm>>
      tpu.wait_dma2 semaphore(%run_scoped3A : memref<!tpu.dma_semaphore, #tpu.memory_space<semaphore_mem>>) src(%dma_wait3A_348 : memref<496xf32, #tpu.memory_space<hbm>>) dst(%dma_wait3A_347 : memref<496xf32, #tpu.memory_space<vmem>>)
      tpu.yield
    }) : () -> ()
    %add3A_53 = arith.constant 95280 : i32
    %add3A_54 = arith.addi %add3A_53, %mul3A_46 : i32
    "tpu.region"() ({
      %run_scoped3A = tpu.sem_alloc : memref<!tpu.dma_semaphore, #tpu.memory_space<semaphore_mem>>
      %dma_start3A = arith.constant 0 : i32
      %dma_start3A_339 = tpu.memref_slice %arg7[%dma_start3A] : memref<8192xf32, #tpu.memory_space<vmem>> -> memref<496xf32, #tpu.memory_space<vmem>>
      %dma_start3A_340 = tpu.memref_slice %arg2[%add3A_54] : memref<11487840xf32, #tpu.memory_space<hbm>> -> memref<496xf32, #tpu.memory_space<hbm>>
      %dma_start3A_341 = arith.constant 0 : i32
      %dma_start3A_342 = tpu.memref_slice %arg7[%dma_start3A_341] : memref<8192xf32, #tpu.memory_space<vmem>> -> memref<496xf32, #tpu.memory_space<vmem>>
      %dma_start3A_343 = tpu.memref_slice %arg2[%add3A_54] : memref<11487840xf32, #tpu.memory_space<hbm>> -> memref<496xf32, #tpu.memory_space<hbm>>
      tpu.enqueue_dma source(%dma_start3A_343 : memref<496xf32, #tpu.memory_space<hbm>>) target(%dma_start3A_342 : memref<496xf32, #tpu.memory_space<vmem>>) target_semaphore(%run_scoped3A : memref<!tpu.dma_semaphore, #tpu.memory_space<semaphore_mem>>)
      %dma_wait3A = arith.constant 0 : i32
      %dma_wait3A_344 = tpu.memref_slice %arg7[%dma_wait3A] : memref<8192xf32, #tpu.memory_space<vmem>> -> memref<496xf32, #tpu.memory_space<vmem>>
      %dma_wait3A_345 = tpu.memref_slice %arg2[%add3A_54] : memref<11487840xf32, #tpu.memory_space<hbm>> -> memref<496xf32, #tpu.memory_space<hbm>>
      %dma_wait3A_346 = arith.constant 0 : i32
      %dma_wait3A_347 = tpu.memref_slice %arg7[%dma_wait3A_346] : memref<8192xf32, #tpu.memory_space<vmem>> -> memref<496xf32, #tpu.memory_space<vmem>>
      %dma_wait3A_348 = tpu.memref_slice %arg2[%add3A_54] : memref<11487840xf32, #tpu.memory_space<hbm>> -> memref<496xf32, #tpu.memory_space<hbm>>
      tpu.wait_dma2 semaphore(%run_scoped3A : memref<!tpu.dma_semaphore, #tpu.memory_space<semaphore_mem>>) src(%dma_wait3A_348 : memref<496xf32, #tpu.memory_space<hbm>>) dst(%dma_wait3A_347 : memref<496xf32, #tpu.memory_space<vmem>>)
      tpu.yield
    }) : () -> ()
    %scan3A_55 = arith.constant 0 : i32
    %scan3A_56 = arith.constant 0 : i32
    %scan3A_57 = arith.constant 31 : i32
    %scan3A_58 = arith.addi %scan3A_56, %scan3A_57 : i32
    %scan3A_59 = arith.constant 1 : i32
    %scan3A_60 = scf.for %scan3A_339 = %scan3A_56 to %scan3A_58 step %scan3A_59 iter_args(%scan3A_340 = %scan3A_55) -> (i32)  : i32 {
      %mul3A_341 = arith.constant 16 : i32
      %mul3A_342 = arith.muli %scan3A_339, %mul3A_341 : i32
      %get3A = arith.index_cast %mul3A_342 : i32 to index
      %get3A_343 = tpu.vector_load %arg4[%get3A] {strides = array<i32>} : memref<8192xf32, #tpu.memory_space<vmem>>, vector<16xf32>,
      %mul3A_344 = arith.constant 128 : i32
      %mul3A_345 = arith.muli %scan3A_339, %mul3A_344 : i32
      %add3A_346 = arith.constant 0 : i32
      %add3A_347 = arith.addi %mul3A_345, %add3A_346 : i32
      %add3A_348 = vector.broadcast %add3A_347 : i32 to vector<16xi32>
      %add3A_349 = arith.addi %mul3A_3, %add3A_348 : vector<16xi32>
      tpu.vector_store_idx %arg8[%add3A_349], %get3A_343 : memref<65536xf32, #tpu.memory_space<vmem>>[vector<16xi32>], vector<16xf32>,
      %mul3A_350 = arith.constant 16 : i32
      %mul3A_351 = arith.muli %scan3A_339, %mul3A_350 : i32
      %get3A_352 = arith.index_cast %mul3A_351 : i32 to index
      %get3A_353 = tpu.vector_load %arg5[%get3A_352] {strides = array<i32>} : memref<8192xf32, #tpu.memory_space<vmem>>, vector<16xf32>,
      %mul3A_354 = arith.constant 128 : i32
      %mul3A_355 = arith.muli %scan3A_339, %mul3A_354 : i32
      %add3A_356 = arith.constant 1 : i32
      %add3A_357 = arith.addi %mul3A_355, %add3A_356 : i32
      %add3A_358 = vector.broadcast %add3A_357 : i32 to vector<16xi32>
      %add3A_359 = arith.addi %mul3A_3, %add3A_358 : vector<16xi32>
      tpu.vector_store_idx %arg8[%add3A_359], %get3A_353 : memref<65536xf32, #tpu.memory_space<vmem>>[vector<16xi32>], vector<16xf32>,
      %mul3A_360 = arith.constant 16 : i32
      %mul3A_361 = arith.muli %scan3A_339, %mul3A_360 : i32
      %get3A_362 = arith.index_cast %mul3A_361 : i32 to index
      %get3A_363 = tpu.vector_load %arg6[%get3A_362] {strides = array<i32>} : memref<8192xf32, #tpu.memory_space<vmem>>, vector<16xf32>,
      %mul3A_364 = arith.constant 128 : i32
      %mul3A_365 = arith.muli %scan3A_339, %mul3A_364 : i32
      %add3A_366 = arith.constant 2 : i32
      %add3A_367 = arith.addi %mul3A_365, %add3A_366 : i32
      %add3A_368 = vector.broadcast %add3A_367 : i32 to vector<16xi32>
      %add3A_369 = arith.addi %mul3A_3, %add3A_368 : vector<16xi32>
      tpu.vector_store_idx %arg8[%add3A_369], %get3A_363 : memref<65536xf32, #tpu.memory_space<vmem>>[vector<16xi32>], vector<16xf32>,
      %mul3A_370 = arith.constant 16 : i32
      %mul3A_371 = arith.muli %scan3A_339, %mul3A_370 : i32
      %get3A_372 = arith.index_cast %mul3A_371 : i32 to index
      %get3A_373 = tpu.vector_load %arg7[%get3A_372] {strides = array<i32>} : memref<8192xf32, #tpu.memory_space<vmem>>, vector<16xf32>,
      %mul3A_374 = arith.constant 128 : i32
      %mul3A_375 = arith.muli %scan3A_339, %mul3A_374 : i32
      %add3A_376 = arith.constant 3 : i32
      %add3A_377 = arith.addi %mul3A_375, %add3A_376 : i32
      %add3A_378 = vector.broadcast %add3A_377 : i32 to vector<16xi32>
      %add3A_379 = arith.addi %mul3A_3, %add3A_378 : vector<16xi32>
      tpu.vector_store_idx %arg8[%add3A_379], %get3A_373 : memref<65536xf32, #tpu.memory_space<vmem>>[vector<16xi32>], vector<16xf32>,
      %scan3A_380 = arith.constant 0 : i32
      scf.yield %scan3A_380 : i32
    }
    %scan3A_61 = arith.constant 31 : i32
    %add3A_62 = arith.constant 12288 : i32
    %add3A_63 = arith.addi %add3A_62, %mul3A_46 : i32
    %mul3A_64 = arith.constant 8 : i32
    %mul3A_65 = arith.muli %add3A_63, %mul3A_64 : i32
    "tpu.region"() ({
      %run_scoped3A = tpu.sem_alloc : memref<!tpu.dma_semaphore, #tpu.memory_space<semaphore_mem>>
      %dma_start3A = arith.constant 0 : i32
      %dma_start3A_339 = tpu.memref_slice %arg8[%dma_start3A] : memref<65536xf32, #tpu.memory_space<vmem>> -> memref<3968xf32, #tpu.memory_space<vmem>>
      %dma_start3A_340 = tpu.memref_slice %arg3[%mul3A_65] : memref<22974464xf32, #tpu.memory_space<hbm>> -> memref<3968xf32, #tpu.memory_space<hbm>>
      %dma_start3A_341 = tpu.memref_slice %arg3[%mul3A_65] : memref<22974464xf32, #tpu.memory_space<hbm>> -> memref<3968xf32, #tpu.memory_space<hbm>>
      %dma_start3A_342 = arith.constant 0 : i32
      %dma_start3A_343 = tpu.memref_slice %arg8[%dma_start3A_342] : memref<65536xf32, #tpu.memory_space<vmem>> -> memref<3968xf32, #tpu.memory_space<vmem>>
      tpu.enqueue_dma source(%dma_start3A_343 : memref<3968xf32, #tpu.memory_space<vmem>>) target(%dma_start3A_341 : memref<3968xf32, #tpu.memory_space<hbm>>) target_semaphore(%run_scoped3A : memref<!tpu.dma_semaphore, #tpu.memory_space<semaphore_mem>>)
      %dma_wait3A = arith.constant 0 : i32
      %dma_wait3A_344 = tpu.memref_slice %arg8[%dma_wait3A] : memref<65536xf32, #tpu.memory_space<vmem>> -> memref<3968xf32, #tpu.memory_space<vmem>>
      %dma_wait3A_345 = tpu.memref_slice %arg3[%mul3A_65] : memref<22974464xf32, #tpu.memory_space<hbm>> -> memref<3968xf32, #tpu.memory_space<hbm>>
      %dma_wait3A_346 = tpu.memref_slice %arg3[%mul3A_65] : memref<22974464xf32, #tpu.memory_space<hbm>> -> memref<3968xf32, #tpu.memory_space<hbm>>
      %dma_wait3A_347 = arith.constant 0 : i32
      %dma_wait3A_348 = tpu.memref_slice %arg8[%dma_wait3A_347] : memref<65536xf32, #tpu.memory_space<vmem>> -> memref<3968xf32, #tpu.memory_space<vmem>>
      tpu.wait_dma2 semaphore(%run_scoped3A : memref<!tpu.dma_semaphore, #tpu.memory_space<semaphore_mem>>) src(%dma_wait3A_348 : memref<3968xf32, #tpu.memory_space<vmem>>) dst(%dma_wait3A_346 : memref<3968xf32, #tpu.memory_space<hbm>>)
      tpu.yield
    }) : () -> ()
    %mul3A_66 = arith.constant 1024 : i32
    %mul3A_67 = arith.muli %add3A, %mul3A_66 : i32
    %add3A_68 = arith.constant 110912 : i32
    %add3A_69 = arith.addi %add3A_68, %mul3A_67 : i32
    "tpu.region"() ({
      %run_scoped3A = tpu.sem_alloc : memref<!tpu.dma_semaphore, #tpu.memory_space<semaphore_mem>>
      %dma_start3A = arith.constant 0 : i32
      %dma_start3A_339 = tpu.memref_slice %arg4[%dma_start3A] : memref<8192xf32, #tpu.memory_space<vmem>> -> memref<1024xf32, #tpu.memory_space<vmem>>
      %dma_start3A_340 = tpu.memref_slice %arg2[%add3A_69] : memref<11487840xf32, #tpu.memory_space<hbm>> -> memref<1024xf32, #tpu.memory_space<hbm>>
      %dma_start3A_341 = arith.constant 0 : i32
      %dma_start3A_342 = tpu.memref_slice %arg4[%dma_start3A_341] : memref<8192xf32, #tpu.memory_space<vmem>> -> memref<1024xf32, #tpu.memory_space<vmem>>
      %dma_start3A_343 = tpu.memref_slice %arg2[%add3A_69] : memref<11487840xf32, #tpu.memory_space<hbm>> -> memref<1024xf32, #tpu.memory_space<hbm>>
      tpu.enqueue_dma source(%dma_start3A_343 : memref<1024xf32, #tpu.memory_space<hbm>>) target(%dma_start3A_342 : memref<1024xf32, #tpu.memory_space<vmem>>) target_semaphore(%run_scoped3A : memref<!tpu.dma_semaphore, #tpu.memory_space<semaphore_mem>>)
      %dma_wait3A = arith.constant 0 : i32
      %dma_wait3A_344 = tpu.memref_slice %arg4[%dma_wait3A] : memref<8192xf32, #tpu.memory_space<vmem>> -> memref<1024xf32, #tpu.memory_space<vmem>>
      %dma_wait3A_345 = tpu.memref_slice %arg2[%add3A_69] : memref<11487840xf32, #tpu.memory_space<hbm>> -> memref<1024xf32, #tpu.memory_space<hbm>>
      %dma_wait3A_346 = arith.constant 0 : i32
      %dma_wait3A_347 = tpu.memref_slice %arg4[%dma_wait3A_346] : memref<8192xf32, #tpu.memory_space<vmem>> -> memref<1024xf32, #tpu.memory_space<vmem>>
      %dma_wait3A_348 = tpu.memref_slice %arg2[%add3A_69] : memref<11487840xf32, #tpu.memory_space<hbm>> -> memref<1024xf32, #tpu.memory_space<hbm>>
      tpu.wait_dma2 semaphore(%run_scoped3A : memref<!tpu.dma_semaphore, #tpu.memory_space<semaphore_mem>>) src(%dma_wait3A_348 : memref<1024xf32, #tpu.memory_space<hbm>>) dst(%dma_wait3A_347 : memref<1024xf32, #tpu.memory_space<vmem>>)
      tpu.yield
    }) : () -> ()
    %add3A_70 = arith.constant 143680 : i32
    %add3A_71 = arith.addi %add3A_70, %mul3A_67 : i32
    "tpu.region"() ({
      %run_scoped3A = tpu.sem_alloc : memref<!tpu.dma_semaphore, #tpu.memory_space<semaphore_mem>>
      %dma_start3A = arith.constant 0 : i32
      %dma_start3A_339 = tpu.memref_slice %arg5[%dma_start3A] : memref<8192xf32, #tpu.memory_space<vmem>> -> memref<1024xf32, #tpu.memory_space<vmem>>
      %dma_start3A_340 = tpu.memref_slice %arg2[%add3A_71] : memref<11487840xf32, #tpu.memory_space<hbm>> -> memref<1024xf32, #tpu.memory_space<hbm>>
      %dma_start3A_341 = arith.constant 0 : i32
      %dma_start3A_342 = tpu.memref_slice %arg5[%dma_start3A_341] : memref<8192xf32, #tpu.memory_space<vmem>> -> memref<1024xf32, #tpu.memory_space<vmem>>
      %dma_start3A_343 = tpu.memref_slice %arg2[%add3A_71] : memref<11487840xf32, #tpu.memory_space<hbm>> -> memref<1024xf32, #tpu.memory_space<hbm>>
      tpu.enqueue_dma source(%dma_start3A_343 : memref<1024xf32, #tpu.memory_space<hbm>>) target(%dma_start3A_342 : memref<1024xf32, #tpu.memory_space<vmem>>) target_semaphore(%run_scoped3A : memref<!tpu.dma_semaphore, #tpu.memory_space<semaphore_mem>>)
      %dma_wait3A = arith.constant 0 : i32
      %dma_wait3A_344 = tpu.memref_slice %arg5[%dma_wait3A] : memref<8192xf32, #tpu.memory_space<vmem>> -> memref<1024xf32, #tpu.memory_space<vmem>>
      %dma_wait3A_345 = tpu.memref_slice %arg2[%add3A_71] : memref<11487840xf32, #tpu.memory_space<hbm>> -> memref<1024xf32, #tpu.memory_space<hbm>>
      %dma_wait3A_346 = arith.constant 0 : i32
      %dma_wait3A_347 = tpu.memref_slice %arg5[%dma_wait3A_346] : memref<8192xf32, #tpu.memory_space<vmem>> -> memref<1024xf32, #tpu.memory_space<vmem>>
      %dma_wait3A_348 = tpu.memref_slice %arg2[%add3A_71] : memref<11487840xf32, #tpu.memory_space<hbm>> -> memref<1024xf32, #tpu.memory_space<hbm>>
      tpu.wait_dma2 semaphore(%run_scoped3A : memref<!tpu.dma_semaphore, #tpu.memory_space<semaphore_mem>>) src(%dma_wait3A_348 : memref<1024xf32, #tpu.memory_space<hbm>>) dst(%dma_wait3A_347 : memref<1024xf32, #tpu.memory_space<vmem>>)
      tpu.yield
    }) : () -> ()
    %add3A_72 = arith.constant 176448 : i32
    %add3A_73 = arith.addi %add3A_72, %mul3A_67 : i32
    "tpu.region"() ({
      %run_scoped3A = tpu.sem_alloc : memref<!tpu.dma_semaphore, #tpu.memory_space<semaphore_mem>>
      %dma_start3A = arith.constant 0 : i32
      %dma_start3A_339 = tpu.memref_slice %arg6[%dma_start3A] : memref<8192xf32, #tpu.memory_space<vmem>> -> memref<1024xf32, #tpu.memory_space<vmem>>
      %dma_start3A_340 = tpu.memref_slice %arg2[%add3A_73] : memref<11487840xf32, #tpu.memory_space<hbm>> -> memref<1024xf32, #tpu.memory_space<hbm>>
      %dma_start3A_341 = arith.constant 0 : i32
      %dma_start3A_342 = tpu.memref_slice %arg6[%dma_start3A_341] : memref<8192xf32, #tpu.memory_space<vmem>> -> memref<1024xf32, #tpu.memory_space<vmem>>
      %dma_start3A_343 = tpu.memref_slice %arg2[%add3A_73] : memref<11487840xf32, #tpu.memory_space<hbm>> -> memref<1024xf32, #tpu.memory_space<hbm>>
      tpu.enqueue_dma source(%dma_start3A_343 : memref<1024xf32, #tpu.memory_space<hbm>>) target(%dma_start3A_342 : memref<1024xf32, #tpu.memory_space<vmem>>) target_semaphore(%run_scoped3A : memref<!tpu.dma_semaphore, #tpu.memory_space<semaphore_mem>>)
      %dma_wait3A = arith.constant 0 : i32
      %dma_wait3A_344 = tpu.memref_slice %arg6[%dma_wait3A] : memref<8192xf32, #tpu.memory_space<vmem>> -> memref<1024xf32, #tpu.memory_space<vmem>>
      %dma_wait3A_345 = tpu.memref_slice %arg2[%add3A_73] : memref<11487840xf32, #tpu.memory_space<hbm>> -> memref<1024xf32, #tpu.memory_space<hbm>>
      %dma_wait3A_346 = arith.constant 0 : i32
      %dma_wait3A_347 = tpu.memref_slice %arg6[%dma_wait3A_346] : memref<8192xf32, #tpu.memory_space<vmem>> -> memref<1024xf32, #tpu.memory_space<vmem>>
      %dma_wait3A_348 = tpu.memref_slice %arg2[%add3A_73] : memref<11487840xf32, #tpu.memory_space<hbm>> -> memref<1024xf32, #tpu.memory_space<hbm>>
      tpu.wait_dma2 semaphore(%run_scoped3A : memref<!tpu.dma_semaphore, #tpu.memory_space<semaphore_mem>>) src(%dma_wait3A_348 : memref<1024xf32, #tpu.memory_space<hbm>>) dst(%dma_wait3A_347 : memref<1024xf32, #tpu.memory_space<vmem>>)
      tpu.yield
    }) : () -> ()
    %add3A_74 = arith.constant 209216 : i32
    %add3A_75 = arith.addi %add3A_74, %mul3A_67 : i32
    "tpu.region"() ({
      %run_scoped3A = tpu.sem_alloc : memref<!tpu.dma_semaphore, #tpu.memory_space<semaphore_mem>>
      %dma_start3A = arith.constant 0 : i32
      %dma_start3A_339 = tpu.memref_slice %arg7[%dma_start3A] : memref<8192xf32, #tpu.memory_space<vmem>> -> memref<1024xf32, #tpu.memory_space<vmem>>
      %dma_start3A_340 = tpu.memref_slice %arg2[%add3A_75] : memref<11487840xf32, #tpu.memory_space<hbm>> -> memref<1024xf32, #tpu.memory_space<hbm>>
      %dma_start3A_341 = arith.constant 0 : i32
      %dma_start3A_342 = tpu.memref_slice %arg7[%dma_start3A_341] : memref<8192xf32, #tpu.memory_space<vmem>> -> memref<1024xf32, #tpu.memory_space<vmem>>
      %dma_start3A_343 = tpu.memref_slice %arg2[%add3A_75] : memref<11487840xf32, #tpu.memory_space<hbm>> -> memref<1024xf32, #tpu.memory_space<hbm>>
      tpu.enqueue_dma source(%dma_start3A_343 : memref<1024xf32, #tpu.memory_space<hbm>>) target(%dma_start3A_342 : memref<1024xf32, #tpu.memory_space<vmem>>) target_semaphore(%run_scoped3A : memref<!tpu.dma_semaphore, #tpu.memory_space<semaphore_mem>>)
      %dma_wait3A = arith.constant 0 : i32
      %dma_wait3A_344 = tpu.memref_slice %arg7[%dma_wait3A] : memref<8192xf32, #tpu.memory_space<vmem>> -> memref<1024xf32, #tpu.memory_space<vmem>>
      %dma_wait3A_345 = tpu.memref_slice %arg2[%add3A_75] : memref<11487840xf32, #tpu.memory_space<hbm>> -> memref<1024xf32, #tpu.memory_space<hbm>>
      %dma_wait3A_346 = arith.constant 0 : i32
      %dma_wait3A_347 = tpu.memref_slice %arg7[%dma_wait3A_346] : memref<8192xf32, #tpu.memory_space<vmem>> -> memref<1024xf32, #tpu.memory_space<vmem>>
      %dma_wait3A_348 = tpu.memref_slice %arg2[%add3A_75] : memref<11487840xf32, #tpu.memory_space<hbm>> -> memref<1024xf32, #tpu.memory_space<hbm>>
      tpu.wait_dma2 semaphore(%run_scoped3A : memref<!tpu.dma_semaphore, #tpu.memory_space<semaphore_mem>>) src(%dma_wait3A_348 : memref<1024xf32, #tpu.memory_space<hbm>>) dst(%dma_wait3A_347 : memref<1024xf32, #tpu.memory_space<vmem>>)
      tpu.yield
    }) : () -> ()
    %scan3A_76 = arith.constant 0 : i32
    %scan3A_77 = arith.constant 0 : i32
    %scan3A_78 = arith.constant 64 : i32
    %scan3A_79 = arith.addi %scan3A_77, %scan3A_78 : i32
    %scan3A_80 = arith.constant 1 : i32
    %scan3A_81 = scf.for %scan3A_339 = %scan3A_77 to %scan3A_79 step %scan3A_80 iter_args(%scan3A_340 = %scan3A_76) -> (i32)  : i32 {
      %mul3A_341 = arith.constant 16 : i32
      %mul3A_342 = arith.muli %scan3A_339, %mul3A_341 : i32
      %get3A = arith.index_cast %mul3A_342 : i32 to index
      %get3A_343 = tpu.vector_load %arg4[%get3A] {strides = array<i32>} : memref<8192xf32, #tpu.memory_space<vmem>>, vector<16xf32>,
      %mul3A_344 = arith.constant 128 : i32
      %mul3A_345 = arith.muli %scan3A_339, %mul3A_344 : i32
      %add3A_346 = arith.constant 0 : i32
      %add3A_347 = arith.addi %mul3A_345, %add3A_346 : i32
      %add3A_348 = vector.broadcast %add3A_347 : i32 to vector<16xi32>
      %add3A_349 = arith.addi %mul3A_3, %add3A_348 : vector<16xi32>
      tpu.vector_store_idx %arg8[%add3A_349], %get3A_343 : memref<65536xf32, #tpu.memory_space<vmem>>[vector<16xi32>], vector<16xf32>,
      %mul3A_350 = arith.constant 16 : i32
      %mul3A_351 = arith.muli %scan3A_339, %mul3A_350 : i32
      %get3A_352 = arith.index_cast %mul3A_351 : i32 to index
      %get3A_353 = tpu.vector_load %arg5[%get3A_352] {strides = array<i32>} : memref<8192xf32, #tpu.memory_space<vmem>>, vector<16xf32>,
      %mul3A_354 = arith.constant 128 : i32
      %mul3A_355 = arith.muli %scan3A_339, %mul3A_354 : i32
      %add3A_356 = arith.constant 1 : i32
      %add3A_357 = arith.addi %mul3A_355, %add3A_356 : i32
      %add3A_358 = vector.broadcast %add3A_357 : i32 to vector<16xi32>
      %add3A_359 = arith.addi %mul3A_3, %add3A_358 : vector<16xi32>
      tpu.vector_store_idx %arg8[%add3A_359], %get3A_353 : memref<65536xf32, #tpu.memory_space<vmem>>[vector<16xi32>], vector<16xf32>,
      %mul3A_360 = arith.constant 16 : i32
      %mul3A_361 = arith.muli %scan3A_339, %mul3A_360 : i32
      %get3A_362 = arith.index_cast %mul3A_361 : i32 to index
      %get3A_363 = tpu.vector_load %arg6[%get3A_362] {strides = array<i32>} : memref<8192xf32, #tpu.memory_space<vmem>>, vector<16xf32>,
      %mul3A_364 = arith.constant 128 : i32
      %mul3A_365 = arith.muli %scan3A_339, %mul3A_364 : i32
      %add3A_366 = arith.constant 2 : i32
      %add3A_367 = arith.addi %mul3A_365, %add3A_366 : i32
      %add3A_368 = vector.broadcast %add3A_367 : i32 to vector<16xi32>
      %add3A_369 = arith.addi %mul3A_3, %add3A_368 : vector<16xi32>
      tpu.vector_store_idx %arg8[%add3A_369], %get3A_363 : memref<65536xf32, #tpu.memory_space<vmem>>[vector<16xi32>], vector<16xf32>,
      %mul3A_370 = arith.constant 16 : i32
      %mul3A_371 = arith.muli %scan3A_339, %mul3A_370 : i32
      %get3A_372 = arith.index_cast %mul3A_371 : i32 to index
      %get3A_373 = tpu.vector_load %arg7[%get3A_372] {strides = array<i32>} : memref<8192xf32, #tpu.memory_space<vmem>>, vector<16xf32>,
      %mul3A_374 = arith.constant 128 : i32
      %mul3A_375 = arith.muli %scan3A_339, %mul3A_374 : i32
      %add3A_376 = arith.constant 3 : i32
      %add3A_377 = arith.addi %mul3A_375, %add3A_376 : i32
      %add3A_378 = vector.broadcast %add3A_377 : i32 to vector<16xi32>
      %add3A_379 = arith.addi %mul3A_3, %add3A_378 : vector<16xi32>
      tpu.vector_store_idx %arg8[%add3A_379], %get3A_373 : memref<65536xf32, #tpu.memory_space<vmem>>[vector<16xi32>], vector<16xf32>,
      %scan3A_380 = arith.constant 0 : i32
      scf.yield %scan3A_380 : i32
    }
    %scan3A_82 = arith.constant 64 : i32
    %add3A_83 = arith.constant 28160 : i32
    %add3A_84 = arith.addi %add3A_83, %mul3A_67 : i32
    %mul3A_85 = arith.constant 8 : i32
    %mul3A_86 = arith.muli %add3A_84, %mul3A_85 : i32
    "tpu.region"() ({
      %run_scoped3A = tpu.sem_alloc : memref<!tpu.dma_semaphore, #tpu.memory_space<semaphore_mem>>
      %dma_start3A = arith.constant 0 : i32
      %dma_start3A_339 = tpu.memref_slice %arg8[%dma_start3A] : memref<65536xf32, #tpu.memory_space<vmem>> -> memref<8192xf32, #tpu.memory_space<vmem>>
      %dma_start3A_340 = tpu.memref_slice %arg3[%mul3A_86] : memref<22974464xf32, #tpu.memory_space<hbm>> -> memref<8192xf32, #tpu.memory_space<hbm>>
      %dma_start3A_341 = tpu.memref_slice %arg3[%mul3A_86] : memref<22974464xf32, #tpu.memory_space<hbm>> -> memref<8192xf32, #tpu.memory_space<hbm>>
      %dma_start3A_342 = arith.constant 0 : i32
      %dma_start3A_343 = tpu.memref_slice %arg8[%dma_start3A_342] : memref<65536xf32, #tpu.memory_space<vmem>> -> memref<8192xf32, #tpu.memory_space<vmem>>
      tpu.enqueue_dma source(%dma_start3A_343 : memref<8192xf32, #tpu.memory_space<vmem>>) target(%dma_start3A_341 : memref<8192xf32, #tpu.memory_space<hbm>>) target_semaphore(%run_scoped3A : memref<!tpu.dma_semaphore, #tpu.memory_space<semaphore_mem>>)
      %dma_wait3A = arith.constant 0 : i32
      %dma_wait3A_344 = tpu.memref_slice %arg8[%dma_wait3A] : memref<65536xf32, #tpu.memory_space<vmem>> -> memref<8192xf32, #tpu.memory_space<vmem>>
      %dma_wait3A_345 = tpu.memref_slice %arg3[%mul3A_86] : memref<22974464xf32, #tpu.memory_space<hbm>> -> memref<8192xf32, #tpu.memory_space<hbm>>
      %dma_wait3A_346 = tpu.memref_slice %arg3[%mul3A_86] : memref<22974464xf32, #tpu.memory_space<hbm>> -> memref<8192xf32, #tpu.memory_space<hbm>>
      %dma_wait3A_347 = arith.constant 0 : i32
      %dma_wait3A_348 = tpu.memref_slice %arg8[%dma_wait3A_347] : memref<65536xf32, #tpu.memory_space<vmem>> -> memref<8192xf32, #tpu.memory_space<vmem>>
      tpu.wait_dma2 semaphore(%run_scoped3A : memref<!tpu.dma_semaphore, #tpu.memory_space<semaphore_mem>>) src(%dma_wait3A_348 : memref<8192xf32, #tpu.memory_space<vmem>>) dst(%dma_wait3A_346 : memref<8192xf32, #tpu.memory_space<hbm>>)
      tpu.yield
    }) : () -> ()
    %mul3A_87 = arith.constant 2000 : i32
    %mul3A_88 = arith.muli %add3A, %mul3A_87 : i32
    %add3A_89 = arith.constant 241984 : i32
    %add3A_90 = arith.addi %add3A_89, %mul3A_88 : i32
    "tpu.region"() ({
      %run_scoped3A = tpu.sem_alloc : memref<!tpu.dma_semaphore, #tpu.memory_space<semaphore_mem>>
      %dma_start3A = arith.constant 0 : i32
      %dma_start3A_339 = tpu.memref_slice %arg4[%dma_start3A] : memref<8192xf32, #tpu.memory_space<vmem>> -> memref<2000xf32, #tpu.memory_space<vmem>>
      %dma_start3A_340 = tpu.memref_slice %arg2[%add3A_90] : memref<11487840xf32, #tpu.memory_space<hbm>> -> memref<2000xf32, #tpu.memory_space<hbm>>
      %dma_start3A_341 = arith.constant 0 : i32
      %dma_start3A_342 = tpu.memref_slice %arg4[%dma_start3A_341] : memref<8192xf32, #tpu.memory_space<vmem>> -> memref<2000xf32, #tpu.memory_space<vmem>>
      %dma_start3A_343 = tpu.memref_slice %arg2[%add3A_90] : memref<11487840xf32, #tpu.memory_space<hbm>> -> memref<2000xf32, #tpu.memory_space<hbm>>
      tpu.enqueue_dma source(%dma_start3A_343 : memref<2000xf32, #tpu.memory_space<hbm>>) target(%dma_start3A_342 : memref<2000xf32, #tpu.memory_space<vmem>>) target_semaphore(%run_scoped3A : memref<!tpu.dma_semaphore, #tpu.memory_space<semaphore_mem>>)
      %dma_wait3A = arith.constant 0 : i32
      %dma_wait3A_344 = tpu.memref_slice %arg4[%dma_wait3A] : memref<8192xf32, #tpu.memory_space<vmem>> -> memref<2000xf32, #tpu.memory_space<vmem>>
      %dma_wait3A_345 = tpu.memref_slice %arg2[%add3A_90] : memref<11487840xf32, #tpu.memory_space<hbm>> -> memref<2000xf32, #tpu.memory_space<hbm>>
      %dma_wait3A_346 = arith.constant 0 : i32
      %dma_wait3A_347 = tpu.memref_slice %arg4[%dma_wait3A_346] : memref<8192xf32, #tpu.memory_space<vmem>> -> memref<2000xf32, #tpu.memory_space<vmem>>
      %dma_wait3A_348 = tpu.memref_slice %arg2[%add3A_90] : memref<11487840xf32, #tpu.memory_space<hbm>> -> memref<2000xf32, #tpu.memory_space<hbm>>
      tpu.wait_dma2 semaphore(%run_scoped3A : memref<!tpu.dma_semaphore, #tpu.memory_space<semaphore_mem>>) src(%dma_wait3A_348 : memref<2000xf32, #tpu.memory_space<hbm>>) dst(%dma_wait3A_347 : memref<2000xf32, #tpu.memory_space<vmem>>)
      tpu.yield
    }) : () -> ()
    %add3A_91 = arith.constant 305984 : i32
    %add3A_92 = arith.addi %add3A_91, %mul3A_88 : i32
    "tpu.region"() ({
      %run_scoped3A = tpu.sem_alloc : memref<!tpu.dma_semaphore, #tpu.memory_space<semaphore_mem>>
      %dma_start3A = arith.constant 0 : i32
      %dma_start3A_339 = tpu.memref_slice %arg5[%dma_start3A] : memref<8192xf32, #tpu.memory_space<vmem>> -> memref<2000xf32, #tpu.memory_space<vmem>>
      %dma_start3A_340 = tpu.memref_slice %arg2[%add3A_92] : memref<11487840xf32, #tpu.memory_space<hbm>> -> memref<2000xf32, #tpu.memory_space<hbm>>
      %dma_start3A_341 = arith.constant 0 : i32
      %dma_start3A_342 = tpu.memref_slice %arg5[%dma_start3A_341] : memref<8192xf32, #tpu.memory_space<vmem>> -> memref<2000xf32, #tpu.memory_space<vmem>>
      %dma_start3A_343 = tpu.memref_slice %arg2[%add3A_92] : memref<11487840xf32, #tpu.memory_space<hbm>> -> memref<2000xf32, #tpu.memory_space<hbm>>
      tpu.enqueue_dma source(%dma_start3A_343 : memref<2000xf32, #tpu.memory_space<hbm>>) target(%dma_start3A_342 : memref<2000xf32, #tpu.memory_space<vmem>>) target_semaphore(%run_scoped3A : memref<!tpu.dma_semaphore, #tpu.memory_space<semaphore_mem>>)
      %dma_wait3A = arith.constant 0 : i32
      %dma_wait3A_344 = tpu.memref_slice %arg5[%dma_wait3A] : memref<8192xf32, #tpu.memory_space<vmem>> -> memref<2000xf32, #tpu.memory_space<vmem>>
      %dma_wait3A_345 = tpu.memref_slice %arg2[%add3A_92] : memref<11487840xf32, #tpu.memory_space<hbm>> -> memref<2000xf32, #tpu.memory_space<hbm>>
      %dma_wait3A_346 = arith.constant 0 : i32
      %dma_wait3A_347 = tpu.memref_slice %arg5[%dma_wait3A_346] : memref<8192xf32, #tpu.memory_space<vmem>> -> memref<2000xf32, #tpu.memory_space<vmem>>
      %dma_wait3A_348 = tpu.memref_slice %arg2[%add3A_92] : memref<11487840xf32, #tpu.memory_space<hbm>> -> memref<2000xf32, #tpu.memory_space<hbm>>
      tpu.wait_dma2 semaphore(%run_scoped3A : memref<!tpu.dma_semaphore, #tpu.memory_space<semaphore_mem>>) src(%dma_wait3A_348 : memref<2000xf32, #tpu.memory_space<hbm>>) dst(%dma_wait3A_347 : memref<2000xf32, #tpu.memory_space<vmem>>)
      tpu.yield
    }) : () -> ()
    %add3A_93 = arith.constant 369984 : i32
    %add3A_94 = arith.addi %add3A_93, %mul3A_88 : i32
    "tpu.region"() ({
      %run_scoped3A = tpu.sem_alloc : memref<!tpu.dma_semaphore, #tpu.memory_space<semaphore_mem>>
      %dma_start3A = arith.constant 0 : i32
      %dma_start3A_339 = tpu.memref_slice %arg6[%dma_start3A] : memref<8192xf32, #tpu.memory_space<vmem>> -> memref<2000xf32, #tpu.memory_space<vmem>>
      %dma_start3A_340 = tpu.memref_slice %arg2[%add3A_94] : memref<11487840xf32, #tpu.memory_space<hbm>> -> memref<2000xf32, #tpu.memory_space<hbm>>
      %dma_start3A_341 = arith.constant 0 : i32
      %dma_start3A_342 = tpu.memref_slice %arg6[%dma_start3A_341] : memref<8192xf32, #tpu.memory_space<vmem>> -> memref<2000xf32, #tpu.memory_space<vmem>>
      %dma_start3A_343 = tpu.memref_slice %arg2[%add3A_94] : memref<11487840xf32, #tpu.memory_space<hbm>> -> memref<2000xf32, #tpu.memory_space<hbm>>
      tpu.enqueue_dma source(%dma_start3A_343 : memref<2000xf32, #tpu.memory_space<hbm>>) target(%dma_start3A_342 : memref<2000xf32, #tpu.memory_space<vmem>>) target_semaphore(%run_scoped3A : memref<!tpu.dma_semaphore, #tpu.memory_space<semaphore_mem>>)
      %dma_wait3A = arith.constant 0 : i32
      %dma_wait3A_344 = tpu.memref_slice %arg6[%dma_wait3A] : memref<8192xf32, #tpu.memory_space<vmem>> -> memref<2000xf32, #tpu.memory_space<vmem>>
      %dma_wait3A_345 = tpu.memref_slice %arg2[%add3A_94] : memref<11487840xf32, #tpu.memory_space<hbm>> -> memref<2000xf32, #tpu.memory_space<hbm>>
      %dma_wait3A_346 = arith.constant 0 : i32
      %dma_wait3A_347 = tpu.memref_slice %arg6[%dma_wait3A_346] : memref<8192xf32, #tpu.memory_space<vmem>> -> memref<2000xf32, #tpu.memory_space<vmem>>
      %dma_wait3A_348 = tpu.memref_slice %arg2[%add3A_94] : memref<11487840xf32, #tpu.memory_space<hbm>> -> memref<2000xf32, #tpu.memory_space<hbm>>
      tpu.wait_dma2 semaphore(%run_scoped3A : memref<!tpu.dma_semaphore, #tpu.memory_space<semaphore_mem>>) src(%dma_wait3A_348 : memref<2000xf32, #tpu.memory_space<hbm>>) dst(%dma_wait3A_347 : memref<2000xf32, #tpu.memory_space<vmem>>)
      tpu.yield
    }) : () -> ()
    %add3A_95 = arith.constant 433984 : i32
    %add3A_96 = arith.addi %add3A_95, %mul3A_88 : i32
    "tpu.region"() ({
      %run_scoped3A = tpu.sem_alloc : memref<!tpu.dma_semaphore, #tpu.memory_space<semaphore_mem>>
      %dma_start3A = arith.constant 0 : i32
      %dma_start3A_339 = tpu.memref_slice %arg7[%dma_start3A] : memref<8192xf32, #tpu.memory_space<vmem>> -> memref<2000xf32, #tpu.memory_space<vmem>>
      %dma_start3A_340 = tpu.memref_slice %arg2[%add3A_96] : memref<11487840xf32, #tpu.memory_space<hbm>> -> memref<2000xf32, #tpu.memory_space<hbm>>
      %dma_start3A_341 = arith.constant 0 : i32
      %dma_start3A_342 = tpu.memref_slice %arg7[%dma_start3A_341] : memref<8192xf32, #tpu.memory_space<vmem>> -> memref<2000xf32, #tpu.memory_space<vmem>>
      %dma_start3A_343 = tpu.memref_slice %arg2[%add3A_96] : memref<11487840xf32, #tpu.memory_space<hbm>> -> memref<2000xf32, #tpu.memory_space<hbm>>
      tpu.enqueue_dma source(%dma_start3A_343 : memref<2000xf32, #tpu.memory_space<hbm>>) target(%dma_start3A_342 : memref<2000xf32, #tpu.memory_space<vmem>>) target_semaphore(%run_scoped3A : memref<!tpu.dma_semaphore, #tpu.memory_space<semaphore_mem>>)
      %dma_wait3A = arith.constant 0 : i32
      %dma_wait3A_344 = tpu.memref_slice %arg7[%dma_wait3A] : memref<8192xf32, #tpu.memory_space<vmem>> -> memref<2000xf32, #tpu.memory_space<vmem>>
      %dma_wait3A_345 = tpu.memref_slice %arg2[%add3A_96] : memref<11487840xf32, #tpu.memory_space<hbm>> -> memref<2000xf32, #tpu.memory_space<hbm>>
      %dma_wait3A_346 = arith.constant 0 : i32
      %dma_wait3A_347 = tpu.memref_slice %arg7[%dma_wait3A_346] : memref<8192xf32, #tpu.memory_space<vmem>> -> memref<2000xf32, #tpu.memory_space<vmem>>
      %dma_wait3A_348 = tpu.memref_slice %arg2[%add3A_96] : memref<11487840xf32, #tpu.memory_space<hbm>> -> memref<2000xf32, #tpu.memory_space<hbm>>
      tpu.wait_dma2 semaphore(%run_scoped3A : memref<!tpu.dma_semaphore, #tpu.memory_space<semaphore_mem>>) src(%dma_wait3A_348 : memref<2000xf32, #tpu.memory_space<hbm>>) dst(%dma_wait3A_347 : memref<2000xf32, #tpu.memory_space<vmem>>)
      tpu.yield
    }) : () -> ()
    %scan3A_97 = arith.constant 0 : i32
    %scan3A_98 = arith.constant 0 : i32
    %scan3A_99 = arith.constant 125 : i32
    %scan3A_100 = arith.addi %scan3A_98, %scan3A_99 : i32
    %scan3A_101 = arith.constant 1 : i32
    %scan3A_102 = scf.for %scan3A_339 = %scan3A_98 to %scan3A_100 step %scan3A_101 iter_args(%scan3A_340 = %scan3A_97) -> (i32)  : i32 {
      %mul3A_341 = arith.constant 16 : i32
      %mul3A_342 = arith.muli %scan3A_339, %mul3A_341 : i32
      %get3A = arith.index_cast %mul3A_342 : i32 to index
      %get3A_343 = tpu.vector_load %arg4[%get3A] {strides = array<i32>} : memref<8192xf32, #tpu.memory_space<vmem>>, vector<16xf32>,
      %mul3A_344 = arith.constant 128 : i32
      %mul3A_345 = arith.muli %scan3A_339, %mul3A_344 : i32
      %add3A_346 = arith.constant 0 : i32
      %add3A_347 = arith.addi %mul3A_345, %add3A_346 : i32
      %add3A_348 = vector.broadcast %add3A_347 : i32 to vector<16xi32>
      %add3A_349 = arith.addi %mul3A_3, %add3A_348 : vector<16xi32>
      tpu.vector_store_idx %arg8[%add3A_349], %get3A_343 : memref<65536xf32, #tpu.memory_space<vmem>>[vector<16xi32>], vector<16xf32>,
      %mul3A_350 = arith.constant 16 : i32
      %mul3A_351 = arith.muli %scan3A_339, %mul3A_350 : i32
      %get3A_352 = arith.index_cast %mul3A_351 : i32 to index
      %get3A_353 = tpu.vector_load %arg5[%get3A_352] {strides = array<i32>} : memref<8192xf32, #tpu.memory_space<vmem>>, vector<16xf32>,
      %mul3A_354 = arith.constant 128 : i32
      %mul3A_355 = arith.muli %scan3A_339, %mul3A_354 : i32
      %add3A_356 = arith.constant 1 : i32
      %add3A_357 = arith.addi %mul3A_355, %add3A_356 : i32
      %add3A_358 = vector.broadcast %add3A_357 : i32 to vector<16xi32>
      %add3A_359 = arith.addi %mul3A_3, %add3A_358 : vector<16xi32>
      tpu.vector_store_idx %arg8[%add3A_359], %get3A_353 : memref<65536xf32, #tpu.memory_space<vmem>>[vector<16xi32>], vector<16xf32>,
      %mul3A_360 = arith.constant 16 : i32
      %mul3A_361 = arith.muli %scan3A_339, %mul3A_360 : i32
      %get3A_362 = arith.index_cast %mul3A_361 : i32 to index
      %get3A_363 = tpu.vector_load %arg6[%get3A_362] {strides = array<i32>} : memref<8192xf32, #tpu.memory_space<vmem>>, vector<16xf32>,
      %mul3A_364 = arith.constant 128 : i32
      %mul3A_365 = arith.muli %scan3A_339, %mul3A_364 : i32
      %add3A_366 = arith.constant 2 : i32
      %add3A_367 = arith.addi %mul3A_365, %add3A_366 : i32
      %add3A_368 = vector.broadcast %add3A_367 : i32 to vector<16xi32>
      %add3A_369 = arith.addi %mul3A_3, %add3A_368 : vector<16xi32>
      tpu.vector_store_idx %arg8[%add3A_369], %get3A_363 : memref<65536xf32, #tpu.memory_space<vmem>>[vector<16xi32>], vector<16xf32>,
      %mul3A_370 = arith.constant 16 : i32
      %mul3A_371 = arith.muli %scan3A_339, %mul3A_370 : i32
      %get3A_372 = arith.index_cast %mul3A_371 : i32 to index
      %get3A_373 = tpu.vector_load %arg7[%get3A_372] {strides = array<i32>} : memref<8192xf32, #tpu.memory_space<vmem>>, vector<16xf32>,
      %mul3A_374 = arith.constant 128 : i32
      %mul3A_375 = arith.muli %scan3A_339, %mul3A_374 : i32
      %add3A_376 = arith.constant 3 : i32
      %add3A_377 = arith.addi %mul3A_375, %add3A_376 : i32
      %add3A_378 = vector.broadcast %add3A_377 : i32 to vector<16xi32>
      %add3A_379 = arith.addi %mul3A_3, %add3A_378 : vector<16xi32>
      tpu.vector_store_idx %arg8[%add3A_379], %get3A_373 : memref<65536xf32, #tpu.memory_space<vmem>>[vector<16xi32>], vector<16xf32>,
      %scan3A_380 = arith.constant 0 : i32
      scf.yield %scan3A_380 : i32
    }
    %scan3A_103 = arith.constant 125 : i32
    %add3A_104 = arith.constant 60928 : i32
    %add3A_105 = arith.addi %add3A_104, %mul3A_88 : i32
    %mul3A_106 = arith.constant 8 : i32
    %mul3A_107 = arith.muli %add3A_105, %mul3A_106 : i32
    "tpu.region"() ({
      %run_scoped3A = tpu.sem_alloc : memref<!tpu.dma_semaphore, #tpu.memory_space<semaphore_mem>>
      %dma_start3A = arith.constant 0 : i32
      %dma_start3A_339 = tpu.memref_slice %arg8[%dma_start3A] : memref<65536xf32, #tpu.memory_space<vmem>> -> memref<16000xf32, #tpu.memory_space<vmem>>
      %dma_start3A_340 = tpu.memref_slice %arg3[%mul3A_107] : memref<22974464xf32, #tpu.memory_space<hbm>> -> memref<16000xf32, #tpu.memory_space<hbm>>
      %dma_start3A_341 = tpu.memref_slice %arg3[%mul3A_107] : memref<22974464xf32, #tpu.memory_space<hbm>> -> memref<16000xf32, #tpu.memory_space<hbm>>
      %dma_start3A_342 = arith.constant 0 : i32
      %dma_start3A_343 = tpu.memref_slice %arg8[%dma_start3A_342] : memref<65536xf32, #tpu.memory_space<vmem>> -> memref<16000xf32, #tpu.memory_space<vmem>>
      tpu.enqueue_dma source(%dma_start3A_343 : memref<16000xf32, #tpu.memory_space<vmem>>) target(%dma_start3A_341 : memref<16000xf32, #tpu.memory_space<hbm>>) target_semaphore(%run_scoped3A : memref<!tpu.dma_semaphore, #tpu.memory_space<semaphore_mem>>)
      %dma_wait3A = arith.constant 0 : i32
      %dma_wait3A_344 = tpu.memref_slice %arg8[%dma_wait3A] : memref<65536xf32, #tpu.memory_space<vmem>> -> memref<16000xf32, #tpu.memory_space<vmem>>
      %dma_wait3A_345 = tpu.memref_slice %arg3[%mul3A_107] : memref<22974464xf32, #tpu.memory_space<hbm>> -> memref<16000xf32, #tpu.memory_space<hbm>>
      %dma_wait3A_346 = tpu.memref_slice %arg3[%mul3A_107] : memref<22974464xf32, #tpu.memory_space<hbm>> -> memref<16000xf32, #tpu.memory_space<hbm>>
      %dma_wait3A_347 = arith.constant 0 : i32
      %dma_wait3A_348 = tpu.memref_slice %arg8[%dma_wait3A_347] : memref<65536xf32, #tpu.memory_space<vmem>> -> memref<16000xf32, #tpu.memory_space<vmem>>
      tpu.wait_dma2 semaphore(%run_scoped3A : memref<!tpu.dma_semaphore, #tpu.memory_space<semaphore_mem>>) src(%dma_wait3A_348 : memref<16000xf32, #tpu.memory_space<vmem>>) dst(%dma_wait3A_346 : memref<16000xf32, #tpu.memory_space<hbm>>)
      tpu.yield
    }) : () -> ()
    %mul3A_108 = arith.constant 3920 : i32
    %mul3A_109 = arith.muli %add3A, %mul3A_108 : i32
    %add3A_110 = arith.constant 497984 : i32
    %add3A_111 = arith.addi %add3A_110, %mul3A_109 : i32
    "tpu.region"() ({
      %run_scoped3A = tpu.sem_alloc : memref<!tpu.dma_semaphore, #tpu.memory_space<semaphore_mem>>
      %dma_start3A = arith.constant 0 : i32
      %dma_start3A_339 = tpu.memref_slice %arg4[%dma_start3A] : memref<8192xf32, #tpu.memory_space<vmem>> -> memref<3920xf32, #tpu.memory_space<vmem>>
      %dma_start3A_340 = tpu.memref_slice %arg2[%add3A_111] : memref<11487840xf32, #tpu.memory_space<hbm>> -> memref<3920xf32, #tpu.memory_space<hbm>>
      %dma_start3A_341 = arith.constant 0 : i32
      %dma_start3A_342 = tpu.memref_slice %arg4[%dma_start3A_341] : memref<8192xf32, #tpu.memory_space<vmem>> -> memref<3920xf32, #tpu.memory_space<vmem>>
      %dma_start3A_343 = tpu.memref_slice %arg2[%add3A_111] : memref<11487840xf32, #tpu.memory_space<hbm>> -> memref<3920xf32, #tpu.memory_space<hbm>>
      tpu.enqueue_dma source(%dma_start3A_343 : memref<3920xf32, #tpu.memory_space<hbm>>) target(%dma_start3A_342 : memref<3920xf32, #tpu.memory_space<vmem>>) target_semaphore(%run_scoped3A : memref<!tpu.dma_semaphore, #tpu.memory_space<semaphore_mem>>)
      %dma_wait3A = arith.constant 0 : i32
      %dma_wait3A_344 = tpu.memref_slice %arg4[%dma_wait3A] : memref<8192xf32, #tpu.memory_space<vmem>> -> memref<3920xf32, #tpu.memory_space<vmem>>
      %dma_wait3A_345 = tpu.memref_slice %arg2[%add3A_111] : memref<11487840xf32, #tpu.memory_space<hbm>> -> memref<3920xf32, #tpu.memory_space<hbm>>
      %dma_wait3A_346 = arith.constant 0 : i32
      %dma_wait3A_347 = tpu.memref_slice %arg4[%dma_wait3A_346] : memref<8192xf32, #tpu.memory_space<vmem>> -> memref<3920xf32, #tpu.memory_space<vmem>>
      %dma_wait3A_348 = tpu.memref_slice %arg2[%add3A_111] : memref<11487840xf32, #tpu.memory_space<hbm>> -> memref<3920xf32, #tpu.memory_space<hbm>>
      tpu.wait_dma2 semaphore(%run_scoped3A : memref<!tpu.dma_semaphore, #tpu.memory_space<semaphore_mem>>) src(%dma_wait3A_348 : memref<3920xf32, #tpu.memory_space<hbm>>) dst(%dma_wait3A_347 : memref<3920xf32, #tpu.memory_space<vmem>>)
      tpu.yield
    }) : () -> ()
    %add3A_112 = arith.constant 622984 : i32
    %add3A_113 = arith.addi %add3A_112, %mul3A_109 : i32
    "tpu.region"() ({
      %run_scoped3A = tpu.sem_alloc : memref<!tpu.dma_semaphore, #tpu.memory_space<semaphore_mem>>
      %dma_start3A = arith.constant 0 : i32
      %dma_start3A_339 = tpu.memref_slice %arg5[%dma_start3A] : memref<8192xf32, #tpu.memory_space<vmem>> -> memref<3920xf32, #tpu.memory_space<vmem>>
      %dma_start3A_340 = tpu.memref_slice %arg2[%add3A_113] : memref<11487840xf32, #tpu.memory_space<hbm>> -> memref<3920xf32, #tpu.memory_space<hbm>>
      %dma_start3A_341 = arith.constant 0 : i32
      %dma_start3A_342 = tpu.memref_slice %arg5[%dma_start3A_341] : memref<8192xf32, #tpu.memory_space<vmem>> -> memref<3920xf32, #tpu.memory_space<vmem>>
      %dma_start3A_343 = tpu.memref_slice %arg2[%add3A_113] : memref<11487840xf32, #tpu.memory_space<hbm>> -> memref<3920xf32, #tpu.memory_space<hbm>>
      tpu.enqueue_dma source(%dma_start3A_343 : memref<3920xf32, #tpu.memory_space<hbm>>) target(%dma_start3A_342 : memref<3920xf32, #tpu.memory_space<vmem>>) target_semaphore(%run_scoped3A : memref<!tpu.dma_semaphore, #tpu.memory_space<semaphore_mem>>)
      %dma_wait3A = arith.constant 0 : i32
      %dma_wait3A_344 = tpu.memref_slice %arg5[%dma_wait3A] : memref<8192xf32, #tpu.memory_space<vmem>> -> memref<3920xf32, #tpu.memory_space<vmem>>
      %dma_wait3A_345 = tpu.memref_slice %arg2[%add3A_113] : memref<11487840xf32, #tpu.memory_space<hbm>> -> memref<3920xf32, #tpu.memory_space<hbm>>
      %dma_wait3A_346 = arith.constant 0 : i32
      %dma_wait3A_347 = tpu.memref_slice %arg5[%dma_wait3A_346] : memref<8192xf32, #tpu.memory_space<vmem>> -> memref<3920xf32, #tpu.memory_space<vmem>>
      %dma_wait3A_348 = tpu.memref_slice %arg2[%add3A_113] : memref<11487840xf32, #tpu.memory_space<hbm>> -> memref<3920xf32, #tpu.memory_space<hbm>>
      tpu.wait_dma2 semaphore(%run_scoped3A : memref<!tpu.dma_semaphore, #tpu.memory_space<semaphore_mem>>) src(%dma_wait3A_348 : memref<3920xf32, #tpu.memory_space<hbm>>) dst(%dma_wait3A_347 : memref<3920xf32, #tpu.memory_space<vmem>>)
      tpu.yield
    }) : () -> ()
    %add3A_114 = arith.constant 747984 : i32
    %add3A_115 = arith.addi %add3A_114, %mul3A_109 : i32
    "tpu.region"() ({
      %run_scoped3A = tpu.sem_alloc : memref<!tpu.dma_semaphore, #tpu.memory_space<semaphore_mem>>
      %dma_start3A = arith.constant 0 : i32
      %dma_start3A_339 = tpu.memref_slice %arg6[%dma_start3A] : memref<8192xf32, #tpu.memory_space<vmem>> -> memref<3920xf32, #tpu.memory_space<vmem>>
      %dma_start3A_340 = tpu.memref_slice %arg2[%add3A_115] : memref<11487840xf32, #tpu.memory_space<hbm>> -> memref<3920xf32, #tpu.memory_space<hbm>>
      %dma_start3A_341 = arith.constant 0 : i32
      %dma_start3A_342 = tpu.memref_slice %arg6[%dma_start3A_341] : memref<8192xf32, #tpu.memory_space<vmem>> -> memref<3920xf32, #tpu.memory_space<vmem>>
      %dma_start3A_343 = tpu.memref_slice %arg2[%add3A_115] : memref<11487840xf32, #tpu.memory_space<hbm>> -> memref<3920xf32, #tpu.memory_space<hbm>>
      tpu.enqueue_dma source(%dma_start3A_343 : memref<3920xf32, #tpu.memory_space<hbm>>) target(%dma_start3A_342 : memref<3920xf32, #tpu.memory_space<vmem>>) target_semaphore(%run_scoped3A : memref<!tpu.dma_semaphore, #tpu.memory_space<semaphore_mem>>)
      %dma_wait3A = arith.constant 0 : i32
      %dma_wait3A_344 = tpu.memref_slice %arg6[%dma_wait3A] : memref<8192xf32, #tpu.memory_space<vmem>> -> memref<3920xf32, #tpu.memory_space<vmem>>
      %dma_wait3A_345 = tpu.memref_slice %arg2[%add3A_115] : memref<11487840xf32, #tpu.memory_space<hbm>> -> memref<3920xf32, #tpu.memory_space<hbm>>
      %dma_wait3A_346 = arith.constant 0 : i32
      %dma_wait3A_347 = tpu.memref_slice %arg6[%dma_wait3A_346] : memref<8192xf32, #tpu.memory_space<vmem>> -> memref<3920xf32, #tpu.memory_space<vmem>>
      %dma_wait3A_348 = tpu.memref_slice %arg2[%add3A_115] : memref<11487840xf32, #tpu.memory_space<hbm>> -> memref<3920xf32, #tpu.memory_space<hbm>>
      tpu.wait_dma2 semaphore(%run_scoped3A : memref<!tpu.dma_semaphore, #tpu.memory_space<semaphore_mem>>) src(%dma_wait3A_348 : memref<3920xf32, #tpu.memory_space<hbm>>) dst(%dma_wait3A_347 : memref<3920xf32, #tpu.memory_space<vmem>>)
      tpu.yield
    }) : () -> ()
    %add3A_116 = arith.constant 872984 : i32
    %add3A_117 = arith.addi %add3A_116, %mul3A_109 : i32
    "tpu.region"() ({
      %run_scoped3A = tpu.sem_alloc : memref<!tpu.dma_semaphore, #tpu.memory_space<semaphore_mem>>
      %dma_start3A = arith.constant 0 : i32
      %dma_start3A_339 = tpu.memref_slice %arg7[%dma_start3A] : memref<8192xf32, #tpu.memory_space<vmem>> -> memref<3920xf32, #tpu.memory_space<vmem>>
      %dma_start3A_340 = tpu.memref_slice %arg2[%add3A_117] : memref<11487840xf32, #tpu.memory_space<hbm>> -> memref<3920xf32, #tpu.memory_space<hbm>>
      %dma_start3A_341 = arith.constant 0 : i32
      %dma_start3A_342 = tpu.memref_slice %arg7[%dma_start3A_341] : memref<8192xf32, #tpu.memory_space<vmem>> -> memref<3920xf32, #tpu.memory_space<vmem>>
      %dma_start3A_343 = tpu.memref_slice %arg2[%add3A_117] : memref<11487840xf32, #tpu.memory_space<hbm>> -> memref<3920xf32, #tpu.memory_space<hbm>>
      tpu.enqueue_dma source(%dma_start3A_343 : memref<3920xf32, #tpu.memory_space<hbm>>) target(%dma_start3A_342 : memref<3920xf32, #tpu.memory_space<vmem>>) target_semaphore(%run_scoped3A : memref<!tpu.dma_semaphore, #tpu.memory_space<semaphore_mem>>)
      %dma_wait3A = arith.constant 0 : i32
      %dma_wait3A_344 = tpu.memref_slice %arg7[%dma_wait3A] : memref<8192xf32, #tpu.memory_space<vmem>> -> memref<3920xf32, #tpu.memory_space<vmem>>
      %dma_wait3A_345 = tpu.memref_slice %arg2[%add3A_117] : memref<11487840xf32, #tpu.memory_space<hbm>> -> memref<3920xf32, #tpu.memory_space<hbm>>
      %dma_wait3A_346 = arith.constant 0 : i32
      %dma_wait3A_347 = tpu.memref_slice %arg7[%dma_wait3A_346] : memref<8192xf32, #tpu.memory_space<vmem>> -> memref<3920xf32, #tpu.memory_space<vmem>>
      %dma_wait3A_348 = tpu.memref_slice %arg2[%add3A_117] : memref<11487840xf32, #tpu.memory_space<hbm>> -> memref<3920xf32, #tpu.memory_space<hbm>>
      tpu.wait_dma2 semaphore(%run_scoped3A : memref<!tpu.dma_semaphore, #tpu.memory_space<semaphore_mem>>) src(%dma_wait3A_348 : memref<3920xf32, #tpu.memory_space<hbm>>) dst(%dma_wait3A_347 : memref<3920xf32, #tpu.memory_space<vmem>>)
      tpu.yield
    }) : () -> ()
    %scan3A_118 = arith.constant 0 : i32
    %scan3A_119 = arith.constant 0 : i32
    %scan3A_120 = arith.constant 245 : i32
    %scan3A_121 = arith.addi %scan3A_119, %scan3A_120 : i32
    %scan3A_122 = arith.constant 1 : i32
    %scan3A_123 = scf.for %scan3A_339 = %scan3A_119 to %scan3A_121 step %scan3A_122 iter_args(%scan3A_340 = %scan3A_118) -> (i32)  : i32 {
      %mul3A_341 = arith.constant 16 : i32
      %mul3A_342 = arith.muli %scan3A_339, %mul3A_341 : i32
      %get3A = arith.index_cast %mul3A_342 : i32 to index
      %get3A_343 = tpu.vector_load %arg4[%get3A] {strides = array<i32>} : memref<8192xf32, #tpu.memory_space<vmem>>, vector<16xf32>,
      %mul3A_344 = arith.constant 128 : i32
      %mul3A_345 = arith.muli %scan3A_339, %mul3A_344 : i32
      %add3A_346 = arith.constant 0 : i32
      %add3A_347 = arith.addi %mul3A_345, %add3A_346 : i32
      %add3A_348 = vector.broadcast %add3A_347 : i32 to vector<16xi32>
      %add3A_349 = arith.addi %mul3A_3, %add3A_348 : vector<16xi32>
      tpu.vector_store_idx %arg8[%add3A_349], %get3A_343 : memref<65536xf32, #tpu.memory_space<vmem>>[vector<16xi32>], vector<16xf32>,
      %mul3A_350 = arith.constant 16 : i32
      %mul3A_351 = arith.muli %scan3A_339, %mul3A_350 : i32
      %get3A_352 = arith.index_cast %mul3A_351 : i32 to index
      %get3A_353 = tpu.vector_load %arg5[%get3A_352] {strides = array<i32>} : memref<8192xf32, #tpu.memory_space<vmem>>, vector<16xf32>,
      %mul3A_354 = arith.constant 128 : i32
      %mul3A_355 = arith.muli %scan3A_339, %mul3A_354 : i32
      %add3A_356 = arith.constant 1 : i32
      %add3A_357 = arith.addi %mul3A_355, %add3A_356 : i32
      %add3A_358 = vector.broadcast %add3A_357 : i32 to vector<16xi32>
      %add3A_359 = arith.addi %mul3A_3, %add3A_358 : vector<16xi32>
      tpu.vector_store_idx %arg8[%add3A_359], %get3A_353 : memref<65536xf32, #tpu.memory_space<vmem>>[vector<16xi32>], vector<16xf32>,
      %mul3A_360 = arith.constant 16 : i32
      %mul3A_361 = arith.muli %scan3A_339, %mul3A_360 : i32
      %get3A_362 = arith.index_cast %mul3A_361 : i32 to index
      %get3A_363 = tpu.vector_load %arg6[%get3A_362] {strides = array<i32>} : memref<8192xf32, #tpu.memory_space<vmem>>, vector<16xf32>,
      %mul3A_364 = arith.constant 128 : i32
      %mul3A_365 = arith.muli %scan3A_339, %mul3A_364 : i32
      %add3A_366 = arith.constant 2 : i32
      %add3A_367 = arith.addi %mul3A_365, %add3A_366 : i32
      %add3A_368 = vector.broadcast %add3A_367 : i32 to vector<16xi32>
      %add3A_369 = arith.addi %mul3A_3, %add3A_368 : vector<16xi32>
      tpu.vector_store_idx %arg8[%add3A_369], %get3A_363 : memref<65536xf32, #tpu.memory_space<vmem>>[vector<16xi32>], vector<16xf32>,
      %mul3A_370 = arith.constant 16 : i32
      %mul3A_371 = arith.muli %scan3A_339, %mul3A_370 : i32
      %get3A_372 = arith.index_cast %mul3A_371 : i32 to index
      %get3A_373 = tpu.vector_load %arg7[%get3A_372] {strides = array<i32>} : memref<8192xf32, #tpu.memory_space<vmem>>, vector<16xf32>,
      %mul3A_374 = arith.constant 128 : i32
      %mul3A_375 = arith.muli %scan3A_339, %mul3A_374 : i32
      %add3A_376 = arith.constant 3 : i32
      %add3A_377 = arith.addi %mul3A_375, %add3A_376 : i32
      %add3A_378 = vector.broadcast %add3A_377 : i32 to vector<16xi32>
      %add3A_379 = arith.addi %mul3A_3, %add3A_378 : vector<16xi32>
      tpu.vector_store_idx %arg8[%add3A_379], %get3A_373 : memref<65536xf32, #tpu.memory_space<vmem>>[vector<16xi32>], vector<16xf32>,
      %scan3A_380 = arith.constant 0 : i32
      scf.yield %scan3A_380 : i32
    }
    %scan3A_124 = arith.constant 245 : i32
    %add3A_125 = arith.constant 124928 : i32
    %add3A_126 = arith.addi %add3A_125, %mul3A_109 : i32
    %mul3A_127 = arith.constant 8 : i32
    %mul3A_128 = arith.muli %add3A_126, %mul3A_127 : i32
    "tpu.region"() ({
      %run_scoped3A = tpu.sem_alloc : memref<!tpu.dma_semaphore, #tpu.memory_space<semaphore_mem>>
      %dma_start3A = arith.constant 0 : i32
      %dma_start3A_339 = tpu.memref_slice %arg8[%dma_start3A] : memref<65536xf32, #tpu.memory_space<vmem>> -> memref<31360xf32, #tpu.memory_space<vmem>>
      %dma_start3A_340 = tpu.memref_slice %arg3[%mul3A_128] : memref<22974464xf32, #tpu.memory_space<hbm>> -> memref<31360xf32, #tpu.memory_space<hbm>>
      %dma_start3A_341 = tpu.memref_slice %arg3[%mul3A_128] : memref<22974464xf32, #tpu.memory_space<hbm>> -> memref<31360xf32, #tpu.memory_space<hbm>>
      %dma_start3A_342 = arith.constant 0 : i32
      %dma_start3A_343 = tpu.memref_slice %arg8[%dma_start3A_342] : memref<65536xf32, #tpu.memory_space<vmem>> -> memref<31360xf32, #tpu.memory_space<vmem>>
      tpu.enqueue_dma source(%dma_start3A_343 : memref<31360xf32, #tpu.memory_space<vmem>>) target(%dma_start3A_341 : memref<31360xf32, #tpu.memory_space<hbm>>) target_semaphore(%run_scoped3A : memref<!tpu.dma_semaphore, #tpu.memory_space<semaphore_mem>>)
      %dma_wait3A = arith.constant 0 : i32
      %dma_wait3A_344 = tpu.memref_slice %arg8[%dma_wait3A] : memref<65536xf32, #tpu.memory_space<vmem>> -> memref<31360xf32, #tpu.memory_space<vmem>>
      %dma_wait3A_345 = tpu.memref_slice %arg3[%mul3A_128] : memref<22974464xf32, #tpu.memory_space<hbm>> -> memref<31360xf32, #tpu.memory_space<hbm>>
      %dma_wait3A_346 = tpu.memref_slice %arg3[%mul3A_128] : memref<22974464xf32, #tpu.memory_space<hbm>> -> memref<31360xf32, #tpu.memory_space<hbm>>
      %dma_wait3A_347 = arith.constant 0 : i32
      %dma_wait3A_348 = tpu.memref_slice %arg8[%dma_wait3A_347] : memref<65536xf32, #tpu.memory_space<vmem>> -> memref<31360xf32, #tpu.memory_space<vmem>>
      tpu.wait_dma2 semaphore(%run_scoped3A : memref<!tpu.dma_semaphore, #tpu.memory_space<semaphore_mem>>) src(%dma_wait3A_348 : memref<31360xf32, #tpu.memory_space<vmem>>) dst(%dma_wait3A_346 : memref<31360xf32, #tpu.memory_space<hbm>>)
      tpu.yield
    }) : () -> ()
    %mul3A_129 = arith.constant 8192 : i32
    %mul3A_130 = arith.muli %add3A, %mul3A_129 : i32
    %add3A_131 = arith.constant 997984 : i32
    %add3A_132 = arith.addi %add3A_131, %mul3A_130 : i32
    "tpu.region"() ({
      %run_scoped3A = tpu.sem_alloc : memref<!tpu.dma_semaphore, #tpu.memory_space<semaphore_mem>>
      %dma_start3A = arith.constant 0 : i32
      %dma_start3A_339 = tpu.memref_slice %arg4[%dma_start3A] : memref<8192xf32, #tpu.memory_space<vmem>> -> memref<8192xf32, #tpu.memory_space<vmem>>
      %dma_start3A_340 = tpu.memref_slice %arg2[%add3A_132] : memref<11487840xf32, #tpu.memory_space<hbm>> -> memref<8192xf32, #tpu.memory_space<hbm>>
      %dma_start3A_341 = arith.constant 0 : i32
      %dma_start3A_342 = tpu.memref_slice %arg4[%dma_start3A_341] : memref<8192xf32, #tpu.memory_space<vmem>> -> memref<8192xf32, #tpu.memory_space<vmem>>
      %dma_start3A_343 = tpu.memref_slice %arg2[%add3A_132] : memref<11487840xf32, #tpu.memory_space<hbm>> -> memref<8192xf32, #tpu.memory_space<hbm>>
      tpu.enqueue_dma source(%dma_start3A_343 : memref<8192xf32, #tpu.memory_space<hbm>>) target(%dma_start3A_342 : memref<8192xf32, #tpu.memory_space<vmem>>) target_semaphore(%run_scoped3A : memref<!tpu.dma_semaphore, #tpu.memory_space<semaphore_mem>>)
      %dma_wait3A = arith.constant 0 : i32
      %dma_wait3A_344 = tpu.memref_slice %arg4[%dma_wait3A] : memref<8192xf32, #tpu.memory_space<vmem>> -> memref<8192xf32, #tpu.memory_space<vmem>>
      %dma_wait3A_345 = tpu.memref_slice %arg2[%add3A_132] : memref<11487840xf32, #tpu.memory_space<hbm>> -> memref<8192xf32, #tpu.memory_space<hbm>>
      %dma_wait3A_346 = arith.constant 0 : i32
      %dma_wait3A_347 = tpu.memref_slice %arg4[%dma_wait3A_346] : memref<8192xf32, #tpu.memory_space<vmem>> -> memref<8192xf32, #tpu.memory_space<vmem>>
      %dma_wait3A_348 = tpu.memref_slice %arg2[%add3A_132] : memref<11487840xf32, #tpu.memory_space<hbm>> -> memref<8192xf32, #tpu.memory_space<hbm>>
      tpu.wait_dma2 semaphore(%run_scoped3A : memref<!tpu.dma_semaphore, #tpu.memory_space<semaphore_mem>>) src(%dma_wait3A_348 : memref<8192xf32, #tpu.memory_space<hbm>>) dst(%dma_wait3A_347 : memref<8192xf32, #tpu.memory_space<vmem>>)
      tpu.yield
    }) : () -> ()
    %add3A_133 = arith.constant 1260128 : i32
    %add3A_134 = arith.addi %add3A_133, %mul3A_130 : i32
    "tpu.region"() ({
      %run_scoped3A = tpu.sem_alloc : memref<!tpu.dma_semaphore, #tpu.memory_space<semaphore_mem>>
      %dma_start3A = arith.constant 0 : i32
      %dma_start3A_339 = tpu.memref_slice %arg5[%dma_start3A] : memref<8192xf32, #tpu.memory_space<vmem>> -> memref<8192xf32, #tpu.memory_space<vmem>>
      %dma_start3A_340 = tpu.memref_slice %arg2[%add3A_134] : memref<11487840xf32, #tpu.memory_space<hbm>> -> memref<8192xf32, #tpu.memory_space<hbm>>
      %dma_start3A_341 = arith.constant 0 : i32
      %dma_start3A_342 = tpu.memref_slice %arg5[%dma_start3A_341] : memref<8192xf32, #tpu.memory_space<vmem>> -> memref<8192xf32, #tpu.memory_space<vmem>>
      %dma_start3A_343 = tpu.memref_slice %arg2[%add3A_134] : memref<11487840xf32, #tpu.memory_space<hbm>> -> memref<8192xf32, #tpu.memory_space<hbm>>
      tpu.enqueue_dma source(%dma_start3A_343 : memref<8192xf32, #tpu.memory_space<hbm>>) target(%dma_start3A_342 : memref<8192xf32, #tpu.memory_space<vmem>>) target_semaphore(%run_scoped3A : memref<!tpu.dma_semaphore, #tpu.memory_space<semaphore_mem>>)
      %dma_wait3A = arith.constant 0 : i32
      %dma_wait3A_344 = tpu.memref_slice %arg5[%dma_wait3A] : memref<8192xf32, #tpu.memory_space<vmem>> -> memref<8192xf32, #tpu.memory_space<vmem>>
      %dma_wait3A_345 = tpu.memref_slice %arg2[%add3A_134] : memref<11487840xf32, #tpu.memory_space<hbm>> -> memref<8192xf32, #tpu.memory_space<hbm>>
      %dma_wait3A_346 = arith.constant 0 : i32
      %dma_wait3A_347 = tpu.memref_slice %arg5[%dma_wait3A_346] : memref<8192xf32, #tpu.memory_space<vmem>> -> memref<8192xf32, #tpu.memory_space<vmem>>
      %dma_wait3A_348 = tpu.memref_slice %arg2[%add3A_134] : memref<11487840xf32, #tpu.memory_space<hbm>> -> memref<8192xf32, #tpu.memory_space<hbm>>
      tpu.wait_dma2 semaphore(%run_scoped3A : memref<!tpu.dma_semaphore, #tpu.memory_space<semaphore_mem>>) src(%dma_wait3A_348 : memref<8192xf32, #tpu.memory_space<hbm>>) dst(%dma_wait3A_347 : memref<8192xf32, #tpu.memory_space<vmem>>)
      tpu.yield
    }) : () -> ()
    %add3A_135 = arith.constant 1522272 : i32
    %add3A_136 = arith.addi %add3A_135, %mul3A_130 : i32
    "tpu.region"() ({
      %run_scoped3A = tpu.sem_alloc : memref<!tpu.dma_semaphore, #tpu.memory_space<semaphore_mem>>
      %dma_start3A = arith.constant 0 : i32
      %dma_start3A_339 = tpu.memref_slice %arg6[%dma_start3A] : memref<8192xf32, #tpu.memory_space<vmem>> -> memref<8192xf32, #tpu.memory_space<vmem>>
      %dma_start3A_340 = tpu.memref_slice %arg2[%add3A_136] : memref<11487840xf32, #tpu.memory_space<hbm>> -> memref<8192xf32, #tpu.memory_space<hbm>>
      %dma_start3A_341 = arith.constant 0 : i32
      %dma_start3A_342 = tpu.memref_slice %arg6[%dma_start3A_341] : memref<8192xf32, #tpu.memory_space<vmem>> -> memref<8192xf32, #tpu.memory_space<vmem>>
      %dma_start3A_343 = tpu.memref_slice %arg2[%add3A_136] : memref<11487840xf32, #tpu.memory_space<hbm>> -> memref<8192xf32, #tpu.memory_space<hbm>>
      tpu.enqueue_dma source(%dma_start3A_343 : memref<8192xf32, #tpu.memory_space<hbm>>) target(%dma_start3A_342 : memref<8192xf32, #tpu.memory_space<vmem>>) target_semaphore(%run_scoped3A : memref<!tpu.dma_semaphore, #tpu.memory_space<semaphore_mem>>)
      %dma_wait3A = arith.constant 0 : i32
      %dma_wait3A_344 = tpu.memref_slice %arg6[%dma_wait3A] : memref<8192xf32, #tpu.memory_space<vmem>> -> memref<8192xf32, #tpu.memory_space<vmem>>
      %dma_wait3A_345 = tpu.memref_slice %arg2[%add3A_136] : memref<11487840xf32, #tpu.memory_space<hbm>> -> memref<8192xf32, #tpu.memory_space<hbm>>
      %dma_wait3A_346 = arith.constant 0 : i32
      %dma_wait3A_347 = tpu.memref_slice %arg6[%dma_wait3A_346] : memref<8192xf32, #tpu.memory_space<vmem>> -> memref<8192xf32, #tpu.memory_space<vmem>>
      %dma_wait3A_348 = tpu.memref_slice %arg2[%add3A_136] : memref<11487840xf32, #tpu.memory_space<hbm>> -> memref<8192xf32, #tpu.memory_space<hbm>>
      tpu.wait_dma2 semaphore(%run_scoped3A : memref<!tpu.dma_semaphore, #tpu.memory_space<semaphore_mem>>) src(%dma_wait3A_348 : memref<8192xf32, #tpu.memory_space<hbm>>) dst(%dma_wait3A_347 : memref<8192xf32, #tpu.memory_space<vmem>>)
      tpu.yield
    }) : () -> ()
    %add3A_137 = arith.constant 1784416 : i32
    %add3A_138 = arith.addi %add3A_137, %mul3A_130 : i32
    "tpu.region"() ({
      %run_scoped3A = tpu.sem_alloc : memref<!tpu.dma_semaphore, #tpu.memory_space<semaphore_mem>>
      %dma_start3A = arith.constant 0 : i32
      %dma_start3A_339 = tpu.memref_slice %arg7[%dma_start3A] : memref<8192xf32, #tpu.memory_space<vmem>> -> memref<8192xf32, #tpu.memory_space<vmem>>
      %dma_start3A_340 = tpu.memref_slice %arg2[%add3A_138] : memref<11487840xf32, #tpu.memory_space<hbm>> -> memref<8192xf32, #tpu.memory_space<hbm>>
      %dma_start3A_341 = arith.constant 0 : i32
      %dma_start3A_342 = tpu.memref_slice %arg7[%dma_start3A_341] : memref<8192xf32, #tpu.memory_space<vmem>> -> memref<8192xf32, #tpu.memory_space<vmem>>
      %dma_start3A_343 = tpu.memref_slice %arg2[%add3A_138] : memref<11487840xf32, #tpu.memory_space<hbm>> -> memref<8192xf32, #tpu.memory_space<hbm>>
      tpu.enqueue_dma source(%dma_start3A_343 : memref<8192xf32, #tpu.memory_space<hbm>>) target(%dma_start3A_342 : memref<8192xf32, #tpu.memory_space<vmem>>) target_semaphore(%run_scoped3A : memref<!tpu.dma_semaphore, #tpu.memory_space<semaphore_mem>>)
      %dma_wait3A = arith.constant 0 : i32
      %dma_wait3A_344 = tpu.memref_slice %arg7[%dma_wait3A] : memref<8192xf32, #tpu.memory_space<vmem>> -> memref<8192xf32, #tpu.memory_space<vmem>>
      %dma_wait3A_345 = tpu.memref_slice %arg2[%add3A_138] : memref<11487840xf32, #tpu.memory_space<hbm>> -> memref<8192xf32, #tpu.memory_space<hbm>>
      %dma_wait3A_346 = arith.constant 0 : i32
      %dma_wait3A_347 = tpu.memref_slice %arg7[%dma_wait3A_346] : memref<8192xf32, #tpu.memory_space<vmem>> -> memref<8192xf32, #tpu.memory_space<vmem>>
      %dma_wait3A_348 = tpu.memref_slice %arg2[%add3A_138] : memref<11487840xf32, #tpu.memory_space<hbm>> -> memref<8192xf32, #tpu.memory_space<hbm>>
      tpu.wait_dma2 semaphore(%run_scoped3A : memref<!tpu.dma_semaphore, #tpu.memory_space<semaphore_mem>>) src(%dma_wait3A_348 : memref<8192xf32, #tpu.memory_space<hbm>>) dst(%dma_wait3A_347 : memref<8192xf32, #tpu.memory_space<vmem>>)
      tpu.yield
    }) : () -> ()
    %scan3A_139 = arith.constant 0 : i32
    %scan3A_140 = arith.constant 0 : i32
    %scan3A_141 = arith.constant 512 : i32
    %scan3A_142 = arith.addi %scan3A_140, %scan3A_141 : i32
    %scan3A_143 = arith.constant 1 : i32
    %scan3A_144 = scf.for %scan3A_339 = %scan3A_140 to %scan3A_142 step %scan3A_143 iter_args(%scan3A_340 = %scan3A_139) -> (i32)  : i32 {
      %mul3A_341 = arith.constant 16 : i32
      %mul3A_342 = arith.muli %scan3A_339, %mul3A_341 : i32
      %get3A = arith.index_cast %mul3A_342 : i32 to index
      %get3A_343 = tpu.vector_load %arg4[%get3A] {strides = array<i32>} : memref<8192xf32, #tpu.memory_space<vmem>>, vector<16xf32>,
      %mul3A_344 = arith.constant 128 : i32
      %mul3A_345 = arith.muli %scan3A_339, %mul3A_344 : i32
      %add3A_346 = arith.constant 0 : i32
      %add3A_347 = arith.addi %mul3A_345, %add3A_346 : i32
      %add3A_348 = vector.broadcast %add3A_347 : i32 to vector<16xi32>
      %add3A_349 = arith.addi %mul3A_3, %add3A_348 : vector<16xi32>
      tpu.vector_store_idx %arg8[%add3A_349], %get3A_343 : memref<65536xf32, #tpu.memory_space<vmem>>[vector<16xi32>], vector<16xf32>,
      %mul3A_350 = arith.constant 16 : i32
      %mul3A_351 = arith.muli %scan3A_339, %mul3A_350 : i32
      %get3A_352 = arith.index_cast %mul3A_351 : i32 to index
      %get3A_353 = tpu.vector_load %arg5[%get3A_352] {strides = array<i32>} : memref<8192xf32, #tpu.memory_space<vmem>>, vector<16xf32>,
      %mul3A_354 = arith.constant 128 : i32
      %mul3A_355 = arith.muli %scan3A_339, %mul3A_354 : i32
      %add3A_356 = arith.constant 1 : i32
      %add3A_357 = arith.addi %mul3A_355, %add3A_356 : i32
      %add3A_358 = vector.broadcast %add3A_357 : i32 to vector<16xi32>
      %add3A_359 = arith.addi %mul3A_3, %add3A_358 : vector<16xi32>
      tpu.vector_store_idx %arg8[%add3A_359], %get3A_353 : memref<65536xf32, #tpu.memory_space<vmem>>[vector<16xi32>], vector<16xf32>,
      %mul3A_360 = arith.constant 16 : i32
      %mul3A_361 = arith.muli %scan3A_339, %mul3A_360 : i32
      %get3A_362 = arith.index_cast %mul3A_361 : i32 to index
      %get3A_363 = tpu.vector_load %arg6[%get3A_362] {strides = array<i32>} : memref<8192xf32, #tpu.memory_space<vmem>>, vector<16xf32>,
      %mul3A_364 = arith.constant 128 : i32
      %mul3A_365 = arith.muli %scan3A_339, %mul3A_364 : i32
      %add3A_366 = arith.constant 2 : i32
      %add3A_367 = arith.addi %mul3A_365, %add3A_366 : i32
      %add3A_368 = vector.broadcast %add3A_367 : i32 to vector<16xi32>
      %add3A_369 = arith.addi %mul3A_3, %add3A_368 : vector<16xi32>
      tpu.vector_store_idx %arg8[%add3A_369], %get3A_363 : memref<65536xf32, #tpu.memory_space<vmem>>[vector<16xi32>], vector<16xf32>,
      %mul3A_370 = arith.constant 16 : i32
      %mul3A_371 = arith.muli %scan3A_339, %mul3A_370 : i32
      %get3A_372 = arith.index_cast %mul3A_371 : i32 to index
      %get3A_373 = tpu.vector_load %arg7[%get3A_372] {strides = array<i32>} : memref<8192xf32, #tpu.memory_space<vmem>>, vector<16xf32>,
      %mul3A_374 = arith.constant 128 : i32
      %mul3A_375 = arith.muli %scan3A_339, %mul3A_374 : i32
      %add3A_376 = arith.constant 3 : i32
      %add3A_377 = arith.addi %mul3A_375, %add3A_376 : i32
      %add3A_378 = vector.broadcast %add3A_377 : i32 to vector<16xi32>
      %add3A_379 = arith.addi %mul3A_3, %add3A_378 : vector<16xi32>
      tpu.vector_store_idx %arg8[%add3A_379], %get3A_373 : memref<65536xf32, #tpu.memory_space<vmem>>[vector<16xi32>], vector<16xf32>,
      %scan3A_380 = arith.constant 0 : i32
      scf.yield %scan3A_380 : i32
    }
    %scan3A_145 = arith.constant 512 : i32
    %add3A_146 = arith.constant 250368 : i32
    %add3A_147 = arith.addi %add3A_146, %mul3A_130 : i32
    %mul3A_148 = arith.constant 8 : i32
    %mul3A_149 = arith.muli %add3A_147, %mul3A_148 : i32
    "tpu.region"() ({
      %run_scoped3A = tpu.sem_alloc : memref<!tpu.dma_semaphore, #tpu.memory_space<semaphore_mem>>
      %dma_start3A = arith.constant 0 : i32
      %dma_start3A_339 = tpu.memref_slice %arg8[%dma_start3A] : memref<65536xf32, #tpu.memory_space<vmem>> -> memref<65536xf32, #tpu.memory_space<vmem>>
      %dma_start3A_340 = tpu.memref_slice %arg3[%mul3A_149] : memref<22974464xf32, #tpu.memory_space<hbm>> -> memref<65536xf32, #tpu.memory_space<hbm>>
      %dma_start3A_341 = tpu.memref_slice %arg3[%mul3A_149] : memref<22974464xf32, #tpu.memory_space<hbm>> -> memref<65536xf32, #tpu.memory_space<hbm>>
      %dma_start3A_342 = arith.constant 0 : i32
      %dma_start3A_343 = tpu.memref_slice %arg8[%dma_start3A_342] : memref<65536xf32, #tpu.memory_space<vmem>> -> memref<65536xf32, #tpu.memory_space<vmem>>
      tpu.enqueue_dma source(%dma_start3A_343 : memref<65536xf32, #tpu.memory_space<vmem>>) target(%dma_start3A_341 : memref<65536xf32, #tpu.memory_space<hbm>>) target_semaphore(%run_scoped3A : memref<!tpu.dma_semaphore, #tpu.memory_space<semaphore_mem>>)
      %dma_wait3A = arith.constant 0 : i32
      %dma_wait3A_344 = tpu.memref_slice %arg8[%dma_wait3A] : memref<65536xf32, #tpu.memory_space<vmem>> -> memref<65536xf32, #tpu.memory_space<vmem>>
      %dma_wait3A_345 = tpu.memref_slice %arg3[%mul3A_149] : memref<22974464xf32, #tpu.memory_space<hbm>> -> memref<65536xf32, #tpu.memory_space<hbm>>
      %dma_wait3A_346 = tpu.memref_slice %arg3[%mul3A_149] : memref<22974464xf32, #tpu.memory_space<hbm>> -> memref<65536xf32, #tpu.memory_space<hbm>>
      %dma_wait3A_347 = arith.constant 0 : i32
      %dma_wait3A_348 = tpu.memref_slice %arg8[%dma_wait3A_347] : memref<65536xf32, #tpu.memory_space<vmem>> -> memref<65536xf32, #tpu.memory_space<vmem>>
      tpu.wait_dma2 semaphore(%run_scoped3A : memref<!tpu.dma_semaphore, #tpu.memory_space<semaphore_mem>>) src(%dma_wait3A_348 : memref<65536xf32, #tpu.memory_space<vmem>>) dst(%dma_wait3A_346 : memref<65536xf32, #tpu.memory_space<hbm>>)
      tpu.yield
    }) : () -> ()
    %mul3A_150 = arith.constant 8192 : i32
    %mul3A_151 = arith.muli %add3A, %mul3A_150 : i32
    %add3A_152 = arith.constant 2046560 : i32
    %add3A_153 = arith.addi %add3A_152, %mul3A_151 : i32
    "tpu.region"() ({
      %run_scoped3A = tpu.sem_alloc : memref<!tpu.dma_semaphore, #tpu.memory_space<semaphore_mem>>
      %dma_start3A = arith.constant 0 : i32
      %dma_start3A_339 = tpu.memref_slice %arg4[%dma_start3A] : memref<8192xf32, #tpu.memory_space<vmem>> -> memref<8192xf32, #tpu.memory_space<vmem>>
      %dma_start3A_340 = tpu.memref_slice %arg2[%add3A_153] : memref<11487840xf32, #tpu.memory_space<hbm>> -> memref<8192xf32, #tpu.memory_space<hbm>>
      %dma_start3A_341 = arith.constant 0 : i32
      %dma_start3A_342 = tpu.memref_slice %arg4[%dma_start3A_341] : memref<8192xf32, #tpu.memory_space<vmem>> -> memref<8192xf32, #tpu.memory_space<vmem>>
      %dma_start3A_343 = tpu.memref_slice %arg2[%add3A_153] : memref<11487840xf32, #tpu.memory_space<hbm>> -> memref<8192xf32, #tpu.memory_space<hbm>>
      tpu.enqueue_dma source(%dma_start3A_343 : memref<8192xf32, #tpu.memory_space<hbm>>) target(%dma_start3A_342 : memref<8192xf32, #tpu.memory_space<vmem>>) target_semaphore(%run_scoped3A : memref<!tpu.dma_semaphore, #tpu.memory_space<semaphore_mem>>)
      %dma_wait3A = arith.constant 0 : i32
      %dma_wait3A_344 = tpu.memref_slice %arg4[%dma_wait3A] : memref<8192xf32, #tpu.memory_space<vmem>> -> memref<8192xf32, #tpu.memory_space<vmem>>
      %dma_wait3A_345 = tpu.memref_slice %arg2[%add3A_153] : memref<11487840xf32, #tpu.memory_space<hbm>> -> memref<8192xf32, #tpu.memory_space<hbm>>
      %dma_wait3A_346 = arith.constant 0 : i32
      %dma_wait3A_347 = tpu.memref_slice %arg4[%dma_wait3A_346] : memref<8192xf32, #tpu.memory_space<vmem>> -> memref<8192xf32, #tpu.memory_space<vmem>>
      %dma_wait3A_348 = tpu.memref_slice %arg2[%add3A_153] : memref<11487840xf32, #tpu.memory_space<hbm>> -> memref<8192xf32, #tpu.memory_space<hbm>>
      tpu.wait_dma2 semaphore(%run_scoped3A : memref<!tpu.dma_semaphore, #tpu.memory_space<semaphore_mem>>) src(%dma_wait3A_348 : memref<8192xf32, #tpu.memory_space<hbm>>) dst(%dma_wait3A_347 : memref<8192xf32, #tpu.memory_space<vmem>>)
      tpu.yield
    }) : () -> ()
    %add3A_154 = arith.constant 2308704 : i32
    %add3A_155 = arith.addi %add3A_154, %mul3A_151 : i32
    "tpu.region"() ({
      %run_scoped3A = tpu.sem_alloc : memref<!tpu.dma_semaphore, #tpu.memory_space<semaphore_mem>>
      %dma_start3A = arith.constant 0 : i32
      %dma_start3A_339 = tpu.memref_slice %arg5[%dma_start3A] : memref<8192xf32, #tpu.memory_space<vmem>> -> memref<8192xf32, #tpu.memory_space<vmem>>
      %dma_start3A_340 = tpu.memref_slice %arg2[%add3A_155] : memref<11487840xf32, #tpu.memory_space<hbm>> -> memref<8192xf32, #tpu.memory_space<hbm>>
      %dma_start3A_341 = arith.constant 0 : i32
      %dma_start3A_342 = tpu.memref_slice %arg5[%dma_start3A_341] : memref<8192xf32, #tpu.memory_space<vmem>> -> memref<8192xf32, #tpu.memory_space<vmem>>
      %dma_start3A_343 = tpu.memref_slice %arg2[%add3A_155] : memref<11487840xf32, #tpu.memory_space<hbm>> -> memref<8192xf32, #tpu.memory_space<hbm>>
      tpu.enqueue_dma source(%dma_start3A_343 : memref<8192xf32, #tpu.memory_space<hbm>>) target(%dma_start3A_342 : memref<8192xf32, #tpu.memory_space<vmem>>) target_semaphore(%run_scoped3A : memref<!tpu.dma_semaphore, #tpu.memory_space<semaphore_mem>>)
      %dma_wait3A = arith.constant 0 : i32
      %dma_wait3A_344 = tpu.memref_slice %arg5[%dma_wait3A] : memref<8192xf32, #tpu.memory_space<vmem>> -> memref<8192xf32, #tpu.memory_space<vmem>>
      %dma_wait3A_345 = tpu.memref_slice %arg2[%add3A_155] : memref<11487840xf32, #tpu.memory_space<hbm>> -> memref<8192xf32, #tpu.memory_space<hbm>>
      %dma_wait3A_346 = arith.constant 0 : i32
      %dma_wait3A_347 = tpu.memref_slice %arg5[%dma_wait3A_346] : memref<8192xf32, #tpu.memory_space<vmem>> -> memref<8192xf32, #tpu.memory_space<vmem>>
      %dma_wait3A_348 = tpu.memref_slice %arg2[%add3A_155] : memref<11487840xf32, #tpu.memory_space<hbm>> -> memref<8192xf32, #tpu.memory_space<hbm>>
      tpu.wait_dma2 semaphore(%run_scoped3A : memref<!tpu.dma_semaphore, #tpu.memory_space<semaphore_mem>>) src(%dma_wait3A_348 : memref<8192xf32, #tpu.memory_space<hbm>>) dst(%dma_wait3A_347 : memref<8192xf32, #tpu.memory_space<vmem>>)
      tpu.yield
    }) : () -> ()
    %add3A_156 = arith.constant 2570848 : i32
    %add3A_157 = arith.addi %add3A_156, %mul3A_151 : i32
    "tpu.region"() ({
      %run_scoped3A = tpu.sem_alloc : memref<!tpu.dma_semaphore, #tpu.memory_space<semaphore_mem>>
      %dma_start3A = arith.constant 0 : i32
      %dma_start3A_339 = tpu.memref_slice %arg6[%dma_start3A] : memref<8192xf32, #tpu.memory_space<vmem>> -> memref<8192xf32, #tpu.memory_space<vmem>>
      %dma_start3A_340 = tpu.memref_slice %arg2[%add3A_157] : memref<11487840xf32, #tpu.memory_space<hbm>> -> memref<8192xf32, #tpu.memory_space<hbm>>
      %dma_start3A_341 = arith.constant 0 : i32
      %dma_start3A_342 = tpu.memref_slice %arg6[%dma_start3A_341] : memref<8192xf32, #tpu.memory_space<vmem>> -> memref<8192xf32, #tpu.memory_space<vmem>>
      %dma_start3A_343 = tpu.memref_slice %arg2[%add3A_157] : memref<11487840xf32, #tpu.memory_space<hbm>> -> memref<8192xf32, #tpu.memory_space<hbm>>
      tpu.enqueue_dma source(%dma_start3A_343 : memref<8192xf32, #tpu.memory_space<hbm>>) target(%dma_start3A_342 : memref<8192xf32, #tpu.memory_space<vmem>>) target_semaphore(%run_scoped3A : memref<!tpu.dma_semaphore, #tpu.memory_space<semaphore_mem>>)
      %dma_wait3A = arith.constant 0 : i32
      %dma_wait3A_344 = tpu.memref_slice %arg6[%dma_wait3A] : memref<8192xf32, #tpu.memory_space<vmem>> -> memref<8192xf32, #tpu.memory_space<vmem>>
      %dma_wait3A_345 = tpu.memref_slice %arg2[%add3A_157] : memref<11487840xf32, #tpu.memory_space<hbm>> -> memref<8192xf32, #tpu.memory_space<hbm>>
      %dma_wait3A_346 = arith.constant 0 : i32
      %dma_wait3A_347 = tpu.memref_slice %arg6[%dma_wait3A_346] : memref<8192xf32, #tpu.memory_space<vmem>> -> memref<8192xf32, #tpu.memory_space<vmem>>
      %dma_wait3A_348 = tpu.memref_slice %arg2[%add3A_157] : memref<11487840xf32, #tpu.memory_space<hbm>> -> memref<8192xf32, #tpu.memory_space<hbm>>
      tpu.wait_dma2 semaphore(%run_scoped3A : memref<!tpu.dma_semaphore, #tpu.memory_space<semaphore_mem>>) src(%dma_wait3A_348 : memref<8192xf32, #tpu.memory_space<hbm>>) dst(%dma_wait3A_347 : memref<8192xf32, #tpu.memory_space<vmem>>)
      tpu.yield
    }) : () -> ()
    %add3A_158 = arith.constant 2832992 : i32
    %add3A_159 = arith.addi %add3A_158, %mul3A_151 : i32
    "tpu.region"() ({
      %run_scoped3A = tpu.sem_alloc : memref<!tpu.dma_semaphore, #tpu.memory_space<semaphore_mem>>
      %dma_start3A = arith.constant 0 : i32
      %dma_start3A_339 = tpu.memref_slice %arg7[%dma_start3A] : memref<8192xf32, #tpu.memory_space<vmem>> -> memref<8192xf32, #tpu.memory_space<vmem>>
      %dma_start3A_340 = tpu.memref_slice %arg2[%add3A_159] : memref<11487840xf32, #tpu.memory_space<hbm>> -> memref<8192xf32, #tpu.memory_space<hbm>>
      %dma_start3A_341 = arith.constant 0 : i32
      %dma_start3A_342 = tpu.memref_slice %arg7[%dma_start3A_341] : memref<8192xf32, #tpu.memory_space<vmem>> -> memref<8192xf32, #tpu.memory_space<vmem>>
      %dma_start3A_343 = tpu.memref_slice %arg2[%add3A_159] : memref<11487840xf32, #tpu.memory_space<hbm>> -> memref<8192xf32, #tpu.memory_space<hbm>>
      tpu.enqueue_dma source(%dma_start3A_343 : memref<8192xf32, #tpu.memory_space<hbm>>) target(%dma_start3A_342 : memref<8192xf32, #tpu.memory_space<vmem>>) target_semaphore(%run_scoped3A : memref<!tpu.dma_semaphore, #tpu.memory_space<semaphore_mem>>)
      %dma_wait3A = arith.constant 0 : i32
      %dma_wait3A_344 = tpu.memref_slice %arg7[%dma_wait3A] : memref<8192xf32, #tpu.memory_space<vmem>> -> memref<8192xf32, #tpu.memory_space<vmem>>
      %dma_wait3A_345 = tpu.memref_slice %arg2[%add3A_159] : memref<11487840xf32, #tpu.memory_space<hbm>> -> memref<8192xf32, #tpu.memory_space<hbm>>
      %dma_wait3A_346 = arith.constant 0 : i32
      %dma_wait3A_347 = tpu.memref_slice %arg7[%dma_wait3A_346] : memref<8192xf32, #tpu.memory_space<vmem>> -> memref<8192xf32, #tpu.memory_space<vmem>>
      %dma_wait3A_348 = tpu.memref_slice %arg2[%add3A_159] : memref<11487840xf32, #tpu.memory_space<hbm>> -> memref<8192xf32, #tpu.memory_space<hbm>>
      tpu.wait_dma2 semaphore(%run_scoped3A : memref<!tpu.dma_semaphore, #tpu.memory_space<semaphore_mem>>) src(%dma_wait3A_348 : memref<8192xf32, #tpu.memory_space<hbm>>) dst(%dma_wait3A_347 : memref<8192xf32, #tpu.memory_space<vmem>>)
      tpu.yield
    }) : () -> ()
    %scan3A_160 = arith.constant 0 : i32
    %scan3A_161 = arith.constant 0 : i32
    %scan3A_162 = arith.constant 512 : i32
    %scan3A_163 = arith.addi %scan3A_161, %scan3A_162 : i32
    %scan3A_164 = arith.constant 1 : i32
    %scan3A_165 = scf.for %scan3A_339 = %scan3A_161 to %scan3A_163 step %scan3A_164 iter_args(%scan3A_340 = %scan3A_160) -> (i32)  : i32 {
      %mul3A_341 = arith.constant 16 : i32
      %mul3A_342 = arith.muli %scan3A_339, %mul3A_341 : i32
      %get3A = arith.index_cast %mul3A_342 : i32 to index
      %get3A_343 = tpu.vector_load %arg4[%get3A] {strides = array<i32>} : memref<8192xf32, #tpu.memory_space<vmem>>, vector<16xf32>,
      %mul3A_344 = arith.constant 128 : i32
      %mul3A_345 = arith.muli %scan3A_339, %mul3A_344 : i32
      %add3A_346 = arith.constant 0 : i32
      %add3A_347 = arith.addi %mul3A_345, %add3A_346 : i32
      %add3A_348 = vector.broadcast %add3A_347 : i32 to vector<16xi32>
      %add3A_349 = arith.addi %mul3A_3, %add3A_348 : vector<16xi32>
      tpu.vector_store_idx %arg8[%add3A_349], %get3A_343 : memref<65536xf32, #tpu.memory_space<vmem>>[vector<16xi32>], vector<16xf32>,
      %mul3A_350 = arith.constant 16 : i32
      %mul3A_351 = arith.muli %scan3A_339, %mul3A_350 : i32
      %get3A_352 = arith.index_cast %mul3A_351 : i32 to index
      %get3A_353 = tpu.vector_load %arg5[%get3A_352] {strides = array<i32>} : memref<8192xf32, #tpu.memory_space<vmem>>, vector<16xf32>,
      %mul3A_354 = arith.constant 128 : i32
      %mul3A_355 = arith.muli %scan3A_339, %mul3A_354 : i32
      %add3A_356 = arith.constant 1 : i32
      %add3A_357 = arith.addi %mul3A_355, %add3A_356 : i32
      %add3A_358 = vector.broadcast %add3A_357 : i32 to vector<16xi32>
      %add3A_359 = arith.addi %mul3A_3, %add3A_358 : vector<16xi32>
      tpu.vector_store_idx %arg8[%add3A_359], %get3A_353 : memref<65536xf32, #tpu.memory_space<vmem>>[vector<16xi32>], vector<16xf32>,
      %mul3A_360 = arith.constant 16 : i32
      %mul3A_361 = arith.muli %scan3A_339, %mul3A_360 : i32
      %get3A_362 = arith.index_cast %mul3A_361 : i32 to index
      %get3A_363 = tpu.vector_load %arg6[%get3A_362] {strides = array<i32>} : memref<8192xf32, #tpu.memory_space<vmem>>, vector<16xf32>,
      %mul3A_364 = arith.constant 128 : i32
      %mul3A_365 = arith.muli %scan3A_339, %mul3A_364 : i32
      %add3A_366 = arith.constant 2 : i32
      %add3A_367 = arith.addi %mul3A_365, %add3A_366 : i32
      %add3A_368 = vector.broadcast %add3A_367 : i32 to vector<16xi32>
      %add3A_369 = arith.addi %mul3A_3, %add3A_368 : vector<16xi32>
      tpu.vector_store_idx %arg8[%add3A_369], %get3A_363 : memref<65536xf32, #tpu.memory_space<vmem>>[vector<16xi32>], vector<16xf32>,
      %mul3A_370 = arith.constant 16 : i32
      %mul3A_371 = arith.muli %scan3A_339, %mul3A_370 : i32
      %get3A_372 = arith.index_cast %mul3A_371 : i32 to index
      %get3A_373 = tpu.vector_load %arg7[%get3A_372] {strides = array<i32>} : memref<8192xf32, #tpu.memory_space<vmem>>, vector<16xf32>,
      %mul3A_374 = arith.constant 128 : i32
      %mul3A_375 = arith.muli %scan3A_339, %mul3A_374 : i32
      %add3A_376 = arith.constant 3 : i32
      %add3A_377 = arith.addi %mul3A_375, %add3A_376 : i32
      %add3A_378 = vector.broadcast %add3A_377 : i32 to vector<16xi32>
      %add3A_379 = arith.addi %mul3A_3, %add3A_378 : vector<16xi32>
      tpu.vector_store_idx %arg8[%add3A_379], %get3A_373 : memref<65536xf32, #tpu.memory_space<vmem>>[vector<16xi32>], vector<16xf32>,
      %scan3A_380 = arith.constant 0 : i32
      scf.yield %scan3A_380 : i32
    }
    %scan3A_166 = arith.constant 512 : i32
    %add3A_167 = arith.constant 512512 : i32
    %add3A_168 = arith.addi %add3A_167, %mul3A_151 : i32
    %mul3A_169 = arith.constant 8 : i32
    %mul3A_170 = arith.muli %add3A_168, %mul3A_169 : i32
    "tpu.region"() ({
      %run_scoped3A = tpu.sem_alloc : memref<!tpu.dma_semaphore, #tpu.memory_space<semaphore_mem>>
      %dma_start3A = arith.constant 0 : i32
      %dma_start3A_339 = tpu.memref_slice %arg8[%dma_start3A] : memref<65536xf32, #tpu.memory_space<vmem>> -> memref<65536xf32, #tpu.memory_space<vmem>>
      %dma_start3A_340 = tpu.memref_slice %arg3[%mul3A_170] : memref<22974464xf32, #tpu.memory_space<hbm>> -> memref<65536xf32, #tpu.memory_space<hbm>>
      %dma_start3A_341 = tpu.memref_slice %arg3[%mul3A_170] : memref<22974464xf32, #tpu.memory_space<hbm>> -> memref<65536xf32, #tpu.memory_space<hbm>>
      %dma_start3A_342 = arith.constant 0 : i32
      %dma_start3A_343 = tpu.memref_slice %arg8[%dma_start3A_342] : memref<65536xf32, #tpu.memory_space<vmem>> -> memref<65536xf32, #tpu.memory_space<vmem>>
      tpu.enqueue_dma source(%dma_start3A_343 : memref<65536xf32, #tpu.memory_space<vmem>>) target(%dma_start3A_341 : memref<65536xf32, #tpu.memory_space<hbm>>) target_semaphore(%run_scoped3A : memref<!tpu.dma_semaphore, #tpu.memory_space<semaphore_mem>>)
      %dma_wait3A = arith.constant 0 : i32
      %dma_wait3A_344 = tpu.memref_slice %arg8[%dma_wait3A] : memref<65536xf32, #tpu.memory_space<vmem>> -> memref<65536xf32, #tpu.memory_space<vmem>>
      %dma_wait3A_345 = tpu.memref_slice %arg3[%mul3A_170] : memref<22974464xf32, #tpu.memory_space<hbm>> -> memref<65536xf32, #tpu.memory_space<hbm>>
      %dma_wait3A_346 = tpu.memref_slice %arg3[%mul3A_170] : memref<22974464xf32, #tpu.memory_space<hbm>> -> memref<65536xf32, #tpu.memory_space<hbm>>
      %dma_wait3A_347 = arith.constant 0 : i32
      %dma_wait3A_348 = tpu.memref_slice %arg8[%dma_wait3A_347] : memref<65536xf32, #tpu.memory_space<vmem>> -> memref<65536xf32, #tpu.memory_space<vmem>>
      tpu.wait_dma2 semaphore(%run_scoped3A : memref<!tpu.dma_semaphore, #tpu.memory_space<semaphore_mem>>) src(%dma_wait3A_348 : memref<65536xf32, #tpu.memory_space<vmem>>) dst(%dma_wait3A_346 : memref<65536xf32, #tpu.memory_space<hbm>>)
      tpu.yield
    }) : () -> ()
    %mul3A_171 = arith.constant 8192 : i32
    %mul3A_172 = arith.muli %add3A, %mul3A_171 : i32
    %add3A_173 = arith.constant 3095136 : i32
    %add3A_174 = arith.addi %add3A_173, %mul3A_172 : i32
    "tpu.region"() ({
      %run_scoped3A = tpu.sem_alloc : memref<!tpu.dma_semaphore, #tpu.memory_space<semaphore_mem>>
      %dma_start3A = arith.constant 0 : i32
      %dma_start3A_339 = tpu.memref_slice %arg4[%dma_start3A] : memref<8192xf32, #tpu.memory_space<vmem>> -> memref<8192xf32, #tpu.memory_space<vmem>>
      %dma_start3A_340 = tpu.memref_slice %arg2[%add3A_174] : memref<11487840xf32, #tpu.memory_space<hbm>> -> memref<8192xf32, #tpu.memory_space<hbm>>
      %dma_start3A_341 = arith.constant 0 : i32
      %dma_start3A_342 = tpu.memref_slice %arg4[%dma_start3A_341] : memref<8192xf32, #tpu.memory_space<vmem>> -> memref<8192xf32, #tpu.memory_space<vmem>>
      %dma_start3A_343 = tpu.memref_slice %arg2[%add3A_174] : memref<11487840xf32, #tpu.memory_space<hbm>> -> memref<8192xf32, #tpu.memory_space<hbm>>
      tpu.enqueue_dma source(%dma_start3A_343 : memref<8192xf32, #tpu.memory_space<hbm>>) target(%dma_start3A_342 : memref<8192xf32, #tpu.memory_space<vmem>>) target_semaphore(%run_scoped3A : memref<!tpu.dma_semaphore, #tpu.memory_space<semaphore_mem>>)
      %dma_wait3A = arith.constant 0 : i32
      %dma_wait3A_344 = tpu.memref_slice %arg4[%dma_wait3A] : memref<8192xf32, #tpu.memory_space<vmem>> -> memref<8192xf32, #tpu.memory_space<vmem>>
      %dma_wait3A_345 = tpu.memref_slice %arg2[%add3A_174] : memref<11487840xf32, #tpu.memory_space<hbm>> -> memref<8192xf32, #tpu.memory_space<hbm>>
      %dma_wait3A_346 = arith.constant 0 : i32
      %dma_wait3A_347 = tpu.memref_slice %arg4[%dma_wait3A_346] : memref<8192xf32, #tpu.memory_space<vmem>> -> memref<8192xf32, #tpu.memory_space<vmem>>
      %dma_wait3A_348 = tpu.memref_slice %arg2[%add3A_174] : memref<11487840xf32, #tpu.memory_space<hbm>> -> memref<8192xf32, #tpu.memory_space<hbm>>
      tpu.wait_dma2 semaphore(%run_scoped3A : memref<!tpu.dma_semaphore, #tpu.memory_space<semaphore_mem>>) src(%dma_wait3A_348 : memref<8192xf32, #tpu.memory_space<hbm>>) dst(%dma_wait3A_347 : memref<8192xf32, #tpu.memory_space<vmem>>)
      tpu.yield
    }) : () -> ()
    %add3A_175 = arith.constant 3357280 : i32
    %add3A_176 = arith.addi %add3A_175, %mul3A_172 : i32
    "tpu.region"() ({
      %run_scoped3A = tpu.sem_alloc : memref<!tpu.dma_semaphore, #tpu.memory_space<semaphore_mem>>
      %dma_start3A = arith.constant 0 : i32
      %dma_start3A_339 = tpu.memref_slice %arg5[%dma_start3A] : memref<8192xf32, #tpu.memory_space<vmem>> -> memref<8192xf32, #tpu.memory_space<vmem>>
      %dma_start3A_340 = tpu.memref_slice %arg2[%add3A_176] : memref<11487840xf32, #tpu.memory_space<hbm>> -> memref<8192xf32, #tpu.memory_space<hbm>>
      %dma_start3A_341 = arith.constant 0 : i32
      %dma_start3A_342 = tpu.memref_slice %arg5[%dma_start3A_341] : memref<8192xf32, #tpu.memory_space<vmem>> -> memref<8192xf32, #tpu.memory_space<vmem>>
      %dma_start3A_343 = tpu.memref_slice %arg2[%add3A_176] : memref<11487840xf32, #tpu.memory_space<hbm>> -> memref<8192xf32, #tpu.memory_space<hbm>>
      tpu.enqueue_dma source(%dma_start3A_343 : memref<8192xf32, #tpu.memory_space<hbm>>) target(%dma_start3A_342 : memref<8192xf32, #tpu.memory_space<vmem>>) target_semaphore(%run_scoped3A : memref<!tpu.dma_semaphore, #tpu.memory_space<semaphore_mem>>)
      %dma_wait3A = arith.constant 0 : i32
      %dma_wait3A_344 = tpu.memref_slice %arg5[%dma_wait3A] : memref<8192xf32, #tpu.memory_space<vmem>> -> memref<8192xf32, #tpu.memory_space<vmem>>
      %dma_wait3A_345 = tpu.memref_slice %arg2[%add3A_176] : memref<11487840xf32, #tpu.memory_space<hbm>> -> memref<8192xf32, #tpu.memory_space<hbm>>
      %dma_wait3A_346 = arith.constant 0 : i32
      %dma_wait3A_347 = tpu.memref_slice %arg5[%dma_wait3A_346] : memref<8192xf32, #tpu.memory_space<vmem>> -> memref<8192xf32, #tpu.memory_space<vmem>>
      %dma_wait3A_348 = tpu.memref_slice %arg2[%add3A_176] : memref<11487840xf32, #tpu.memory_space<hbm>> -> memref<8192xf32, #tpu.memory_space<hbm>>
      tpu.wait_dma2 semaphore(%run_scoped3A : memref<!tpu.dma_semaphore, #tpu.memory_space<semaphore_mem>>) src(%dma_wait3A_348 : memref<8192xf32, #tpu.memory_space<hbm>>) dst(%dma_wait3A_347 : memref<8192xf32, #tpu.memory_space<vmem>>)
      tpu.yield
    }) : () -> ()
    %add3A_177 = arith.constant 3619424 : i32
    %add3A_178 = arith.addi %add3A_177, %mul3A_172 : i32
    "tpu.region"() ({
      %run_scoped3A = tpu.sem_alloc : memref<!tpu.dma_semaphore, #tpu.memory_space<semaphore_mem>>
      %dma_start3A = arith.constant 0 : i32
      %dma_start3A_339 = tpu.memref_slice %arg6[%dma_start3A] : memref<8192xf32, #tpu.memory_space<vmem>> -> memref<8192xf32, #tpu.memory_space<vmem>>
      %dma_start3A_340 = tpu.memref_slice %arg2[%add3A_178] : memref<11487840xf32, #tpu.memory_space<hbm>> -> memref<8192xf32, #tpu.memory_space<hbm>>
      %dma_start3A_341 = arith.constant 0 : i32
      %dma_start3A_342 = tpu.memref_slice %arg6[%dma_start3A_341] : memref<8192xf32, #tpu.memory_space<vmem>> -> memref<8192xf32, #tpu.memory_space<vmem>>
      %dma_start3A_343 = tpu.memref_slice %arg2[%add3A_178] : memref<11487840xf32, #tpu.memory_space<hbm>> -> memref<8192xf32, #tpu.memory_space<hbm>>
      tpu.enqueue_dma source(%dma_start3A_343 : memref<8192xf32, #tpu.memory_space<hbm>>) target(%dma_start3A_342 : memref<8192xf32, #tpu.memory_space<vmem>>) target_semaphore(%run_scoped3A : memref<!tpu.dma_semaphore, #tpu.memory_space<semaphore_mem>>)
      %dma_wait3A = arith.constant 0 : i32
      %dma_wait3A_344 = tpu.memref_slice %arg6[%dma_wait3A] : memref<8192xf32, #tpu.memory_space<vmem>> -> memref<8192xf32, #tpu.memory_space<vmem>>
      %dma_wait3A_345 = tpu.memref_slice %arg2[%add3A_178] : memref<11487840xf32, #tpu.memory_space<hbm>> -> memref<8192xf32, #tpu.memory_space<hbm>>
      %dma_wait3A_346 = arith.constant 0 : i32
      %dma_wait3A_347 = tpu.memref_slice %arg6[%dma_wait3A_346] : memref<8192xf32, #tpu.memory_space<vmem>> -> memref<8192xf32, #tpu.memory_space<vmem>>
      %dma_wait3A_348 = tpu.memref_slice %arg2[%add3A_178] : memref<11487840xf32, #tpu.memory_space<hbm>> -> memref<8192xf32, #tpu.memory_space<hbm>>
      tpu.wait_dma2 semaphore(%run_scoped3A : memref<!tpu.dma_semaphore, #tpu.memory_space<semaphore_mem>>) src(%dma_wait3A_348 : memref<8192xf32, #tpu.memory_space<hbm>>) dst(%dma_wait3A_347 : memref<8192xf32, #tpu.memory_space<vmem>>)
      tpu.yield
    }) : () -> ()
    %add3A_179 = arith.constant 3881568 : i32
    %add3A_180 = arith.addi %add3A_179, %mul3A_172 : i32
    "tpu.region"() ({
      %run_scoped3A = tpu.sem_alloc : memref<!tpu.dma_semaphore, #tpu.memory_space<semaphore_mem>>
      %dma_start3A = arith.constant 0 : i32
      %dma_start3A_339 = tpu.memref_slice %arg7[%dma_start3A] : memref<8192xf32, #tpu.memory_space<vmem>> -> memref<8192xf32, #tpu.memory_space<vmem>>
      %dma_start3A_340 = tpu.memref_slice %arg2[%add3A_180] : memref<11487840xf32, #tpu.memory_space<hbm>> -> memref<8192xf32, #tpu.memory_space<hbm>>
      %dma_start3A_341 = arith.constant 0 : i32
      %dma_start3A_342 = tpu.memref_slice %arg7[%dma_start3A_341] : memref<8192xf32, #tpu.memory_space<vmem>> -> memref<8192xf32, #tpu.memory_space<vmem>>
      %dma_start3A_343 = tpu.memref_slice %arg2[%add3A_180] : memref<11487840xf32, #tpu.memory_space<hbm>> -> memref<8192xf32, #tpu.memory_space<hbm>>
      tpu.enqueue_dma source(%dma_start3A_343 : memref<8192xf32, #tpu.memory_space<hbm>>) target(%dma_start3A_342 : memref<8192xf32, #tpu.memory_space<vmem>>) target_semaphore(%run_scoped3A : memref<!tpu.dma_semaphore, #tpu.memory_space<semaphore_mem>>)
      %dma_wait3A = arith.constant 0 : i32
      %dma_wait3A_344 = tpu.memref_slice %arg7[%dma_wait3A] : memref<8192xf32, #tpu.memory_space<vmem>> -> memref<8192xf32, #tpu.memory_space<vmem>>
      %dma_wait3A_345 = tpu.memref_slice %arg2[%add3A_180] : memref<11487840xf32, #tpu.memory_space<hbm>> -> memref<8192xf32, #tpu.memory_space<hbm>>
      %dma_wait3A_346 = arith.constant 0 : i32
      %dma_wait3A_347 = tpu.memref_slice %arg7[%dma_wait3A_346] : memref<8192xf32, #tpu.memory_space<vmem>> -> memref<8192xf32, #tpu.memory_space<vmem>>
      %dma_wait3A_348 = tpu.memref_slice %arg2[%add3A_180] : memref<11487840xf32, #tpu.memory_space<hbm>> -> memref<8192xf32, #tpu.memory_space<hbm>>
      tpu.wait_dma2 semaphore(%run_scoped3A : memref<!tpu.dma_semaphore, #tpu.memory_space<semaphore_mem>>) src(%dma_wait3A_348 : memref<8192xf32, #tpu.memory_space<hbm>>) dst(%dma_wait3A_347 : memref<8192xf32, #tpu.memory_space<vmem>>)
      tpu.yield
    }) : () -> ()
    %scan3A_181 = arith.constant 0 : i32
    %scan3A_182 = arith.constant 0 : i32
    %scan3A_183 = arith.constant 512 : i32
    %scan3A_184 = arith.addi %scan3A_182, %scan3A_183 : i32
    %scan3A_185 = arith.constant 1 : i32
    %scan3A_186 = scf.for %scan3A_339 = %scan3A_182 to %scan3A_184 step %scan3A_185 iter_args(%scan3A_340 = %scan3A_181) -> (i32)  : i32 {
      %mul3A_341 = arith.constant 16 : i32
      %mul3A_342 = arith.muli %scan3A_339, %mul3A_341 : i32
      %get3A = arith.index_cast %mul3A_342 : i32 to index
      %get3A_343 = tpu.vector_load %arg4[%get3A] {strides = array<i32>} : memref<8192xf32, #tpu.memory_space<vmem>>, vector<16xf32>,
      %mul3A_344 = arith.constant 128 : i32
      %mul3A_345 = arith.muli %scan3A_339, %mul3A_344 : i32
      %add3A_346 = arith.constant 0 : i32
      %add3A_347 = arith.addi %mul3A_345, %add3A_346 : i32
      %add3A_348 = vector.broadcast %add3A_347 : i32 to vector<16xi32>
      %add3A_349 = arith.addi %mul3A_3, %add3A_348 : vector<16xi32>
      tpu.vector_store_idx %arg8[%add3A_349], %get3A_343 : memref<65536xf32, #tpu.memory_space<vmem>>[vector<16xi32>], vector<16xf32>,
      %mul3A_350 = arith.constant 16 : i32
      %mul3A_351 = arith.muli %scan3A_339, %mul3A_350 : i32
      %get3A_352 = arith.index_cast %mul3A_351 : i32 to index
      %get3A_353 = tpu.vector_load %arg5[%get3A_352] {strides = array<i32>} : memref<8192xf32, #tpu.memory_space<vmem>>, vector<16xf32>,
      %mul3A_354 = arith.constant 128 : i32
      %mul3A_355 = arith.muli %scan3A_339, %mul3A_354 : i32
      %add3A_356 = arith.constant 1 : i32
      %add3A_357 = arith.addi %mul3A_355, %add3A_356 : i32
      %add3A_358 = vector.broadcast %add3A_357 : i32 to vector<16xi32>
      %add3A_359 = arith.addi %mul3A_3, %add3A_358 : vector<16xi32>
      tpu.vector_store_idx %arg8[%add3A_359], %get3A_353 : memref<65536xf32, #tpu.memory_space<vmem>>[vector<16xi32>], vector<16xf32>,
      %mul3A_360 = arith.constant 16 : i32
      %mul3A_361 = arith.muli %scan3A_339, %mul3A_360 : i32
      %get3A_362 = arith.index_cast %mul3A_361 : i32 to index
      %get3A_363 = tpu.vector_load %arg6[%get3A_362] {strides = array<i32>} : memref<8192xf32, #tpu.memory_space<vmem>>, vector<16xf32>,
      %mul3A_364 = arith.constant 128 : i32
      %mul3A_365 = arith.muli %scan3A_339, %mul3A_364 : i32
      %add3A_366 = arith.constant 2 : i32
      %add3A_367 = arith.addi %mul3A_365, %add3A_366 : i32
      %add3A_368 = vector.broadcast %add3A_367 : i32 to vector<16xi32>
      %add3A_369 = arith.addi %mul3A_3, %add3A_368 : vector<16xi32>
      tpu.vector_store_idx %arg8[%add3A_369], %get3A_363 : memref<65536xf32, #tpu.memory_space<vmem>>[vector<16xi32>], vector<16xf32>,
      %mul3A_370 = arith.constant 16 : i32
      %mul3A_371 = arith.muli %scan3A_339, %mul3A_370 : i32
      %get3A_372 = arith.index_cast %mul3A_371 : i32 to index
      %get3A_373 = tpu.vector_load %arg7[%get3A_372] {strides = array<i32>} : memref<8192xf32, #tpu.memory_space<vmem>>, vector<16xf32>,
      %mul3A_374 = arith.constant 128 : i32
      %mul3A_375 = arith.muli %scan3A_339, %mul3A_374 : i32
      %add3A_376 = arith.constant 3 : i32
      %add3A_377 = arith.addi %mul3A_375, %add3A_376 : i32
      %add3A_378 = vector.broadcast %add3A_377 : i32 to vector<16xi32>
      %add3A_379 = arith.addi %mul3A_3, %add3A_378 : vector<16xi32>
      tpu.vector_store_idx %arg8[%add3A_379], %get3A_373 : memref<65536xf32, #tpu.memory_space<vmem>>[vector<16xi32>], vector<16xf32>,
      %scan3A_380 = arith.constant 0 : i32
      scf.yield %scan3A_380 : i32
    }
    %scan3A_187 = arith.constant 512 : i32
    %add3A_188 = arith.constant 774656 : i32
    %add3A_189 = arith.addi %add3A_188, %mul3A_172 : i32
    %mul3A_190 = arith.constant 8 : i32
    %mul3A_191 = arith.muli %add3A_189, %mul3A_190 : i32
    "tpu.region"() ({
      %run_scoped3A = tpu.sem_alloc : memref<!tpu.dma_semaphore, #tpu.memory_space<semaphore_mem>>
      %dma_start3A = arith.constant 0 : i32
      %dma_start3A_339 = tpu.memref_slice %arg8[%dma_start3A] : memref<65536xf32, #tpu.memory_space<vmem>> -> memref<65536xf32, #tpu.memory_space<vmem>>
      %dma_start3A_340 = tpu.memref_slice %arg3[%mul3A_191] : memref<22974464xf32, #tpu.memory_space<hbm>> -> memref<65536xf32, #tpu.memory_space<hbm>>
      %dma_start3A_341 = tpu.memref_slice %arg3[%mul3A_191] : memref<22974464xf32, #tpu.memory_space<hbm>> -> memref<65536xf32, #tpu.memory_space<hbm>>
      %dma_start3A_342 = arith.constant 0 : i32
      %dma_start3A_343 = tpu.memref_slice %arg8[%dma_start3A_342] : memref<65536xf32, #tpu.memory_space<vmem>> -> memref<65536xf32, #tpu.memory_space<vmem>>
      tpu.enqueue_dma source(%dma_start3A_343 : memref<65536xf32, #tpu.memory_space<vmem>>) target(%dma_start3A_341 : memref<65536xf32, #tpu.memory_space<hbm>>) target_semaphore(%run_scoped3A : memref<!tpu.dma_semaphore, #tpu.memory_space<semaphore_mem>>)
      %dma_wait3A = arith.constant 0 : i32
      %dma_wait3A_344 = tpu.memref_slice %arg8[%dma_wait3A] : memref<65536xf32, #tpu.memory_space<vmem>> -> memref<65536xf32, #tpu.memory_space<vmem>>
      %dma_wait3A_345 = tpu.memref_slice %arg3[%mul3A_191] : memref<22974464xf32, #tpu.memory_space<hbm>> -> memref<65536xf32, #tpu.memory_space<hbm>>
      %dma_wait3A_346 = tpu.memref_slice %arg3[%mul3A_191] : memref<22974464xf32, #tpu.memory_space<hbm>> -> memref<65536xf32, #tpu.memory_space<hbm>>
      %dma_wait3A_347 = arith.constant 0 : i32
      %dma_wait3A_348 = tpu.memref_slice %arg8[%dma_wait3A_347] : memref<65536xf32, #tpu.memory_space<vmem>> -> memref<65536xf32, #tpu.memory_space<vmem>>
      tpu.wait_dma2 semaphore(%run_scoped3A : memref<!tpu.dma_semaphore, #tpu.memory_space<semaphore_mem>>) src(%dma_wait3A_348 : memref<65536xf32, #tpu.memory_space<vmem>>) dst(%dma_wait3A_346 : memref<65536xf32, #tpu.memory_space<hbm>>)
      tpu.yield
    }) : () -> ()
    %mul3A_192 = arith.constant 8192 : i32
    %mul3A_193 = arith.muli %add3A, %mul3A_192 : i32
    %add3A_194 = arith.constant 4143712 : i32
    %add3A_195 = arith.addi %add3A_194, %mul3A_193 : i32
    "tpu.region"() ({
      %run_scoped3A = tpu.sem_alloc : memref<!tpu.dma_semaphore, #tpu.memory_space<semaphore_mem>>
      %dma_start3A = arith.constant 0 : i32
      %dma_start3A_339 = tpu.memref_slice %arg4[%dma_start3A] : memref<8192xf32, #tpu.memory_space<vmem>> -> memref<8192xf32, #tpu.memory_space<vmem>>
      %dma_start3A_340 = tpu.memref_slice %arg2[%add3A_195] : memref<11487840xf32, #tpu.memory_space<hbm>> -> memref<8192xf32, #tpu.memory_space<hbm>>
      %dma_start3A_341 = arith.constant 0 : i32
      %dma_start3A_342 = tpu.memref_slice %arg4[%dma_start3A_341] : memref<8192xf32, #tpu.memory_space<vmem>> -> memref<8192xf32, #tpu.memory_space<vmem>>
      %dma_start3A_343 = tpu.memref_slice %arg2[%add3A_195] : memref<11487840xf32, #tpu.memory_space<hbm>> -> memref<8192xf32, #tpu.memory_space<hbm>>
      tpu.enqueue_dma source(%dma_start3A_343 : memref<8192xf32, #tpu.memory_space<hbm>>) target(%dma_start3A_342 : memref<8192xf32, #tpu.memory_space<vmem>>) target_semaphore(%run_scoped3A : memref<!tpu.dma_semaphore, #tpu.memory_space<semaphore_mem>>)
      %dma_wait3A = arith.constant 0 : i32
      %dma_wait3A_344 = tpu.memref_slice %arg4[%dma_wait3A] : memref<8192xf32, #tpu.memory_space<vmem>> -> memref<8192xf32, #tpu.memory_space<vmem>>
      %dma_wait3A_345 = tpu.memref_slice %arg2[%add3A_195] : memref<11487840xf32, #tpu.memory_space<hbm>> -> memref<8192xf32, #tpu.memory_space<hbm>>
      %dma_wait3A_346 = arith.constant 0 : i32
      %dma_wait3A_347 = tpu.memref_slice %arg4[%dma_wait3A_346] : memref<8192xf32, #tpu.memory_space<vmem>> -> memref<8192xf32, #tpu.memory_space<vmem>>
      %dma_wait3A_348 = tpu.memref_slice %arg2[%add3A_195] : memref<11487840xf32, #tpu.memory_space<hbm>> -> memref<8192xf32, #tpu.memory_space<hbm>>
      tpu.wait_dma2 semaphore(%run_scoped3A : memref<!tpu.dma_semaphore, #tpu.memory_space<semaphore_mem>>) src(%dma_wait3A_348 : memref<8192xf32, #tpu.memory_space<hbm>>) dst(%dma_wait3A_347 : memref<8192xf32, #tpu.memory_space<vmem>>)
      tpu.yield
    }) : () -> ()
    %add3A_196 = arith.constant 4405856 : i32
    %add3A_197 = arith.addi %add3A_196, %mul3A_193 : i32
    "tpu.region"() ({
      %run_scoped3A = tpu.sem_alloc : memref<!tpu.dma_semaphore, #tpu.memory_space<semaphore_mem>>
      %dma_start3A = arith.constant 0 : i32
      %dma_start3A_339 = tpu.memref_slice %arg5[%dma_start3A] : memref<8192xf32, #tpu.memory_space<vmem>> -> memref<8192xf32, #tpu.memory_space<vmem>>
      %dma_start3A_340 = tpu.memref_slice %arg2[%add3A_197] : memref<11487840xf32, #tpu.memory_space<hbm>> -> memref<8192xf32, #tpu.memory_space<hbm>>
      %dma_start3A_341 = arith.constant 0 : i32
      %dma_start3A_342 = tpu.memref_slice %arg5[%dma_start3A_341] : memref<8192xf32, #tpu.memory_space<vmem>> -> memref<8192xf32, #tpu.memory_space<vmem>>
      %dma_start3A_343 = tpu.memref_slice %arg2[%add3A_197] : memref<11487840xf32, #tpu.memory_space<hbm>> -> memref<8192xf32, #tpu.memory_space<hbm>>
      tpu.enqueue_dma source(%dma_start3A_343 : memref<8192xf32, #tpu.memory_space<hbm>>) target(%dma_start3A_342 : memref<8192xf32, #tpu.memory_space<vmem>>) target_semaphore(%run_scoped3A : memref<!tpu.dma_semaphore, #tpu.memory_space<semaphore_mem>>)
      %dma_wait3A = arith.constant 0 : i32
      %dma_wait3A_344 = tpu.memref_slice %arg5[%dma_wait3A] : memref<8192xf32, #tpu.memory_space<vmem>> -> memref<8192xf32, #tpu.memory_space<vmem>>
      %dma_wait3A_345 = tpu.memref_slice %arg2[%add3A_197] : memref<11487840xf32, #tpu.memory_space<hbm>> -> memref<8192xf32, #tpu.memory_space<hbm>>
      %dma_wait3A_346 = arith.constant 0 : i32
      %dma_wait3A_347 = tpu.memref_slice %arg5[%dma_wait3A_346] : memref<8192xf32, #tpu.memory_space<vmem>> -> memref<8192xf32, #tpu.memory_space<vmem>>
      %dma_wait3A_348 = tpu.memref_slice %arg2[%add3A_197] : memref<11487840xf32, #tpu.memory_space<hbm>> -> memref<8192xf32, #tpu.memory_space<hbm>>
      tpu.wait_dma2 semaphore(%run_scoped3A : memref<!tpu.dma_semaphore, #tpu.memory_space<semaphore_mem>>) src(%dma_wait3A_348 : memref<8192xf32, #tpu.memory_space<hbm>>) dst(%dma_wait3A_347 : memref<8192xf32, #tpu.memory_space<vmem>>)
      tpu.yield
    }) : () -> ()
    %add3A_198 = arith.constant 4668000 : i32
    %add3A_199 = arith.addi %add3A_198, %mul3A_193 : i32
    "tpu.region"() ({
      %run_scoped3A = tpu.sem_alloc : memref<!tpu.dma_semaphore, #tpu.memory_space<semaphore_mem>>
      %dma_start3A = arith.constant 0 : i32
      %dma_start3A_339 = tpu.memref_slice %arg6[%dma_start3A] : memref<8192xf32, #tpu.memory_space<vmem>> -> memref<8192xf32, #tpu.memory_space<vmem>>
      %dma_start3A_340 = tpu.memref_slice %arg2[%add3A_199] : memref<11487840xf32, #tpu.memory_space<hbm>> -> memref<8192xf32, #tpu.memory_space<hbm>>
      %dma_start3A_341 = arith.constant 0 : i32
      %dma_start3A_342 = tpu.memref_slice %arg6[%dma_start3A_341] : memref<8192xf32, #tpu.memory_space<vmem>> -> memref<8192xf32, #tpu.memory_space<vmem>>
      %dma_start3A_343 = tpu.memref_slice %arg2[%add3A_199] : memref<11487840xf32, #tpu.memory_space<hbm>> -> memref<8192xf32, #tpu.memory_space<hbm>>
      tpu.enqueue_dma source(%dma_start3A_343 : memref<8192xf32, #tpu.memory_space<hbm>>) target(%dma_start3A_342 : memref<8192xf32, #tpu.memory_space<vmem>>) target_semaphore(%run_scoped3A : memref<!tpu.dma_semaphore, #tpu.memory_space<semaphore_mem>>)
      %dma_wait3A = arith.constant 0 : i32
      %dma_wait3A_344 = tpu.memref_slice %arg6[%dma_wait3A] : memref<8192xf32, #tpu.memory_space<vmem>> -> memref<8192xf32, #tpu.memory_space<vmem>>
      %dma_wait3A_345 = tpu.memref_slice %arg2[%add3A_199] : memref<11487840xf32, #tpu.memory_space<hbm>> -> memref<8192xf32, #tpu.memory_space<hbm>>
      %dma_wait3A_346 = arith.constant 0 : i32
      %dma_wait3A_347 = tpu.memref_slice %arg6[%dma_wait3A_346] : memref<8192xf32, #tpu.memory_space<vmem>> -> memref<8192xf32, #tpu.memory_space<vmem>>
      %dma_wait3A_348 = tpu.memref_slice %arg2[%add3A_199] : memref<11487840xf32, #tpu.memory_space<hbm>> -> memref<8192xf32, #tpu.memory_space<hbm>>
      tpu.wait_dma2 semaphore(%run_scoped3A : memref<!tpu.dma_semaphore, #tpu.memory_space<semaphore_mem>>) src(%dma_wait3A_348 : memref<8192xf32, #tpu.memory_space<hbm>>) dst(%dma_wait3A_347 : memref<8192xf32, #tpu.memory_space<vmem>>)
      tpu.yield
    }) : () -> ()
    %add3A_200 = arith.constant 4930144 : i32
    %add3A_201 = arith.addi %add3A_200, %mul3A_193 : i32
    "tpu.region"() ({
      %run_scoped3A = tpu.sem_alloc : memref<!tpu.dma_semaphore, #tpu.memory_space<semaphore_mem>>
      %dma_start3A = arith.constant 0 : i32
      %dma_start3A_339 = tpu.memref_slice %arg7[%dma_start3A] : memref<8192xf32, #tpu.memory_space<vmem>> -> memref<8192xf32, #tpu.memory_space<vmem>>
      %dma_start3A_340 = tpu.memref_slice %arg2[%add3A_201] : memref<11487840xf32, #tpu.memory_space<hbm>> -> memref<8192xf32, #tpu.memory_space<hbm>>
      %dma_start3A_341 = arith.constant 0 : i32
      %dma_start3A_342 = tpu.memref_slice %arg7[%dma_start3A_341] : memref<8192xf32, #tpu.memory_space<vmem>> -> memref<8192xf32, #tpu.memory_space<vmem>>
      %dma_start3A_343 = tpu.memref_slice %arg2[%add3A_201] : memref<11487840xf32, #tpu.memory_space<hbm>> -> memref<8192xf32, #tpu.memory_space<hbm>>
      tpu.enqueue_dma source(%dma_start3A_343 : memref<8192xf32, #tpu.memory_space<hbm>>) target(%dma_start3A_342 : memref<8192xf32, #tpu.memory_space<vmem>>) target_semaphore(%run_scoped3A : memref<!tpu.dma_semaphore, #tpu.memory_space<semaphore_mem>>)
      %dma_wait3A = arith.constant 0 : i32
      %dma_wait3A_344 = tpu.memref_slice %arg7[%dma_wait3A] : memref<8192xf32, #tpu.memory_space<vmem>> -> memref<8192xf32, #tpu.memory_space<vmem>>
      %dma_wait3A_345 = tpu.memref_slice %arg2[%add3A_201] : memref<11487840xf32, #tpu.memory_space<hbm>> -> memref<8192xf32, #tpu.memory_space<hbm>>
      %dma_wait3A_346 = arith.constant 0 : i32
      %dma_wait3A_347 = tpu.memref_slice %arg7[%dma_wait3A_346] : memref<8192xf32, #tpu.memory_space<vmem>> -> memref<8192xf32, #tpu.memory_space<vmem>>
      %dma_wait3A_348 = tpu.memref_slice %arg2[%add3A_201] : memref<11487840xf32, #tpu.memory_space<hbm>> -> memref<8192xf32, #tpu.memory_space<hbm>>
      tpu.wait_dma2 semaphore(%run_scoped3A : memref<!tpu.dma_semaphore, #tpu.memory_space<semaphore_mem>>) src(%dma_wait3A_348 : memref<8192xf32, #tpu.memory_space<hbm>>) dst(%dma_wait3A_347 : memref<8192xf32, #tpu.memory_space<vmem>>)
      tpu.yield
    }) : () -> ()
    %scan3A_202 = arith.constant 0 : i32
    %scan3A_203 = arith.constant 0 : i32
    %scan3A_204 = arith.constant 512 : i32
    %scan3A_205 = arith.addi %scan3A_203, %scan3A_204 : i32
    %scan3A_206 = arith.constant 1 : i32
    %scan3A_207 = scf.for %scan3A_339 = %scan3A_203 to %scan3A_205 step %scan3A_206 iter_args(%scan3A_340 = %scan3A_202) -> (i32)  : i32 {
      %mul3A_341 = arith.constant 16 : i32
      %mul3A_342 = arith.muli %scan3A_339, %mul3A_341 : i32
      %get3A = arith.index_cast %mul3A_342 : i32 to index
      %get3A_343 = tpu.vector_load %arg4[%get3A] {strides = array<i32>} : memref<8192xf32, #tpu.memory_space<vmem>>, vector<16xf32>,
      %mul3A_344 = arith.constant 128 : i32
      %mul3A_345 = arith.muli %scan3A_339, %mul3A_344 : i32
      %add3A_346 = arith.constant 0 : i32
      %add3A_347 = arith.addi %mul3A_345, %add3A_346 : i32
      %add3A_348 = vector.broadcast %add3A_347 : i32 to vector<16xi32>
      %add3A_349 = arith.addi %mul3A_3, %add3A_348 : vector<16xi32>
      tpu.vector_store_idx %arg8[%add3A_349], %get3A_343 : memref<65536xf32, #tpu.memory_space<vmem>>[vector<16xi32>], vector<16xf32>,
      %mul3A_350 = arith.constant 16 : i32
      %mul3A_351 = arith.muli %scan3A_339, %mul3A_350 : i32
      %get3A_352 = arith.index_cast %mul3A_351 : i32 to index
      %get3A_353 = tpu.vector_load %arg5[%get3A_352] {strides = array<i32>} : memref<8192xf32, #tpu.memory_space<vmem>>, vector<16xf32>,
      %mul3A_354 = arith.constant 128 : i32
      %mul3A_355 = arith.muli %scan3A_339, %mul3A_354 : i32
      %add3A_356 = arith.constant 1 : i32
      %add3A_357 = arith.addi %mul3A_355, %add3A_356 : i32
      %add3A_358 = vector.broadcast %add3A_357 : i32 to vector<16xi32>
      %add3A_359 = arith.addi %mul3A_3, %add3A_358 : vector<16xi32>
      tpu.vector_store_idx %arg8[%add3A_359], %get3A_353 : memref<65536xf32, #tpu.memory_space<vmem>>[vector<16xi32>], vector<16xf32>,
      %mul3A_360 = arith.constant 16 : i32
      %mul3A_361 = arith.muli %scan3A_339, %mul3A_360 : i32
      %get3A_362 = arith.index_cast %mul3A_361 : i32 to index
      %get3A_363 = tpu.vector_load %arg6[%get3A_362] {strides = array<i32>} : memref<8192xf32, #tpu.memory_space<vmem>>, vector<16xf32>,
      %mul3A_364 = arith.constant 128 : i32
      %mul3A_365 = arith.muli %scan3A_339, %mul3A_364 : i32
      %add3A_366 = arith.constant 2 : i32
      %add3A_367 = arith.addi %mul3A_365, %add3A_366 : i32
      %add3A_368 = vector.broadcast %add3A_367 : i32 to vector<16xi32>
      %add3A_369 = arith.addi %mul3A_3, %add3A_368 : vector<16xi32>
      tpu.vector_store_idx %arg8[%add3A_369], %get3A_363 : memref<65536xf32, #tpu.memory_space<vmem>>[vector<16xi32>], vector<16xf32>,
      %mul3A_370 = arith.constant 16 : i32
      %mul3A_371 = arith.muli %scan3A_339, %mul3A_370 : i32
      %get3A_372 = arith.index_cast %mul3A_371 : i32 to index
      %get3A_373 = tpu.vector_load %arg7[%get3A_372] {strides = array<i32>} : memref<8192xf32, #tpu.memory_space<vmem>>, vector<16xf32>,
      %mul3A_374 = arith.constant 128 : i32
      %mul3A_375 = arith.muli %scan3A_339, %mul3A_374 : i32
      %add3A_376 = arith.constant 3 : i32
      %add3A_377 = arith.addi %mul3A_375, %add3A_376 : i32
      %add3A_378 = vector.broadcast %add3A_377 : i32 to vector<16xi32>
      %add3A_379 = arith.addi %mul3A_3, %add3A_378 : vector<16xi32>
      tpu.vector_store_idx %arg8[%add3A_379], %get3A_373 : memref<65536xf32, #tpu.memory_space<vmem>>[vector<16xi32>], vector<16xf32>,
      %scan3A_380 = arith.constant 0 : i32
      scf.yield %scan3A_380 : i32
    }
    %scan3A_208 = arith.constant 512 : i32
    %add3A_209 = arith.constant 1036800 : i32
    %add3A_210 = arith.addi %add3A_209, %mul3A_193 : i32
    %mul3A_211 = arith.constant 8 : i32
    %mul3A_212 = arith.muli %add3A_210, %mul3A_211 : i32
    "tpu.region"() ({
      %run_scoped3A = tpu.sem_alloc : memref<!tpu.dma_semaphore, #tpu.memory_space<semaphore_mem>>
      %dma_start3A = arith.constant 0 : i32
      %dma_start3A_339 = tpu.memref_slice %arg8[%dma_start3A] : memref<65536xf32, #tpu.memory_space<vmem>> -> memref<65536xf32, #tpu.memory_space<vmem>>
      %dma_start3A_340 = tpu.memref_slice %arg3[%mul3A_212] : memref<22974464xf32, #tpu.memory_space<hbm>> -> memref<65536xf32, #tpu.memory_space<hbm>>
      %dma_start3A_341 = tpu.memref_slice %arg3[%mul3A_212] : memref<22974464xf32, #tpu.memory_space<hbm>> -> memref<65536xf32, #tpu.memory_space<hbm>>
      %dma_start3A_342 = arith.constant 0 : i32
      %dma_start3A_343 = tpu.memref_slice %arg8[%dma_start3A_342] : memref<65536xf32, #tpu.memory_space<vmem>> -> memref<65536xf32, #tpu.memory_space<vmem>>
      tpu.enqueue_dma source(%dma_start3A_343 : memref<65536xf32, #tpu.memory_space<vmem>>) target(%dma_start3A_341 : memref<65536xf32, #tpu.memory_space<hbm>>) target_semaphore(%run_scoped3A : memref<!tpu.dma_semaphore, #tpu.memory_space<semaphore_mem>>)
      %dma_wait3A = arith.constant 0 : i32
      %dma_wait3A_344 = tpu.memref_slice %arg8[%dma_wait3A] : memref<65536xf32, #tpu.memory_space<vmem>> -> memref<65536xf32, #tpu.memory_space<vmem>>
      %dma_wait3A_345 = tpu.memref_slice %arg3[%mul3A_212] : memref<22974464xf32, #tpu.memory_space<hbm>> -> memref<65536xf32, #tpu.memory_space<hbm>>
      %dma_wait3A_346 = tpu.memref_slice %arg3[%mul3A_212] : memref<22974464xf32, #tpu.memory_space<hbm>> -> memref<65536xf32, #tpu.memory_space<hbm>>
      %dma_wait3A_347 = arith.constant 0 : i32
      %dma_wait3A_348 = tpu.memref_slice %arg8[%dma_wait3A_347] : memref<65536xf32, #tpu.memory_space<vmem>> -> memref<65536xf32, #tpu.memory_space<vmem>>
      tpu.wait_dma2 semaphore(%run_scoped3A : memref<!tpu.dma_semaphore, #tpu.memory_space<semaphore_mem>>) src(%dma_wait3A_348 : memref<65536xf32, #tpu.memory_space<vmem>>) dst(%dma_wait3A_346 : memref<65536xf32, #tpu.memory_space<hbm>>)
      tpu.yield
    }) : () -> ()
    %mul3A_213 = arith.constant 8192 : i32
    %mul3A_214 = arith.muli %add3A, %mul3A_213 : i32
    %add3A_215 = arith.constant 5192288 : i32
    %add3A_216 = arith.addi %add3A_215, %mul3A_214 : i32
    "tpu.region"() ({
      %run_scoped3A = tpu.sem_alloc : memref<!tpu.dma_semaphore, #tpu.memory_space<semaphore_mem>>
      %dma_start3A = arith.constant 0 : i32
      %dma_start3A_339 = tpu.memref_slice %arg4[%dma_start3A] : memref<8192xf32, #tpu.memory_space<vmem>> -> memref<8192xf32, #tpu.memory_space<vmem>>
      %dma_start3A_340 = tpu.memref_slice %arg2[%add3A_216] : memref<11487840xf32, #tpu.memory_space<hbm>> -> memref<8192xf32, #tpu.memory_space<hbm>>
      %dma_start3A_341 = arith.constant 0 : i32
      %dma_start3A_342 = tpu.memref_slice %arg4[%dma_start3A_341] : memref<8192xf32, #tpu.memory_space<vmem>> -> memref<8192xf32, #tpu.memory_space<vmem>>
      %dma_start3A_343 = tpu.memref_slice %arg2[%add3A_216] : memref<11487840xf32, #tpu.memory_space<hbm>> -> memref<8192xf32, #tpu.memory_space<hbm>>
      tpu.enqueue_dma source(%dma_start3A_343 : memref<8192xf32, #tpu.memory_space<hbm>>) target(%dma_start3A_342 : memref<8192xf32, #tpu.memory_space<vmem>>) target_semaphore(%run_scoped3A : memref<!tpu.dma_semaphore, #tpu.memory_space<semaphore_mem>>)
      %dma_wait3A = arith.constant 0 : i32
      %dma_wait3A_344 = tpu.memref_slice %arg4[%dma_wait3A] : memref<8192xf32, #tpu.memory_space<vmem>> -> memref<8192xf32, #tpu.memory_space<vmem>>
      %dma_wait3A_345 = tpu.memref_slice %arg2[%add3A_216] : memref<11487840xf32, #tpu.memory_space<hbm>> -> memref<8192xf32, #tpu.memory_space<hbm>>
      %dma_wait3A_346 = arith.constant 0 : i32
      %dma_wait3A_347 = tpu.memref_slice %arg4[%dma_wait3A_346] : memref<8192xf32, #tpu.memory_space<vmem>> -> memref<8192xf32, #tpu.memory_space<vmem>>
      %dma_wait3A_348 = tpu.memref_slice %arg2[%add3A_216] : memref<11487840xf32, #tpu.memory_space<hbm>> -> memref<8192xf32, #tpu.memory_space<hbm>>
      tpu.wait_dma2 semaphore(%run_scoped3A : memref<!tpu.dma_semaphore, #tpu.memory_space<semaphore_mem>>) src(%dma_wait3A_348 : memref<8192xf32, #tpu.memory_space<hbm>>) dst(%dma_wait3A_347 : memref<8192xf32, #tpu.memory_space<vmem>>)
      tpu.yield
    }) : () -> ()
    %add3A_217 = arith.constant 5454432 : i32
    %add3A_218 = arith.addi %add3A_217, %mul3A_214 : i32
    "tpu.region"() ({
      %run_scoped3A = tpu.sem_alloc : memref<!tpu.dma_semaphore, #tpu.memory_space<semaphore_mem>>
      %dma_start3A = arith.constant 0 : i32
      %dma_start3A_339 = tpu.memref_slice %arg5[%dma_start3A] : memref<8192xf32, #tpu.memory_space<vmem>> -> memref<8192xf32, #tpu.memory_space<vmem>>
      %dma_start3A_340 = tpu.memref_slice %arg2[%add3A_218] : memref<11487840xf32, #tpu.memory_space<hbm>> -> memref<8192xf32, #tpu.memory_space<hbm>>
      %dma_start3A_341 = arith.constant 0 : i32
      %dma_start3A_342 = tpu.memref_slice %arg5[%dma_start3A_341] : memref<8192xf32, #tpu.memory_space<vmem>> -> memref<8192xf32, #tpu.memory_space<vmem>>
      %dma_start3A_343 = tpu.memref_slice %arg2[%add3A_218] : memref<11487840xf32, #tpu.memory_space<hbm>> -> memref<8192xf32, #tpu.memory_space<hbm>>
      tpu.enqueue_dma source(%dma_start3A_343 : memref<8192xf32, #tpu.memory_space<hbm>>) target(%dma_start3A_342 : memref<8192xf32, #tpu.memory_space<vmem>>) target_semaphore(%run_scoped3A : memref<!tpu.dma_semaphore, #tpu.memory_space<semaphore_mem>>)
      %dma_wait3A = arith.constant 0 : i32
      %dma_wait3A_344 = tpu.memref_slice %arg5[%dma_wait3A] : memref<8192xf32, #tpu.memory_space<vmem>> -> memref<8192xf32, #tpu.memory_space<vmem>>
      %dma_wait3A_345 = tpu.memref_slice %arg2[%add3A_218] : memref<11487840xf32, #tpu.memory_space<hbm>> -> memref<8192xf32, #tpu.memory_space<hbm>>
      %dma_wait3A_346 = arith.constant 0 : i32
      %dma_wait3A_347 = tpu.memref_slice %arg5[%dma_wait3A_346] : memref<8192xf32, #tpu.memory_space<vmem>> -> memref<8192xf32, #tpu.memory_space<vmem>>
      %dma_wait3A_348 = tpu.memref_slice %arg2[%add3A_218] : memref<11487840xf32, #tpu.memory_space<hbm>> -> memref<8192xf32, #tpu.memory_space<hbm>>
      tpu.wait_dma2 semaphore(%run_scoped3A : memref<!tpu.dma_semaphore, #tpu.memory_space<semaphore_mem>>) src(%dma_wait3A_348 : memref<8192xf32, #tpu.memory_space<hbm>>) dst(%dma_wait3A_347 : memref<8192xf32, #tpu.memory_space<vmem>>)
      tpu.yield
    }) : () -> ()
    %add3A_219 = arith.constant 5716576 : i32
    %add3A_220 = arith.addi %add3A_219, %mul3A_214 : i32
    "tpu.region"() ({
      %run_scoped3A = tpu.sem_alloc : memref<!tpu.dma_semaphore, #tpu.memory_space<semaphore_mem>>
      %dma_start3A = arith.constant 0 : i32
      %dma_start3A_339 = tpu.memref_slice %arg6[%dma_start3A] : memref<8192xf32, #tpu.memory_space<vmem>> -> memref<8192xf32, #tpu.memory_space<vmem>>
      %dma_start3A_340 = tpu.memref_slice %arg2[%add3A_220] : memref<11487840xf32, #tpu.memory_space<hbm>> -> memref<8192xf32, #tpu.memory_space<hbm>>
      %dma_start3A_341 = arith.constant 0 : i32
      %dma_start3A_342 = tpu.memref_slice %arg6[%dma_start3A_341] : memref<8192xf32, #tpu.memory_space<vmem>> -> memref<8192xf32, #tpu.memory_space<vmem>>
      %dma_start3A_343 = tpu.memref_slice %arg2[%add3A_220] : memref<11487840xf32, #tpu.memory_space<hbm>> -> memref<8192xf32, #tpu.memory_space<hbm>>
      tpu.enqueue_dma source(%dma_start3A_343 : memref<8192xf32, #tpu.memory_space<hbm>>) target(%dma_start3A_342 : memref<8192xf32, #tpu.memory_space<vmem>>) target_semaphore(%run_scoped3A : memref<!tpu.dma_semaphore, #tpu.memory_space<semaphore_mem>>)
      %dma_wait3A = arith.constant 0 : i32
      %dma_wait3A_344 = tpu.memref_slice %arg6[%dma_wait3A] : memref<8192xf32, #tpu.memory_space<vmem>> -> memref<8192xf32, #tpu.memory_space<vmem>>
      %dma_wait3A_345 = tpu.memref_slice %arg2[%add3A_220] : memref<11487840xf32, #tpu.memory_space<hbm>> -> memref<8192xf32, #tpu.memory_space<hbm>>
      %dma_wait3A_346 = arith.constant 0 : i32
      %dma_wait3A_347 = tpu.memref_slice %arg6[%dma_wait3A_346] : memref<8192xf32, #tpu.memory_space<vmem>> -> memref<8192xf32, #tpu.memory_space<vmem>>
      %dma_wait3A_348 = tpu.memref_slice %arg2[%add3A_220] : memref<11487840xf32, #tpu.memory_space<hbm>> -> memref<8192xf32, #tpu.memory_space<hbm>>
      tpu.wait_dma2 semaphore(%run_scoped3A : memref<!tpu.dma_semaphore, #tpu.memory_space<semaphore_mem>>) src(%dma_wait3A_348 : memref<8192xf32, #tpu.memory_space<hbm>>) dst(%dma_wait3A_347 : memref<8192xf32, #tpu.memory_space<vmem>>)
      tpu.yield
    }) : () -> ()
    %add3A_221 = arith.constant 5978720 : i32
    %add3A_222 = arith.addi %add3A_221, %mul3A_214 : i32
    "tpu.region"() ({
      %run_scoped3A = tpu.sem_alloc : memref<!tpu.dma_semaphore, #tpu.memory_space<semaphore_mem>>
      %dma_start3A = arith.constant 0 : i32
      %dma_start3A_339 = tpu.memref_slice %arg7[%dma_start3A] : memref<8192xf32, #tpu.memory_space<vmem>> -> memref<8192xf32, #tpu.memory_space<vmem>>
      %dma_start3A_340 = tpu.memref_slice %arg2[%add3A_222] : memref<11487840xf32, #tpu.memory_space<hbm>> -> memref<8192xf32, #tpu.memory_space<hbm>>
      %dma_start3A_341 = arith.constant 0 : i32
      %dma_start3A_342 = tpu.memref_slice %arg7[%dma_start3A_341] : memref<8192xf32, #tpu.memory_space<vmem>> -> memref<8192xf32, #tpu.memory_space<vmem>>
      %dma_start3A_343 = tpu.memref_slice %arg2[%add3A_222] : memref<11487840xf32, #tpu.memory_space<hbm>> -> memref<8192xf32, #tpu.memory_space<hbm>>
      tpu.enqueue_dma source(%dma_start3A_343 : memref<8192xf32, #tpu.memory_space<hbm>>) target(%dma_start3A_342 : memref<8192xf32, #tpu.memory_space<vmem>>) target_semaphore(%run_scoped3A : memref<!tpu.dma_semaphore, #tpu.memory_space<semaphore_mem>>)
      %dma_wait3A = arith.constant 0 : i32
      %dma_wait3A_344 = tpu.memref_slice %arg7[%dma_wait3A] : memref<8192xf32, #tpu.memory_space<vmem>> -> memref<8192xf32, #tpu.memory_space<vmem>>
      %dma_wait3A_345 = tpu.memref_slice %arg2[%add3A_222] : memref<11487840xf32, #tpu.memory_space<hbm>> -> memref<8192xf32, #tpu.memory_space<hbm>>
      %dma_wait3A_346 = arith.constant 0 : i32
      %dma_wait3A_347 = tpu.memref_slice %arg7[%dma_wait3A_346] : memref<8192xf32, #tpu.memory_space<vmem>> -> memref<8192xf32, #tpu.memory_space<vmem>>
      %dma_wait3A_348 = tpu.memref_slice %arg2[%add3A_222] : memref<11487840xf32, #tpu.memory_space<hbm>> -> memref<8192xf32, #tpu.memory_space<hbm>>
      tpu.wait_dma2 semaphore(%run_scoped3A : memref<!tpu.dma_semaphore, #tpu.memory_space<semaphore_mem>>) src(%dma_wait3A_348 : memref<8192xf32, #tpu.memory_space<hbm>>) dst(%dma_wait3A_347 : memref<8192xf32, #tpu.memory_space<vmem>>)
      tpu.yield
    }) : () -> ()
    %scan3A_223 = arith.constant 0 : i32
    %scan3A_224 = arith.constant 0 : i32
    %scan3A_225 = arith.constant 512 : i32
    %scan3A_226 = arith.addi %scan3A_224, %scan3A_225 : i32
    %scan3A_227 = arith.constant 1 : i32
    %scan3A_228 = scf.for %scan3A_339 = %scan3A_224 to %scan3A_226 step %scan3A_227 iter_args(%scan3A_340 = %scan3A_223) -> (i32)  : i32 {
      %mul3A_341 = arith.constant 16 : i32
      %mul3A_342 = arith.muli %scan3A_339, %mul3A_341 : i32
      %get3A = arith.index_cast %mul3A_342 : i32 to index
      %get3A_343 = tpu.vector_load %arg4[%get3A] {strides = array<i32>} : memref<8192xf32, #tpu.memory_space<vmem>>, vector<16xf32>,
      %mul3A_344 = arith.constant 128 : i32
      %mul3A_345 = arith.muli %scan3A_339, %mul3A_344 : i32
      %add3A_346 = arith.constant 0 : i32
      %add3A_347 = arith.addi %mul3A_345, %add3A_346 : i32
      %add3A_348 = vector.broadcast %add3A_347 : i32 to vector<16xi32>
      %add3A_349 = arith.addi %mul3A_3, %add3A_348 : vector<16xi32>
      tpu.vector_store_idx %arg8[%add3A_349], %get3A_343 : memref<65536xf32, #tpu.memory_space<vmem>>[vector<16xi32>], vector<16xf32>,
      %mul3A_350 = arith.constant 16 : i32
      %mul3A_351 = arith.muli %scan3A_339, %mul3A_350 : i32
      %get3A_352 = arith.index_cast %mul3A_351 : i32 to index
      %get3A_353 = tpu.vector_load %arg5[%get3A_352] {strides = array<i32>} : memref<8192xf32, #tpu.memory_space<vmem>>, vector<16xf32>,
      %mul3A_354 = arith.constant 128 : i32
      %mul3A_355 = arith.muli %scan3A_339, %mul3A_354 : i32
      %add3A_356 = arith.constant 1 : i32
      %add3A_357 = arith.addi %mul3A_355, %add3A_356 : i32
      %add3A_358 = vector.broadcast %add3A_357 : i32 to vector<16xi32>
      %add3A_359 = arith.addi %mul3A_3, %add3A_358 : vector<16xi32>
      tpu.vector_store_idx %arg8[%add3A_359], %get3A_353 : memref<65536xf32, #tpu.memory_space<vmem>>[vector<16xi32>], vector<16xf32>,
      %mul3A_360 = arith.constant 16 : i32
      %mul3A_361 = arith.muli %scan3A_339, %mul3A_360 : i32
      %get3A_362 = arith.index_cast %mul3A_361 : i32 to index
      %get3A_363 = tpu.vector_load %arg6[%get3A_362] {strides = array<i32>} : memref<8192xf32, #tpu.memory_space<vmem>>, vector<16xf32>,
      %mul3A_364 = arith.constant 128 : i32
      %mul3A_365 = arith.muli %scan3A_339, %mul3A_364 : i32
      %add3A_366 = arith.constant 2 : i32
      %add3A_367 = arith.addi %mul3A_365, %add3A_366 : i32
      %add3A_368 = vector.broadcast %add3A_367 : i32 to vector<16xi32>
      %add3A_369 = arith.addi %mul3A_3, %add3A_368 : vector<16xi32>
      tpu.vector_store_idx %arg8[%add3A_369], %get3A_363 : memref<65536xf32, #tpu.memory_space<vmem>>[vector<16xi32>], vector<16xf32>,
      %mul3A_370 = arith.constant 16 : i32
      %mul3A_371 = arith.muli %scan3A_339, %mul3A_370 : i32
      %get3A_372 = arith.index_cast %mul3A_371 : i32 to index
      %get3A_373 = tpu.vector_load %arg7[%get3A_372] {strides = array<i32>} : memref<8192xf32, #tpu.memory_space<vmem>>, vector<16xf32>,
      %mul3A_374 = arith.constant 128 : i32
      %mul3A_375 = arith.muli %scan3A_339, %mul3A_374 : i32
      %add3A_376 = arith.constant 3 : i32
      %add3A_377 = arith.addi %mul3A_375, %add3A_376 : i32
      %add3A_378 = vector.broadcast %add3A_377 : i32 to vector<16xi32>
      %add3A_379 = arith.addi %mul3A_3, %add3A_378 : vector<16xi32>
      tpu.vector_store_idx %arg8[%add3A_379], %get3A_373 : memref<65536xf32, #tpu.memory_space<vmem>>[vector<16xi32>], vector<16xf32>,
      %scan3A_380 = arith.constant 0 : i32
      scf.yield %scan3A_380 : i32
    }
    %scan3A_229 = arith.constant 512 : i32
    %add3A_230 = arith.constant 1298944 : i32
    %add3A_231 = arith.addi %add3A_230, %mul3A_214 : i32
    %mul3A_232 = arith.constant 8 : i32
    %mul3A_233 = arith.muli %add3A_231, %mul3A_232 : i32
    "tpu.region"() ({
      %run_scoped3A = tpu.sem_alloc : memref<!tpu.dma_semaphore, #tpu.memory_space<semaphore_mem>>
      %dma_start3A = arith.constant 0 : i32
      %dma_start3A_339 = tpu.memref_slice %arg8[%dma_start3A] : memref<65536xf32, #tpu.memory_space<vmem>> -> memref<65536xf32, #tpu.memory_space<vmem>>
      %dma_start3A_340 = tpu.memref_slice %arg3[%mul3A_233] : memref<22974464xf32, #tpu.memory_space<hbm>> -> memref<65536xf32, #tpu.memory_space<hbm>>
      %dma_start3A_341 = tpu.memref_slice %arg3[%mul3A_233] : memref<22974464xf32, #tpu.memory_space<hbm>> -> memref<65536xf32, #tpu.memory_space<hbm>>
      %dma_start3A_342 = arith.constant 0 : i32
      %dma_start3A_343 = tpu.memref_slice %arg8[%dma_start3A_342] : memref<65536xf32, #tpu.memory_space<vmem>> -> memref<65536xf32, #tpu.memory_space<vmem>>
      tpu.enqueue_dma source(%dma_start3A_343 : memref<65536xf32, #tpu.memory_space<vmem>>) target(%dma_start3A_341 : memref<65536xf32, #tpu.memory_space<hbm>>) target_semaphore(%run_scoped3A : memref<!tpu.dma_semaphore, #tpu.memory_space<semaphore_mem>>)
      %dma_wait3A = arith.constant 0 : i32
      %dma_wait3A_344 = tpu.memref_slice %arg8[%dma_wait3A] : memref<65536xf32, #tpu.memory_space<vmem>> -> memref<65536xf32, #tpu.memory_space<vmem>>
      %dma_wait3A_345 = tpu.memref_slice %arg3[%mul3A_233] : memref<22974464xf32, #tpu.memory_space<hbm>> -> memref<65536xf32, #tpu.memory_space<hbm>>
      %dma_wait3A_346 = tpu.memref_slice %arg3[%mul3A_233] : memref<22974464xf32, #tpu.memory_space<hbm>> -> memref<65536xf32, #tpu.memory_space<hbm>>
      %dma_wait3A_347 = arith.constant 0 : i32
      %dma_wait3A_348 = tpu.memref_slice %arg8[%dma_wait3A_347] : memref<65536xf32, #tpu.memory_space<vmem>> -> memref<65536xf32, #tpu.memory_space<vmem>>
      tpu.wait_dma2 semaphore(%run_scoped3A : memref<!tpu.dma_semaphore, #tpu.memory_space<semaphore_mem>>) src(%dma_wait3A_348 : memref<65536xf32, #tpu.memory_space<vmem>>) dst(%dma_wait3A_346 : memref<65536xf32, #tpu.memory_space<hbm>>)
      tpu.yield
    }) : () -> ()
    %mul3A_234 = arith.constant 8192 : i32
    %mul3A_235 = arith.muli %add3A, %mul3A_234 : i32
    %add3A_236 = arith.constant 6240864 : i32
    %add3A_237 = arith.addi %add3A_236, %mul3A_235 : i32
    "tpu.region"() ({
      %run_scoped3A = tpu.sem_alloc : memref<!tpu.dma_semaphore, #tpu.memory_space<semaphore_mem>>
      %dma_start3A = arith.constant 0 : i32
      %dma_start3A_339 = tpu.memref_slice %arg4[%dma_start3A] : memref<8192xf32, #tpu.memory_space<vmem>> -> memref<8192xf32, #tpu.memory_space<vmem>>
      %dma_start3A_340 = tpu.memref_slice %arg2[%add3A_237] : memref<11487840xf32, #tpu.memory_space<hbm>> -> memref<8192xf32, #tpu.memory_space<hbm>>
      %dma_start3A_341 = arith.constant 0 : i32
      %dma_start3A_342 = tpu.memref_slice %arg4[%dma_start3A_341] : memref<8192xf32, #tpu.memory_space<vmem>> -> memref<8192xf32, #tpu.memory_space<vmem>>
      %dma_start3A_343 = tpu.memref_slice %arg2[%add3A_237] : memref<11487840xf32, #tpu.memory_space<hbm>> -> memref<8192xf32, #tpu.memory_space<hbm>>
      tpu.enqueue_dma source(%dma_start3A_343 : memref<8192xf32, #tpu.memory_space<hbm>>) target(%dma_start3A_342 : memref<8192xf32, #tpu.memory_space<vmem>>) target_semaphore(%run_scoped3A : memref<!tpu.dma_semaphore, #tpu.memory_space<semaphore_mem>>)
      %dma_wait3A = arith.constant 0 : i32
      %dma_wait3A_344 = tpu.memref_slice %arg4[%dma_wait3A] : memref<8192xf32, #tpu.memory_space<vmem>> -> memref<8192xf32, #tpu.memory_space<vmem>>
      %dma_wait3A_345 = tpu.memref_slice %arg2[%add3A_237] : memref<11487840xf32, #tpu.memory_space<hbm>> -> memref<8192xf32, #tpu.memory_space<hbm>>
      %dma_wait3A_346 = arith.constant 0 : i32
      %dma_wait3A_347 = tpu.memref_slice %arg4[%dma_wait3A_346] : memref<8192xf32, #tpu.memory_space<vmem>> -> memref<8192xf32, #tpu.memory_space<vmem>>
      %dma_wait3A_348 = tpu.memref_slice %arg2[%add3A_237] : memref<11487840xf32, #tpu.memory_space<hbm>> -> memref<8192xf32, #tpu.memory_space<hbm>>
      tpu.wait_dma2 semaphore(%run_scoped3A : memref<!tpu.dma_semaphore, #tpu.memory_space<semaphore_mem>>) src(%dma_wait3A_348 : memref<8192xf32, #tpu.memory_space<hbm>>) dst(%dma_wait3A_347 : memref<8192xf32, #tpu.memory_space<vmem>>)
      tpu.yield
    }) : () -> ()
    %add3A_238 = arith.constant 6503008 : i32
    %add3A_239 = arith.addi %add3A_238, %mul3A_235 : i32
    "tpu.region"() ({
      %run_scoped3A = tpu.sem_alloc : memref<!tpu.dma_semaphore, #tpu.memory_space<semaphore_mem>>
      %dma_start3A = arith.constant 0 : i32
      %dma_start3A_339 = tpu.memref_slice %arg5[%dma_start3A] : memref<8192xf32, #tpu.memory_space<vmem>> -> memref<8192xf32, #tpu.memory_space<vmem>>
      %dma_start3A_340 = tpu.memref_slice %arg2[%add3A_239] : memref<11487840xf32, #tpu.memory_space<hbm>> -> memref<8192xf32, #tpu.memory_space<hbm>>
      %dma_start3A_341 = arith.constant 0 : i32
      %dma_start3A_342 = tpu.memref_slice %arg5[%dma_start3A_341] : memref<8192xf32, #tpu.memory_space<vmem>> -> memref<8192xf32, #tpu.memory_space<vmem>>
      %dma_start3A_343 = tpu.memref_slice %arg2[%add3A_239] : memref<11487840xf32, #tpu.memory_space<hbm>> -> memref<8192xf32, #tpu.memory_space<hbm>>
      tpu.enqueue_dma source(%dma_start3A_343 : memref<8192xf32, #tpu.memory_space<hbm>>) target(%dma_start3A_342 : memref<8192xf32, #tpu.memory_space<vmem>>) target_semaphore(%run_scoped3A : memref<!tpu.dma_semaphore, #tpu.memory_space<semaphore_mem>>)
      %dma_wait3A = arith.constant 0 : i32
      %dma_wait3A_344 = tpu.memref_slice %arg5[%dma_wait3A] : memref<8192xf32, #tpu.memory_space<vmem>> -> memref<8192xf32, #tpu.memory_space<vmem>>
      %dma_wait3A_345 = tpu.memref_slice %arg2[%add3A_239] : memref<11487840xf32, #tpu.memory_space<hbm>> -> memref<8192xf32, #tpu.memory_space<hbm>>
      %dma_wait3A_346 = arith.constant 0 : i32
      %dma_wait3A_347 = tpu.memref_slice %arg5[%dma_wait3A_346] : memref<8192xf32, #tpu.memory_space<vmem>> -> memref<8192xf32, #tpu.memory_space<vmem>>
      %dma_wait3A_348 = tpu.memref_slice %arg2[%add3A_239] : memref<11487840xf32, #tpu.memory_space<hbm>> -> memref<8192xf32, #tpu.memory_space<hbm>>
      tpu.wait_dma2 semaphore(%run_scoped3A : memref<!tpu.dma_semaphore, #tpu.memory_space<semaphore_mem>>) src(%dma_wait3A_348 : memref<8192xf32, #tpu.memory_space<hbm>>) dst(%dma_wait3A_347 : memref<8192xf32, #tpu.memory_space<vmem>>)
      tpu.yield
    }) : () -> ()
    %add3A_240 = arith.constant 6765152 : i32
    %add3A_241 = arith.addi %add3A_240, %mul3A_235 : i32
    "tpu.region"() ({
      %run_scoped3A = tpu.sem_alloc : memref<!tpu.dma_semaphore, #tpu.memory_space<semaphore_mem>>
      %dma_start3A = arith.constant 0 : i32
      %dma_start3A_339 = tpu.memref_slice %arg6[%dma_start3A] : memref<8192xf32, #tpu.memory_space<vmem>> -> memref<8192xf32, #tpu.memory_space<vmem>>
      %dma_start3A_340 = tpu.memref_slice %arg2[%add3A_241] : memref<11487840xf32, #tpu.memory_space<hbm>> -> memref<8192xf32, #tpu.memory_space<hbm>>
      %dma_start3A_341 = arith.constant 0 : i32
      %dma_start3A_342 = tpu.memref_slice %arg6[%dma_start3A_341] : memref<8192xf32, #tpu.memory_space<vmem>> -> memref<8192xf32, #tpu.memory_space<vmem>>
      %dma_start3A_343 = tpu.memref_slice %arg2[%add3A_241] : memref<11487840xf32, #tpu.memory_space<hbm>> -> memref<8192xf32, #tpu.memory_space<hbm>>
      tpu.enqueue_dma source(%dma_start3A_343 : memref<8192xf32, #tpu.memory_space<hbm>>) target(%dma_start3A_342 : memref<8192xf32, #tpu.memory_space<vmem>>) target_semaphore(%run_scoped3A : memref<!tpu.dma_semaphore, #tpu.memory_space<semaphore_mem>>)
      %dma_wait3A = arith.constant 0 : i32
      %dma_wait3A_344 = tpu.memref_slice %arg6[%dma_wait3A] : memref<8192xf32, #tpu.memory_space<vmem>> -> memref<8192xf32, #tpu.memory_space<vmem>>
      %dma_wait3A_345 = tpu.memref_slice %arg2[%add3A_241] : memref<11487840xf32, #tpu.memory_space<hbm>> -> memref<8192xf32, #tpu.memory_space<hbm>>
      %dma_wait3A_346 = arith.constant 0 : i32
      %dma_wait3A_347 = tpu.memref_slice %arg6[%dma_wait3A_346] : memref<8192xf32, #tpu.memory_space<vmem>> -> memref<8192xf32, #tpu.memory_space<vmem>>
      %dma_wait3A_348 = tpu.memref_slice %arg2[%add3A_241] : memref<11487840xf32, #tpu.memory_space<hbm>> -> memref<8192xf32, #tpu.memory_space<hbm>>
      tpu.wait_dma2 semaphore(%run_scoped3A : memref<!tpu.dma_semaphore, #tpu.memory_space<semaphore_mem>>) src(%dma_wait3A_348 : memref<8192xf32, #tpu.memory_space<hbm>>) dst(%dma_wait3A_347 : memref<8192xf32, #tpu.memory_space<vmem>>)
      tpu.yield
    }) : () -> ()
    %add3A_242 = arith.constant 7027296 : i32
    %add3A_243 = arith.addi %add3A_242, %mul3A_235 : i32
    "tpu.region"() ({
      %run_scoped3A = tpu.sem_alloc : memref<!tpu.dma_semaphore, #tpu.memory_space<semaphore_mem>>
      %dma_start3A = arith.constant 0 : i32
      %dma_start3A_339 = tpu.memref_slice %arg7[%dma_start3A] : memref<8192xf32, #tpu.memory_space<vmem>> -> memref<8192xf32, #tpu.memory_space<vmem>>
      %dma_start3A_340 = tpu.memref_slice %arg2[%add3A_243] : memref<11487840xf32, #tpu.memory_space<hbm>> -> memref<8192xf32, #tpu.memory_space<hbm>>
      %dma_start3A_341 = arith.constant 0 : i32
      %dma_start3A_342 = tpu.memref_slice %arg7[%dma_start3A_341] : memref<8192xf32, #tpu.memory_space<vmem>> -> memref<8192xf32, #tpu.memory_space<vmem>>
      %dma_start3A_343 = tpu.memref_slice %arg2[%add3A_243] : memref<11487840xf32, #tpu.memory_space<hbm>> -> memref<8192xf32, #tpu.memory_space<hbm>>
      tpu.enqueue_dma source(%dma_start3A_343 : memref<8192xf32, #tpu.memory_space<hbm>>) target(%dma_start3A_342 : memref<8192xf32, #tpu.memory_space<vmem>>) target_semaphore(%run_scoped3A : memref<!tpu.dma_semaphore, #tpu.memory_space<semaphore_mem>>)
      %dma_wait3A = arith.constant 0 : i32
      %dma_wait3A_344 = tpu.memref_slice %arg7[%dma_wait3A] : memref<8192xf32, #tpu.memory_space<vmem>> -> memref<8192xf32, #tpu.memory_space<vmem>>
      %dma_wait3A_345 = tpu.memref_slice %arg2[%add3A_243] : memref<11487840xf32, #tpu.memory_space<hbm>> -> memref<8192xf32, #tpu.memory_space<hbm>>
      %dma_wait3A_346 = arith.constant 0 : i32
      %dma_wait3A_347 = tpu.memref_slice %arg7[%dma_wait3A_346] : memref<8192xf32, #tpu.memory_space<vmem>> -> memref<8192xf32, #tpu.memory_space<vmem>>
      %dma_wait3A_348 = tpu.memref_slice %arg2[%add3A_243] : memref<11487840xf32, #tpu.memory_space<hbm>> -> memref<8192xf32, #tpu.memory_space<hbm>>
      tpu.wait_dma2 semaphore(%run_scoped3A : memref<!tpu.dma_semaphore, #tpu.memory_space<semaphore_mem>>) src(%dma_wait3A_348 : memref<8192xf32, #tpu.memory_space<hbm>>) dst(%dma_wait3A_347 : memref<8192xf32, #tpu.memory_space<vmem>>)
      tpu.yield
    }) : () -> ()
    %scan3A_244 = arith.constant 0 : i32
    %scan3A_245 = arith.constant 0 : i32
    %scan3A_246 = arith.constant 512 : i32
    %scan3A_247 = arith.addi %scan3A_245, %scan3A_246 : i32
    %scan3A_248 = arith.constant 1 : i32
    %scan3A_249 = scf.for %scan3A_339 = %scan3A_245 to %scan3A_247 step %scan3A_248 iter_args(%scan3A_340 = %scan3A_244) -> (i32)  : i32 {
      %mul3A_341 = arith.constant 16 : i32
      %mul3A_342 = arith.muli %scan3A_339, %mul3A_341 : i32
      %get3A = arith.index_cast %mul3A_342 : i32 to index
      %get3A_343 = tpu.vector_load %arg4[%get3A] {strides = array<i32>} : memref<8192xf32, #tpu.memory_space<vmem>>, vector<16xf32>,
      %mul3A_344 = arith.constant 128 : i32
      %mul3A_345 = arith.muli %scan3A_339, %mul3A_344 : i32
      %add3A_346 = arith.constant 0 : i32
      %add3A_347 = arith.addi %mul3A_345, %add3A_346 : i32
      %add3A_348 = vector.broadcast %add3A_347 : i32 to vector<16xi32>
      %add3A_349 = arith.addi %mul3A_3, %add3A_348 : vector<16xi32>
      tpu.vector_store_idx %arg8[%add3A_349], %get3A_343 : memref<65536xf32, #tpu.memory_space<vmem>>[vector<16xi32>], vector<16xf32>,
      %mul3A_350 = arith.constant 16 : i32
      %mul3A_351 = arith.muli %scan3A_339, %mul3A_350 : i32
      %get3A_352 = arith.index_cast %mul3A_351 : i32 to index
      %get3A_353 = tpu.vector_load %arg5[%get3A_352] {strides = array<i32>} : memref<8192xf32, #tpu.memory_space<vmem>>, vector<16xf32>,
      %mul3A_354 = arith.constant 128 : i32
      %mul3A_355 = arith.muli %scan3A_339, %mul3A_354 : i32
      %add3A_356 = arith.constant 1 : i32
      %add3A_357 = arith.addi %mul3A_355, %add3A_356 : i32
      %add3A_358 = vector.broadcast %add3A_357 : i32 to vector<16xi32>
      %add3A_359 = arith.addi %mul3A_3, %add3A_358 : vector<16xi32>
      tpu.vector_store_idx %arg8[%add3A_359], %get3A_353 : memref<65536xf32, #tpu.memory_space<vmem>>[vector<16xi32>], vector<16xf32>,
      %mul3A_360 = arith.constant 16 : i32
      %mul3A_361 = arith.muli %scan3A_339, %mul3A_360 : i32
      %get3A_362 = arith.index_cast %mul3A_361 : i32 to index
      %get3A_363 = tpu.vector_load %arg6[%get3A_362] {strides = array<i32>} : memref<8192xf32, #tpu.memory_space<vmem>>, vector<16xf32>,
      %mul3A_364 = arith.constant 128 : i32
      %mul3A_365 = arith.muli %scan3A_339, %mul3A_364 : i32
      %add3A_366 = arith.constant 2 : i32
      %add3A_367 = arith.addi %mul3A_365, %add3A_366 : i32
      %add3A_368 = vector.broadcast %add3A_367 : i32 to vector<16xi32>
      %add3A_369 = arith.addi %mul3A_3, %add3A_368 : vector<16xi32>
      tpu.vector_store_idx %arg8[%add3A_369], %get3A_363 : memref<65536xf32, #tpu.memory_space<vmem>>[vector<16xi32>], vector<16xf32>,
      %mul3A_370 = arith.constant 16 : i32
      %mul3A_371 = arith.muli %scan3A_339, %mul3A_370 : i32
      %get3A_372 = arith.index_cast %mul3A_371 : i32 to index
      %get3A_373 = tpu.vector_load %arg7[%get3A_372] {strides = array<i32>} : memref<8192xf32, #tpu.memory_space<vmem>>, vector<16xf32>,
      %mul3A_374 = arith.constant 128 : i32
      %mul3A_375 = arith.muli %scan3A_339, %mul3A_374 : i32
      %add3A_376 = arith.constant 3 : i32
      %add3A_377 = arith.addi %mul3A_375, %add3A_376 : i32
      %add3A_378 = vector.broadcast %add3A_377 : i32 to vector<16xi32>
      %add3A_379 = arith.addi %mul3A_3, %add3A_378 : vector<16xi32>
      tpu.vector_store_idx %arg8[%add3A_379], %get3A_373 : memref<65536xf32, #tpu.memory_space<vmem>>[vector<16xi32>], vector<16xf32>,
      %scan3A_380 = arith.constant 0 : i32
      scf.yield %scan3A_380 : i32
    }
    %scan3A_250 = arith.constant 512 : i32
    %add3A_251 = arith.constant 1561088 : i32
    %add3A_252 = arith.addi %add3A_251, %mul3A_235 : i32
    %mul3A_253 = arith.constant 8 : i32
    %mul3A_254 = arith.muli %add3A_252, %mul3A_253 : i32
    "tpu.region"() ({
      %run_scoped3A = tpu.sem_alloc : memref<!tpu.dma_semaphore, #tpu.memory_space<semaphore_mem>>
      %dma_start3A = arith.constant 0 : i32
      %dma_start3A_339 = tpu.memref_slice %arg8[%dma_start3A] : memref<65536xf32, #tpu.memory_space<vmem>> -> memref<65536xf32, #tpu.memory_space<vmem>>
      %dma_start3A_340 = tpu.memref_slice %arg3[%mul3A_254] : memref<22974464xf32, #tpu.memory_space<hbm>> -> memref<65536xf32, #tpu.memory_space<hbm>>
      %dma_start3A_341 = tpu.memref_slice %arg3[%mul3A_254] : memref<22974464xf32, #tpu.memory_space<hbm>> -> memref<65536xf32, #tpu.memory_space<hbm>>
      %dma_start3A_342 = arith.constant 0 : i32
      %dma_start3A_343 = tpu.memref_slice %arg8[%dma_start3A_342] : memref<65536xf32, #tpu.memory_space<vmem>> -> memref<65536xf32, #tpu.memory_space<vmem>>
      tpu.enqueue_dma source(%dma_start3A_343 : memref<65536xf32, #tpu.memory_space<vmem>>) target(%dma_start3A_341 : memref<65536xf32, #tpu.memory_space<hbm>>) target_semaphore(%run_scoped3A : memref<!tpu.dma_semaphore, #tpu.memory_space<semaphore_mem>>)
      %dma_wait3A = arith.constant 0 : i32
      %dma_wait3A_344 = tpu.memref_slice %arg8[%dma_wait3A] : memref<65536xf32, #tpu.memory_space<vmem>> -> memref<65536xf32, #tpu.memory_space<vmem>>
      %dma_wait3A_345 = tpu.memref_slice %arg3[%mul3A_254] : memref<22974464xf32, #tpu.memory_space<hbm>> -> memref<65536xf32, #tpu.memory_space<hbm>>
      %dma_wait3A_346 = tpu.memref_slice %arg3[%mul3A_254] : memref<22974464xf32, #tpu.memory_space<hbm>> -> memref<65536xf32, #tpu.memory_space<hbm>>
      %dma_wait3A_347 = arith.constant 0 : i32
      %dma_wait3A_348 = tpu.memref_slice %arg8[%dma_wait3A_347] : memref<65536xf32, #tpu.memory_space<vmem>> -> memref<65536xf32, #tpu.memory_space<vmem>>
      tpu.wait_dma2 semaphore(%run_scoped3A : memref<!tpu.dma_semaphore, #tpu.memory_space<semaphore_mem>>) src(%dma_wait3A_348 : memref<65536xf32, #tpu.memory_space<vmem>>) dst(%dma_wait3A_346 : memref<65536xf32, #tpu.memory_space<hbm>>)
      tpu.yield
    }) : () -> ()
    %mul3A_255 = arith.constant 8192 : i32
    %mul3A_256 = arith.muli %add3A, %mul3A_255 : i32
    %add3A_257 = arith.constant 7289440 : i32
    %add3A_258 = arith.addi %add3A_257, %mul3A_256 : i32
    "tpu.region"() ({
      %run_scoped3A = tpu.sem_alloc : memref<!tpu.dma_semaphore, #tpu.memory_space<semaphore_mem>>
      %dma_start3A = arith.constant 0 : i32
      %dma_start3A_339 = tpu.memref_slice %arg4[%dma_start3A] : memref<8192xf32, #tpu.memory_space<vmem>> -> memref<8192xf32, #tpu.memory_space<vmem>>
      %dma_start3A_340 = tpu.memref_slice %arg2[%add3A_258] : memref<11487840xf32, #tpu.memory_space<hbm>> -> memref<8192xf32, #tpu.memory_space<hbm>>
      %dma_start3A_341 = arith.constant 0 : i32
      %dma_start3A_342 = tpu.memref_slice %arg4[%dma_start3A_341] : memref<8192xf32, #tpu.memory_space<vmem>> -> memref<8192xf32, #tpu.memory_space<vmem>>
      %dma_start3A_343 = tpu.memref_slice %arg2[%add3A_258] : memref<11487840xf32, #tpu.memory_space<hbm>> -> memref<8192xf32, #tpu.memory_space<hbm>>
      tpu.enqueue_dma source(%dma_start3A_343 : memref<8192xf32, #tpu.memory_space<hbm>>) target(%dma_start3A_342 : memref<8192xf32, #tpu.memory_space<vmem>>) target_semaphore(%run_scoped3A : memref<!tpu.dma_semaphore, #tpu.memory_space<semaphore_mem>>)
      %dma_wait3A = arith.constant 0 : i32
      %dma_wait3A_344 = tpu.memref_slice %arg4[%dma_wait3A] : memref<8192xf32, #tpu.memory_space<vmem>> -> memref<8192xf32, #tpu.memory_space<vmem>>
      %dma_wait3A_345 = tpu.memref_slice %arg2[%add3A_258] : memref<11487840xf32, #tpu.memory_space<hbm>> -> memref<8192xf32, #tpu.memory_space<hbm>>
      %dma_wait3A_346 = arith.constant 0 : i32
      %dma_wait3A_347 = tpu.memref_slice %arg4[%dma_wait3A_346] : memref<8192xf32, #tpu.memory_space<vmem>> -> memref<8192xf32, #tpu.memory_space<vmem>>
      %dma_wait3A_348 = tpu.memref_slice %arg2[%add3A_258] : memref<11487840xf32, #tpu.memory_space<hbm>> -> memref<8192xf32, #tpu.memory_space<hbm>>
      tpu.wait_dma2 semaphore(%run_scoped3A : memref<!tpu.dma_semaphore, #tpu.memory_space<semaphore_mem>>) src(%dma_wait3A_348 : memref<8192xf32, #tpu.memory_space<hbm>>) dst(%dma_wait3A_347 : memref<8192xf32, #tpu.memory_space<vmem>>)
      tpu.yield
    }) : () -> ()
    %add3A_259 = arith.constant 7551584 : i32
    %add3A_260 = arith.addi %add3A_259, %mul3A_256 : i32
    "tpu.region"() ({
      %run_scoped3A = tpu.sem_alloc : memref<!tpu.dma_semaphore, #tpu.memory_space<semaphore_mem>>
      %dma_start3A = arith.constant 0 : i32
      %dma_start3A_339 = tpu.memref_slice %arg5[%dma_start3A] : memref<8192xf32, #tpu.memory_space<vmem>> -> memref<8192xf32, #tpu.memory_space<vmem>>
      %dma_start3A_340 = tpu.memref_slice %arg2[%add3A_260] : memref<11487840xf32, #tpu.memory_space<hbm>> -> memref<8192xf32, #tpu.memory_space<hbm>>
      %dma_start3A_341 = arith.constant 0 : i32
      %dma_start3A_342 = tpu.memref_slice %arg5[%dma_start3A_341] : memref<8192xf32, #tpu.memory_space<vmem>> -> memref<8192xf32, #tpu.memory_space<vmem>>
      %dma_start3A_343 = tpu.memref_slice %arg2[%add3A_260] : memref<11487840xf32, #tpu.memory_space<hbm>> -> memref<8192xf32, #tpu.memory_space<hbm>>
      tpu.enqueue_dma source(%dma_start3A_343 : memref<8192xf32, #tpu.memory_space<hbm>>) target(%dma_start3A_342 : memref<8192xf32, #tpu.memory_space<vmem>>) target_semaphore(%run_scoped3A : memref<!tpu.dma_semaphore, #tpu.memory_space<semaphore_mem>>)
      %dma_wait3A = arith.constant 0 : i32
      %dma_wait3A_344 = tpu.memref_slice %arg5[%dma_wait3A] : memref<8192xf32, #tpu.memory_space<vmem>> -> memref<8192xf32, #tpu.memory_space<vmem>>
      %dma_wait3A_345 = tpu.memref_slice %arg2[%add3A_260] : memref<11487840xf32, #tpu.memory_space<hbm>> -> memref<8192xf32, #tpu.memory_space<hbm>>
      %dma_wait3A_346 = arith.constant 0 : i32
      %dma_wait3A_347 = tpu.memref_slice %arg5[%dma_wait3A_346] : memref<8192xf32, #tpu.memory_space<vmem>> -> memref<8192xf32, #tpu.memory_space<vmem>>
      %dma_wait3A_348 = tpu.memref_slice %arg2[%add3A_260] : memref<11487840xf32, #tpu.memory_space<hbm>> -> memref<8192xf32, #tpu.memory_space<hbm>>
      tpu.wait_dma2 semaphore(%run_scoped3A : memref<!tpu.dma_semaphore, #tpu.memory_space<semaphore_mem>>) src(%dma_wait3A_348 : memref<8192xf32, #tpu.memory_space<hbm>>) dst(%dma_wait3A_347 : memref<8192xf32, #tpu.memory_space<vmem>>)
      tpu.yield
    }) : () -> ()
    %add3A_261 = arith.constant 7813728 : i32
    %add3A_262 = arith.addi %add3A_261, %mul3A_256 : i32
    "tpu.region"() ({
      %run_scoped3A = tpu.sem_alloc : memref<!tpu.dma_semaphore, #tpu.memory_space<semaphore_mem>>
      %dma_start3A = arith.constant 0 : i32
      %dma_start3A_339 = tpu.memref_slice %arg6[%dma_start3A] : memref<8192xf32, #tpu.memory_space<vmem>> -> memref<8192xf32, #tpu.memory_space<vmem>>
      %dma_start3A_340 = tpu.memref_slice %arg2[%add3A_262] : memref<11487840xf32, #tpu.memory_space<hbm>> -> memref<8192xf32, #tpu.memory_space<hbm>>
      %dma_start3A_341 = arith.constant 0 : i32
      %dma_start3A_342 = tpu.memref_slice %arg6[%dma_start3A_341] : memref<8192xf32, #tpu.memory_space<vmem>> -> memref<8192xf32, #tpu.memory_space<vmem>>
      %dma_start3A_343 = tpu.memref_slice %arg2[%add3A_262] : memref<11487840xf32, #tpu.memory_space<hbm>> -> memref<8192xf32, #tpu.memory_space<hbm>>
      tpu.enqueue_dma source(%dma_start3A_343 : memref<8192xf32, #tpu.memory_space<hbm>>) target(%dma_start3A_342 : memref<8192xf32, #tpu.memory_space<vmem>>) target_semaphore(%run_scoped3A : memref<!tpu.dma_semaphore, #tpu.memory_space<semaphore_mem>>)
      %dma_wait3A = arith.constant 0 : i32
      %dma_wait3A_344 = tpu.memref_slice %arg6[%dma_wait3A] : memref<8192xf32, #tpu.memory_space<vmem>> -> memref<8192xf32, #tpu.memory_space<vmem>>
      %dma_wait3A_345 = tpu.memref_slice %arg2[%add3A_262] : memref<11487840xf32, #tpu.memory_space<hbm>> -> memref<8192xf32, #tpu.memory_space<hbm>>
      %dma_wait3A_346 = arith.constant 0 : i32
      %dma_wait3A_347 = tpu.memref_slice %arg6[%dma_wait3A_346] : memref<8192xf32, #tpu.memory_space<vmem>> -> memref<8192xf32, #tpu.memory_space<vmem>>
      %dma_wait3A_348 = tpu.memref_slice %arg2[%add3A_262] : memref<11487840xf32, #tpu.memory_space<hbm>> -> memref<8192xf32, #tpu.memory_space<hbm>>
      tpu.wait_dma2 semaphore(%run_scoped3A : memref<!tpu.dma_semaphore, #tpu.memory_space<semaphore_mem>>) src(%dma_wait3A_348 : memref<8192xf32, #tpu.memory_space<hbm>>) dst(%dma_wait3A_347 : memref<8192xf32, #tpu.memory_space<vmem>>)
      tpu.yield
    }) : () -> ()
    %add3A_263 = arith.constant 8075872 : i32
    %add3A_264 = arith.addi %add3A_263, %mul3A_256 : i32
    "tpu.region"() ({
      %run_scoped3A = tpu.sem_alloc : memref<!tpu.dma_semaphore, #tpu.memory_space<semaphore_mem>>
      %dma_start3A = arith.constant 0 : i32
      %dma_start3A_339 = tpu.memref_slice %arg7[%dma_start3A] : memref<8192xf32, #tpu.memory_space<vmem>> -> memref<8192xf32, #tpu.memory_space<vmem>>
      %dma_start3A_340 = tpu.memref_slice %arg2[%add3A_264] : memref<11487840xf32, #tpu.memory_space<hbm>> -> memref<8192xf32, #tpu.memory_space<hbm>>
      %dma_start3A_341 = arith.constant 0 : i32
      %dma_start3A_342 = tpu.memref_slice %arg7[%dma_start3A_341] : memref<8192xf32, #tpu.memory_space<vmem>> -> memref<8192xf32, #tpu.memory_space<vmem>>
      %dma_start3A_343 = tpu.memref_slice %arg2[%add3A_264] : memref<11487840xf32, #tpu.memory_space<hbm>> -> memref<8192xf32, #tpu.memory_space<hbm>>
      tpu.enqueue_dma source(%dma_start3A_343 : memref<8192xf32, #tpu.memory_space<hbm>>) target(%dma_start3A_342 : memref<8192xf32, #tpu.memory_space<vmem>>) target_semaphore(%run_scoped3A : memref<!tpu.dma_semaphore, #tpu.memory_space<semaphore_mem>>)
      %dma_wait3A = arith.constant 0 : i32
      %dma_wait3A_344 = tpu.memref_slice %arg7[%dma_wait3A] : memref<8192xf32, #tpu.memory_space<vmem>> -> memref<8192xf32, #tpu.memory_space<vmem>>
      %dma_wait3A_345 = tpu.memref_slice %arg2[%add3A_264] : memref<11487840xf32, #tpu.memory_space<hbm>> -> memref<8192xf32, #tpu.memory_space<hbm>>
      %dma_wait3A_346 = arith.constant 0 : i32
      %dma_wait3A_347 = tpu.memref_slice %arg7[%dma_wait3A_346] : memref<8192xf32, #tpu.memory_space<vmem>> -> memref<8192xf32, #tpu.memory_space<vmem>>
      %dma_wait3A_348 = tpu.memref_slice %arg2[%add3A_264] : memref<11487840xf32, #tpu.memory_space<hbm>> -> memref<8192xf32, #tpu.memory_space<hbm>>
      tpu.wait_dma2 semaphore(%run_scoped3A : memref<!tpu.dma_semaphore, #tpu.memory_space<semaphore_mem>>) src(%dma_wait3A_348 : memref<8192xf32, #tpu.memory_space<hbm>>) dst(%dma_wait3A_347 : memref<8192xf32, #tpu.memory_space<vmem>>)
      tpu.yield
    }) : () -> ()
    %scan3A_265 = arith.constant 0 : i32
    %scan3A_266 = arith.constant 0 : i32
    %scan3A_267 = arith.constant 512 : i32
    %scan3A_268 = arith.addi %scan3A_266, %scan3A_267 : i32
    %scan3A_269 = arith.constant 1 : i32
    %scan3A_270 = scf.for %scan3A_339 = %scan3A_266 to %scan3A_268 step %scan3A_269 iter_args(%scan3A_340 = %scan3A_265) -> (i32)  : i32 {
      %mul3A_341 = arith.constant 16 : i32
      %mul3A_342 = arith.muli %scan3A_339, %mul3A_341 : i32
      %get3A = arith.index_cast %mul3A_342 : i32 to index
      %get3A_343 = tpu.vector_load %arg4[%get3A] {strides = array<i32>} : memref<8192xf32, #tpu.memory_space<vmem>>, vector<16xf32>,
      %mul3A_344 = arith.constant 128 : i32
      %mul3A_345 = arith.muli %scan3A_339, %mul3A_344 : i32
      %add3A_346 = arith.constant 0 : i32
      %add3A_347 = arith.addi %mul3A_345, %add3A_346 : i32
      %add3A_348 = vector.broadcast %add3A_347 : i32 to vector<16xi32>
      %add3A_349 = arith.addi %mul3A_3, %add3A_348 : vector<16xi32>
      tpu.vector_store_idx %arg8[%add3A_349], %get3A_343 : memref<65536xf32, #tpu.memory_space<vmem>>[vector<16xi32>], vector<16xf32>,
      %mul3A_350 = arith.constant 16 : i32
      %mul3A_351 = arith.muli %scan3A_339, %mul3A_350 : i32
      %get3A_352 = arith.index_cast %mul3A_351 : i32 to index
      %get3A_353 = tpu.vector_load %arg5[%get3A_352] {strides = array<i32>} : memref<8192xf32, #tpu.memory_space<vmem>>, vector<16xf32>,
      %mul3A_354 = arith.constant 128 : i32
      %mul3A_355 = arith.muli %scan3A_339, %mul3A_354 : i32
      %add3A_356 = arith.constant 1 : i32
      %add3A_357 = arith.addi %mul3A_355, %add3A_356 : i32
      %add3A_358 = vector.broadcast %add3A_357 : i32 to vector<16xi32>
      %add3A_359 = arith.addi %mul3A_3, %add3A_358 : vector<16xi32>
      tpu.vector_store_idx %arg8[%add3A_359], %get3A_353 : memref<65536xf32, #tpu.memory_space<vmem>>[vector<16xi32>], vector<16xf32>,
      %mul3A_360 = arith.constant 16 : i32
      %mul3A_361 = arith.muli %scan3A_339, %mul3A_360 : i32
      %get3A_362 = arith.index_cast %mul3A_361 : i32 to index
      %get3A_363 = tpu.vector_load %arg6[%get3A_362] {strides = array<i32>} : memref<8192xf32, #tpu.memory_space<vmem>>, vector<16xf32>,
      %mul3A_364 = arith.constant 128 : i32
      %mul3A_365 = arith.muli %scan3A_339, %mul3A_364 : i32
      %add3A_366 = arith.constant 2 : i32
      %add3A_367 = arith.addi %mul3A_365, %add3A_366 : i32
      %add3A_368 = vector.broadcast %add3A_367 : i32 to vector<16xi32>
      %add3A_369 = arith.addi %mul3A_3, %add3A_368 : vector<16xi32>
      tpu.vector_store_idx %arg8[%add3A_369], %get3A_363 : memref<65536xf32, #tpu.memory_space<vmem>>[vector<16xi32>], vector<16xf32>,
      %mul3A_370 = arith.constant 16 : i32
      %mul3A_371 = arith.muli %scan3A_339, %mul3A_370 : i32
      %get3A_372 = arith.index_cast %mul3A_371 : i32 to index
      %get3A_373 = tpu.vector_load %arg7[%get3A_372] {strides = array<i32>} : memref<8192xf32, #tpu.memory_space<vmem>>, vector<16xf32>,
      %mul3A_374 = arith.constant 128 : i32
      %mul3A_375 = arith.muli %scan3A_339, %mul3A_374 : i32
      %add3A_376 = arith.constant 3 : i32
      %add3A_377 = arith.addi %mul3A_375, %add3A_376 : i32
      %add3A_378 = vector.broadcast %add3A_377 : i32 to vector<16xi32>
      %add3A_379 = arith.addi %mul3A_3, %add3A_378 : vector<16xi32>
      tpu.vector_store_idx %arg8[%add3A_379], %get3A_373 : memref<65536xf32, #tpu.memory_space<vmem>>[vector<16xi32>], vector<16xf32>,
      %scan3A_380 = arith.constant 0 : i32
      scf.yield %scan3A_380 : i32
    }
    %scan3A_271 = arith.constant 512 : i32
    %add3A_272 = arith.constant 1823232 : i32
    %add3A_273 = arith.addi %add3A_272, %mul3A_256 : i32
    %mul3A_274 = arith.constant 8 : i32
    %mul3A_275 = arith.muli %add3A_273, %mul3A_274 : i32
    "tpu.region"() ({
      %run_scoped3A = tpu.sem_alloc : memref<!tpu.dma_semaphore, #tpu.memory_space<semaphore_mem>>
      %dma_start3A = arith.constant 0 : i32
      %dma_start3A_339 = tpu.memref_slice %arg8[%dma_start3A] : memref<65536xf32, #tpu.memory_space<vmem>> -> memref<65536xf32, #tpu.memory_space<vmem>>
      %dma_start3A_340 = tpu.memref_slice %arg3[%mul3A_275] : memref<22974464xf32, #tpu.memory_space<hbm>> -> memref<65536xf32, #tpu.memory_space<hbm>>
      %dma_start3A_341 = tpu.memref_slice %arg3[%mul3A_275] : memref<22974464xf32, #tpu.memory_space<hbm>> -> memref<65536xf32, #tpu.memory_space<hbm>>
      %dma_start3A_342 = arith.constant 0 : i32
      %dma_start3A_343 = tpu.memref_slice %arg8[%dma_start3A_342] : memref<65536xf32, #tpu.memory_space<vmem>> -> memref<65536xf32, #tpu.memory_space<vmem>>
      tpu.enqueue_dma source(%dma_start3A_343 : memref<65536xf32, #tpu.memory_space<vmem>>) target(%dma_start3A_341 : memref<65536xf32, #tpu.memory_space<hbm>>) target_semaphore(%run_scoped3A : memref<!tpu.dma_semaphore, #tpu.memory_space<semaphore_mem>>)
      %dma_wait3A = arith.constant 0 : i32
      %dma_wait3A_344 = tpu.memref_slice %arg8[%dma_wait3A] : memref<65536xf32, #tpu.memory_space<vmem>> -> memref<65536xf32, #tpu.memory_space<vmem>>
      %dma_wait3A_345 = tpu.memref_slice %arg3[%mul3A_275] : memref<22974464xf32, #tpu.memory_space<hbm>> -> memref<65536xf32, #tpu.memory_space<hbm>>
      %dma_wait3A_346 = tpu.memref_slice %arg3[%mul3A_275] : memref<22974464xf32, #tpu.memory_space<hbm>> -> memref<65536xf32, #tpu.memory_space<hbm>>
      %dma_wait3A_347 = arith.constant 0 : i32
      %dma_wait3A_348 = tpu.memref_slice %arg8[%dma_wait3A_347] : memref<65536xf32, #tpu.memory_space<vmem>> -> memref<65536xf32, #tpu.memory_space<vmem>>
      tpu.wait_dma2 semaphore(%run_scoped3A : memref<!tpu.dma_semaphore, #tpu.memory_space<semaphore_mem>>) src(%dma_wait3A_348 : memref<65536xf32, #tpu.memory_space<vmem>>) dst(%dma_wait3A_346 : memref<65536xf32, #tpu.memory_space<hbm>>)
      tpu.yield
    }) : () -> ()
    %mul3A_276 = arith.constant 8192 : i32
    %mul3A_277 = arith.muli %add3A, %mul3A_276 : i32
    %add3A_278 = arith.constant 8338016 : i32
    %add3A_279 = arith.addi %add3A_278, %mul3A_277 : i32
    "tpu.region"() ({
      %run_scoped3A = tpu.sem_alloc : memref<!tpu.dma_semaphore, #tpu.memory_space<semaphore_mem>>
      %dma_start3A = arith.constant 0 : i32
      %dma_start3A_339 = tpu.memref_slice %arg4[%dma_start3A] : memref<8192xf32, #tpu.memory_space<vmem>> -> memref<8192xf32, #tpu.memory_space<vmem>>
      %dma_start3A_340 = tpu.memref_slice %arg2[%add3A_279] : memref<11487840xf32, #tpu.memory_space<hbm>> -> memref<8192xf32, #tpu.memory_space<hbm>>
      %dma_start3A_341 = arith.constant 0 : i32
      %dma_start3A_342 = tpu.memref_slice %arg4[%dma_start3A_341] : memref<8192xf32, #tpu.memory_space<vmem>> -> memref<8192xf32, #tpu.memory_space<vmem>>
      %dma_start3A_343 = tpu.memref_slice %arg2[%add3A_279] : memref<11487840xf32, #tpu.memory_space<hbm>> -> memref<8192xf32, #tpu.memory_space<hbm>>
      tpu.enqueue_dma source(%dma_start3A_343 : memref<8192xf32, #tpu.memory_space<hbm>>) target(%dma_start3A_342 : memref<8192xf32, #tpu.memory_space<vmem>>) target_semaphore(%run_scoped3A : memref<!tpu.dma_semaphore, #tpu.memory_space<semaphore_mem>>)
      %dma_wait3A = arith.constant 0 : i32
      %dma_wait3A_344 = tpu.memref_slice %arg4[%dma_wait3A] : memref<8192xf32, #tpu.memory_space<vmem>> -> memref<8192xf32, #tpu.memory_space<vmem>>
      %dma_wait3A_345 = tpu.memref_slice %arg2[%add3A_279] : memref<11487840xf32, #tpu.memory_space<hbm>> -> memref<8192xf32, #tpu.memory_space<hbm>>
      %dma_wait3A_346 = arith.constant 0 : i32
      %dma_wait3A_347 = tpu.memref_slice %arg4[%dma_wait3A_346] : memref<8192xf32, #tpu.memory_space<vmem>> -> memref<8192xf32, #tpu.memory_space<vmem>>
      %dma_wait3A_348 = tpu.memref_slice %arg2[%add3A_279] : memref<11487840xf32, #tpu.memory_space<hbm>> -> memref<8192xf32, #tpu.memory_space<hbm>>
      tpu.wait_dma2 semaphore(%run_scoped3A : memref<!tpu.dma_semaphore, #tpu.memory_space<semaphore_mem>>) src(%dma_wait3A_348 : memref<8192xf32, #tpu.memory_space<hbm>>) dst(%dma_wait3A_347 : memref<8192xf32, #tpu.memory_space<vmem>>)
      tpu.yield
    }) : () -> ()
    %add3A_280 = arith.constant 8600160 : i32
    %add3A_281 = arith.addi %add3A_280, %mul3A_277 : i32
    "tpu.region"() ({
      %run_scoped3A = tpu.sem_alloc : memref<!tpu.dma_semaphore, #tpu.memory_space<semaphore_mem>>
      %dma_start3A = arith.constant 0 : i32
      %dma_start3A_339 = tpu.memref_slice %arg5[%dma_start3A] : memref<8192xf32, #tpu.memory_space<vmem>> -> memref<8192xf32, #tpu.memory_space<vmem>>
      %dma_start3A_340 = tpu.memref_slice %arg2[%add3A_281] : memref<11487840xf32, #tpu.memory_space<hbm>> -> memref<8192xf32, #tpu.memory_space<hbm>>
      %dma_start3A_341 = arith.constant 0 : i32
      %dma_start3A_342 = tpu.memref_slice %arg5[%dma_start3A_341] : memref<8192xf32, #tpu.memory_space<vmem>> -> memref<8192xf32, #tpu.memory_space<vmem>>
      %dma_start3A_343 = tpu.memref_slice %arg2[%add3A_281] : memref<11487840xf32, #tpu.memory_space<hbm>> -> memref<8192xf32, #tpu.memory_space<hbm>>
      tpu.enqueue_dma source(%dma_start3A_343 : memref<8192xf32, #tpu.memory_space<hbm>>) target(%dma_start3A_342 : memref<8192xf32, #tpu.memory_space<vmem>>) target_semaphore(%run_scoped3A : memref<!tpu.dma_semaphore, #tpu.memory_space<semaphore_mem>>)
      %dma_wait3A = arith.constant 0 : i32
      %dma_wait3A_344 = tpu.memref_slice %arg5[%dma_wait3A] : memref<8192xf32, #tpu.memory_space<vmem>> -> memref<8192xf32, #tpu.memory_space<vmem>>
      %dma_wait3A_345 = tpu.memref_slice %arg2[%add3A_281] : memref<11487840xf32, #tpu.memory_space<hbm>> -> memref<8192xf32, #tpu.memory_space<hbm>>
      %dma_wait3A_346 = arith.constant 0 : i32
      %dma_wait3A_347 = tpu.memref_slice %arg5[%dma_wait3A_346] : memref<8192xf32, #tpu.memory_space<vmem>> -> memref<8192xf32, #tpu.memory_space<vmem>>
      %dma_wait3A_348 = tpu.memref_slice %arg2[%add3A_281] : memref<11487840xf32, #tpu.memory_space<hbm>> -> memref<8192xf32, #tpu.memory_space<hbm>>
      tpu.wait_dma2 semaphore(%run_scoped3A : memref<!tpu.dma_semaphore, #tpu.memory_space<semaphore_mem>>) src(%dma_wait3A_348 : memref<8192xf32, #tpu.memory_space<hbm>>) dst(%dma_wait3A_347 : memref<8192xf32, #tpu.memory_space<vmem>>)
      tpu.yield
    }) : () -> ()
    %add3A_282 = arith.constant 8862304 : i32
    %add3A_283 = arith.addi %add3A_282, %mul3A_277 : i32
    "tpu.region"() ({
      %run_scoped3A = tpu.sem_alloc : memref<!tpu.dma_semaphore, #tpu.memory_space<semaphore_mem>>
      %dma_start3A = arith.constant 0 : i32
      %dma_start3A_339 = tpu.memref_slice %arg6[%dma_start3A] : memref<8192xf32, #tpu.memory_space<vmem>> -> memref<8192xf32, #tpu.memory_space<vmem>>
      %dma_start3A_340 = tpu.memref_slice %arg2[%add3A_283] : memref<11487840xf32, #tpu.memory_space<hbm>> -> memref<8192xf32, #tpu.memory_space<hbm>>
      %dma_start3A_341 = arith.constant 0 : i32
      %dma_start3A_342 = tpu.memref_slice %arg6[%dma_start3A_341] : memref<8192xf32, #tpu.memory_space<vmem>> -> memref<8192xf32, #tpu.memory_space<vmem>>
      %dma_start3A_343 = tpu.memref_slice %arg2[%add3A_283] : memref<11487840xf32, #tpu.memory_space<hbm>> -> memref<8192xf32, #tpu.memory_space<hbm>>
      tpu.enqueue_dma source(%dma_start3A_343 : memref<8192xf32, #tpu.memory_space<hbm>>) target(%dma_start3A_342 : memref<8192xf32, #tpu.memory_space<vmem>>) target_semaphore(%run_scoped3A : memref<!tpu.dma_semaphore, #tpu.memory_space<semaphore_mem>>)
      %dma_wait3A = arith.constant 0 : i32
      %dma_wait3A_344 = tpu.memref_slice %arg6[%dma_wait3A] : memref<8192xf32, #tpu.memory_space<vmem>> -> memref<8192xf32, #tpu.memory_space<vmem>>
      %dma_wait3A_345 = tpu.memref_slice %arg2[%add3A_283] : memref<11487840xf32, #tpu.memory_space<hbm>> -> memref<8192xf32, #tpu.memory_space<hbm>>
      %dma_wait3A_346 = arith.constant 0 : i32
      %dma_wait3A_347 = tpu.memref_slice %arg6[%dma_wait3A_346] : memref<8192xf32, #tpu.memory_space<vmem>> -> memref<8192xf32, #tpu.memory_space<vmem>>
      %dma_wait3A_348 = tpu.memref_slice %arg2[%add3A_283] : memref<11487840xf32, #tpu.memory_space<hbm>> -> memref<8192xf32, #tpu.memory_space<hbm>>
      tpu.wait_dma2 semaphore(%run_scoped3A : memref<!tpu.dma_semaphore, #tpu.memory_space<semaphore_mem>>) src(%dma_wait3A_348 : memref<8192xf32, #tpu.memory_space<hbm>>) dst(%dma_wait3A_347 : memref<8192xf32, #tpu.memory_space<vmem>>)
      tpu.yield
    }) : () -> ()
    %add3A_284 = arith.constant 9124448 : i32
    %add3A_285 = arith.addi %add3A_284, %mul3A_277 : i32
    "tpu.region"() ({
      %run_scoped3A = tpu.sem_alloc : memref<!tpu.dma_semaphore, #tpu.memory_space<semaphore_mem>>
      %dma_start3A = arith.constant 0 : i32
      %dma_start3A_339 = tpu.memref_slice %arg7[%dma_start3A] : memref<8192xf32, #tpu.memory_space<vmem>> -> memref<8192xf32, #tpu.memory_space<vmem>>
      %dma_start3A_340 = tpu.memref_slice %arg2[%add3A_285] : memref<11487840xf32, #tpu.memory_space<hbm>> -> memref<8192xf32, #tpu.memory_space<hbm>>
      %dma_start3A_341 = arith.constant 0 : i32
      %dma_start3A_342 = tpu.memref_slice %arg7[%dma_start3A_341] : memref<8192xf32, #tpu.memory_space<vmem>> -> memref<8192xf32, #tpu.memory_space<vmem>>
      %dma_start3A_343 = tpu.memref_slice %arg2[%add3A_285] : memref<11487840xf32, #tpu.memory_space<hbm>> -> memref<8192xf32, #tpu.memory_space<hbm>>
      tpu.enqueue_dma source(%dma_start3A_343 : memref<8192xf32, #tpu.memory_space<hbm>>) target(%dma_start3A_342 : memref<8192xf32, #tpu.memory_space<vmem>>) target_semaphore(%run_scoped3A : memref<!tpu.dma_semaphore, #tpu.memory_space<semaphore_mem>>)
      %dma_wait3A = arith.constant 0 : i32
      %dma_wait3A_344 = tpu.memref_slice %arg7[%dma_wait3A] : memref<8192xf32, #tpu.memory_space<vmem>> -> memref<8192xf32, #tpu.memory_space<vmem>>
      %dma_wait3A_345 = tpu.memref_slice %arg2[%add3A_285] : memref<11487840xf32, #tpu.memory_space<hbm>> -> memref<8192xf32, #tpu.memory_space<hbm>>
      %dma_wait3A_346 = arith.constant 0 : i32
      %dma_wait3A_347 = tpu.memref_slice %arg7[%dma_wait3A_346] : memref<8192xf32, #tpu.memory_space<vmem>> -> memref<8192xf32, #tpu.memory_space<vmem>>
      %dma_wait3A_348 = tpu.memref_slice %arg2[%add3A_285] : memref<11487840xf32, #tpu.memory_space<hbm>> -> memref<8192xf32, #tpu.memory_space<hbm>>
      tpu.wait_dma2 semaphore(%run_scoped3A : memref<!tpu.dma_semaphore, #tpu.memory_space<semaphore_mem>>) src(%dma_wait3A_348 : memref<8192xf32, #tpu.memory_space<hbm>>) dst(%dma_wait3A_347 : memref<8192xf32, #tpu.memory_space<vmem>>)
      tpu.yield
    }) : () -> ()
    %scan3A_286 = arith.constant 0 : i32
    %scan3A_287 = arith.constant 0 : i32
    %scan3A_288 = arith.constant 512 : i32
    %scan3A_289 = arith.addi %scan3A_287, %scan3A_288 : i32
    %scan3A_290 = arith.constant 1 : i32
    %scan3A_291 = scf.for %scan3A_339 = %scan3A_287 to %scan3A_289 step %scan3A_290 iter_args(%scan3A_340 = %scan3A_286) -> (i32)  : i32 {
      %mul3A_341 = arith.constant 16 : i32
      %mul3A_342 = arith.muli %scan3A_339, %mul3A_341 : i32
      %get3A = arith.index_cast %mul3A_342 : i32 to index
      %get3A_343 = tpu.vector_load %arg4[%get3A] {strides = array<i32>} : memref<8192xf32, #tpu.memory_space<vmem>>, vector<16xf32>,
      %mul3A_344 = arith.constant 128 : i32
      %mul3A_345 = arith.muli %scan3A_339, %mul3A_344 : i32
      %add3A_346 = arith.constant 0 : i32
      %add3A_347 = arith.addi %mul3A_345, %add3A_346 : i32
      %add3A_348 = vector.broadcast %add3A_347 : i32 to vector<16xi32>
      %add3A_349 = arith.addi %mul3A_3, %add3A_348 : vector<16xi32>
      tpu.vector_store_idx %arg8[%add3A_349], %get3A_343 : memref<65536xf32, #tpu.memory_space<vmem>>[vector<16xi32>], vector<16xf32>,
      %mul3A_350 = arith.constant 16 : i32
      %mul3A_351 = arith.muli %scan3A_339, %mul3A_350 : i32
      %get3A_352 = arith.index_cast %mul3A_351 : i32 to index
      %get3A_353 = tpu.vector_load %arg5[%get3A_352] {strides = array<i32>} : memref<8192xf32, #tpu.memory_space<vmem>>, vector<16xf32>,
      %mul3A_354 = arith.constant 128 : i32
      %mul3A_355 = arith.muli %scan3A_339, %mul3A_354 : i32
      %add3A_356 = arith.constant 1 : i32
      %add3A_357 = arith.addi %mul3A_355, %add3A_356 : i32
      %add3A_358 = vector.broadcast %add3A_357 : i32 to vector<16xi32>
      %add3A_359 = arith.addi %mul3A_3, %add3A_358 : vector<16xi32>
      tpu.vector_store_idx %arg8[%add3A_359], %get3A_353 : memref<65536xf32, #tpu.memory_space<vmem>>[vector<16xi32>], vector<16xf32>,
      %mul3A_360 = arith.constant 16 : i32
      %mul3A_361 = arith.muli %scan3A_339, %mul3A_360 : i32
      %get3A_362 = arith.index_cast %mul3A_361 : i32 to index
      %get3A_363 = tpu.vector_load %arg6[%get3A_362] {strides = array<i32>} : memref<8192xf32, #tpu.memory_space<vmem>>, vector<16xf32>,
      %mul3A_364 = arith.constant 128 : i32
      %mul3A_365 = arith.muli %scan3A_339, %mul3A_364 : i32
      %add3A_366 = arith.constant 2 : i32
      %add3A_367 = arith.addi %mul3A_365, %add3A_366 : i32
      %add3A_368 = vector.broadcast %add3A_367 : i32 to vector<16xi32>
      %add3A_369 = arith.addi %mul3A_3, %add3A_368 : vector<16xi32>
      tpu.vector_store_idx %arg8[%add3A_369], %get3A_363 : memref<65536xf32, #tpu.memory_space<vmem>>[vector<16xi32>], vector<16xf32>,
      %mul3A_370 = arith.constant 16 : i32
      %mul3A_371 = arith.muli %scan3A_339, %mul3A_370 : i32
      %get3A_372 = arith.index_cast %mul3A_371 : i32 to index
      %get3A_373 = tpu.vector_load %arg7[%get3A_372] {strides = array<i32>} : memref<8192xf32, #tpu.memory_space<vmem>>, vector<16xf32>,
      %mul3A_374 = arith.constant 128 : i32
      %mul3A_375 = arith.muli %scan3A_339, %mul3A_374 : i32
      %add3A_376 = arith.constant 3 : i32
      %add3A_377 = arith.addi %mul3A_375, %add3A_376 : i32
      %add3A_378 = vector.broadcast %add3A_377 : i32 to vector<16xi32>
      %add3A_379 = arith.addi %mul3A_3, %add3A_378 : vector<16xi32>
      tpu.vector_store_idx %arg8[%add3A_379], %get3A_373 : memref<65536xf32, #tpu.memory_space<vmem>>[vector<16xi32>], vector<16xf32>,
      %scan3A_380 = arith.constant 0 : i32
      scf.yield %scan3A_380 : i32
    }
    %scan3A_292 = arith.constant 512 : i32
    %add3A_293 = arith.constant 2085376 : i32
    %add3A_294 = arith.addi %add3A_293, %mul3A_277 : i32
    %mul3A_295 = arith.constant 8 : i32
    %mul3A_296 = arith.muli %add3A_294, %mul3A_295 : i32
    "tpu.region"() ({
      %run_scoped3A = tpu.sem_alloc : memref<!tpu.dma_semaphore, #tpu.memory_space<semaphore_mem>>
      %dma_start3A = arith.constant 0 : i32
      %dma_start3A_339 = tpu.memref_slice %arg8[%dma_start3A] : memref<65536xf32, #tpu.memory_space<vmem>> -> memref<65536xf32, #tpu.memory_space<vmem>>
      %dma_start3A_340 = tpu.memref_slice %arg3[%mul3A_296] : memref<22974464xf32, #tpu.memory_space<hbm>> -> memref<65536xf32, #tpu.memory_space<hbm>>
      %dma_start3A_341 = tpu.memref_slice %arg3[%mul3A_296] : memref<22974464xf32, #tpu.memory_space<hbm>> -> memref<65536xf32, #tpu.memory_space<hbm>>
      %dma_start3A_342 = arith.constant 0 : i32
      %dma_start3A_343 = tpu.memref_slice %arg8[%dma_start3A_342] : memref<65536xf32, #tpu.memory_space<vmem>> -> memref<65536xf32, #tpu.memory_space<vmem>>
      tpu.enqueue_dma source(%dma_start3A_343 : memref<65536xf32, #tpu.memory_space<vmem>>) target(%dma_start3A_341 : memref<65536xf32, #tpu.memory_space<hbm>>) target_semaphore(%run_scoped3A : memref<!tpu.dma_semaphore, #tpu.memory_space<semaphore_mem>>)
      %dma_wait3A = arith.constant 0 : i32
      %dma_wait3A_344 = tpu.memref_slice %arg8[%dma_wait3A] : memref<65536xf32, #tpu.memory_space<vmem>> -> memref<65536xf32, #tpu.memory_space<vmem>>
      %dma_wait3A_345 = tpu.memref_slice %arg3[%mul3A_296] : memref<22974464xf32, #tpu.memory_space<hbm>> -> memref<65536xf32, #tpu.memory_space<hbm>>
      %dma_wait3A_346 = tpu.memref_slice %arg3[%mul3A_296] : memref<22974464xf32, #tpu.memory_space<hbm>> -> memref<65536xf32, #tpu.memory_space<hbm>>
      %dma_wait3A_347 = arith.constant 0 : i32
      %dma_wait3A_348 = tpu.memref_slice %arg8[%dma_wait3A_347] : memref<65536xf32, #tpu.memory_space<vmem>> -> memref<65536xf32, #tpu.memory_space<vmem>>
      tpu.wait_dma2 semaphore(%run_scoped3A : memref<!tpu.dma_semaphore, #tpu.memory_space<semaphore_mem>>) src(%dma_wait3A_348 : memref<65536xf32, #tpu.memory_space<vmem>>) dst(%dma_wait3A_346 : memref<65536xf32, #tpu.memory_space<hbm>>)
      tpu.yield
    }) : () -> ()
    %mul3A_297 = arith.constant 8192 : i32
    %mul3A_298 = arith.muli %add3A, %mul3A_297 : i32
    %add3A_299 = arith.constant 9386592 : i32
    %add3A_300 = arith.addi %add3A_299, %mul3A_298 : i32
    "tpu.region"() ({
      %run_scoped3A = tpu.sem_alloc : memref<!tpu.dma_semaphore, #tpu.memory_space<semaphore_mem>>
      %dma_start3A = arith.constant 0 : i32
      %dma_start3A_339 = tpu.memref_slice %arg4[%dma_start3A] : memref<8192xf32, #tpu.memory_space<vmem>> -> memref<8192xf32, #tpu.memory_space<vmem>>
      %dma_start3A_340 = tpu.memref_slice %arg2[%add3A_300] : memref<11487840xf32, #tpu.memory_space<hbm>> -> memref<8192xf32, #tpu.memory_space<hbm>>
      %dma_start3A_341 = arith.constant 0 : i32
      %dma_start3A_342 = tpu.memref_slice %arg4[%dma_start3A_341] : memref<8192xf32, #tpu.memory_space<vmem>> -> memref<8192xf32, #tpu.memory_space<vmem>>
      %dma_start3A_343 = tpu.memref_slice %arg2[%add3A_300] : memref<11487840xf32, #tpu.memory_space<hbm>> -> memref<8192xf32, #tpu.memory_space<hbm>>
      tpu.enqueue_dma source(%dma_start3A_343 : memref<8192xf32, #tpu.memory_space<hbm>>) target(%dma_start3A_342 : memref<8192xf32, #tpu.memory_space<vmem>>) target_semaphore(%run_scoped3A : memref<!tpu.dma_semaphore, #tpu.memory_space<semaphore_mem>>)
      %dma_wait3A = arith.constant 0 : i32
      %dma_wait3A_344 = tpu.memref_slice %arg4[%dma_wait3A] : memref<8192xf32, #tpu.memory_space<vmem>> -> memref<8192xf32, #tpu.memory_space<vmem>>
      %dma_wait3A_345 = tpu.memref_slice %arg2[%add3A_300] : memref<11487840xf32, #tpu.memory_space<hbm>> -> memref<8192xf32, #tpu.memory_space<hbm>>
      %dma_wait3A_346 = arith.constant 0 : i32
      %dma_wait3A_347 = tpu.memref_slice %arg4[%dma_wait3A_346] : memref<8192xf32, #tpu.memory_space<vmem>> -> memref<8192xf32, #tpu.memory_space<vmem>>
      %dma_wait3A_348 = tpu.memref_slice %arg2[%add3A_300] : memref<11487840xf32, #tpu.memory_space<hbm>> -> memref<8192xf32, #tpu.memory_space<hbm>>
      tpu.wait_dma2 semaphore(%run_scoped3A : memref<!tpu.dma_semaphore, #tpu.memory_space<semaphore_mem>>) src(%dma_wait3A_348 : memref<8192xf32, #tpu.memory_space<hbm>>) dst(%dma_wait3A_347 : memref<8192xf32, #tpu.memory_space<vmem>>)
      tpu.yield
    }) : () -> ()
    %add3A_301 = arith.constant 9648736 : i32
    %add3A_302 = arith.addi %add3A_301, %mul3A_298 : i32
    "tpu.region"() ({
      %run_scoped3A = tpu.sem_alloc : memref<!tpu.dma_semaphore, #tpu.memory_space<semaphore_mem>>
      %dma_start3A = arith.constant 0 : i32
      %dma_start3A_339 = tpu.memref_slice %arg5[%dma_start3A] : memref<8192xf32, #tpu.memory_space<vmem>> -> memref<8192xf32, #tpu.memory_space<vmem>>
      %dma_start3A_340 = tpu.memref_slice %arg2[%add3A_302] : memref<11487840xf32, #tpu.memory_space<hbm>> -> memref<8192xf32, #tpu.memory_space<hbm>>
      %dma_start3A_341 = arith.constant 0 : i32
      %dma_start3A_342 = tpu.memref_slice %arg5[%dma_start3A_341] : memref<8192xf32, #tpu.memory_space<vmem>> -> memref<8192xf32, #tpu.memory_space<vmem>>
      %dma_start3A_343 = tpu.memref_slice %arg2[%add3A_302] : memref<11487840xf32, #tpu.memory_space<hbm>> -> memref<8192xf32, #tpu.memory_space<hbm>>
      tpu.enqueue_dma source(%dma_start3A_343 : memref<8192xf32, #tpu.memory_space<hbm>>) target(%dma_start3A_342 : memref<8192xf32, #tpu.memory_space<vmem>>) target_semaphore(%run_scoped3A : memref<!tpu.dma_semaphore, #tpu.memory_space<semaphore_mem>>)
      %dma_wait3A = arith.constant 0 : i32
      %dma_wait3A_344 = tpu.memref_slice %arg5[%dma_wait3A] : memref<8192xf32, #tpu.memory_space<vmem>> -> memref<8192xf32, #tpu.memory_space<vmem>>
      %dma_wait3A_345 = tpu.memref_slice %arg2[%add3A_302] : memref<11487840xf32, #tpu.memory_space<hbm>> -> memref<8192xf32, #tpu.memory_space<hbm>>
      %dma_wait3A_346 = arith.constant 0 : i32
      %dma_wait3A_347 = tpu.memref_slice %arg5[%dma_wait3A_346] : memref<8192xf32, #tpu.memory_space<vmem>> -> memref<8192xf32, #tpu.memory_space<vmem>>
      %dma_wait3A_348 = tpu.memref_slice %arg2[%add3A_302] : memref<11487840xf32, #tpu.memory_space<hbm>> -> memref<8192xf32, #tpu.memory_space<hbm>>
      tpu.wait_dma2 semaphore(%run_scoped3A : memref<!tpu.dma_semaphore, #tpu.memory_space<semaphore_mem>>) src(%dma_wait3A_348 : memref<8192xf32, #tpu.memory_space<hbm>>) dst(%dma_wait3A_347 : memref<8192xf32, #tpu.memory_space<vmem>>)
      tpu.yield
    }) : () -> ()
    %add3A_303 = arith.constant 9910880 : i32
    %add3A_304 = arith.addi %add3A_303, %mul3A_298 : i32
    "tpu.region"() ({
      %run_scoped3A = tpu.sem_alloc : memref<!tpu.dma_semaphore, #tpu.memory_space<semaphore_mem>>
      %dma_start3A = arith.constant 0 : i32
      %dma_start3A_339 = tpu.memref_slice %arg6[%dma_start3A] : memref<8192xf32, #tpu.memory_space<vmem>> -> memref<8192xf32, #tpu.memory_space<vmem>>
      %dma_start3A_340 = tpu.memref_slice %arg2[%add3A_304] : memref<11487840xf32, #tpu.memory_space<hbm>> -> memref<8192xf32, #tpu.memory_space<hbm>>
      %dma_start3A_341 = arith.constant 0 : i32
      %dma_start3A_342 = tpu.memref_slice %arg6[%dma_start3A_341] : memref<8192xf32, #tpu.memory_space<vmem>> -> memref<8192xf32, #tpu.memory_space<vmem>>
      %dma_start3A_343 = tpu.memref_slice %arg2[%add3A_304] : memref<11487840xf32, #tpu.memory_space<hbm>> -> memref<8192xf32, #tpu.memory_space<hbm>>
      tpu.enqueue_dma source(%dma_start3A_343 : memref<8192xf32, #tpu.memory_space<hbm>>) target(%dma_start3A_342 : memref<8192xf32, #tpu.memory_space<vmem>>) target_semaphore(%run_scoped3A : memref<!tpu.dma_semaphore, #tpu.memory_space<semaphore_mem>>)
      %dma_wait3A = arith.constant 0 : i32
      %dma_wait3A_344 = tpu.memref_slice %arg6[%dma_wait3A] : memref<8192xf32, #tpu.memory_space<vmem>> -> memref<8192xf32, #tpu.memory_space<vmem>>
      %dma_wait3A_345 = tpu.memref_slice %arg2[%add3A_304] : memref<11487840xf32, #tpu.memory_space<hbm>> -> memref<8192xf32, #tpu.memory_space<hbm>>
      %dma_wait3A_346 = arith.constant 0 : i32
      %dma_wait3A_347 = tpu.memref_slice %arg6[%dma_wait3A_346] : memref<8192xf32, #tpu.memory_space<vmem>> -> memref<8192xf32, #tpu.memory_space<vmem>>
      %dma_wait3A_348 = tpu.memref_slice %arg2[%add3A_304] : memref<11487840xf32, #tpu.memory_space<hbm>> -> memref<8192xf32, #tpu.memory_space<hbm>>
      tpu.wait_dma2 semaphore(%run_scoped3A : memref<!tpu.dma_semaphore, #tpu.memory_space<semaphore_mem>>) src(%dma_wait3A_348 : memref<8192xf32, #tpu.memory_space<hbm>>) dst(%dma_wait3A_347 : memref<8192xf32, #tpu.memory_space<vmem>>)
      tpu.yield
    }) : () -> ()
    %add3A_305 = arith.constant 10173024 : i32
    %add3A_306 = arith.addi %add3A_305, %mul3A_298 : i32
    "tpu.region"() ({
      %run_scoped3A = tpu.sem_alloc : memref<!tpu.dma_semaphore, #tpu.memory_space<semaphore_mem>>
      %dma_start3A = arith.constant 0 : i32
      %dma_start3A_339 = tpu.memref_slice %arg7[%dma_start3A] : memref<8192xf32, #tpu.memory_space<vmem>> -> memref<8192xf32, #tpu.memory_space<vmem>>
      %dma_start3A_340 = tpu.memref_slice %arg2[%add3A_306] : memref<11487840xf32, #tpu.memory_space<hbm>> -> memref<8192xf32, #tpu.memory_space<hbm>>
      %dma_start3A_341 = arith.constant 0 : i32
      %dma_start3A_342 = tpu.memref_slice %arg7[%dma_start3A_341] : memref<8192xf32, #tpu.memory_space<vmem>> -> memref<8192xf32, #tpu.memory_space<vmem>>
      %dma_start3A_343 = tpu.memref_slice %arg2[%add3A_306] : memref<11487840xf32, #tpu.memory_space<hbm>> -> memref<8192xf32, #tpu.memory_space<hbm>>
      tpu.enqueue_dma source(%dma_start3A_343 : memref<8192xf32, #tpu.memory_space<hbm>>) target(%dma_start3A_342 : memref<8192xf32, #tpu.memory_space<vmem>>) target_semaphore(%run_scoped3A : memref<!tpu.dma_semaphore, #tpu.memory_space<semaphore_mem>>)
      %dma_wait3A = arith.constant 0 : i32
      %dma_wait3A_344 = tpu.memref_slice %arg7[%dma_wait3A] : memref<8192xf32, #tpu.memory_space<vmem>> -> memref<8192xf32, #tpu.memory_space<vmem>>
      %dma_wait3A_345 = tpu.memref_slice %arg2[%add3A_306] : memref<11487840xf32, #tpu.memory_space<hbm>> -> memref<8192xf32, #tpu.memory_space<hbm>>
      %dma_wait3A_346 = arith.constant 0 : i32
      %dma_wait3A_347 = tpu.memref_slice %arg7[%dma_wait3A_346] : memref<8192xf32, #tpu.memory_space<vmem>> -> memref<8192xf32, #tpu.memory_space<vmem>>
      %dma_wait3A_348 = tpu.memref_slice %arg2[%add3A_306] : memref<11487840xf32, #tpu.memory_space<hbm>> -> memref<8192xf32, #tpu.memory_space<hbm>>
      tpu.wait_dma2 semaphore(%run_scoped3A : memref<!tpu.dma_semaphore, #tpu.memory_space<semaphore_mem>>) src(%dma_wait3A_348 : memref<8192xf32, #tpu.memory_space<hbm>>) dst(%dma_wait3A_347 : memref<8192xf32, #tpu.memory_space<vmem>>)
      tpu.yield
    }) : () -> ()
    %scan3A_307 = arith.constant 0 : i32
    %scan3A_308 = arith.constant 0 : i32
    %scan3A_309 = arith.constant 512 : i32
    %scan3A_310 = arith.addi %scan3A_308, %scan3A_309 : i32
    %scan3A_311 = arith.constant 1 : i32
    %scan3A_312 = scf.for %scan3A_339 = %scan3A_308 to %scan3A_310 step %scan3A_311 iter_args(%scan3A_340 = %scan3A_307) -> (i32)  : i32 {
      %mul3A_341 = arith.constant 16 : i32
      %mul3A_342 = arith.muli %scan3A_339, %mul3A_341 : i32
      %get3A = arith.index_cast %mul3A_342 : i32 to index
      %get3A_343 = tpu.vector_load %arg4[%get3A] {strides = array<i32>} : memref<8192xf32, #tpu.memory_space<vmem>>, vector<16xf32>,
      %mul3A_344 = arith.constant 128 : i32
      %mul3A_345 = arith.muli %scan3A_339, %mul3A_344 : i32
      %add3A_346 = arith.constant 0 : i32
      %add3A_347 = arith.addi %mul3A_345, %add3A_346 : i32
      %add3A_348 = vector.broadcast %add3A_347 : i32 to vector<16xi32>
      %add3A_349 = arith.addi %mul3A_3, %add3A_348 : vector<16xi32>
      tpu.vector_store_idx %arg8[%add3A_349], %get3A_343 : memref<65536xf32, #tpu.memory_space<vmem>>[vector<16xi32>], vector<16xf32>,
      %mul3A_350 = arith.constant 16 : i32
      %mul3A_351 = arith.muli %scan3A_339, %mul3A_350 : i32
      %get3A_352 = arith.index_cast %mul3A_351 : i32 to index
      %get3A_353 = tpu.vector_load %arg5[%get3A_352] {strides = array<i32>} : memref<8192xf32, #tpu.memory_space<vmem>>, vector<16xf32>,
      %mul3A_354 = arith.constant 128 : i32
      %mul3A_355 = arith.muli %scan3A_339, %mul3A_354 : i32
      %add3A_356 = arith.constant 1 : i32
      %add3A_357 = arith.addi %mul3A_355, %add3A_356 : i32
      %add3A_358 = vector.broadcast %add3A_357 : i32 to vector<16xi32>
      %add3A_359 = arith.addi %mul3A_3, %add3A_358 : vector<16xi32>
      tpu.vector_store_idx %arg8[%add3A_359], %get3A_353 : memref<65536xf32, #tpu.memory_space<vmem>>[vector<16xi32>], vector<16xf32>,
      %mul3A_360 = arith.constant 16 : i32
      %mul3A_361 = arith.muli %scan3A_339, %mul3A_360 : i32
      %get3A_362 = arith.index_cast %mul3A_361 : i32 to index
      %get3A_363 = tpu.vector_load %arg6[%get3A_362] {strides = array<i32>} : memref<8192xf32, #tpu.memory_space<vmem>>, vector<16xf32>,
      %mul3A_364 = arith.constant 128 : i32
      %mul3A_365 = arith.muli %scan3A_339, %mul3A_364 : i32
      %add3A_366 = arith.constant 2 : i32
      %add3A_367 = arith.addi %mul3A_365, %add3A_366 : i32
      %add3A_368 = vector.broadcast %add3A_367 : i32 to vector<16xi32>
      %add3A_369 = arith.addi %mul3A_3, %add3A_368 : vector<16xi32>
      tpu.vector_store_idx %arg8[%add3A_369], %get3A_363 : memref<65536xf32, #tpu.memory_space<vmem>>[vector<16xi32>], vector<16xf32>,
      %mul3A_370 = arith.constant 16 : i32
      %mul3A_371 = arith.muli %scan3A_339, %mul3A_370 : i32
      %get3A_372 = arith.index_cast %mul3A_371 : i32 to index
      %get3A_373 = tpu.vector_load %arg7[%get3A_372] {strides = array<i32>} : memref<8192xf32, #tpu.memory_space<vmem>>, vector<16xf32>,
      %mul3A_374 = arith.constant 128 : i32
      %mul3A_375 = arith.muli %scan3A_339, %mul3A_374 : i32
      %add3A_376 = arith.constant 3 : i32
      %add3A_377 = arith.addi %mul3A_375, %add3A_376 : i32
      %add3A_378 = vector.broadcast %add3A_377 : i32 to vector<16xi32>
      %add3A_379 = arith.addi %mul3A_3, %add3A_378 : vector<16xi32>
      tpu.vector_store_idx %arg8[%add3A_379], %get3A_373 : memref<65536xf32, #tpu.memory_space<vmem>>[vector<16xi32>], vector<16xf32>,
      %scan3A_380 = arith.constant 0 : i32
      scf.yield %scan3A_380 : i32
    }
    %scan3A_313 = arith.constant 512 : i32
    %add3A_314 = arith.constant 2347520 : i32
    %add3A_315 = arith.addi %add3A_314, %mul3A_298 : i32
    %mul3A_316 = arith.constant 8 : i32
    %mul3A_317 = arith.muli %add3A_315, %mul3A_316 : i32
    "tpu.region"() ({
      %run_scoped3A = tpu.sem_alloc : memref<!tpu.dma_semaphore, #tpu.memory_space<semaphore_mem>>
      %dma_start3A = arith.constant 0 : i32
      %dma_start3A_339 = tpu.memref_slice %arg8[%dma_start3A] : memref<65536xf32, #tpu.memory_space<vmem>> -> memref<65536xf32, #tpu.memory_space<vmem>>
      %dma_start3A_340 = tpu.memref_slice %arg3[%mul3A_317] : memref<22974464xf32, #tpu.memory_space<hbm>> -> memref<65536xf32, #tpu.memory_space<hbm>>
      %dma_start3A_341 = tpu.memref_slice %arg3[%mul3A_317] : memref<22974464xf32, #tpu.memory_space<hbm>> -> memref<65536xf32, #tpu.memory_space<hbm>>
      %dma_start3A_342 = arith.constant 0 : i32
      %dma_start3A_343 = tpu.memref_slice %arg8[%dma_start3A_342] : memref<65536xf32, #tpu.memory_space<vmem>> -> memref<65536xf32, #tpu.memory_space<vmem>>
      tpu.enqueue_dma source(%dma_start3A_343 : memref<65536xf32, #tpu.memory_space<vmem>>) target(%dma_start3A_341 : memref<65536xf32, #tpu.memory_space<hbm>>) target_semaphore(%run_scoped3A : memref<!tpu.dma_semaphore, #tpu.memory_space<semaphore_mem>>)
      %dma_wait3A = arith.constant 0 : i32
      %dma_wait3A_344 = tpu.memref_slice %arg8[%dma_wait3A] : memref<65536xf32, #tpu.memory_space<vmem>> -> memref<65536xf32, #tpu.memory_space<vmem>>
      %dma_wait3A_345 = tpu.memref_slice %arg3[%mul3A_317] : memref<22974464xf32, #tpu.memory_space<hbm>> -> memref<65536xf32, #tpu.memory_space<hbm>>
      %dma_wait3A_346 = tpu.memref_slice %arg3[%mul3A_317] : memref<22974464xf32, #tpu.memory_space<hbm>> -> memref<65536xf32, #tpu.memory_space<hbm>>
      %dma_wait3A_347 = arith.constant 0 : i32
      %dma_wait3A_348 = tpu.memref_slice %arg8[%dma_wait3A_347] : memref<65536xf32, #tpu.memory_space<vmem>> -> memref<65536xf32, #tpu.memory_space<vmem>>
      tpu.wait_dma2 semaphore(%run_scoped3A : memref<!tpu.dma_semaphore, #tpu.memory_space<semaphore_mem>>) src(%dma_wait3A_348 : memref<65536xf32, #tpu.memory_space<vmem>>) dst(%dma_wait3A_346 : memref<65536xf32, #tpu.memory_space<hbm>>)
      tpu.yield
    }) : () -> ()
    %mul3A_318 = arith.constant 8192 : i32
    %mul3A_319 = arith.muli %add3A, %mul3A_318 : i32
    %add3A_320 = arith.constant 10435168 : i32
    %add3A_321 = arith.addi %add3A_320, %mul3A_319 : i32
    "tpu.region"() ({
      %run_scoped3A = tpu.sem_alloc : memref<!tpu.dma_semaphore, #tpu.memory_space<semaphore_mem>>
      %dma_start3A = arith.constant 0 : i32
      %dma_start3A_339 = tpu.memref_slice %arg4[%dma_start3A] : memref<8192xf32, #tpu.memory_space<vmem>> -> memref<8192xf32, #tpu.memory_space<vmem>>
      %dma_start3A_340 = tpu.memref_slice %arg2[%add3A_321] : memref<11487840xf32, #tpu.memory_space<hbm>> -> memref<8192xf32, #tpu.memory_space<hbm>>
      %dma_start3A_341 = arith.constant 0 : i32
      %dma_start3A_342 = tpu.memref_slice %arg4[%dma_start3A_341] : memref<8192xf32, #tpu.memory_space<vmem>> -> memref<8192xf32, #tpu.memory_space<vmem>>
      %dma_start3A_343 = tpu.memref_slice %arg2[%add3A_321] : memref<11487840xf32, #tpu.memory_space<hbm>> -> memref<8192xf32, #tpu.memory_space<hbm>>
      tpu.enqueue_dma source(%dma_start3A_343 : memref<8192xf32, #tpu.memory_space<hbm>>) target(%dma_start3A_342 : memref<8192xf32, #tpu.memory_space<vmem>>) target_semaphore(%run_scoped3A : memref<!tpu.dma_semaphore, #tpu.memory_space<semaphore_mem>>)
      %dma_wait3A = arith.constant 0 : i32
      %dma_wait3A_344 = tpu.memref_slice %arg4[%dma_wait3A] : memref<8192xf32, #tpu.memory_space<vmem>> -> memref<8192xf32, #tpu.memory_space<vmem>>
      %dma_wait3A_345 = tpu.memref_slice %arg2[%add3A_321] : memref<11487840xf32, #tpu.memory_space<hbm>> -> memref<8192xf32, #tpu.memory_space<hbm>>
      %dma_wait3A_346 = arith.constant 0 : i32
      %dma_wait3A_347 = tpu.memref_slice %arg4[%dma_wait3A_346] : memref<8192xf32, #tpu.memory_space<vmem>> -> memref<8192xf32, #tpu.memory_space<vmem>>
      %dma_wait3A_348 = tpu.memref_slice %arg2[%add3A_321] : memref<11487840xf32, #tpu.memory_space<hbm>> -> memref<8192xf32, #tpu.memory_space<hbm>>
      tpu.wait_dma2 semaphore(%run_scoped3A : memref<!tpu.dma_semaphore, #tpu.memory_space<semaphore_mem>>) src(%dma_wait3A_348 : memref<8192xf32, #tpu.memory_space<hbm>>) dst(%dma_wait3A_347 : memref<8192xf32, #tpu.memory_space<vmem>>)
      tpu.yield
    }) : () -> ()
    %add3A_322 = arith.constant 10697312 : i32
    %add3A_323 = arith.addi %add3A_322, %mul3A_319 : i32
    "tpu.region"() ({
      %run_scoped3A = tpu.sem_alloc : memref<!tpu.dma_semaphore, #tpu.memory_space<semaphore_mem>>
      %dma_start3A = arith.constant 0 : i32
      %dma_start3A_339 = tpu.memref_slice %arg5[%dma_start3A] : memref<8192xf32, #tpu.memory_space<vmem>> -> memref<8192xf32, #tpu.memory_space<vmem>>
      %dma_start3A_340 = tpu.memref_slice %arg2[%add3A_323] : memref<11487840xf32, #tpu.memory_space<hbm>> -> memref<8192xf32, #tpu.memory_space<hbm>>
      %dma_start3A_341 = arith.constant 0 : i32
      %dma_start3A_342 = tpu.memref_slice %arg5[%dma_start3A_341] : memref<8192xf32, #tpu.memory_space<vmem>> -> memref<8192xf32, #tpu.memory_space<vmem>>
      %dma_start3A_343 = tpu.memref_slice %arg2[%add3A_323] : memref<11487840xf32, #tpu.memory_space<hbm>> -> memref<8192xf32, #tpu.memory_space<hbm>>
      tpu.enqueue_dma source(%dma_start3A_343 : memref<8192xf32, #tpu.memory_space<hbm>>) target(%dma_start3A_342 : memref<8192xf32, #tpu.memory_space<vmem>>) target_semaphore(%run_scoped3A : memref<!tpu.dma_semaphore, #tpu.memory_space<semaphore_mem>>)
      %dma_wait3A = arith.constant 0 : i32
      %dma_wait3A_344 = tpu.memref_slice %arg5[%dma_wait3A] : memref<8192xf32, #tpu.memory_space<vmem>> -> memref<8192xf32, #tpu.memory_space<vmem>>
      %dma_wait3A_345 = tpu.memref_slice %arg2[%add3A_323] : memref<11487840xf32, #tpu.memory_space<hbm>> -> memref<8192xf32, #tpu.memory_space<hbm>>
      %dma_wait3A_346 = arith.constant 0 : i32
      %dma_wait3A_347 = tpu.memref_slice %arg5[%dma_wait3A_346] : memref<8192xf32, #tpu.memory_space<vmem>> -> memref<8192xf32, #tpu.memory_space<vmem>>
      %dma_wait3A_348 = tpu.memref_slice %arg2[%add3A_323] : memref<11487840xf32, #tpu.memory_space<hbm>> -> memref<8192xf32, #tpu.memory_space<hbm>>
      tpu.wait_dma2 semaphore(%run_scoped3A : memref<!tpu.dma_semaphore, #tpu.memory_space<semaphore_mem>>) src(%dma_wait3A_348 : memref<8192xf32, #tpu.memory_space<hbm>>) dst(%dma_wait3A_347 : memref<8192xf32, #tpu.memory_space<vmem>>)
      tpu.yield
    }) : () -> ()
    %add3A_324 = arith.constant 10959456 : i32
    %add3A_325 = arith.addi %add3A_324, %mul3A_319 : i32
    "tpu.region"() ({
      %run_scoped3A = tpu.sem_alloc : memref<!tpu.dma_semaphore, #tpu.memory_space<semaphore_mem>>
      %dma_start3A = arith.constant 0 : i32
      %dma_start3A_339 = tpu.memref_slice %arg6[%dma_start3A] : memref<8192xf32, #tpu.memory_space<vmem>> -> memref<8192xf32, #tpu.memory_space<vmem>>
      %dma_start3A_340 = tpu.memref_slice %arg2[%add3A_325] : memref<11487840xf32, #tpu.memory_space<hbm>> -> memref<8192xf32, #tpu.memory_space<hbm>>
      %dma_start3A_341 = arith.constant 0 : i32
      %dma_start3A_342 = tpu.memref_slice %arg6[%dma_start3A_341] : memref<8192xf32, #tpu.memory_space<vmem>> -> memref<8192xf32, #tpu.memory_space<vmem>>
      %dma_start3A_343 = tpu.memref_slice %arg2[%add3A_325] : memref<11487840xf32, #tpu.memory_space<hbm>> -> memref<8192xf32, #tpu.memory_space<hbm>>
      tpu.enqueue_dma source(%dma_start3A_343 : memref<8192xf32, #tpu.memory_space<hbm>>) target(%dma_start3A_342 : memref<8192xf32, #tpu.memory_space<vmem>>) target_semaphore(%run_scoped3A : memref<!tpu.dma_semaphore, #tpu.memory_space<semaphore_mem>>)
      %dma_wait3A = arith.constant 0 : i32
      %dma_wait3A_344 = tpu.memref_slice %arg6[%dma_wait3A] : memref<8192xf32, #tpu.memory_space<vmem>> -> memref<8192xf32, #tpu.memory_space<vmem>>
      %dma_wait3A_345 = tpu.memref_slice %arg2[%add3A_325] : memref<11487840xf32, #tpu.memory_space<hbm>> -> memref<8192xf32, #tpu.memory_space<hbm>>
      %dma_wait3A_346 = arith.constant 0 : i32
      %dma_wait3A_347 = tpu.memref_slice %arg6[%dma_wait3A_346] : memref<8192xf32, #tpu.memory_space<vmem>> -> memref<8192xf32, #tpu.memory_space<vmem>>
      %dma_wait3A_348 = tpu.memref_slice %arg2[%add3A_325] : memref<11487840xf32, #tpu.memory_space<hbm>> -> memref<8192xf32, #tpu.memory_space<hbm>>
      tpu.wait_dma2 semaphore(%run_scoped3A : memref<!tpu.dma_semaphore, #tpu.memory_space<semaphore_mem>>) src(%dma_wait3A_348 : memref<8192xf32, #tpu.memory_space<hbm>>) dst(%dma_wait3A_347 : memref<8192xf32, #tpu.memory_space<vmem>>)
      tpu.yield
    }) : () -> ()
    %add3A_326 = arith.constant 11221600 : i32
    %add3A_327 = arith.addi %add3A_326, %mul3A_319 : i32
    "tpu.region"() ({
      %run_scoped3A = tpu.sem_alloc : memref<!tpu.dma_semaphore, #tpu.memory_space<semaphore_mem>>
      %dma_start3A = arith.constant 0 : i32
      %dma_start3A_339 = tpu.memref_slice %arg7[%dma_start3A] : memref<8192xf32, #tpu.memory_space<vmem>> -> memref<8192xf32, #tpu.memory_space<vmem>>
      %dma_start3A_340 = tpu.memref_slice %arg2[%add3A_327] : memref<11487840xf32, #tpu.memory_space<hbm>> -> memref<8192xf32, #tpu.memory_space<hbm>>
      %dma_start3A_341 = arith.constant 0 : i32
      %dma_start3A_342 = tpu.memref_slice %arg7[%dma_start3A_341] : memref<8192xf32, #tpu.memory_space<vmem>> -> memref<8192xf32, #tpu.memory_space<vmem>>
      %dma_start3A_343 = tpu.memref_slice %arg2[%add3A_327] : memref<11487840xf32, #tpu.memory_space<hbm>> -> memref<8192xf32, #tpu.memory_space<hbm>>
      tpu.enqueue_dma source(%dma_start3A_343 : memref<8192xf32, #tpu.memory_space<hbm>>) target(%dma_start3A_342 : memref<8192xf32, #tpu.memory_space<vmem>>) target_semaphore(%run_scoped3A : memref<!tpu.dma_semaphore, #tpu.memory_space<semaphore_mem>>)
      %dma_wait3A = arith.constant 0 : i32
      %dma_wait3A_344 = tpu.memref_slice %arg7[%dma_wait3A] : memref<8192xf32, #tpu.memory_space<vmem>> -> memref<8192xf32, #tpu.memory_space<vmem>>
      %dma_wait3A_345 = tpu.memref_slice %arg2[%add3A_327] : memref<11487840xf32, #tpu.memory_space<hbm>> -> memref<8192xf32, #tpu.memory_space<hbm>>
      %dma_wait3A_346 = arith.constant 0 : i32
      %dma_wait3A_347 = tpu.memref_slice %arg7[%dma_wait3A_346] : memref<8192xf32, #tpu.memory_space<vmem>> -> memref<8192xf32, #tpu.memory_space<vmem>>
      %dma_wait3A_348 = tpu.memref_slice %arg2[%add3A_327] : memref<11487840xf32, #tpu.memory_space<hbm>> -> memref<8192xf32, #tpu.memory_space<hbm>>
      tpu.wait_dma2 semaphore(%run_scoped3A : memref<!tpu.dma_semaphore, #tpu.memory_space<semaphore_mem>>) src(%dma_wait3A_348 : memref<8192xf32, #tpu.memory_space<hbm>>) dst(%dma_wait3A_347 : memref<8192xf32, #tpu.memory_space<vmem>>)
      tpu.yield
    }) : () -> ()
    %scan3A_328 = arith.constant 0 : i32
    %scan3A_329 = arith.constant 0 : i32
    %scan3A_330 = arith.constant 512 : i32
    %scan3A_331 = arith.addi %scan3A_329, %scan3A_330 : i32
    %scan3A_332 = arith.constant 1 : i32
    %scan3A_333 = scf.for %scan3A_339 = %scan3A_329 to %scan3A_331 step %scan3A_332 iter_args(%scan3A_340 = %scan3A_328) -> (i32)  : i32 {
      %mul3A_341 = arith.constant 16 : i32
      %mul3A_342 = arith.muli %scan3A_339, %mul3A_341 : i32
      %get3A = arith.index_cast %mul3A_342 : i32 to index
      %get3A_343 = tpu.vector_load %arg4[%get3A] {strides = array<i32>} : memref<8192xf32, #tpu.memory_space<vmem>>, vector<16xf32>,
      %mul3A_344 = arith.constant 128 : i32
      %mul3A_345 = arith.muli %scan3A_339, %mul3A_344 : i32
      %add3A_346 = arith.constant 0 : i32
      %add3A_347 = arith.addi %mul3A_345, %add3A_346 : i32
      %add3A_348 = vector.broadcast %add3A_347 : i32 to vector<16xi32>
      %add3A_349 = arith.addi %mul3A_3, %add3A_348 : vector<16xi32>
      tpu.vector_store_idx %arg8[%add3A_349], %get3A_343 : memref<65536xf32, #tpu.memory_space<vmem>>[vector<16xi32>], vector<16xf32>,
      %mul3A_350 = arith.constant 16 : i32
      %mul3A_351 = arith.muli %scan3A_339, %mul3A_350 : i32
      %get3A_352 = arith.index_cast %mul3A_351 : i32 to index
      %get3A_353 = tpu.vector_load %arg5[%get3A_352] {strides = array<i32>} : memref<8192xf32, #tpu.memory_space<vmem>>, vector<16xf32>,
      %mul3A_354 = arith.constant 128 : i32
      %mul3A_355 = arith.muli %scan3A_339, %mul3A_354 : i32
      %add3A_356 = arith.constant 1 : i32
      %add3A_357 = arith.addi %mul3A_355, %add3A_356 : i32
      %add3A_358 = vector.broadcast %add3A_357 : i32 to vector<16xi32>
      %add3A_359 = arith.addi %mul3A_3, %add3A_358 : vector<16xi32>
      tpu.vector_store_idx %arg8[%add3A_359], %get3A_353 : memref<65536xf32, #tpu.memory_space<vmem>>[vector<16xi32>], vector<16xf32>,
      %mul3A_360 = arith.constant 16 : i32
      %mul3A_361 = arith.muli %scan3A_339, %mul3A_360 : i32
      %get3A_362 = arith.index_cast %mul3A_361 : i32 to index
      %get3A_363 = tpu.vector_load %arg6[%get3A_362] {strides = array<i32>} : memref<8192xf32, #tpu.memory_space<vmem>>, vector<16xf32>,
      %mul3A_364 = arith.constant 128 : i32
      %mul3A_365 = arith.muli %scan3A_339, %mul3A_364 : i32
      %add3A_366 = arith.constant 2 : i32
      %add3A_367 = arith.addi %mul3A_365, %add3A_366 : i32
      %add3A_368 = vector.broadcast %add3A_367 : i32 to vector<16xi32>
      %add3A_369 = arith.addi %mul3A_3, %add3A_368 : vector<16xi32>
      tpu.vector_store_idx %arg8[%add3A_369], %get3A_363 : memref<65536xf32, #tpu.memory_space<vmem>>[vector<16xi32>], vector<16xf32>,
      %mul3A_370 = arith.constant 16 : i32
      %mul3A_371 = arith.muli %scan3A_339, %mul3A_370 : i32
      %get3A_372 = arith.index_cast %mul3A_371 : i32 to index
      %get3A_373 = tpu.vector_load %arg7[%get3A_372] {strides = array<i32>} : memref<8192xf32, #tpu.memory_space<vmem>>, vector<16xf32>,
      %mul3A_374 = arith.constant 128 : i32
      %mul3A_375 = arith.muli %scan3A_339, %mul3A_374 : i32
      %add3A_376 = arith.constant 3 : i32
      %add3A_377 = arith.addi %mul3A_375, %add3A_376 : i32
      %add3A_378 = vector.broadcast %add3A_377 : i32 to vector<16xi32>
      %add3A_379 = arith.addi %mul3A_3, %add3A_378 : vector<16xi32>
      tpu.vector_store_idx %arg8[%add3A_379], %get3A_373 : memref<65536xf32, #tpu.memory_space<vmem>>[vector<16xi32>], vector<16xf32>,
      %scan3A_380 = arith.constant 0 : i32
      scf.yield %scan3A_380 : i32
    }
    %scan3A_334 = arith.constant 512 : i32
    %add3A_335 = arith.constant 2609664 : i32
    %add3A_336 = arith.addi %add3A_335, %mul3A_319 : i32
    %mul3A_337 = arith.constant 8 : i32
    %mul3A_338 = arith.muli %add3A_336, %mul3A_337 : i32
    "tpu.region"() ({
      %run_scoped3A = tpu.sem_alloc : memref<!tpu.dma_semaphore, #tpu.memory_space<semaphore_mem>>
      %dma_start3A = arith.constant 0 : i32
      %dma_start3A_339 = tpu.memref_slice %arg8[%dma_start3A] : memref<65536xf32, #tpu.memory_space<vmem>> -> memref<65536xf32, #tpu.memory_space<vmem>>
      %dma_start3A_340 = tpu.memref_slice %arg3[%mul3A_338] : memref<22974464xf32, #tpu.memory_space<hbm>> -> memref<65536xf32, #tpu.memory_space<hbm>>
      %dma_start3A_341 = tpu.memref_slice %arg3[%mul3A_338] : memref<22974464xf32, #tpu.memory_space<hbm>> -> memref<65536xf32, #tpu.memory_space<hbm>>
      %dma_start3A_342 = arith.constant 0 : i32
      %dma_start3A_343 = tpu.memref_slice %arg8[%dma_start3A_342] : memref<65536xf32, #tpu.memory_space<vmem>> -> memref<65536xf32, #tpu.memory_space<vmem>>
      tpu.enqueue_dma source(%dma_start3A_343 : memref<65536xf32, #tpu.memory_space<vmem>>) target(%dma_start3A_341 : memref<65536xf32, #tpu.memory_space<hbm>>) target_semaphore(%run_scoped3A : memref<!tpu.dma_semaphore, #tpu.memory_space<semaphore_mem>>)
      %dma_wait3A = arith.constant 0 : i32
      %dma_wait3A_344 = tpu.memref_slice %arg8[%dma_wait3A] : memref<65536xf32, #tpu.memory_space<vmem>> -> memref<65536xf32, #tpu.memory_space<vmem>>
      %dma_wait3A_345 = tpu.memref_slice %arg3[%mul3A_338] : memref<22974464xf32, #tpu.memory_space<hbm>> -> memref<65536xf32, #tpu.memory_space<hbm>>
      %dma_wait3A_346 = tpu.memref_slice %arg3[%mul3A_338] : memref<22974464xf32, #tpu.memory_space<hbm>> -> memref<65536xf32, #tpu.memory_space<hbm>>
      %dma_wait3A_347 = arith.constant 0 : i32
      %dma_wait3A_348 = tpu.memref_slice %arg8[%dma_wait3A_347] : memref<65536xf32, #tpu.memory_space<vmem>> -> memref<65536xf32, #tpu.memory_space<vmem>>
      tpu.wait_dma2 semaphore(%run_scoped3A : memref<!tpu.dma_semaphore, #tpu.memory_space<semaphore_mem>>) src(%dma_wait3A_348 : memref<65536xf32, #tpu.memory_space<vmem>>) dst(%dma_wait3A_346 : memref<65536xf32, #tpu.memory_space<hbm>>)
      tpu.yield
    }) : () -> ()
    return
  }
}

</mosaic_0001>

<sc_bundles>
// kernel: _relayout.3.cloned.1.call-start
scs
__scs_entry_jumppad:
0x0: {  	(pc) =	sbr.rel $0x88, $3  }
0x1: {  	(tag) =	ssettag $0x0;
	lr =	simm.s32 $0x1  }
0x2: {  	[smem:$0x3FA0] =	sst lr;
	_ =	strace $0xD0000000  }
0x3: {  	_ = 	snop  }
0x4: {  	_ = 	snop  }
0x5: {  	_ = 	snop  }
0x6: {  	_ = 	snop  }
0x7: {  	_ = 	snop  }
__scs_overlays_trampoline_lowered:
0x8: {  	[smem:$0x3FAF] =	sst s0  }
0x9: {  	[smem:$0x3FB0] =	sst s1  }
0xa: {  	[smem:$0x3FB1] =	sst s2  }
0xb: {  	[smem:$0x3FB2] =	sst s3  }
0xc: {  	[smem:$0x3FB3] =	sst s4  }
0xd: {  	[smem:$0x3FB4] =	sst s5  }
0xe: {  	[smem:$0x3FB5] =	sst s6  }
0xf: {  	[smem:$0x3FB6] =	sst s7  }
0x10: {  	[smem:$0x3FB7] =	sst s8  }
0x11: {  	[smem:$0x3FB8] =	sst s9;
	s0 =	simm.s32 @!p0 $0x0  }
0x12: {  	s1 =	sld [smem:$0x3F9E];
	s0 =	simm.s32 @p0 $0x1  }
0x13: {  	[smem:$0x3FB9] =	sst s0;
	s0 =	simm.s32 @!p1 $0x0  }
0x14: {  	s2 =	sld [smem:$0x3F9D];
	s0 =	simm.s32 @p1 $0x1  }
0x15: {  	[smem:$0x3FBA] =	sst s0;
	s0 =	simm.s32 @!p2 $0x0  }
0x16: {  	s3 =	sld [smem:$0x3FDB];
	s0 =	simm.s32 @p2 $0x1  }
0x17: {  	s4 =	simm.s32 $0x1BF5;
	[smem:$0x3FBC] =	sst s0  }
0x18: {  	s0 =	sld [smem:$0x3F9F];
	_ =	swait.ge [sflag:s4], $0x0  }
0x19: {  	s7 =	sld [smem:$0x3FA0]  }
0x1a: {  	s8 =	sadd.s32 $0xFFFFE003, lr  }
0x1b: {  	s9 =	sadd.s32 $0xFFFFFEF7, lr;
	s5 =	simm.s32 $0xFFFFFFFF;
	p2 =	slt.u32 s8, $0xFFFFF086  }
0x1c: {  	p1 =	slt.u32 s9, $0xF7A;
	s5 =	simm.s32 @!p2 $0x0  }
0x1d: {  	s5 =	simm.s32 @p1 $0x1;
	p0 =	seq.s32 s7, s2  }
0x1e: {  	s7 =	smul.u32 @!p0 $0xF7A, s2;
	p2 =	seq.s32 @!p0 s5, $0x0  }
0x1f: {  	s9 =	smul.u32 $0xF7A, s1;
	s8 =	simm.s32 @!p0 $0x1BF5;
	p2 =	por !p2, p0  }
0x20: {  	[sflag:s8] =	ssyncset.s32 @!p0 $0xFFFFF086;
	s6 =	sadd.s32 @!p0 s3, s7;
	s7 =	simm.s32 @!p0 $0x108  }
0x21: {  	s3 =	sadd.s32 s3, s9;
	s6 =	sadd.s32 @!p0 $0x88, s6;
	s7 =	simm.s32 @p2 $0x1082  }
0x22: {  	[simem:s7], [sflag:s8] =	dma.local @!p0 [hbm:s6], $0xF7A  }
0x23: {  	s9 =	sor.u32 $0xD0000000, s2;
	s6 =	simm.s32 $0x108;
	_ =	swait.ge @!p0 [sflag:s8], $0x0  }
0x24: {  	s3 =	sadd.s32 $0x88, s3;
	s6 =	simm.s32 @!p1 $0x1082;
	[sflag:s4] =	ssyncset.s32 $0xFFFFF086  }
0x25: {  	[simem:s6], [sflag:s4] =	dma.local [hbm:s3], $0xF7A  }
0x26: {  	[smem:$0x3FA0] =	sst s1;
	(tag) =	ssettag s2;
	_ =	strace s9  }
0x27: {  	s1 =	sld [smem:$0x3FB0]  }
0x28: {  	s2 =	sld [smem:$0x3FB1]  }
0x29: {  	s4 =	sld [smem:$0x3FB3]  }
0x2a: {  	p0 =	seq.s32 s5, $0x0;
	s5 =	sld [smem:$0x3FB4]  }
0x2b: {  	s6 =	sld [smem:$0x3FB5]  }
0x2c: {  	s7 =	sld [smem:$0x3FB6]  }
0x2d: {  	s3 =	simm.s32 $0x108;
	s8 =	sld [smem:$0x3FB7]  }
0x2e: {  	s3 =	simm.s32 @!p0 $0x1082;
	s9 =	sld [smem:$0x3FB8]  }
0x2f: {  	lr =	sadd.s32 s0, s3;
	s0 =	sld [smem:$0x3FAF]  }
0x30: {  	s3 =	sld [smem:$0x3FB2]  }
0x31: {  	[smem:$0x3FBB] =	sst s10  }
0x32: {  	s10 =	sld [smem:$0x3FB9];
	_ =	sdelay $0x3  }
0x33: {  	p0 =	seq.s32 s10, $0x1;
	s10 =	sld [smem:$0x3FBB];
	_ =	sdelay $0x3  }
0x34: {  	[smem:$0x3FBB] =	sst s10  }
0x35: {  	s10 =	sld [smem:$0x3FBA];
	_ =	sdelay $0x3  }
0x36: {  	p1 =	seq.s32 s10, $0x1;
	s10 =	sld [smem:$0x3FBB];
	_ =	sdelay $0x3  }
0x37: {  	[smem:$0x3FBB] =	sst s10  }
0x38: {  	s10 =	sld [smem:$0x3FBC]  }
0x39: {  	_ = 	snop;
	(pc) =	sbr.ind lr, $3  }
0x3a: {  	_ = 	snop  }
0x3b: {  	_ = 	snop  }
0x3c: {  	p2 =	seq.s32 s10, $0x1;
	s10 =	sld [smem:$0x3FBB]  }
0x3d: {  	_ =	shalt  }
0x3e: {  	_ =	shalt  }
0x3f: {  	_ =	shalt  }
0x40: {  	_ =	shalt  }
0x41: {  	_ =	shalt  }
0x42: {  	_ =	shalt  }
0x43: {  	_ =	shalt  }
0x44: {  	_ =	shalt  }
0x45: {  	_ =	shalt  }
0x46: {  	_ =	shalt  }
0x47: {  	_ =	shalt  }
0x48: {  	_ =	shalt  }
0x49: {  	_ =	shalt  }
0x4a: {  	_ =	shalt  }
0x4b: {  	_ =	shalt  }
0x4c: {  	_ =	shalt  }
0x4d: {  	_ =	shalt  }
0x4e: {  	_ =	shalt  }
0x4f: {  	_ =	shalt  }
0x50: {  	_ =	shalt  }
0x51: {  	_ =	shalt  }
0x52: {  	_ =	shalt  }
0x53: {  	_ =	shalt  }
0x54: {  	_ =	shalt  }
0x55: {  	_ =	shalt  }
0x56: {  	_ =	shalt  }
0x57: {  	_ =	shalt  }
0x58: {  	_ =	shalt  }
0x59: {  	_ =	shalt  }
0x5a: {  	_ =	shalt  }
0x5b: {  	_ =	shalt  }
0x5c: {  	_ =	shalt  }
0x5d: {  	_ =	shalt  }
0x5e: {  	_ =	shalt  }
0x5f: {  	_ =	shalt  }
0x60: {  	_ =	shalt  }
0x61: {  	_ =	shalt  }
0x62: {  	_ =	shalt  }
0x63: {  	_ =	shalt  }
0x64: {  	_ =	shalt  }
0x65: {  	_ =	shalt  }
0x66: {  	_ =	shalt  }
0x67: {  	_ =	shalt  }
0x68: {  	_ =	shalt  }
0x69: {  	_ =	shalt  }
0x6a: {  	_ =	shalt  }
0x6b: {  	_ =	shalt  }
0x6c: {  	_ =	shalt  }
0x6d: {  	_ =	shalt  }
0x6e: {  	_ =	shalt  }
0x6f: {  	_ =	shalt  }
0x70: {  	_ =	shalt  }
0x71: {  	_ =	shalt  }
0x72: {  	_ =	shalt  }
0x73: {  	_ =	shalt  }
0x74: {  	_ =	shalt  }
0x75: {  	_ =	shalt  }
0x76: {  	_ =	shalt  }
0x77: {  	_ =	shalt  }
0x78: {  	_ =	shalt  }
0x79: {  	_ =	shalt  }
0x7a: {  	_ =	shalt  }
0x7b: {  	_ =	shalt  }
0x7c: {  	_ =	shalt  }
0x7d: {  	_ =	shalt  }
0x7e: {  	_ =	shalt  }
0x7f: {  	_ =	shalt  }
0x80: {  	_ =	shalt  }
0x81: {  	_ =	shalt  }
0x82: {  	_ =	shalt  }
0x83: {  	_ =	shalt  }
0x84: {  	_ =	shalt  }
0x85: {  	_ =	shalt  }
0x86: {  	_ =	shalt  }
0x87: {  	_ =	shalt  }
.Lfunc_end0:
.L_simem_size_0:
called_computation_lowered:
.L_overlay_start_0:
0x88: {  	s2 =	sld [smem:$0x3FD9]  }
0x89: {  	s3 =	sld [smem:$0x3FFE];
	_ =	sdelay $0x1  }
0x8a: {  	s1 =	srdreg.scid  }
0x8b: {  	s0 =	sand.u32 $0x1, s1  }
0x8c: {  	s18 =	sshll.u32 s0, $0xA;
	s2 =	sadd.s32 s3, s2  }
0x8d: {  	s2 =	sadd.s32 s2, s18  }
0x8e: {  	[smem:$0x3FC7] =	sst s2  }
0x8f: {  	_ = 	snop  }
0x90: {  	s2 =	sld [smem:$0x3FC9]  }
0x91: {  	s19 =	sld [smem:$0x3FD0];
	(tm) =	ssettm $0x1  }
0x92: {  	s4 =	sld [smem:$0x3FFB];
	_ =	sdelay $0x3  }
0x93: {  	_ =	strace s4  }
0x94: {  	s4 =	sld [smem:$0x3FFC];
	_ =	sdelay $0x3  }
0x95: {  	_ =	strace s4  }
0x96: {  	s4 =	sld [smem:$0x3FFD];
	_ =	sdelay $0x3  }
0x97: {  	_ =	strace s4  }
0x98: {  	_ =	strace $0x8FFFFFFF  }
0x99: {  	s20 =	sld [smem:$0x3FDB];
	_ =	sdelay $0x1  }
0x9a: {  	s5 =	simm.s32 $_scs_section_size  }
0x9b: {  	s6 =	simm.s32 $_size__tile_overlayer_lowered;
	s7 =	simm.s32 $_tile_overlayer_lowered  }
0x9c: {  	s23 =	simm.s32 $0x1BFF;
	s22 =	sshll.u32 s7, $0x1;
	s4 =	sadd.s32 s5, s20  }
0x9d: {  	s8 =	simm.s32 $0x0;
	s21 =	sshll.u32 s6, $0x1;
	s6 =	sadd.s32 s22, s4  }
0x9e: {  	[timem:s8], [sflag:s23] =	dma.local [hbm:s6], s21  }
0x9f: {  	_ =	swait.ge [sflag:s23], s21  }
0xa0: {  	s5 =	ssub.s32 $0x0, s21;
	[sflag:s23] =	ssyncset.done $0x0  }
0xa1: {  	[sflag:s23] =	ssyncadd.s32 s5;
	_ =	sdelay $0x1  }
0xa2: {  	s24 =	simm.s32 $0x1B8B  }
0xa3: {  	_ =	swait.ge [sflag:s24], $0x1  }
0xa4: {  	[sflag:s24] =	ssyncset.done $0x0  }
0xa5: {  	s25 =	simm.s32 $0x1B8E;
	[sflag:s24] =	ssyncadd.s32 $0xFFFFFFFF  }
0xa6: {  	s26 =	simm.s32 $execute0_lowered;
	[smem:$0x3FD2] =	sst s25  }
0xa7: {  	s5 =	sshll.u32 s26, $0x1;
	_ =	strace $0x80000046;
	[dreg:$0x1] =	wrdreg $0xFFFFFFFF  }
0xa8: {  	s28 =	simm.s32 $_size_execute0_lowered;
	s4 =	sadd.s32 s4, s5;
	[dreg:$0x0] =	wrdreg $0x0  }
0xa9: {  	s5 =	sshll.u32 s28, $0x1;
	[dreg:$0x2] =	wrdreg s4  }
0xaa: {  	[dreg:$0x3] =	wrdreg s5  }
0xab: {  	[dreg:$0x4] =	wrdreg $0xC0  }
0xac: {  	_ =	task [dreg:s8], $0x5FFFF  }
0xad: {  	[dreg:$0x1] =	wrdreg $0xFFFFFFFF  }
0xae: {  	[dreg:$0x0] =	wrdreg $0x60  }
0xaf: {  	[dreg:$0x2] =	wrdreg s2  }
0xb0: {  	[dreg:$0x3] =	wrdreg s19  }
0xb1: {  	[dreg:$0x4] =	wrdreg $0x9  }
0xb2: {  	_ =	task.clear_ibuf [dreg:s8], $0x5FFFF;
	_ =	strace $0x90000046  }
0xb3: {  	s29 =	simm.s32 $0x9;
	_ =	strace $0x80000048  }
0xb4: {  	_ =	swait.ge [sflag:s29], $0x1  }
0xb5: {  	[sflag:s29] =	ssyncadd.s32 $0xFFFFFFFF  }
0xb6: {  	_ =	strace $0x90000048  }
0xb7: {  	_ =	sfence  }
0xb8: {  	s30 =	sld [smem:$0x0];
	_ =	sdelay $0x2  }
0xb9: {  	s31 =	sshll.u32 s1, $0xD;
	s1 =	sshrl.u32 s1, $0x2  }
0xba: {  	s3 =	sand.u32 $0x4000, s31;
	s1 =	sadd.s32 s1, s30  }
0xbb: {  	s0 =	sor.u32 s3, s0;
	s1 =	sshll.u32 s1, $0x11  }
0xbc: {  	s0 =	sor.u32 s1, s0  }
0xbd: {  	s0 =	sadd.s32 $0x8F2B, s0  }
0xbe: {  	[sflag:s0] =	ssyncadd.remote.s32 $0x1  }
0xbf: {  	_ =	sfence.sel $0xFFFF  }
0xc0: {  	[dreg:$0x0] =	wrdreg $0xFFFFFFFF;
	(pc) =	sbr.abs _section_cstart, $3  }
0xc1: {  	[dreg:$0x1] =	wrdreg $0xFFFFFFFF  }
0xc2: {  	_ =	task.clear_ibuf [dreg:s8], $0x2FFFF;
	_ =	strace $0x9FFFFFFF  }
0xc3: {  	(tm) =	ssettm $0x7FFFFFFF  }
tec
execute0_lowered:
.L_overlay_start_1:
0x0: {  	(tag) =	ssettag $0x1  }
0x1: {  	s15 =	rddreg [dreg:$0x0]  }
0x2: {  	s0 =	rddreg [dreg:$0x1];
	s1 =	srdreg.scid  }
0x3: {  	s2 =	simm.s32 $0x0;
	s5 =	stileid.u32;
	s1 =	sand.u32 $0x1, s1  }
0x4: {  	[smem:$0x7FF] =	sst s2;
	s5 =	sshll.u32 s5, $0x1;
	s3 =	ssub.s32 $0x2, s1  }
0x5: {  	_ =	strace $0x80000047;
	s1 =	sor.u32 s1, s5;
	s4 =	sshrl.u32 s3, $0x1  }
0x6: {  	s22 =	sshll.u32 s1, $0x7;
	s23 =	sshll.u32 s1, $0x8;
	s5 =	sshll.u32 s1, $0x5  }
0x7: {  	s20 =	ssub.s32 s3, s4;
	s5 =	sadd.s32 s5, s15;
	s8 =	sadd.s32 s0, s22  }
0x8: {  	s4 =	sadd.s32 s23, s0;
	[dreg:$0x3] =	wrdreg s8;
	s5 =	sadd.s32 $0x800, s5  }
0x9: {  	s3 =	sadd.s32 s15, s22;
	s4 =	sadd.s32 $0x1000, s4;
	[dreg:$0x4] =	wrdreg s5  }
0xa: {  	s28 =	smul.u32 $0xF80, s1;
	s10 =	sadd.s32 $0x3628, s3;
	[dreg:$0x8] =	wrdreg s4  }
0xb: {  	s13 =	smul.u32 $0x7D0, s1;
	s11 =	sadd.s32 $0x4628, s3;
	[dreg:$0xe] =	wrdreg s10  }
0xc: {  	s6 =	sshrl.u32 s23, $0x3;
	s14 =	sadd.s32 $0x5628, s3;
	[dreg:$0xf] =	wrdreg s11  }
0xd: {  	s24 =	sadd.s32 s15, s6;
	s3 =	sadd.s32 $0x6628, s3;
	[dreg:$0x10] =	wrdreg s14  }
0xe: {  	s8 =	sshrl.u32 s28, $0x3;
	s6 =	sadd.s32 $0xBE8, s24;
	[dreg:$0x11] =	wrdreg s3  }
0xf: {  	s19 =	sshrl.u32 s13, $0x3;
	s25 =	sadd.s32 $0xFD0, s24;
	[dreg:$0x5] =	wrdreg s6  }
0x10: {  	s5 =	sadd.s32 $0x13B8, s24;
	s4 =	sadd.s32 s0, s8;
	[dreg:$0x6] =	wrdreg s25  }
0x11: {  	s3 =	sadd.s32 s15, s19;
	[dreg:$0x7] =	wrdreg s5;
	s4 =	sadd.s32 $0x3000, s4  }
0x12: {  	s7 =	smul.u32 $0x1F0, s1;
	s23 =	sadd.s32 $0x7628, s3;
	[dreg:$0xd] =	wrdreg s4  }
0x13: {  	s17 =	smul.u32 $0x3E80, s1;
	s24 =	sadd.s32 $0x9568, s3;
	[dreg:$0x13] =	wrdreg s23  }
0x14: {  	s26 =	sshrl.u32 s7, $0x3;
	s25 =	sadd.s32 $0xB4A8, s3;
	[dreg:$0x14] =	wrdreg s24  }
0x15: {  	s6 =	sadd.s32 s15, s26;
	s3 =	sadd.s32 $0xD3E8, s3;
	[dreg:$0x15] =	wrdreg s25  }
0x16: {  	s22 =	smul.u32 $0xF50, s1;
	s29 =	sadd.s32 $0x17A0, s6;
	[dreg:$0x16] =	wrdreg s3  }
0x17: {  	s21 =	sshrl.u32 s17, $0x3;
	s31 =	sadd.s32 $0x1F42, s6;
	[dreg:$0x9] =	wrdreg s29  }
0x18: {  	s26 =	sshrl.u32 s22, $0x3;
	s5 =	sadd.s32 $0x26E4, s6;
	[dreg:$0xa] =	wrdreg s31  }
0x19: {  	s9 =	sadd.s32 $0x2E86, s6;
	s4 =	sshll.u32 s1, $0xD;
	[dreg:$0xb] =	wrdreg s5  }
0x1a: {  	s6 =	sadd.s32 s0, s21;
	[dreg:$0xc] =	wrdreg s9;
	s12 =	sshrl.u32 s4, $0x3  }
0x1b: {  	s9 =	smul.u32 $0x7A80, s1;
	s28 =	sadd.s32 $0xEE00, s6;
	s29 =	sadd.s32 s15, s26  }
0x1c: {  	s16 =	sadd.s32 s0, s12;
	[dreg:$0x17] =	wrdreg s28;
	s31 =	sadd.s32 $0xF328, s29  }
0x1d: {  	s3 =	sadd.s32 $0x16D3A, s29;
	[dreg:$0x18] =	wrdreg s31;
	s8 =	sshrl.u32 s9, $0x3  }
0x1e: {  	s18 =	sadd.s32 $0x6E00, s16;
	[dreg:$0x19] =	wrdreg s3;
	s3 =	sadd.s32 s0, s8  }
0x1f: {  	[dreg:$0x12] =	wrdreg s18;
	s8 =	sadd.s32 s15, s12;
	s3 =	sadd.s32 $0x1E800, s3  }
0x20: {  	s9 =	sadd.s32 $0x1E74C, s8;
	[dreg:$0x1a] =	wrdreg s3  }
0x21: {  	s10 =	sadd.s32 $0x2674C, s8;
	[dreg:$0x1b] =	wrdreg s9  }
0x22: {  	s11 =	sadd.s32 $0x2E74C, s8;
	[dreg:$0x1c] =	wrdreg s10  }
0x23: {  	s12 =	sadd.s32 $0x3674C, s8;
	[dreg:$0x1d] =	wrdreg s11  }
0x24: {  	s14 =	sadd.s32 $0x3E74C, s8;
	[dreg:$0x1e] =	wrdreg s12  }
0x25: {  	s16 =	sadd.s32 $0x4674C, s8;
	[dreg:$0x1f] =	wrdreg s14  }
0x26: {  	s17 =	sadd.s32 $0x4E74C, s8;
	[smem:$0x7DF] =	sst s16  }
0x27: {  	s18 =	sadd.s32 $0x5674C, s8;
	[smem:$0x7E0] =	sst s17  }
0x28: {  	s19 =	sadd.s32 $0x5E74C, s8;
	[smem:$0x7E1] =	sst s18  }
0x29: {  	s13 =	sadd.s32 $0xD5218, s22;
	s21 =	sadd.s32 $0x6674C, s8;
	[smem:$0x7E2] =	sst s19  }
0x2a: {  	s5 =	sadd.s32 $0x98188, s22;
	s22 =	sadd.s32 $0x6E74C, s8;
	[smem:$0x7E3] =	sst s21  }
0x2b: {  	s23 =	sadd.s32 $0x7674C, s8;
	[smem:$0x7E4] =	sst s22  }
0x2c: {  	s24 =	sadd.s32 $0x7E74C, s8;
	[smem:$0x7E5] =	sst s23  }
0x2d: {  	s25 =	sadd.s32 $0x8674C, s8;
	[smem:$0x7E6] =	sst s24  }
0x2e: {  	s26 =	sadd.s32 $0x8E74C, s8;
	[smem:$0x7E7] =	sst s25  }
0x2f: {  	s28 =	sadd.s32 $0x9674C, s8;
	[smem:$0x7E8] =	sst s26  }
0x30: {  	s29 =	sadd.s32 $0x9E74C, s8;
	[smem:$0x7E9] =	sst s28  }
0x31: {  	s31 =	sadd.s32 $0xA674C, s8;
	[smem:$0x7EA] =	sst s29  }
0x32: {  	s6 =	sadd.s32 $0xAE74C, s8;
	[smem:$0x7EB] =	sst s31  }
0x33: {  	s7 =	sadd.s32 $0xB674C, s8;
	[smem:$0x7EC] =	sst s6  }
0x34: {  	[smem:$0x7ED] =	sst s7;
	s9 =	sadd.s32 $0xBE74C, s8  }
0x35: {  	s10 =	sadd.s32 $0xC674C, s8;
	[smem:$0x7EE] =	sst s9  }
0x36: {  	s11 =	sadd.s32 $0xCE74C, s8;
	[smem:$0x7EF] =	sst s10  }
0x37: {  	s12 =	sadd.s32 $0xD674C, s8;
	[smem:$0x7F0] =	sst s11  }
0x38: {  	s14 =	sadd.s32 $0xDE74C, s8;
	s19 =	sadd.s32 $0x10674C, s8;
	[smem:$0x7F1] =	sst s12  }
0x39: {  	s16 =	sadd.s32 $0xE674C, s8;
	s21 =	sadd.s32 $0x10E74C, s8;
	[smem:$0x7F2] =	sst s14  }
0x3a: {  	s17 =	sadd.s32 $0xEE74C, s8;
	s22 =	sadd.s32 $0x11674C, s8;
	[smem:$0x7F3] =	sst s16  }
0x3b: {  	s18 =	sadd.s32 $0xF674C, s8;
	s23 =	sadd.s32 $0x11E74C, s8;
	[smem:$0x7F4] =	sst s17  }
0x3c: {  	s24 =	sadd.s32 $0x12674C, s8;
	[smem:$0x7F5] =	sst s18  }
0x3d: {  	s20 =	smax.u32 s20, $0x1;
	s25 =	sadd.s32 $0x12E74C, s8;
	[smem:$0x7F6] =	sst s19  }
0x3e: {  	s1 =	sshll.u32 s1, $0x4;
	s28 =	sadd.s32 $0x13674C, s8;
	[smem:$0x7F7] =	sst s21  }
0x3f: {  	s30 =	sadd.s32 s15, s1;
	s29 =	sadd.s32 $0x13E74C, s8;
	[smem:$0x7F8] =	sst s22  }
0x40: {  	s26 =	sshrl.u32 s5, $0x3;
	s5 =	sadd.s32 $0x14674C, s8;
	[smem:$0x7F9] =	sst s23  }
0x41: {  	s0 =	sadd.s32 s0, s4;
	s6 =	sadd.s32 $0x14E74C, s8;
	[smem:$0x7FA] =	sst s24  }
0x42: {  	s7 =	sadd.s32 $0xFE74C, s8;
	s8 =	sadd.s32 $0x15674C, s8;
	[smem:$0x7FB] =	sst s25  }
0x43: {  	s31 =	sshrl.u32 s13, $0x3;
	s13 =	sadd.s32 $0x13D200, s0;
	[smem:$0x7FC] =	sst s28  }
0x44: {  	[smem:$0x7FD] =	sst s29;
	s9 =	sadd.s32 $0x3D200, s0;
	s10 =	sadd.s32 $0x7D200, s0  }
0x45: {  	s11 =	sadd.s32 $0xBD200, s0;
	s12 =	sadd.s32 $0xFD200, s0;
	s14 =	sadd.s32 $0x17D200, s0  }
0x46: {  	v0 =	vlaneseq.u32;
	s4 =	sadd.s32 s15, s26;
	s16 =	sadd.s32 $0x1BD200, s0;
	s17 =	sadd.s32 $0x1FD200, s0  }
0x47: {  	v0 =	vmul.u32 $0x8, v0;
	s15 =	sadd.s32 s15, s31;
	s18 =	sadd.s32 $0x23D200, s0;
	s19 =	sadd.s32 $0x27D200, s0  }
0x48: {  	s21 =	sadd.s32 $0x200, s30;
	s22 =	sadd.s32 $0x400, s30;
	s23 =	sadd.s32 $0x600, s30  }
0x49: {  	v1 =	vor.u32 $0x1, v0;
	v2 =	vor.u32 $0x2, v0;
	v3 =	vor.u32 $0x3, v0;
	s24 =	simm.s32 $0x1;
	s25 =	simm.s32 $0x8000;
	s26 =	simm.s32 $0x0  }
.LBB2_1:
0x4a: {  	[tilespmem:s2], [sflag:$0x1] =	stream.linear.gather [hbm4b:s30+s2], $0x80, $0x38;
	[tilespmem:$0x18000] =	vst v63  }
0x4b: {  	_ =	swait.ge [sflag:s24], $0x80  }
0x4c: {  	[sflag:s24] =	ssyncset.done $0x0  }
0x4d: {  	s28 =	simm.s32 $0x2000;
	[sflag:s24] =	ssyncadd.s32 $0xFFFFFF80  }
0x4e: {  	[tilespmem:s28], [sflag:$0x1] =	stream.linear.gather [hbm4b:s21+s2], $0x80, $0x38;
	[tilespmem:$0x18000] =	vst v63  }
0x4f: {  	_ =	swait.ge [sflag:s24], $0x80  }
0x50: {  	[sflag:s24] =	ssyncset.done $0x0  }
0x51: {  	s29 =	simm.s32 $0x4000;
	[sflag:s24] =	ssyncadd.s32 $0xFFFFFF80  }
0x52: {  	[tilespmem:s29], [sflag:$0x1] =	stream.linear.gather [hbm4b:s22+s2], $0x80, $0x38;
	[tilespmem:$0x18000] =	vst v63  }
0x53: {  	_ =	swait.ge [sflag:s24], $0x80  }
0x54: {  	[sflag:s24] =	ssyncset.done $0x0  }
0x55: {  	s31 =	simm.s32 $0x6000;
	[sflag:s24] =	ssyncadd.s32 $0xFFFFFF80  }
0x56: {  	[tilespmem:s31], [sflag:$0x1] =	stream.linear.gather [hbm4b:s23+s2], $0x80, $0x38;
	[tilespmem:$0x18000] =	vst v63  }
0x57: {  	_ =	swait.ge [sflag:s24], $0x80  }
0x58: {  	[sflag:s24] =	ssyncset.done $0x0  }
0x59: {  	[sflag:s24] =	ssyncadd.s32 $0xFFFFFF80  }
0x5a: {  	v5 =	vor.u32 s2, v0;
	v4 =	vld [tilespmem:s2+$0x0];
	_ =	sdelay $0x4  }
0x5b: {  	[tilespmem:v5+s25+$0x0] =	vst.idx.msk $0xffff, v4  }
0x5c: {  	v5 =	vor.u32 s2, v1;
	v4 =	vld [tilespmem:s28+$0x0];
	_ =	sdelay $0x4  }
0x5d: {  	[tilespmem:v5+s25+$0x0] =	vst.idx.msk $0xffff, v4  }
0x5e: {  	v5 =	vor.u32 s2, v2;
	v4 =	vld [tilespmem:s29+$0x0];
	_ =	sdelay $0x4  }
0x5f: {  	[tilespmem:v5+s25+$0x0] =	vst.idx.msk $0xffff, v4  }
0x60: {  	v5 =	vor.u32 s2, v3;
	v4 =	vld [tilespmem:s31+$0x0];
	_ =	sdelay $0x4  }
0x61: {  	s0 =	simm.s32 $0x80;
	s1 =	simm.s32 $0x10;
	[tilespmem:v5+s25+$0x0] =	vst.idx.msk $0xffff, v4  }
0x62: {  	s3 =	simm.s32 $0x100;
	v5 =	vor.u32 s0, v0;
	v4 =	vld [tilespmem:s1+$0x0]  }
.LBB2_2:
0x63: {  	p0 =	sne.s32 s3, $0x380;
	_ =	sdelay $0x3  }
0x64: {  	s28 =	sadd.s32 $0x10, s28;
	[tilespmem:v5+s25+$0x0] =	vst.idx.msk $0xffff, v4  }
0x65: {  	v5 =	vor.u32 s0, v1;
	v4 =	vld [tilespmem:s28+$0x0];
	_ =	sdelay $0x4  }
0x66: {  	s29 =	sadd.s32 $0x10, s29;
	[tilespmem:v5+s25+$0x0] =	vst.idx.msk $0xffff, v4  }
0x67: {  	v5 =	vor.u32 s0, v2;
	v4 =	vld [tilespmem:s29+$0x0];
	_ =	sdelay $0x4  }
0x68: {  	s31 =	sadd.s32 $0x10, s31;
	[tilespmem:v5+s25+$0x0] =	vst.idx.msk $0xffff, v4  }
0x69: {  	v5 =	vor.u32 s0, v3;
	s0 =	smov.u32 s3;
	v4 =	vld [tilespmem:s31+$0x0];
	_ =	sdelay $0x1  }
.Ltmp0:
0x6a: {  	(pc) =	sbr.rel @p0 .LBB2_2-.Ltmp0, $3  }
0x6b: {  	_ =	sdelay $0x1  }
0x6c: {  	s1 =	sadd.s32 $0x10, s1;
	[tilespmem:v5+s25+$0x0] =	vst.idx.msk $0xffff, v4  }
0x6d: {  	s3 =	sadd.s32 $0x80, s3;
	v5 =	vor.u32 s0, v0;
	v4 =	vld [tilespmem:s1+$0x0]  }
0x6e: {  	_ =	sdelay $0x3  }
0x6f: {  	s1 =	sadd.s32 $0x10, s28;
	[tilespmem:v5+s25+$0x0] =	vst.idx.msk $0xffff, v4  }
0x70: {  	v5 =	vor.u32 s0, v1;
	v4 =	vld [tilespmem:s1+$0x0];
	_ =	sdelay $0x4  }
0x71: {  	s3 =	sadd.s32 $0x10, s29;
	[tilespmem:v5+s25+$0x0] =	vst.idx.msk $0xffff, v4  }
0x72: {  	v5 =	vor.u32 s0, v2;
	v4 =	vld [tilespmem:s3+$0x0];
	_ =	sdelay $0x4  }
0x73: {  	s3 =	sadd.s32 $0x10, s31;
	[tilespmem:v5+s25+$0x0] =	vst.idx.msk $0xffff, v4  }
0x74: {  	v5 =	vor.u32 s0, v3;
	v4 =	vld [tilespmem:s3+$0x0];
	_ =	sdelay $0x4  }
0x75: {  	s0 =	simm.s32 $0x0;
	s3 =	rddreg [dreg:$0x3];
	[tilespmem:v5+s25+$0x0] =	vst.idx.msk $0xffff, v4  }
0x76: {  	[hbm4b:s3+s0] =	stream.linear.scatter [tilespmem:s25], [sflag:$0x1], $0x400, $0x38;
	[tilespmem:$0x18000] =	vst v63  }
0x77: {  	_ =	swait.ge [sflag:s24], $0x400  }
0x78: {  	[sflag:s24] =	ssyncset.done $0x0  }
0x79: {  	s3 =	rddreg [dreg:$0x4];
	[sflag:s24] =	ssyncadd.s32 $0xFFFFFC00  }
0x7a: {  	[tilespmem:s0], [sflag:$0x1] =	stream.linear.gather [hbm4b:s3+s0], $0x100, $0x38;
	[tilespmem:$0x18000] =	vst v63  }
0x7b: {  	_ =	swait.ge [sflag:s24], $0x100  }
0x7c: {  	[sflag:s24] =	ssyncset.done $0x0  }
0x7d: {  	s28 =	simm.s32 $0x2000;
	s3 =	rddreg [dreg:$0x5];
	[sflag:s24] =	ssyncadd.s32 $0xFFFFFF00  }
0x7e: {  	[tilespmem:s28], [sflag:$0x1] =	stream.linear.gather [hbm4b:s3+s0], $0x100, $0x38;
	[tilespmem:$0x18000] =	vst v63  }
0x7f: {  	_ =	swait.ge [sflag:s24], $0x100  }
0x80: {  	[sflag:s24] =	ssyncset.done $0x0  }
0x81: {  	s29 =	simm.s32 $0x4000;
	s3 =	rddreg [dreg:$0x6];
	[sflag:s24] =	ssyncadd.s32 $0xFFFFFF00  }
0x82: {  	[tilespmem:s29], [sflag:$0x1] =	stream.linear.gather [hbm4b:s3+s0], $0x100, $0x38;
	[tilespmem:$0x18000] =	vst v63  }
0x83: {  	_ =	swait.ge [sflag:s24], $0x100  }
0x84: {  	[sflag:s24] =	ssyncset.done $0x0  }
0x85: {  	s31 =	simm.s32 $0x6000;
	s3 =	rddreg [dreg:$0x7];
	[sflag:s24] =	ssyncadd.s32 $0xFFFFFF00  }
0x86: {  	[tilespmem:s31], [sflag:$0x1] =	stream.linear.gather [hbm4b:s3+s0], $0x100, $0x38;
	[tilespmem:$0x18000] =	vst v63  }
0x87: {  	_ =	swait.ge [sflag:s24], $0x100  }
0x88: {  	[sflag:s24] =	ssyncset.done $0x0  }
0x89: {  	[sflag:s24] =	ssyncadd.s32 $0xFFFFFF00  }
0x8a: {  	v5 =	vor.u32 s0, v0;
	v4 =	vld [tilespmem:s0+$0x0];
	_ =	sdelay $0x4  }
0x8b: {  	[tilespmem:v5+s25+$0x0] =	vst.idx.msk $0xffff, v4  }
0x8c: {  	v5 =	vor.u32 s0, v1;
	v4 =	vld [tilespmem:s28+$0x0];
	_ =	sdelay $0x4  }
0x8d: {  	[tilespmem:v5+s25+$0x0] =	vst.idx.msk $0xffff, v4  }
0x8e: {  	v5 =	vor.u32 s0, v2;
	v4 =	vld [tilespmem:s29+$0x0];
	_ =	sdelay $0x4  }
0x8f: {  	[tilespmem:v5+s25+$0x0] =	vst.idx.msk $0xffff, v4  }
0x90: {  	v5 =	vor.u32 s0, v3;
	v4 =	vld [tilespmem:s31+$0x0];
	_ =	sdelay $0x4  }
0x91: {  	s1 =	simm.s32 $0x10;
	s0 =	simm.s32 $0x80;
	[tilespmem:v5+s25+$0x0] =	vst.idx.msk $0xffff, v4  }
0x92: {  	s3 =	simm.s32 $0x100;
	v5 =	vor.u32 s0, v0;
	v4 =	vld [tilespmem:s1+$0x0]  }
.LBB2_4:
0x93: {  	p0 =	sne.s32 s3, $0x780;
	_ =	sdelay $0x3  }
0x94: {  	s28 =	sadd.s32 $0x10, s28;
	[tilespmem:v5+s25+$0x0] =	vst.idx.msk $0xffff, v4  }
0x95: {  	v5 =	vor.u32 s0, v1;
	v4 =	vld [tilespmem:s28+$0x0];
	_ =	sdelay $0x4  }
0x96: {  	s29 =	sadd.s32 $0x10, s29;
	[tilespmem:v5+s25+$0x0] =	vst.idx.msk $0xffff, v4  }
0x97: {  	v5 =	vor.u32 s0, v2;
	v4 =	vld [tilespmem:s29+$0x0];
	_ =	sdelay $0x4  }
0x98: {  	s31 =	sadd.s32 $0x10, s31;
	[tilespmem:v5+s25+$0x0] =	vst.idx.msk $0xffff, v4  }
0x99: {  	v5 =	vor.u32 s0, v3;
	s0 =	smov.u32 s3;
	v4 =	vld [tilespmem:s31+$0x0];
	_ =	sdelay $0x1  }
.Ltmp1:
0x9a: {  	(pc) =	sbr.rel @p0 .LBB2_4-.Ltmp1, $3  }
0x9b: {  	_ =	sdelay $0x1  }
0x9c: {  	s1 =	sadd.s32 $0x10, s1;
	[tilespmem:v5+s25+$0x0] =	vst.idx.msk $0xffff, v4  }
0x9d: {  	s3 =	sadd.s32 $0x80, s3;
	v5 =	vor.u32 s0, v0;
	v4 =	vld [tilespmem:s1+$0x0]  }
0x9e: {  	_ =	sdelay $0x3  }
0x9f: {  	s1 =	sadd.s32 $0x10, s28;
	[tilespmem:v5+s25+$0x0] =	vst.idx.msk $0xffff, v4  }
0xa0: {  	v5 =	vor.u32 s0, v1;
	v4 =	vld [tilespmem:s1+$0x0];
	_ =	sdelay $0x4  }
0xa1: {  	s3 =	sadd.s32 $0x10, s29;
	[tilespmem:v5+s25+$0x0] =	vst.idx.msk $0xffff, v4  }
0xa2: {  	v5 =	vor.u32 s0, v2;
	v4 =	vld [tilespmem:s3+$0x0];
	_ =	sdelay $0x4  }
0xa3: {  	s3 =	sadd.s32 $0x10, s31;
	[tilespmem:v5+s25+$0x0] =	vst.idx.msk $0xffff, v4  }
0xa4: {  	v5 =	vor.u32 s0, v3;
	v4 =	vld [tilespmem:s3+$0x0];
	_ =	sdelay $0x4  }
0xa5: {  	s0 =	simm.s32 $0x0;
	s3 =	rddreg [dreg:$0x8];
	[tilespmem:v5+s25+$0x0] =	vst.idx.msk $0xffff, v4  }
0xa6: {  	[hbm4b:s3+s0] =	stream.linear.scatter [tilespmem:s25], [sflag:$0x1], $0x800, $0x38;
	[tilespmem:$0x18000] =	vst v63  }
0xa7: {  	_ =	swait.ge [sflag:s24], $0x800  }
0xa8: {  	[sflag:s24] =	ssyncset.done $0x0  }
0xa9: {  	s3 =	rddreg [dreg:$0x9];
	[sflag:s24] =	ssyncadd.s32 $0xFFFFF800  }
0xaa: {  	[tilespmem:s0], [sflag:$0x1] =	stream.linear.gather [hbm4b:s3+s0], $0x1F0, $0x38;
	[tilespmem:$0x18000] =	vst v63  }
0xab: {  	_ =	swait.ge [sflag:s24], $0x1F0  }
0xac: {  	[sflag:s24] =	ssyncset.done $0x0  }
0xad: {  	s28 =	simm.s32 $0x2000;
	s3 =	rddreg [dreg:$0xa];
	[sflag:s24] =	ssyncadd.s32 $0xFFFFFE10  }
0xae: {  	[tilespmem:s28], [sflag:$0x1] =	stream.linear.gather [hbm4b:s3+s0], $0x1F0, $0x38;
	[tilespmem:$0x18000] =	vst v63  }
0xaf: {  	_ =	swait.ge [sflag:s24], $0x1F0  }
0xb0: {  	[sflag:s24] =	ssyncset.done $0x0  }
0xb1: {  	s29 =	simm.s32 $0x4000;
	s3 =	rddreg [dreg:$0xb];
	[sflag:s24] =	ssyncadd.s32 $0xFFFFFE10  }
0xb2: {  	[tilespmem:s29], [sflag:$0x1] =	stream.linear.gather [hbm4b:s3+s0], $0x1F0, $0x38;
	[tilespmem:$0x18000] =	vst v63  }
0xb3: {  	_ =	swait.ge [sflag:s24], $0x1F0  }
0xb4: {  	[sflag:s24] =	ssyncset.done $0x0  }
0xb5: {  	s31 =	simm.s32 $0x6000;
	s3 =	rddreg [dreg:$0xc];
	[sflag:s24] =	ssyncadd.s32 $0xFFFFFE10  }
0xb6: {  	[tilespmem:s31], [sflag:$0x1] =	stream.linear.gather [hbm4b:s3+s0], $0x1F0, $0x38;
	[tilespmem:$0x18000] =	vst v63  }
0xb7: {  	_ =	swait.ge [sflag:s24], $0x1F0  }
0xb8: {  	[sflag:s24] =	ssyncset.done $0x0  }
0xb9: {  	[sflag:s24] =	ssyncadd.s32 $0xFFFFFE10  }
0xba: {  	v5 =	vor.u32 s0, v0;
	v4 =	vld [tilespmem:s0+$0x0];
	_ =	sdelay $0x4  }
0xbb: {  	[tilespmem:v5+s25+$0x0] =	vst.idx.msk $0xffff, v4  }
0xbc: {  	v5 =	vor.u32 s0, v1;
	v4 =	vld [tilespmem:s28+$0x0];
	_ =	sdelay $0x4  }
0xbd: {  	[tilespmem:v5+s25+$0x0] =	vst.idx.msk $0xffff, v4  }
0xbe: {  	v5 =	vor.u32 s0, v2;
	v4 =	vld [tilespmem:s29+$0x0];
	_ =	sdelay $0x4  }
0xbf: {  	[tilespmem:v5+s25+$0x0] =	vst.idx.msk $0xffff, v4  }
0xc0: {  	v5 =	vor.u32 s0, v3;
	v4 =	vld [tilespmem:s31+$0x0];
	_ =	sdelay $0x4  }
0xc1: {  	s1 =	simm.s32 $0x10;
	s0 =	simm.s32 $0x80;
	[tilespmem:v5+s25+$0x0] =	vst.idx.msk $0xffff, v4  }
0xc2: {  	s3 =	simm.s32 $0x100;
	v5 =	vor.u32 s0, v0;
	v4 =	vld [tilespmem:s1+$0x0]  }
.LBB2_6:
0xc3: {  	p0 =	sne.s32 s3, $0xF00;
	_ =	sdelay $0x3  }
0xc4: {  	s28 =	sadd.s32 $0x10, s28;
	[tilespmem:v5+s25+$0x0] =	vst.idx.msk $0xffff, v4  }
0xc5: {  	v5 =	vor.u32 s0, v1;
	v4 =	vld [tilespmem:s28+$0x0];
	_ =	sdelay $0x4  }
0xc6: {  	s29 =	sadd.s32 $0x10, s29;
	[tilespmem:v5+s25+$0x0] =	vst.idx.msk $0xffff, v4  }
0xc7: {  	v5 =	vor.u32 s0, v2;
	v4 =	vld [tilespmem:s29+$0x0];
	_ =	sdelay $0x4  }
0xc8: {  	s31 =	sadd.s32 $0x10, s31;
	[tilespmem:v5+s25+$0x0] =	vst.idx.msk $0xffff, v4  }
0xc9: {  	v5 =	vor.u32 s0, v3;
	s0 =	smov.u32 s3;
	v4 =	vld [tilespmem:s31+$0x0];
	_ =	sdelay $0x1  }
.Ltmp2:
0xca: {  	(pc) =	sbr.rel @p0 .LBB2_6-.Ltmp2, $3  }
0xcb: {  	_ =	sdelay $0x1  }
0xcc: {  	s1 =	sadd.s32 $0x10, s1;
	[tilespmem:v5+s25+$0x0] =	vst.idx.msk $0xffff, v4  }
0xcd: {  	s3 =	sadd.s32 $0x80, s3;
	v5 =	vor.u32 s0, v0;
	v4 =	vld [tilespmem:s1+$0x0]  }
0xce: {  	_ =	sdelay $0x3  }
0xcf: {  	s1 =	sadd.s32 $0x10, s28;
	[tilespmem:v5+s25+$0x0] =	vst.idx.msk $0xffff, v4  }
0xd0: {  	v5 =	vor.u32 s0, v1;
	v4 =	vld [tilespmem:s1+$0x0];
	_ =	sdelay $0x4  }
0xd1: {  	s3 =	sadd.s32 $0x10, s29;
	[tilespmem:v5+s25+$0x0] =	vst.idx.msk $0xffff, v4  }
0xd2: {  	v5 =	vor.u32 s0, v2;
	v4 =	vld [tilespmem:s3+$0x0];
	_ =	sdelay $0x4  }
0xd3: {  	s3 =	sadd.s32 $0x10, s31;
	[tilespmem:v5+s25+$0x0] =	vst.idx.msk $0xffff, v4  }
0xd4: {  	v5 =	vor.u32 s0, v3;
	v4 =	vld [tilespmem:s3+$0x0];
	_ =	sdelay $0x4  }
0xd5: {  	s0 =	simm.s32 $0x0;
	s3 =	rddreg [dreg:$0xd];
	[tilespmem:v5+s25+$0x0] =	vst.idx.msk $0xffff, v4  }
0xd6: {  	[hbm4b:s3+s0] =	stream.linear.scatter [tilespmem:s25], [sflag:$0x1], $0xF80, $0x38;
	[tilespmem:$0x18000] =	vst v63  }
0xd7: {  	_ =	swait.ge [sflag:s24], $0xF80  }
0xd8: {  	[sflag:s24] =	ssyncset.done $0x0  }
0xd9: {  	s3 =	rddreg [dreg:$0xe];
	[sflag:s24] =	ssyncadd.s32 $0xFFFFF080  }
0xda: {  	[tilespmem:s0], [sflag:$0x1] =	stream.linear.gather [hbm4b:s3+s0], $0x400, $0x38;
	[tilespmem:$0x18000] =	vst v63  }
0xdb: {  	_ =	swait.ge [sflag:s24], $0x400  }
0xdc: {  	[sflag:s24] =	ssyncset.done $0x0  }
0xdd: {  	s28 =	simm.s32 $0x2000;
	s3 =	rddreg [dreg:$0xf];
	[sflag:s24] =	ssyncadd.s32 $0xFFFFFC00  }
0xde: {  	[tilespmem:s28], [sflag:$0x1] =	stream.linear.gather [hbm4b:s3+s0], $0x400, $0x38;
	[tilespmem:$0x18000] =	vst v63  }
0xdf: {  	_ =	swait.ge [sflag:s24], $0x400  }
0xe0: {  	[sflag:s24] =	ssyncset.done $0x0  }
0xe1: {  	s29 =	simm.s32 $0x4000;
	s3 =	rddreg [dreg:$0x10];
	[sflag:s24] =	ssyncadd.s32 $0xFFFFFC00  }
0xe2: {  	[tilespmem:s29], [sflag:$0x1] =	stream.linear.gather [hbm4b:s3+s0], $0x400, $0x38;
	[tilespmem:$0x18000] =	vst v63  }
0xe3: {  	_ =	swait.ge [sflag:s24], $0x400  }
0xe4: {  	[sflag:s24] =	ssyncset.done $0x0  }
0xe5: {  	s31 =	simm.s32 $0x6000;
	s3 =	rddreg [dreg:$0x11];
	[sflag:s24] =	ssyncadd.s32 $0xFFFFFC00  }
0xe6: {  	[tilespmem:s31], [sflag:$0x1] =	stream.linear.gather [hbm4b:s3+s0], $0x400, $0x38;
	[tilespmem:$0x18000] =	vst v63  }
0xe7: {  	_ =	swait.ge [sflag:s24], $0x400  }
0xe8: {  	[sflag:s24] =	ssyncset.done $0x0  }
0xe9: {  	[sflag:s24] =	ssyncadd.s32 $0xFFFFFC00  }
0xea: {  	v5 =	vor.u32 s0, v0;
	v4 =	vld [tilespmem:s0+$0x0];
	_ =	sdelay $0x4  }
0xeb: {  	[tilespmem:v5+s25+$0x0] =	vst.idx.msk $0xffff, v4  }
0xec: {  	v5 =	vor.u32 s0, v1;
	v4 =	vld [tilespmem:s28+$0x0];
	_ =	sdelay $0x4  }
0xed: {  	[tilespmem:v5+s25+$0x0] =	vst.idx.msk $0xffff, v4  }
0xee: {  	v5 =	vor.u32 s0, v2;
	v4 =	vld [tilespmem:s29+$0x0];
	_ =	sdelay $0x4  }
0xef: {  	[tilespmem:v5+s25+$0x0] =	vst.idx.msk $0xffff, v4  }
0xf0: {  	v5 =	vor.u32 s0, v3;
	v4 =	vld [tilespmem:s31+$0x0];
	_ =	sdelay $0x4  }
0xf1: {  	s1 =	simm.s32 $0x10;
	s0 =	simm.s32 $0x80;
	[tilespmem:v5+s25+$0x0] =	vst.idx.msk $0xffff, v4  }
0xf2: {  	s3 =	simm.s32 $0x100;
	v5 =	vor.u32 s0, v0;
	v4 =	vld [tilespmem:s1+$0x0]  }
.LBB2_8:
0xf3: {  	p0 =	sne.s32 s3, $0x1F80;
	_ =	sdelay $0x3  }
0xf4: {  	s28 =	sadd.s32 $0x10, s28;
	[tilespmem:v5+s25+$0x0] =	vst.idx.msk $0xffff, v4  }
0xf5: {  	v5 =	vor.u32 s0, v1;
	v4 =	vld [tilespmem:s28+$0x0];
	_ =	sdelay $0x4  }
0xf6: {  	s29 =	sadd.s32 $0x10, s29;
	[tilespmem:v5+s25+$0x0] =	vst.idx.msk $0xffff, v4  }
0xf7: {  	v5 =	vor.u32 s0, v2;
	v4 =	vld [tilespmem:s29+$0x0];
	_ =	sdelay $0x4  }
0xf8: {  	s31 =	sadd.s32 $0x10, s31;
	[tilespmem:v5+s25+$0x0] =	vst.idx.msk $0xffff, v4  }
0xf9: {  	v5 =	vor.u32 s0, v3;
	s0 =	smov.u32 s3;
	v4 =	vld [tilespmem:s31+$0x0];
	_ =	sdelay $0x1  }
.Ltmp3:
0xfa: {  	(pc) =	sbr.rel @p0 .LBB2_8-.Ltmp3, $3  }
0xfb: {  	_ =	sdelay $0x1  }
0xfc: {  	s1 =	sadd.s32 $0x10, s1;
	[tilespmem:v5+s25+$0x0] =	vst.idx.msk $0xffff, v4  }
0xfd: {  	s3 =	sadd.s32 $0x80, s3;
	v5 =	vor.u32 s0, v0;
	v4 =	vld [tilespmem:s1+$0x0]  }
0xfe: {  	_ =	sdelay $0x3  }
0xff: {  	s1 =	sadd.s32 $0x10, s28;
	[tilespmem:v5+s25+$0x0] =	vst.idx.msk $0xffff, v4  }
0x100: {  	v5 =	vor.u32 s0, v1;
	v4 =	vld [tilespmem:s1+$0x0];
	_ =	sdelay $0x4  }
0x101: {  	s3 =	sadd.s32 $0x10, s29;
	[tilespmem:v5+s25+$0x0] =	vst.idx.msk $0xffff, v4  }
0x102: {  	v5 =	vor.u32 s0, v2;
	v4 =	vld [tilespmem:s3+$0x0];
	_ =	sdelay $0x4  }
0x103: {  	s3 =	sadd.s32 $0x10, s31;
	[tilespmem:v5+s25+$0x0] =	vst.idx.msk $0xffff, v4  }
0x104: {  	v5 =	vor.u32 s0, v3;
	v4 =	vld [tilespmem:s3+$0x0];
	_ =	sdelay $0x4  }
0x105: {  	s0 =	simm.s32 $0x0;
	s3 =	rddreg [dreg:$0x12];
	[tilespmem:v5+s25+$0x0] =	vst.idx.msk $0xffff, v4  }
0x106: {  	[hbm4b:s3+s0] =	stream.linear.scatter [tilespmem:s25], [sflag:$0x1], $0x2000, $0x38;
	[tilespmem:$0x18000] =	vst v63  }
0x107: {  	_ =	swait.ge [sflag:s24], $0x2000  }
0x108: {  	[sflag:s24] =	ssyncset.done $0x0  }
0x109: {  	s3 =	rddreg [dreg:$0x13];
	[sflag:s24] =	ssyncadd.s32 $0xFFFFE000  }
0x10a: {  	[tilespmem:s0], [sflag:$0x1] =	stream.linear.gather [hbm4b:s3+s0], $0x7D0, $0x38;
	[tilespmem:$0x18000] =	vst v63  }
0x10b: {  	_ =	swait.ge [sflag:s24], $0x7D0  }
0x10c: {  	[sflag:s24] =	ssyncset.done $0x0  }
0x10d: {  	s28 =	simm.s32 $0x2000;
	s3 =	rddreg [dreg:$0x14];
	[sflag:s24] =	ssyncadd.s32 $0xFFFFF830  }
0x10e: {  	[tilespmem:s28], [sflag:$0x1] =	stream.linear.gather [hbm4b:s3+s0], $0x7D0, $0x38;
	[tilespmem:$0x18000] =	vst v63  }
0x10f: {  	_ =	swait.ge [sflag:s24], $0x7D0  }
0x110: {  	[sflag:s24] =	ssyncset.done $0x0  }
0x111: {  	s29 =	simm.s32 $0x4000;
	s3 =	rddreg [dreg:$0x15];
	[sflag:s24] =	ssyncadd.s32 $0xFFFFF830  }
0x112: {  	[tilespmem:s29], [sflag:$0x1] =	stream.linear.gather [hbm4b:s3+s0], $0x7D0, $0x38;
	[tilespmem:$0x18000] =	vst v63  }
0x113: {  	_ =	swait.ge [sflag:s24], $0x7D0  }
0x114: {  	[sflag:s24] =	ssyncset.done $0x0  }
0x115: {  	s31 =	simm.s32 $0x6000;
	s3 =	rddreg [dreg:$0x16];
	[sflag:s24] =	ssyncadd.s32 $0xFFFFF830  }
0x116: {  	[tilespmem:s31], [sflag:$0x1] =	stream.linear.gather [hbm4b:s3+s0], $0x7D0, $0x38;
	[tilespmem:$0x18000] =	vst v63  }
0x117: {  	_ =	swait.ge [sflag:s24], $0x7D0  }
0x118: {  	[sflag:s24] =	ssyncset.done $0x0  }
0x119: {  	[sflag:s24] =	ssyncadd.s32 $0xFFFFF830  }
0x11a: {  	v5 =	vor.u32 s0, v0;
	v4 =	vld [tilespmem:s0+$0x0];
	_ =	sdelay $0x4  }
0x11b: {  	[tilespmem:v5+s25+$0x0] =	vst.idx.msk $0xffff, v4  }
0x11c: {  	v5 =	vor.u32 s0, v1;
	v4 =	vld [tilespmem:s28+$0x0];
	_ =	sdelay $0x4  }
0x11d: {  	[tilespmem:v5+s25+$0x0] =	vst.idx.msk $0xffff, v4  }
0x11e: {  	v5 =	vor.u32 s0, v2;
	v4 =	vld [tilespmem:s29+$0x0];
	_ =	sdelay $0x4  }
0x11f: {  	[tilespmem:v5+s25+$0x0] =	vst.idx.msk $0xffff, v4  }
0x120: {  	v5 =	vor.u32 s0, v3;
	v4 =	vld [tilespmem:s31+$0x0];
	_ =	sdelay $0x4  }
0x121: {  	s1 =	simm.s32 $0x10;
	s0 =	simm.s32 $0x80;
	[tilespmem:v5+s25+$0x0] =	vst.idx.msk $0xffff, v4  }
0x122: {  	s3 =	simm.s32 $0x100;
	v5 =	vor.u32 s0, v0;
	v4 =	vld [tilespmem:s1+$0x0]  }
.LBB2_10:
0x123: {  	p0 =	sne.s32 s3, $0x3E00;
	_ =	sdelay $0x3  }
0x124: {  	s28 =	sadd.s32 $0x10, s28;
	[tilespmem:v5+s25+$0x0] =	vst.idx.msk $0xffff, v4  }
0x125: {  	v5 =	vor.u32 s0, v1;
	v4 =	vld [tilespmem:s28+$0x0];
	_ =	sdelay $0x4  }
0x126: {  	s29 =	sadd.s32 $0x10, s29;
	[tilespmem:v5+s25+$0x0] =	vst.idx.msk $0xffff, v4  }
0x127: {  	v5 =	vor.u32 s0, v2;
	v4 =	vld [tilespmem:s29+$0x0];
	_ =	sdelay $0x4  }
0x128: {  	s31 =	sadd.s32 $0x10, s31;
	[tilespmem:v5+s25+$0x0] =	vst.idx.msk $0xffff, v4  }
0x129: {  	v5 =	vor.u32 s0, v3;
	s0 =	smov.u32 s3;
	v4 =	vld [tilespmem:s31+$0x0];
	_ =	sdelay $0x1  }
.Ltmp4:
0x12a: {  	(pc) =	sbr.rel @p0 .LBB2_10-.Ltmp4, $3  }
0x12b: {  	_ =	sdelay $0x1  }
0x12c: {  	s1 =	sadd.s32 $0x10, s1;
	[tilespmem:v5+s25+$0x0] =	vst.idx.msk $0xffff, v4  }
0x12d: {  	s3 =	sadd.s32 $0x80, s3;
	v5 =	vor.u32 s0, v0;
	v4 =	vld [tilespmem:s1+$0x0]  }
0x12e: {  	_ =	sdelay $0x3  }
0x12f: {  	s1 =	sadd.s32 $0x10, s28;
	[tilespmem:v5+s25+$0x0] =	vst.idx.msk $0xffff, v4  }
0x130: {  	v5 =	vor.u32 s0, v1;
	v4 =	vld [tilespmem:s1+$0x0];
	_ =	sdelay $0x4  }
0x131: {  	s3 =	sadd.s32 $0x10, s29;
	[tilespmem:v5+s25+$0x0] =	vst.idx.msk $0xffff, v4  }
0x132: {  	v5 =	vor.u32 s0, v2;
	v4 =	vld [tilespmem:s3+$0x0];
	_ =	sdelay $0x4  }
0x133: {  	s3 =	sadd.s32 $0x10, s31;
	[tilespmem:v5+s25+$0x0] =	vst.idx.msk $0xffff, v4  }
0x134: {  	v5 =	vor.u32 s0, v3;
	v4 =	vld [tilespmem:s3+$0x0];
	_ =	sdelay $0x4  }
0x135: {  	s0 =	simm.s32 $0x0;
	s3 =	rddreg [dreg:$0x17];
	[tilespmem:v5+s25+$0x0] =	vst.idx.msk $0xffff, v4  }
0x136: {  	[hbm4b:s3+s0] =	stream.linear.scatter [tilespmem:s25], [sflag:$0x1], $0x3E80, $0x38;
	[tilespmem:$0x18000] =	vst v63  }
0x137: {  	_ =	swait.ge [sflag:s24], $0x3E80  }
0x138: {  	[sflag:s24] =	ssyncset.done $0x0  }
0x139: {  	s3 =	rddreg [dreg:$0x18];
	[sflag:s24] =	ssyncadd.s32 $0xFFFFC180  }
0x13a: {  	[tilespmem:s0], [sflag:$0x1] =	stream.linear.gather [hbm4b:s3+s0], $0xF50, $0x38;
	[tilespmem:$0x18000] =	vst v63  }
0x13b: {  	_ =	swait.ge [sflag:s24], $0xF50  }
0x13c: {  	[sflag:s24] =	ssyncset.done $0x0  }
0x13d: {  	s28 =	simm.s32 $0x2000;
	[sflag:s24] =	ssyncadd.s32 $0xFFFFF0B0  }
0x13e: {  	[tilespmem:s28], [sflag:$0x1] =	stream.linear.gather [hbm4b:s4+s0], $0xF50, $0x38;
	[tilespmem:$0x18000] =	vst v63  }
0x13f: {  	_ =	swait.ge [sflag:s24], $0xF50  }
0x140: {  	[sflag:s24] =	ssyncset.done $0x0  }
0x141: {  	s29 =	simm.s32 $0x4000;
	s3 =	rddreg [dreg:$0x19];
	[sflag:s24] =	ssyncadd.s32 $0xFFFFF0B0  }
0x142: {  	[tilespmem:s29], [sflag:$0x1] =	stream.linear.gather [hbm4b:s3+s0], $0xF50, $0x38;
	[tilespmem:$0x18000] =	vst v63  }
0x143: {  	_ =	swait.ge [sflag:s24], $0xF50  }
0x144: {  	[sflag:s24] =	ssyncset.done $0x0  }
0x145: {  	s31 =	simm.s32 $0x6000;
	[sflag:s24] =	ssyncadd.s32 $0xFFFFF0B0  }
0x146: {  	[tilespmem:s31], [sflag:$0x1] =	stream.linear.gather [hbm4b:s15+s0], $0xF50, $0x38;
	[tilespmem:$0x18000] =	vst v63  }
0x147: {  	_ =	swait.ge [sflag:s24], $0xF50  }
0x148: {  	[sflag:s24] =	ssyncset.done $0x0  }
0x149: {  	[sflag:s24] =	ssyncadd.s32 $0xFFFFF0B0  }
0x14a: {  	v5 =	vor.u32 s0, v0;
	v4 =	vld [tilespmem:s0+$0x0];
	_ =	sdelay $0x4  }
0x14b: {  	[tilespmem:v5+s25+$0x0] =	vst.idx.msk $0xffff, v4  }
0x14c: {  	v5 =	vor.u32 s0, v1;
	v4 =	vld [tilespmem:s28+$0x0];
	_ =	sdelay $0x4  }
0x14d: {  	[tilespmem:v5+s25+$0x0] =	vst.idx.msk $0xffff, v4  }
0x14e: {  	v5 =	vor.u32 s0, v2;
	v4 =	vld [tilespmem:s29+$0x0];
	_ =	sdelay $0x4  }
0x14f: {  	[tilespmem:v5+s25+$0x0] =	vst.idx.msk $0xffff, v4  }
0x150: {  	v5 =	vor.u32 s0, v3;
	v4 =	vld [tilespmem:s31+$0x0];
	_ =	sdelay $0x4  }
0x151: {  	s1 =	simm.s32 $0x10;
	s0 =	simm.s32 $0x80;
	[tilespmem:v5+s25+$0x0] =	vst.idx.msk $0xffff, v4  }
0x152: {  	s3 =	simm.s32 $0x100;
	v5 =	vor.u32 s0, v0;
	v4 =	vld [tilespmem:s1+$0x0]  }
.LBB2_12:
0x153: {  	p0 =	sne.s32 s3, $0x7A00;
	_ =	sdelay $0x3  }
0x154: {  	s28 =	sadd.s32 $0x10, s28;
	[tilespmem:v5+s25+$0x0] =	vst.idx.msk $0xffff, v4  }
0x155: {  	v5 =	vor.u32 s0, v1;
	v4 =	vld [tilespmem:s28+$0x0];
	_ =	sdelay $0x4  }
0x156: {  	s29 =	sadd.s32 $0x10, s29;
	[tilespmem:v5+s25+$0x0] =	vst.idx.msk $0xffff, v4  }
0x157: {  	v5 =	vor.u32 s0, v2;
	v4 =	vld [tilespmem:s29+$0x0];
	_ =	sdelay $0x4  }
0x158: {  	s31 =	sadd.s32 $0x10, s31;
	[tilespmem:v5+s25+$0x0] =	vst.idx.msk $0xffff, v4  }
0x159: {  	v5 =	vor.u32 s0, v3;
	s0 =	smov.u32 s3;
	v4 =	vld [tilespmem:s31+$0x0];
	_ =	sdelay $0x1  }
.Ltmp5:
0x15a: {  	(pc) =	sbr.rel @p0 .LBB2_12-.Ltmp5, $3  }
0x15b: {  	_ =	sdelay $0x1  }
0x15c: {  	s1 =	sadd.s32 $0x10, s1;
	[tilespmem:v5+s25+$0x0] =	vst.idx.msk $0xffff, v4  }
0x15d: {  	s3 =	sadd.s32 $0x80, s3;
	v5 =	vor.u32 s0, v0;
	v4 =	vld [tilespmem:s1+$0x0]  }
0x15e: {  	_ =	sdelay $0x3  }
0x15f: {  	s1 =	sadd.s32 $0x10, s28;
	[tilespmem:v5+s25+$0x0] =	vst.idx.msk $0xffff, v4  }
0x160: {  	v5 =	vor.u32 s0, v1;
	v4 =	vld [tilespmem:s1+$0x0];
	_ =	sdelay $0x4  }
0x161: {  	s3 =	sadd.s32 $0x10, s29;
	[tilespmem:v5+s25+$0x0] =	vst.idx.msk $0xffff, v4  }
0x162: {  	v5 =	vor.u32 s0, v2;
	v4 =	vld [tilespmem:s3+$0x0];
	_ =	sdelay $0x4  }
0x163: {  	s3 =	sadd.s32 $0x10, s31;
	[tilespmem:v5+s25+$0x0] =	vst.idx.msk $0xffff, v4  }
0x164: {  	v5 =	vor.u32 s0, v3;
	v4 =	vld [tilespmem:s3+$0x0];
	_ =	sdelay $0x4  }
0x165: {  	s0 =	simm.s32 $0x0;
	s3 =	rddreg [dreg:$0x1a];
	[tilespmem:v5+s25+$0x0] =	vst.idx.msk $0xffff, v4  }
0x166: {  	[hbm4b:s3+s0] =	stream.linear.scatter [tilespmem:s25], [sflag:$0x1], $0x7A80, $0x38;
	[tilespmem:$0x18000] =	vst v63  }
0x167: {  	_ =	swait.ge [sflag:s24], $0x7A80  }
0x168: {  	[sflag:s24] =	ssyncset.done $0x0  }
0x169: {  	s3 =	rddreg [dreg:$0x1b];
	[sflag:s24] =	ssyncadd.s32 $0xFFFF8580  }
0x16a: {  	[tilespmem:s0], [sflag:$0x1] =	stream.linear.gather [hbm4b:s3+s0], $0x2000, $0x38;
	[tilespmem:$0x18000] =	vst v63  }
0x16b: {  	_ =	swait.ge [sflag:s24], $0x2000  }
0x16c: {  	[sflag:s24] =	ssyncset.done $0x0  }
0x16d: {  	s28 =	simm.s32 $0x2000;
	s3 =	rddreg [dreg:$0x1c];
	[sflag:s24] =	ssyncadd.s32 $0xFFFFE000  }
0x16e: {  	[tilespmem:s28], [sflag:$0x1] =	stream.linear.gather [hbm4b:s3+s0], $0x2000, $0x38;
	[tilespmem:$0x18000] =	vst v63  }
0x16f: {  	_ =	swait.ge [sflag:s24], $0x2000  }
0x170: {  	[sflag:s24] =	ssyncset.done $0x0  }
0x171: {  	s29 =	simm.s32 $0x4000;
	s3 =	rddreg [dreg:$0x1d];
	[sflag:s24] =	ssyncadd.s32 $0xFFFFE000  }
0x172: {  	[tilespmem:s29], [sflag:$0x1] =	stream.linear.gather [hbm4b:s3+s0], $0x2000, $0x38;
	[tilespmem:$0x18000] =	vst v63  }
0x173: {  	_ =	swait.ge [sflag:s24], $0x2000  }
0x174: {  	[sflag:s24] =	ssyncset.done $0x0  }
0x175: {  	s31 =	simm.s32 $0x6000;
	s3 =	rddreg [dreg:$0x1e];
	[sflag:s24] =	ssyncadd.s32 $0xFFFFE000  }
0x176: {  	[tilespmem:s31], [sflag:$0x1] =	stream.linear.gather [hbm4b:s3+s0], $0x2000, $0x38;
	[tilespmem:$0x18000] =	vst v63  }
0x177: {  	_ =	swait.ge [sflag:s24], $0x2000  }
0x178: {  	[sflag:s24] =	ssyncset.done $0x0  }
0x179: {  	[sflag:s24] =	ssyncadd.s32 $0xFFFFE000  }
0x17a: {  	v5 =	vor.u32 s0, v0;
	v4 =	vld [tilespmem:s0+$0x0];
	_ =	sdelay $0x4  }
0x17b: {  	[tilespmem:v5+s25+$0x0] =	vst.idx.msk $0xffff, v4  }
0x17c: {  	v5 =	vor.u32 s0, v1;
	v4 =	vld [tilespmem:s28+$0x0];
	_ =	sdelay $0x4  }
0x17d: {  	[tilespmem:v5+s25+$0x0] =	vst.idx.msk $0xffff, v4  }
0x17e: {  	v5 =	vor.u32 s0, v2;
	v4 =	vld [tilespmem:s29+$0x0];
	_ =	sdelay $0x4  }
0x17f: {  	[tilespmem:v5+s25+$0x0] =	vst.idx.msk $0xffff, v4  }
0x180: {  	v5 =	vor.u32 s0, v3;
	v4 =	vld [tilespmem:s31+$0x0];
	_ =	sdelay $0x4  }
0x181: {  	s1 =	simm.s32 $0x10;
	s0 =	simm.s32 $0x80;
	[tilespmem:v5+s25+$0x0] =	vst.idx.msk $0xffff, v4  }
0x182: {  	s3 =	simm.s32 $0x100;
	v5 =	vor.u32 s0, v0;
	v4 =	vld [tilespmem:s1+$0x0]  }
.LBB2_14:
0x183: {  	p0 =	sne.s32 s3, $0xFF80;
	_ =	sdelay $0x3  }
0x184: {  	s28 =	sadd.s32 $0x10, s28;
	[tilespmem:v5+s25+$0x0] =	vst.idx.msk $0xffff, v4  }
0x185: {  	v5 =	vor.u32 s0, v1;
	v4 =	vld [tilespmem:s28+$0x0];
	_ =	sdelay $0x4  }
0x186: {  	s29 =	sadd.s32 $0x10, s29;
	[tilespmem:v5+s25+$0x0] =	vst.idx.msk $0xffff, v4  }
0x187: {  	v5 =	vor.u32 s0, v2;
	v4 =	vld [tilespmem:s29+$0x0];
	_ =	sdelay $0x4  }
0x188: {  	s31 =	sadd.s32 $0x10, s31;
	[tilespmem:v5+s25+$0x0] =	vst.idx.msk $0xffff, v4  }
0x189: {  	v5 =	vor.u32 s0, v3;
	s0 =	smov.u32 s3;
	v4 =	vld [tilespmem:s31+$0x0];
	_ =	sdelay $0x1  }
.Ltmp6:
0x18a: {  	(pc) =	sbr.rel @p0 .LBB2_14-.Ltmp6, $3  }
0x18b: {  	_ =	sdelay $0x1  }
0x18c: {  	s1 =	sadd.s32 $0x10, s1;
	[tilespmem:v5+s25+$0x0] =	vst.idx.msk $0xffff, v4  }
0x18d: {  	s3 =	sadd.s32 $0x80, s3;
	v5 =	vor.u32 s0, v0;
	v4 =	vld [tilespmem:s1+$0x0]  }
0x18e: {  	_ =	sdelay $0x3  }
0x18f: {  	s1 =	sadd.s32 $0x10, s28;
	[tilespmem:v5+s25+$0x0] =	vst.idx.msk $0xffff, v4  }
0x190: {  	v5 =	vor.u32 s0, v1;
	v4 =	vld [tilespmem:s1+$0x0];
	_ =	sdelay $0x4  }
0x191: {  	s3 =	sadd.s32 $0x10, s29;
	[tilespmem:v5+s25+$0x0] =	vst.idx.msk $0xffff, v4  }
0x192: {  	v5 =	vor.u32 s0, v2;
	v4 =	vld [tilespmem:s3+$0x0];
	_ =	sdelay $0x4  }
0x193: {  	s3 =	sadd.s32 $0x10, s31;
	[tilespmem:v5+s25+$0x0] =	vst.idx.msk $0xffff, v4  }
0x194: {  	v5 =	vor.u32 s0, v3;
	v4 =	vld [tilespmem:s3+$0x0];
	_ =	sdelay $0x4  }
0x195: {  	s0 =	simm.s32 $0x0;
	[tilespmem:v5+s25+$0x0] =	vst.idx.msk $0xffff, v4  }
0x196: {  	[hbm4b:s9+s0] =	stream.linear.scatter [tilespmem:s25], [sflag:$0x1], $0x10000, $0x38;
	[tilespmem:$0x18000] =	vst v63  }
0x197: {  	_ =	swait.ge [sflag:s24], $0x10000  }
0x198: {  	[sflag:s24] =	ssyncset.done $0x0  }
0x199: {  	s3 =	rddreg [dreg:$0x1f];
	[sflag:s24] =	ssyncadd.s32 $0xFFFF0000  }
0x19a: {  	[tilespmem:s0], [sflag:$0x1] =	stream.linear.gather [hbm4b:s3+s0], $0x2000, $0x38;
	[tilespmem:$0x18000] =	vst v63  }
0x19b: {  	_ =	swait.ge [sflag:s24], $0x2000  }
0x19c: {  	s3 =	sld [smem:$0x7DF]  }
0x19d: {  	[sflag:s24] =	ssyncset.done $0x0  }
0x19e: {  	s28 =	simm.s32 $0x2000;
	[sflag:s24] =	ssyncadd.s32 $0xFFFFE000  }
0x19f: {  	[tilespmem:s28], [sflag:$0x1] =	stream.linear.gather [hbm4b:s3+s0], $0x2000, $0x38;
	[tilespmem:$0x18000] =	vst v63  }
0x1a0: {  	_ =	swait.ge [sflag:s24], $0x2000  }
0x1a1: {  	s3 =	sld [smem:$0x7E0]  }
0x1a2: {  	[sflag:s24] =	ssyncset.done $0x0  }
0x1a3: {  	s29 =	simm.s32 $0x4000;
	[sflag:s24] =	ssyncadd.s32 $0xFFFFE000  }
0x1a4: {  	[tilespmem:s29], [sflag:$0x1] =	stream.linear.gather [hbm4b:s3+s0], $0x2000, $0x38;
	[tilespmem:$0x18000] =	vst v63  }
0x1a5: {  	_ =	swait.ge [sflag:s24], $0x2000  }
0x1a6: {  	s3 =	sld [smem:$0x7E1]  }
0x1a7: {  	[sflag:s24] =	ssyncset.done $0x0  }
0x1a8: {  	s31 =	simm.s32 $0x6000;
	[sflag:s24] =	ssyncadd.s32 $0xFFFFE000  }
0x1a9: {  	[tilespmem:s31], [sflag:$0x1] =	stream.linear.gather [hbm4b:s3+s0], $0x2000, $0x38;
	[tilespmem:$0x18000] =	vst v63  }
0x1aa: {  	_ =	swait.ge [sflag:s24], $0x2000  }
0x1ab: {  	[sflag:s24] =	ssyncset.done $0x0  }
0x1ac: {  	[sflag:s24] =	ssyncadd.s32 $0xFFFFE000  }
0x1ad: {  	v5 =	vor.u32 s0, v0;
	v4 =	vld [tilespmem:s0+$0x0];
	_ =	sdelay $0x4  }
0x1ae: {  	[tilespmem:v5+s25+$0x0] =	vst.idx.msk $0xffff, v4  }
0x1af: {  	v5 =	vor.u32 s0, v1;
	v4 =	vld [tilespmem:s28+$0x0];
	_ =	sdelay $0x4  }
0x1b0: {  	[tilespmem:v5+s25+$0x0] =	vst.idx.msk $0xffff, v4  }
0x1b1: {  	v5 =	vor.u32 s0, v2;
	v4 =	vld [tilespmem:s29+$0x0];
	_ =	sdelay $0x4  }
0x1b2: {  	[tilespmem:v5+s25+$0x0] =	vst.idx.msk $0xffff, v4  }
0x1b3: {  	v5 =	vor.u32 s0, v3;
	v4 =	vld [tilespmem:s31+$0x0];
	_ =	sdelay $0x4  }
0x1b4: {  	s1 =	simm.s32 $0x10;
	s0 =	simm.s32 $0x80;
	[tilespmem:v5+s25+$0x0] =	vst.idx.msk $0xffff, v4  }
0x1b5: {  	s3 =	simm.s32 $0x100;
	v5 =	vor.u32 s0, v0;
	v4 =	vld [tilespmem:s1+$0x0]  }
.LBB2_16:
0x1b6: {  	p0 =	sne.s32 s3, $0xFF80;
	_ =	sdelay $0x3  }
0x1b7: {  	s28 =	sadd.s32 $0x10, s28;
	[tilespmem:v5+s25+$0x0] =	vst.idx.msk $0xffff, v4  }
0x1b8: {  	v5 =	vor.u32 s0, v1;
	v4 =	vld [tilespmem:s28+$0x0];
	_ =	sdelay $0x4  }
0x1b9: {  	s29 =	sadd.s32 $0x10, s29;
	[tilespmem:v5+s25+$0x0] =	vst.idx.msk $0xffff, v4  }
0x1ba: {  	v5 =	vor.u32 s0, v2;
	v4 =	vld [tilespmem:s29+$0x0];
	_ =	sdelay $0x4  }
0x1bb: {  	s31 =	sadd.s32 $0x10, s31;
	[tilespmem:v5+s25+$0x0] =	vst.idx.msk $0xffff, v4  }
0x1bc: {  	v5 =	vor.u32 s0, v3;
	s0 =	smov.u32 s3;
	v4 =	vld [tilespmem:s31+$0x0];
	_ =	sdelay $0x1  }
.Ltmp7:
0x1bd: {  	(pc) =	sbr.rel @p0 .LBB2_16-.Ltmp7, $3  }
0x1be: {  	_ =	sdelay $0x1  }
0x1bf: {  	s1 =	sadd.s32 $0x10, s1;
	[tilespmem:v5+s25+$0x0] =	vst.idx.msk $0xffff, v4  }
0x1c0: {  	s3 =	sadd.s32 $0x80, s3;
	v5 =	vor.u32 s0, v0;
	v4 =	vld [tilespmem:s1+$0x0]  }
0x1c1: {  	_ =	sdelay $0x3  }
0x1c2: {  	s1 =	sadd.s32 $0x10, s28;
	[tilespmem:v5+s25+$0x0] =	vst.idx.msk $0xffff, v4  }
0x1c3: {  	v5 =	vor.u32 s0, v1;
	v4 =	vld [tilespmem:s1+$0x0];
	_ =	sdelay $0x4  }
0x1c4: {  	s3 =	sadd.s32 $0x10, s29;
	[tilespmem:v5+s25+$0x0] =	vst.idx.msk $0xffff, v4  }
0x1c5: {  	v5 =	vor.u32 s0, v2;
	v4 =	vld [tilespmem:s3+$0x0];
	_ =	sdelay $0x4  }
0x1c6: {  	s3 =	sadd.s32 $0x10, s31;
	[tilespmem:v5+s25+$0x0] =	vst.idx.msk $0xffff, v4  }
0x1c7: {  	v5 =	vor.u32 s0, v3;
	v4 =	vld [tilespmem:s3+$0x0];
	_ =	sdelay $0x4  }
0x1c8: {  	s0 =	simm.s32 $0x0;
	[tilespmem:v5+s25+$0x0] =	vst.idx.msk $0xffff, v4  }
0x1c9: {  	[hbm4b:s10+s0] =	stream.linear.scatter [tilespmem:s25], [sflag:$0x1], $0x10000, $0x38;
	[tilespmem:$0x18000] =	vst v63  }
0x1ca: {  	_ =	swait.ge [sflag:s24], $0x10000  }
0x1cb: {  	s3 =	sld [smem:$0x7E2]  }
0x1cc: {  	[sflag:s24] =	ssyncset.done $0x0  }
0x1cd: {  	[sflag:s24] =	ssyncadd.s32 $0xFFFF0000  }
0x1ce: {  	[tilespmem:s0], [sflag:$0x1] =	stream.linear.gather [hbm4b:s3+s0], $0x2000, $0x38;
	[tilespmem:$0x18000] =	vst v63  }
0x1cf: {  	_ =	swait.ge [sflag:s24], $0x2000  }
0x1d0: {  	s3 =	sld [smem:$0x7E3]  }
0x1d1: {  	[sflag:s24] =	ssyncset.done $0x0  }
0x1d2: {  	s28 =	simm.s32 $0x2000;
	[sflag:s24] =	ssyncadd.s32 $0xFFFFE000  }
0x1d3: {  	[tilespmem:s28], [sflag:$0x1] =	stream.linear.gather [hbm4b:s3+s0], $0x2000, $0x38;
	[tilespmem:$0x18000] =	vst v63  }
0x1d4: {  	_ =	swait.ge [sflag:s24], $0x2000  }
0x1d5: {  	s3 =	sld [smem:$0x7E4]  }
0x1d6: {  	[sflag:s24] =	ssyncset.done $0x0  }
0x1d7: {  	s29 =	simm.s32 $0x4000;
	[sflag:s24] =	ssyncadd.s32 $0xFFFFE000  }
0x1d8: {  	[tilespmem:s29], [sflag:$0x1] =	stream.linear.gather [hbm4b:s3+s0], $0x2000, $0x38;
	[tilespmem:$0x18000] =	vst v63  }
0x1d9: {  	_ =	swait.ge [sflag:s24], $0x2000  }
0x1da: {  	s3 =	sld [smem:$0x7E5]  }
0x1db: {  	[sflag:s24] =	ssyncset.done $0x0  }
0x1dc: {  	s31 =	simm.s32 $0x6000;
	[sflag:s24] =	ssyncadd.s32 $0xFFFFE000  }
0x1dd: {  	[tilespmem:s31], [sflag:$0x1] =	stream.linear.gather [hbm4b:s3+s0], $0x2000, $0x38;
	[tilespmem:$0x18000] =	vst v63  }
0x1de: {  	_ =	swait.ge [sflag:s24], $0x2000  }
0x1df: {  	[sflag:s24] =	ssyncset.done $0x0  }
0x1e0: {  	[sflag:s24] =	ssyncadd.s32 $0xFFFFE000  }
0x1e1: {  	v5 =	vor.u32 s0, v0;
	v4 =	vld [tilespmem:s0+$0x0];
	_ =	sdelay $0x4  }
0x1e2: {  	[tilespmem:v5+s25+$0x0] =	vst.idx.msk $0xffff, v4  }
0x1e3: {  	v5 =	vor.u32 s0, v1;
	v4 =	vld [tilespmem:s28+$0x0];
	_ =	sdelay $0x4  }
0x1e4: {  	[tilespmem:v5+s25+$0x0] =	vst.idx.msk $0xffff, v4  }
0x1e5: {  	v5 =	vor.u32 s0, v2;
	v4 =	vld [tilespmem:s29+$0x0];
	_ =	sdelay $0x4  }
0x1e6: {  	[tilespmem:v5+s25+$0x0] =	vst.idx.msk $0xffff, v4  }
0x1e7: {  	v5 =	vor.u32 s0, v3;
	v4 =	vld [tilespmem:s31+$0x0];
	_ =	sdelay $0x4  }
0x1e8: {  	s1 =	simm.s32 $0x10;
	s0 =	simm.s32 $0x80;
	[tilespmem:v5+s25+$0x0] =	vst.idx.msk $0xffff, v4  }
0x1e9: {  	s3 =	simm.s32 $0x100;
	v5 =	vor.u32 s0, v0;
	v4 =	vld [tilespmem:s1+$0x0]  }
.LBB2_18:
0x1ea: {  	p0 =	sne.s32 s3, $0xFF80;
	_ =	sdelay $0x3  }
0x1eb: {  	s28 =	sadd.s32 $0x10, s28;
	[tilespmem:v5+s25+$0x0] =	vst.idx.msk $0xffff, v4  }
0x1ec: {  	v5 =	vor.u32 s0, v1;
	v4 =	vld [tilespmem:s28+$0x0];
	_ =	sdelay $0x4  }
0x1ed: {  	s29 =	sadd.s32 $0x10, s29;
	[tilespmem:v5+s25+$0x0] =	vst.idx.msk $0xffff, v4  }
0x1ee: {  	v5 =	vor.u32 s0, v2;
	v4 =	vld [tilespmem:s29+$0x0];
	_ =	sdelay $0x4  }
0x1ef: {  	s31 =	sadd.s32 $0x10, s31;
	[tilespmem:v5+s25+$0x0] =	vst.idx.msk $0xffff, v4  }
0x1f0: {  	v5 =	vor.u32 s0, v3;
	s0 =	smov.u32 s3;
	v4 =	vld [tilespmem:s31+$0x0];
	_ =	sdelay $0x1  }
.Ltmp8:
0x1f1: {  	(pc) =	sbr.rel @p0 .LBB2_18-.Ltmp8, $3  }
0x1f2: {  	_ =	sdelay $0x1  }
0x1f3: {  	s1 =	sadd.s32 $0x10, s1;
	[tilespmem:v5+s25+$0x0] =	vst.idx.msk $0xffff, v4  }
0x1f4: {  	s3 =	sadd.s32 $0x80, s3;
	v5 =	vor.u32 s0, v0;
	v4 =	vld [tilespmem:s1+$0x0]  }
0x1f5: {  	_ =	sdelay $0x3  }
0x1f6: {  	s1 =	sadd.s32 $0x10, s28;
	[tilespmem:v5+s25+$0x0] =	vst.idx.msk $0xffff, v4  }
0x1f7: {  	v5 =	vor.u32 s0, v1;
	v4 =	vld [tilespmem:s1+$0x0];
	_ =	sdelay $0x4  }
0x1f8: {  	s3 =	sadd.s32 $0x10, s29;
	[tilespmem:v5+s25+$0x0] =	vst.idx.msk $0xffff, v4  }
0x1f9: {  	v5 =	vor.u32 s0, v2;
	v4 =	vld [tilespmem:s3+$0x0];
	_ =	sdelay $0x4  }
0x1fa: {  	s3 =	sadd.s32 $0x10, s31;
	[tilespmem:v5+s25+$0x0] =	vst.idx.msk $0xffff, v4  }
0x1fb: {  	v5 =	vor.u32 s0, v3;
	v4 =	vld [tilespmem:s3+$0x0];
	_ =	sdelay $0x4  }
0x1fc: {  	s0 =	simm.s32 $0x0;
	[tilespmem:v5+s25+$0x0] =	vst.idx.msk $0xffff, v4  }
0x1fd: {  	[hbm4b:s11+s0] =	stream.linear.scatter [tilespmem:s25], [sflag:$0x1], $0x10000, $0x38;
	[tilespmem:$0x18000] =	vst v63  }
0x1fe: {  	_ =	swait.ge [sflag:s24], $0x10000  }
0x1ff: {  	s3 =	sld [smem:$0x7E6]  }
0x200: {  	[sflag:s24] =	ssyncset.done $0x0  }
0x201: {  	[sflag:s24] =	ssyncadd.s32 $0xFFFF0000  }
0x202: {  	[tilespmem:s0], [sflag:$0x1] =	stream.linear.gather [hbm4b:s3+s0], $0x2000, $0x38;
	[tilespmem:$0x18000] =	vst v63  }
0x203: {  	_ =	swait.ge [sflag:s24], $0x2000  }
0x204: {  	s3 =	sld [smem:$0x7E7]  }
0x205: {  	[sflag:s24] =	ssyncset.done $0x0  }
0x206: {  	s28 =	simm.s32 $0x2000;
	[sflag:s24] =	ssyncadd.s32 $0xFFFFE000  }
0x207: {  	[tilespmem:s28], [sflag:$0x1] =	stream.linear.gather [hbm4b:s3+s0], $0x2000, $0x38;
	[tilespmem:$0x18000] =	vst v63  }
0x208: {  	_ =	swait.ge [sflag:s24], $0x2000  }
0x209: {  	s3 =	sld [smem:$0x7E8]  }
0x20a: {  	[sflag:s24] =	ssyncset.done $0x0  }
0x20b: {  	s29 =	simm.s32 $0x4000;
	[sflag:s24] =	ssyncadd.s32 $0xFFFFE000  }
0x20c: {  	[tilespmem:s29], [sflag:$0x1] =	stream.linear.gather [hbm4b:s3+s0], $0x2000, $0x38;
	[tilespmem:$0x18000] =	vst v63  }
0x20d: {  	_ =	swait.ge [sflag:s24], $0x2000  }
0x20e: {  	s3 =	sld [smem:$0x7E9]  }
0x20f: {  	[sflag:s24] =	ssyncset.done $0x0  }
0x210: {  	s31 =	simm.s32 $0x6000;
	[sflag:s24] =	ssyncadd.s32 $0xFFFFE000  }
0x211: {  	[tilespmem:s31], [sflag:$0x1] =	stream.linear.gather [hbm4b:s3+s0], $0x2000, $0x38;
	[tilespmem:$0x18000] =	vst v63  }
0x212: {  	_ =	swait.ge [sflag:s24], $0x2000  }
0x213: {  	[sflag:s24] =	ssyncset.done $0x0  }
0x214: {  	[sflag:s24] =	ssyncadd.s32 $0xFFFFE000  }
0x215: {  	v5 =	vor.u32 s0, v0;
	v4 =	vld [tilespmem:s0+$0x0];
	_ =	sdelay $0x4  }
0x216: {  	[tilespmem:v5+s25+$0x0] =	vst.idx.msk $0xffff, v4  }
0x217: {  	v5 =	vor.u32 s0, v1;
	v4 =	vld [tilespmem:s28+$0x0];
	_ =	sdelay $0x4  }
0x218: {  	[tilespmem:v5+s25+$0x0] =	vst.idx.msk $0xffff, v4  }
0x219: {  	v5 =	vor.u32 s0, v2;
	v4 =	vld [tilespmem:s29+$0x0];
	_ =	sdelay $0x4  }
0x21a: {  	[tilespmem:v5+s25+$0x0] =	vst.idx.msk $0xffff, v4  }
0x21b: {  	v5 =	vor.u32 s0, v3;
	v4 =	vld [tilespmem:s31+$0x0];
	_ =	sdelay $0x4  }
0x21c: {  	s1 =	simm.s32 $0x10;
	s0 =	simm.s32 $0x80;
	[tilespmem:v5+s25+$0x0] =	vst.idx.msk $0xffff, v4  }
0x21d: {  	s3 =	simm.s32 $0x100;
	v5 =	vor.u32 s0, v0;
	v4 =	vld [tilespmem:s1+$0x0]  }
.LBB2_20:
0x21e: {  	p0 =	sne.s32 s3, $0xFF80;
	_ =	sdelay $0x3  }
0x21f: {  	s28 =	sadd.s32 $0x10, s28;
	[tilespmem:v5+s25+$0x0] =	vst.idx.msk $0xffff, v4  }
0x220: {  	v5 =	vor.u32 s0, v1;
	v4 =	vld [tilespmem:s28+$0x0];
	_ =	sdelay $0x4  }
0x221: {  	s29 =	sadd.s32 $0x10, s29;
	[tilespmem:v5+s25+$0x0] =	vst.idx.msk $0xffff, v4  }
0x222: {  	v5 =	vor.u32 s0, v2;
	v4 =	vld [tilespmem:s29+$0x0];
	_ =	sdelay $0x4  }
0x223: {  	s31 =	sadd.s32 $0x10, s31;
	[tilespmem:v5+s25+$0x0] =	vst.idx.msk $0xffff, v4  }
0x224: {  	v5 =	vor.u32 s0, v3;
	s0 =	smov.u32 s3;
	v4 =	vld [tilespmem:s31+$0x0];
	_ =	sdelay $0x1  }
.Ltmp9:
0x225: {  	(pc) =	sbr.rel @p0 .LBB2_20-.Ltmp9, $3  }
0x226: {  	_ =	sdelay $0x1  }
0x227: {  	s1 =	sadd.s32 $0x10, s1;
	[tilespmem:v5+s25+$0x0] =	vst.idx.msk $0xffff, v4  }
0x228: {  	s3 =	sadd.s32 $0x80, s3;
	v5 =	vor.u32 s0, v0;
	v4 =	vld [tilespmem:s1+$0x0]  }
0x229: {  	_ =	sdelay $0x3  }
0x22a: {  	s1 =	sadd.s32 $0x10, s28;
	[tilespmem:v5+s25+$0x0] =	vst.idx.msk $0xffff, v4  }
0x22b: {  	v5 =	vor.u32 s0, v1;
	v4 =	vld [tilespmem:s1+$0x0];
	_ =	sdelay $0x4  }
0x22c: {  	s3 =	sadd.s32 $0x10, s29;
	[tilespmem:v5+s25+$0x0] =	vst.idx.msk $0xffff, v4  }
0x22d: {  	v5 =	vor.u32 s0, v2;
	v4 =	vld [tilespmem:s3+$0x0];
	_ =	sdelay $0x4  }
0x22e: {  	s3 =	sadd.s32 $0x10, s31;
	[tilespmem:v5+s25+$0x0] =	vst.idx.msk $0xffff, v4  }
0x22f: {  	v5 =	vor.u32 s0, v3;
	v4 =	vld [tilespmem:s3+$0x0];
	_ =	sdelay $0x4  }
0x230: {  	s0 =	simm.s32 $0x0;
	[tilespmem:v5+s25+$0x0] =	vst.idx.msk $0xffff, v4  }
0x231: {  	[hbm4b:s12+s0] =	stream.linear.scatter [tilespmem:s25], [sflag:$0x1], $0x10000, $0x38;
	[tilespmem:$0x18000] =	vst v63  }
0x232: {  	_ =	swait.ge [sflag:s24], $0x10000  }
0x233: {  	s3 =	sld [smem:$0x7EA]  }
0x234: {  	[sflag:s24] =	ssyncset.done $0x0  }
0x235: {  	[sflag:s24] =	ssyncadd.s32 $0xFFFF0000  }
0x236: {  	[tilespmem:s0], [sflag:$0x1] =	stream.linear.gather [hbm4b:s3+s0], $0x2000, $0x38;
	[tilespmem:$0x18000] =	vst v63  }
0x237: {  	_ =	swait.ge [sflag:s24], $0x2000  }
0x238: {  	s3 =	sld [smem:$0x7EB]  }
0x239: {  	[sflag:s24] =	ssyncset.done $0x0  }
0x23a: {  	s28 =	simm.s32 $0x2000;
	[sflag:s24] =	ssyncadd.s32 $0xFFFFE000  }
0x23b: {  	[tilespmem:s28], [sflag:$0x1] =	stream.linear.gather [hbm4b:s3+s0], $0x2000, $0x38;
	[tilespmem:$0x18000] =	vst v63  }
0x23c: {  	_ =	swait.ge [sflag:s24], $0x2000  }
0x23d: {  	s3 =	sld [smem:$0x7EC]  }
0x23e: {  	[sflag:s24] =	ssyncset.done $0x0  }
0x23f: {  	s29 =	simm.s32 $0x4000;
	[sflag:s24] =	ssyncadd.s32 $0xFFFFE000  }
0x240: {  	[tilespmem:s29], [sflag:$0x1] =	stream.linear.gather [hbm4b:s3+s0], $0x2000, $0x38;
	[tilespmem:$0x18000] =	vst v63  }
0x241: {  	_ =	swait.ge [sflag:s24], $0x2000  }
0x242: {  	s3 =	sld [smem:$0x7ED]  }
0x243: {  	[sflag:s24] =	ssyncset.done $0x0  }
0x244: {  	s31 =	simm.s32 $0x6000;
	[sflag:s24] =	ssyncadd.s32 $0xFFFFE000  }
0x245: {  	[tilespmem:s31], [sflag:$0x1] =	stream.linear.gather [hbm4b:s3+s0], $0x2000, $0x38;
	[tilespmem:$0x18000] =	vst v63  }
0x246: {  	_ =	swait.ge [sflag:s24], $0x2000  }
0x247: {  	[sflag:s24] =	ssyncset.done $0x0  }
0x248: {  	[sflag:s24] =	ssyncadd.s32 $0xFFFFE000  }
0x249: {  	v5 =	vor.u32 s0, v0;
	v4 =	vld [tilespmem:s0+$0x0];
	_ =	sdelay $0x4  }
0x24a: {  	[tilespmem:v5+s25+$0x0] =	vst.idx.msk $0xffff, v4  }
0x24b: {  	v5 =	vor.u32 s0, v1;
	v4 =	vld [tilespmem:s28+$0x0];
	_ =	sdelay $0x4  }
0x24c: {  	[tilespmem:v5+s25+$0x0] =	vst.idx.msk $0xffff, v4  }
0x24d: {  	v5 =	vor.u32 s0, v2;
	v4 =	vld [tilespmem:s29+$0x0];
	_ =	sdelay $0x4  }
0x24e: {  	[tilespmem:v5+s25+$0x0] =	vst.idx.msk $0xffff, v4  }
0x24f: {  	v5 =	vor.u32 s0, v3;
	v4 =	vld [tilespmem:s31+$0x0];
	_ =	sdelay $0x4  }
0x250: {  	s1 =	simm.s32 $0x10;
	s0 =	simm.s32 $0x80;
	[tilespmem:v5+s25+$0x0] =	vst.idx.msk $0xffff, v4  }
0x251: {  	s3 =	simm.s32 $0x100;
	v5 =	vor.u32 s0, v0;
	v4 =	vld [tilespmem:s1+$0x0]  }
.LBB2_22:
0x252: {  	p0 =	sne.s32 s3, $0xFF80;
	_ =	sdelay $0x3  }
0x253: {  	s28 =	sadd.s32 $0x10, s28;
	[tilespmem:v5+s25+$0x0] =	vst.idx.msk $0xffff, v4  }
0x254: {  	v5 =	vor.u32 s0, v1;
	v4 =	vld [tilespmem:s28+$0x0];
	_ =	sdelay $0x4  }
0x255: {  	s29 =	sadd.s32 $0x10, s29;
	[tilespmem:v5+s25+$0x0] =	vst.idx.msk $0xffff, v4  }
0x256: {  	v5 =	vor.u32 s0, v2;
	v4 =	vld [tilespmem:s29+$0x0];
	_ =	sdelay $0x4  }
0x257: {  	s31 =	sadd.s32 $0x10, s31;
	[tilespmem:v5+s25+$0x0] =	vst.idx.msk $0xffff, v4  }
0x258: {  	v5 =	vor.u32 s0, v3;
	s0 =	smov.u32 s3;
	v4 =	vld [tilespmem:s31+$0x0];
	_ =	sdelay $0x1  }
.Ltmp10:
0x259: {  	(pc) =	sbr.rel @p0 .LBB2_22-.Ltmp10, $3  }
0x25a: {  	_ =	sdelay $0x1  }
0x25b: {  	s1 =	sadd.s32 $0x10, s1;
	[tilespmem:v5+s25+$0x0] =	vst.idx.msk $0xffff, v4  }
0x25c: {  	s3 =	sadd.s32 $0x80, s3;
	v5 =	vor.u32 s0, v0;
	v4 =	vld [tilespmem:s1+$0x0]  }
0x25d: {  	_ =	sdelay $0x3  }
0x25e: {  	s1 =	sadd.s32 $0x10, s28;
	[tilespmem:v5+s25+$0x0] =	vst.idx.msk $0xffff, v4  }
0x25f: {  	v5 =	vor.u32 s0, v1;
	v4 =	vld [tilespmem:s1+$0x0];
	_ =	sdelay $0x4  }
0x260: {  	s3 =	sadd.s32 $0x10, s29;
	[tilespmem:v5+s25+$0x0] =	vst.idx.msk $0xffff, v4  }
0x261: {  	v5 =	vor.u32 s0, v2;
	v4 =	vld [tilespmem:s3+$0x0];
	_ =	sdelay $0x4  }
0x262: {  	s3 =	sadd.s32 $0x10, s31;
	[tilespmem:v5+s25+$0x0] =	vst.idx.msk $0xffff, v4  }
0x263: {  	v5 =	vor.u32 s0, v3;
	v4 =	vld [tilespmem:s3+$0x0];
	_ =	sdelay $0x4  }
0x264: {  	s0 =	simm.s32 $0x0;
	[tilespmem:v5+s25+$0x0] =	vst.idx.msk $0xffff, v4  }
0x265: {  	[hbm4b:s13+s0] =	stream.linear.scatter [tilespmem:s25], [sflag:$0x1], $0x10000, $0x38;
	[tilespmem:$0x18000] =	vst v63  }
0x266: {  	_ =	swait.ge [sflag:s24], $0x10000  }
0x267: {  	s3 =	sld [smem:$0x7EE]  }
0x268: {  	[sflag:s24] =	ssyncset.done $0x0  }
0x269: {  	[sflag:s24] =	ssyncadd.s32 $0xFFFF0000  }
0x26a: {  	[tilespmem:s0], [sflag:$0x1] =	stream.linear.gather [hbm4b:s3+s0], $0x2000, $0x38;
	[tilespmem:$0x18000] =	vst v63  }
0x26b: {  	_ =	swait.ge [sflag:s24], $0x2000  }
0x26c: {  	s3 =	sld [smem:$0x7EF]  }
0x26d: {  	[sflag:s24] =	ssyncset.done $0x0  }
0x26e: {  	s28 =	simm.s32 $0x2000;
	[sflag:s24] =	ssyncadd.s32 $0xFFFFE000  }
0x26f: {  	[tilespmem:s28], [sflag:$0x1] =	stream.linear.gather [hbm4b:s3+s0], $0x2000, $0x38;
	[tilespmem:$0x18000] =	vst v63  }
0x270: {  	_ =	swait.ge [sflag:s24], $0x2000  }
0x271: {  	s3 =	sld [smem:$0x7F0]  }
0x272: {  	[sflag:s24] =	ssyncset.done $0x0  }
0x273: {  	s29 =	simm.s32 $0x4000;
	[sflag:s24] =	ssyncadd.s32 $0xFFFFE000  }
0x274: {  	[tilespmem:s29], [sflag:$0x1] =	stream.linear.gather [hbm4b:s3+s0], $0x2000, $0x38;
	[tilespmem:$0x18000] =	vst v63  }
0x275: {  	_ =	swait.ge [sflag:s24], $0x2000  }
0x276: {  	s3 =	sld [smem:$0x7F1]  }
0x277: {  	[sflag:s24] =	ssyncset.done $0x0  }
0x278: {  	s31 =	simm.s32 $0x6000;
	[sflag:s24] =	ssyncadd.s32 $0xFFFFE000  }
0x279: {  	[tilespmem:s31], [sflag:$0x1] =	stream.linear.gather [hbm4b:s3+s0], $0x2000, $0x38;
	[tilespmem:$0x18000] =	vst v63  }
0x27a: {  	_ =	swait.ge [sflag:s24], $0x2000  }
0x27b: {  	[sflag:s24] =	ssyncset.done $0x0  }
0x27c: {  	[sflag:s24] =	ssyncadd.s32 $0xFFFFE000  }
0x27d: {  	v5 =	vor.u32 s0, v0;
	v4 =	vld [tilespmem:s0+$0x0];
	_ =	sdelay $0x4  }
0x27e: {  	[tilespmem:v5+s25+$0x0] =	vst.idx.msk $0xffff, v4  }
0x27f: {  	v5 =	vor.u32 s0, v1;
	v4 =	vld [tilespmem:s28+$0x0];
	_ =	sdelay $0x4  }
0x280: {  	[tilespmem:v5+s25+$0x0] =	vst.idx.msk $0xffff, v4  }
0x281: {  	v5 =	vor.u32 s0, v2;
	v4 =	vld [tilespmem:s29+$0x0];
	_ =	sdelay $0x4  }
0x282: {  	[tilespmem:v5+s25+$0x0] =	vst.idx.msk $0xffff, v4  }
0x283: {  	v5 =	vor.u32 s0, v3;
	v4 =	vld [tilespmem:s31+$0x0];
	_ =	sdelay $0x4  }
0x284: {  	s1 =	simm.s32 $0x10;
	s0 =	simm.s32 $0x80;
	[tilespmem:v5+s25+$0x0] =	vst.idx.msk $0xffff, v4  }
0x285: {  	s3 =	simm.s32 $0x100;
	v5 =	vor.u32 s0, v0;
	v4 =	vld [tilespmem:s1+$0x0]  }
.LBB2_24:
0x286: {  	p0 =	sne.s32 s3, $0xFF80;
	_ =	sdelay $0x3  }
0x287: {  	s28 =	sadd.s32 $0x10, s28;
	[tilespmem:v5+s25+$0x0] =	vst.idx.msk $0xffff, v4  }
0x288: {  	v5 =	vor.u32 s0, v1;
	v4 =	vld [tilespmem:s28+$0x0];
	_ =	sdelay $0x4  }
0x289: {  	s29 =	sadd.s32 $0x10, s29;
	[tilespmem:v5+s25+$0x0] =	vst.idx.msk $0xffff, v4  }
0x28a: {  	v5 =	vor.u32 s0, v2;
	v4 =	vld [tilespmem:s29+$0x0];
	_ =	sdelay $0x4  }
0x28b: {  	s31 =	sadd.s32 $0x10, s31;
	[tilespmem:v5+s25+$0x0] =	vst.idx.msk $0xffff, v4  }
0x28c: {  	v5 =	vor.u32 s0, v3;
	s0 =	smov.u32 s3;
	v4 =	vld [tilespmem:s31+$0x0];
	_ =	sdelay $0x1  }
.Ltmp11:
0x28d: {  	(pc) =	sbr.rel @p0 .LBB2_24-.Ltmp11, $3  }
0x28e: {  	_ =	sdelay $0x1  }
0x28f: {  	s1 =	sadd.s32 $0x10, s1;
	[tilespmem:v5+s25+$0x0] =	vst.idx.msk $0xffff, v4  }
0x290: {  	s3 =	sadd.s32 $0x80, s3;
	v5 =	vor.u32 s0, v0;
	v4 =	vld [tilespmem:s1+$0x0]  }
0x291: {  	_ =	sdelay $0x3  }
0x292: {  	s1 =	sadd.s32 $0x10, s28;
	[tilespmem:v5+s25+$0x0] =	vst.idx.msk $0xffff, v4  }
0x293: {  	v5 =	vor.u32 s0, v1;
	v4 =	vld [tilespmem:s1+$0x0];
	_ =	sdelay $0x4  }
0x294: {  	s3 =	sadd.s32 $0x10, s29;
	[tilespmem:v5+s25+$0x0] =	vst.idx.msk $0xffff, v4  }
0x295: {  	v5 =	vor.u32 s0, v2;
	v4 =	vld [tilespmem:s3+$0x0];
	_ =	sdelay $0x4  }
0x296: {  	s3 =	sadd.s32 $0x10, s31;
	[tilespmem:v5+s25+$0x0] =	vst.idx.msk $0xffff, v4  }
0x297: {  	v5 =	vor.u32 s0, v3;
	v4 =	vld [tilespmem:s3+$0x0];
	_ =	sdelay $0x4  }
0x298: {  	s0 =	simm.s32 $0x0;
	[tilespmem:v5+s25+$0x0] =	vst.idx.msk $0xffff, v4  }
0x299: {  	[hbm4b:s14+s0] =	stream.linear.scatter [tilespmem:s25], [sflag:$0x1], $0x10000, $0x38;
	[tilespmem:$0x18000] =	vst v63  }
0x29a: {  	_ =	swait.ge [sflag:s24], $0x10000  }
0x29b: {  	s3 =	sld [smem:$0x7F2]  }
0x29c: {  	[sflag:s24] =	ssyncset.done $0x0  }
0x29d: {  	[sflag:s24] =	ssyncadd.s32 $0xFFFF0000  }
0x29e: {  	[tilespmem:s0], [sflag:$0x1] =	stream.linear.gather [hbm4b:s3+s0], $0x2000, $0x38;
	[tilespmem:$0x18000] =	vst v63  }
0x29f: {  	_ =	swait.ge [sflag:s24], $0x2000  }
0x2a0: {  	s3 =	sld [smem:$0x7F3]  }
0x2a1: {  	[sflag:s24] =	ssyncset.done $0x0  }
0x2a2: {  	s28 =	simm.s32 $0x2000;
	[sflag:s24] =	ssyncadd.s32 $0xFFFFE000  }
0x2a3: {  	[tilespmem:s28], [sflag:$0x1] =	stream.linear.gather [hbm4b:s3+s0], $0x2000, $0x38;
	[tilespmem:$0x18000] =	vst v63  }
0x2a4: {  	_ =	swait.ge [sflag:s24], $0x2000  }
0x2a5: {  	s3 =	sld [smem:$0x7F4]  }
0x2a6: {  	[sflag:s24] =	ssyncset.done $0x0  }
0x2a7: {  	s29 =	simm.s32 $0x4000;
	[sflag:s24] =	ssyncadd.s32 $0xFFFFE000  }
0x2a8: {  	[tilespmem:s29], [sflag:$0x1] =	stream.linear.gather [hbm4b:s3+s0], $0x2000, $0x38;
	[tilespmem:$0x18000] =	vst v63  }
0x2a9: {  	_ =	swait.ge [sflag:s24], $0x2000  }
0x2aa: {  	s3 =	sld [smem:$0x7F5]  }
0x2ab: {  	[sflag:s24] =	ssyncset.done $0x0  }
0x2ac: {  	s31 =	simm.s32 $0x6000;
	[sflag:s24] =	ssyncadd.s32 $0xFFFFE000  }
0x2ad: {  	[tilespmem:s31], [sflag:$0x1] =	stream.linear.gather [hbm4b:s3+s0], $0x2000, $0x38;
	[tilespmem:$0x18000] =	vst v63  }
0x2ae: {  	_ =	swait.ge [sflag:s24], $0x2000  }
0x2af: {  	[sflag:s24] =	ssyncset.done $0x0  }
0x2b0: {  	[sflag:s24] =	ssyncadd.s32 $0xFFFFE000  }
0x2b1: {  	v5 =	vor.u32 s0, v0;
	v4 =	vld [tilespmem:s0+$0x0];
	_ =	sdelay $0x4  }
0x2b2: {  	[tilespmem:v5+s25+$0x0] =	vst.idx.msk $0xffff, v4  }
0x2b3: {  	v5 =	vor.u32 s0, v1;
	v4 =	vld [tilespmem:s28+$0x0];
	_ =	sdelay $0x4  }
0x2b4: {  	[tilespmem:v5+s25+$0x0] =	vst.idx.msk $0xffff, v4  }
0x2b5: {  	v5 =	vor.u32 s0, v2;
	v4 =	vld [tilespmem:s29+$0x0];
	_ =	sdelay $0x4  }
0x2b6: {  	[tilespmem:v5+s25+$0x0] =	vst.idx.msk $0xffff, v4  }
0x2b7: {  	v5 =	vor.u32 s0, v3;
	v4 =	vld [tilespmem:s31+$0x0];
	_ =	sdelay $0x4  }
0x2b8: {  	s1 =	simm.s32 $0x10;
	s0 =	simm.s32 $0x80;
	[tilespmem:v5+s25+$0x0] =	vst.idx.msk $0xffff, v4  }
0x2b9: {  	s3 =	simm.s32 $0x100;
	v5 =	vor.u32 s0, v0;
	v4 =	vld [tilespmem:s1+$0x0]  }
.LBB2_26:
0x2ba: {  	p0 =	sne.s32 s3, $0xFF80;
	_ =	sdelay $0x3  }
0x2bb: {  	s28 =	sadd.s32 $0x10, s28;
	[tilespmem:v5+s25+$0x0] =	vst.idx.msk $0xffff, v4  }
0x2bc: {  	v5 =	vor.u32 s0, v1;
	v4 =	vld [tilespmem:s28+$0x0];
	_ =	sdelay $0x4  }
0x2bd: {  	s29 =	sadd.s32 $0x10, s29;
	[tilespmem:v5+s25+$0x0] =	vst.idx.msk $0xffff, v4  }
0x2be: {  	v5 =	vor.u32 s0, v2;
	v4 =	vld [tilespmem:s29+$0x0];
	_ =	sdelay $0x4  }
0x2bf: {  	s31 =	sadd.s32 $0x10, s31;
	[tilespmem:v5+s25+$0x0] =	vst.idx.msk $0xffff, v4  }
0x2c0: {  	v5 =	vor.u32 s0, v3;
	s0 =	smov.u32 s3;
	v4 =	vld [tilespmem:s31+$0x0];
	_ =	sdelay $0x1  }
.Ltmp12:
0x2c1: {  	(pc) =	sbr.rel @p0 .LBB2_26-.Ltmp12, $3  }
0x2c2: {  	_ =	sdelay $0x1  }
0x2c3: {  	s1 =	sadd.s32 $0x10, s1;
	[tilespmem:v5+s25+$0x0] =	vst.idx.msk $0xffff, v4  }
0x2c4: {  	s3 =	sadd.s32 $0x80, s3;
	v5 =	vor.u32 s0, v0;
	v4 =	vld [tilespmem:s1+$0x0]  }
0x2c5: {  	_ =	sdelay $0x3  }
0x2c6: {  	s1 =	sadd.s32 $0x10, s28;
	[tilespmem:v5+s25+$0x0] =	vst.idx.msk $0xffff, v4  }
0x2c7: {  	v5 =	vor.u32 s0, v1;
	v4 =	vld [tilespmem:s1+$0x0];
	_ =	sdelay $0x4  }
0x2c8: {  	s3 =	sadd.s32 $0x10, s29;
	[tilespmem:v5+s25+$0x0] =	vst.idx.msk $0xffff, v4  }
0x2c9: {  	v5 =	vor.u32 s0, v2;
	v4 =	vld [tilespmem:s3+$0x0];
	_ =	sdelay $0x4  }
0x2ca: {  	s3 =	sadd.s32 $0x10, s31;
	[tilespmem:v5+s25+$0x0] =	vst.idx.msk $0xffff, v4  }
0x2cb: {  	v5 =	vor.u32 s0, v3;
	v4 =	vld [tilespmem:s3+$0x0];
	_ =	sdelay $0x4  }
0x2cc: {  	s0 =	simm.s32 $0x0;
	[tilespmem:v5+s25+$0x0] =	vst.idx.msk $0xffff, v4  }
0x2cd: {  	[hbm4b:s16+s0] =	stream.linear.scatter [tilespmem:s25], [sflag:$0x1], $0x10000, $0x38;
	[tilespmem:$0x18000] =	vst v63  }
0x2ce: {  	_ =	swait.ge [sflag:s24], $0x10000  }
0x2cf: {  	[sflag:s24] =	ssyncset.done $0x0  }
0x2d0: {  	[sflag:s24] =	ssyncadd.s32 $0xFFFF0000  }
0x2d1: {  	[tilespmem:s0], [sflag:$0x1] =	stream.linear.gather [hbm4b:s7+s0], $0x2000, $0x38;
	[tilespmem:$0x18000] =	vst v63  }
0x2d2: {  	_ =	swait.ge [sflag:s24], $0x2000  }
0x2d3: {  	s3 =	sld [smem:$0x7F6]  }
0x2d4: {  	[sflag:s24] =	ssyncset.done $0x0  }
0x2d5: {  	s28 =	simm.s32 $0x2000;
	[sflag:s24] =	ssyncadd.s32 $0xFFFFE000  }
0x2d6: {  	[tilespmem:s28], [sflag:$0x1] =	stream.linear.gather [hbm4b:s3+s0], $0x2000, $0x38;
	[tilespmem:$0x18000] =	vst v63  }
0x2d7: {  	_ =	swait.ge [sflag:s24], $0x2000  }
0x2d8: {  	s3 =	sld [smem:$0x7F7]  }
0x2d9: {  	[sflag:s24] =	ssyncset.done $0x0  }
0x2da: {  	s29 =	simm.s32 $0x4000;
	[sflag:s24] =	ssyncadd.s32 $0xFFFFE000  }
0x2db: {  	[tilespmem:s29], [sflag:$0x1] =	stream.linear.gather [hbm4b:s3+s0], $0x2000, $0x38;
	[tilespmem:$0x18000] =	vst v63  }
0x2dc: {  	_ =	swait.ge [sflag:s24], $0x2000  }
0x2dd: {  	s3 =	sld [smem:$0x7F8]  }
0x2de: {  	[sflag:s24] =	ssyncset.done $0x0  }
0x2df: {  	s31 =	simm.s32 $0x6000;
	[sflag:s24] =	ssyncadd.s32 $0xFFFFE000  }
0x2e0: {  	[tilespmem:s31], [sflag:$0x1] =	stream.linear.gather [hbm4b:s3+s0], $0x2000, $0x38;
	[tilespmem:$0x18000] =	vst v63  }
0x2e1: {  	_ =	swait.ge [sflag:s24], $0x2000  }
0x2e2: {  	[sflag:s24] =	ssyncset.done $0x0  }
0x2e3: {  	[sflag:s24] =	ssyncadd.s32 $0xFFFFE000  }
0x2e4: {  	v5 =	vor.u32 s0, v0;
	v4 =	vld [tilespmem:s0+$0x0];
	_ =	sdelay $0x4  }
0x2e5: {  	[tilespmem:v5+s25+$0x0] =	vst.idx.msk $0xffff, v4  }
0x2e6: {  	v5 =	vor.u32 s0, v1;
	v4 =	vld [tilespmem:s28+$0x0];
	_ =	sdelay $0x4  }
0x2e7: {  	[tilespmem:v5+s25+$0x0] =	vst.idx.msk $0xffff, v4  }
0x2e8: {  	v5 =	vor.u32 s0, v2;
	v4 =	vld [tilespmem:s29+$0x0];
	_ =	sdelay $0x4  }
0x2e9: {  	[tilespmem:v5+s25+$0x0] =	vst.idx.msk $0xffff, v4  }
0x2ea: {  	v5 =	vor.u32 s0, v3;
	v4 =	vld [tilespmem:s31+$0x0];
	_ =	sdelay $0x4  }
0x2eb: {  	s1 =	simm.s32 $0x10;
	s0 =	simm.s32 $0x80;
	[tilespmem:v5+s25+$0x0] =	vst.idx.msk $0xffff, v4  }
0x2ec: {  	s3 =	simm.s32 $0x100;
	v5 =	vor.u32 s0, v0;
	v4 =	vld [tilespmem:s1+$0x0]  }
.LBB2_28:
0x2ed: {  	p0 =	sne.s32 s3, $0xFF80;
	_ =	sdelay $0x3  }
0x2ee: {  	s28 =	sadd.s32 $0x10, s28;
	[tilespmem:v5+s25+$0x0] =	vst.idx.msk $0xffff, v4  }
0x2ef: {  	v5 =	vor.u32 s0, v1;
	v4 =	vld [tilespmem:s28+$0x0];
	_ =	sdelay $0x4  }
0x2f0: {  	s29 =	sadd.s32 $0x10, s29;
	[tilespmem:v5+s25+$0x0] =	vst.idx.msk $0xffff, v4  }
0x2f1: {  	v5 =	vor.u32 s0, v2;
	v4 =	vld [tilespmem:s29+$0x0];
	_ =	sdelay $0x4  }
0x2f2: {  	s31 =	sadd.s32 $0x10, s31;
	[tilespmem:v5+s25+$0x0] =	vst.idx.msk $0xffff, v4  }
0x2f3: {  	v5 =	vor.u32 s0, v3;
	s0 =	smov.u32 s3;
	v4 =	vld [tilespmem:s31+$0x0];
	_ =	sdelay $0x1  }
.Ltmp13:
0x2f4: {  	(pc) =	sbr.rel @p0 .LBB2_28-.Ltmp13, $3  }
0x2f5: {  	_ =	sdelay $0x1  }
0x2f6: {  	s1 =	sadd.s32 $0x10, s1;
	[tilespmem:v5+s25+$0x0] =	vst.idx.msk $0xffff, v4  }
0x2f7: {  	s3 =	sadd.s32 $0x80, s3;
	v5 =	vor.u32 s0, v0;
	v4 =	vld [tilespmem:s1+$0x0]  }
0x2f8: {  	_ =	sdelay $0x3  }
0x2f9: {  	s1 =	sadd.s32 $0x10, s28;
	[tilespmem:v5+s25+$0x0] =	vst.idx.msk $0xffff, v4  }
0x2fa: {  	v5 =	vor.u32 s0, v1;
	v4 =	vld [tilespmem:s1+$0x0];
	_ =	sdelay $0x4  }
0x2fb: {  	s3 =	sadd.s32 $0x10, s29;
	[tilespmem:v5+s25+$0x0] =	vst.idx.msk $0xffff, v4  }
0x2fc: {  	v5 =	vor.u32 s0, v2;
	v4 =	vld [tilespmem:s3+$0x0];
	_ =	sdelay $0x4  }
0x2fd: {  	s3 =	sadd.s32 $0x10, s31;
	[tilespmem:v5+s25+$0x0] =	vst.idx.msk $0xffff, v4  }
0x2fe: {  	v5 =	vor.u32 s0, v3;
	v4 =	vld [tilespmem:s3+$0x0];
	_ =	sdelay $0x4  }
0x2ff: {  	s0 =	simm.s32 $0x0;
	[tilespmem:v5+s25+$0x0] =	vst.idx.msk $0xffff, v4  }
0x300: {  	[hbm4b:s17+s0] =	stream.linear.scatter [tilespmem:s25], [sflag:$0x1], $0x10000, $0x38;
	[tilespmem:$0x18000] =	vst v63  }
0x301: {  	_ =	swait.ge [sflag:s24], $0x10000  }
0x302: {  	s3 =	sld [smem:$0x7F9]  }
0x303: {  	[sflag:s24] =	ssyncset.done $0x0  }
0x304: {  	[sflag:s24] =	ssyncadd.s32 $0xFFFF0000  }
0x305: {  	[tilespmem:s0], [sflag:$0x1] =	stream.linear.gather [hbm4b:s3+s0], $0x2000, $0x38;
	[tilespmem:$0x18000] =	vst v63  }
0x306: {  	_ =	swait.ge [sflag:s24], $0x2000  }
0x307: {  	s3 =	sld [smem:$0x7FA]  }
0x308: {  	[sflag:s24] =	ssyncset.done $0x0  }
0x309: {  	s28 =	simm.s32 $0x2000;
	[sflag:s24] =	ssyncadd.s32 $0xFFFFE000  }
0x30a: {  	[tilespmem:s28], [sflag:$0x1] =	stream.linear.gather [hbm4b:s3+s0], $0x2000, $0x38;
	[tilespmem:$0x18000] =	vst v63  }
0x30b: {  	_ =	swait.ge [sflag:s24], $0x2000  }
0x30c: {  	s3 =	sld [smem:$0x7FB]  }
0x30d: {  	[sflag:s24] =	ssyncset.done $0x0  }
0x30e: {  	s29 =	simm.s32 $0x4000;
	[sflag:s24] =	ssyncadd.s32 $0xFFFFE000  }
0x30f: {  	[tilespmem:s29], [sflag:$0x1] =	stream.linear.gather [hbm4b:s3+s0], $0x2000, $0x38;
	[tilespmem:$0x18000] =	vst v63  }
0x310: {  	_ =	swait.ge [sflag:s24], $0x2000  }
0x311: {  	s3 =	sld [smem:$0x7FC]  }
0x312: {  	[sflag:s24] =	ssyncset.done $0x0  }
0x313: {  	s31 =	simm.s32 $0x6000;
	[sflag:s24] =	ssyncadd.s32 $0xFFFFE000  }
0x314: {  	[tilespmem:s31], [sflag:$0x1] =	stream.linear.gather [hbm4b:s3+s0], $0x2000, $0x38;
	[tilespmem:$0x18000] =	vst v63  }
0x315: {  	_ =	swait.ge [sflag:s24], $0x2000  }
0x316: {  	[sflag:s24] =	ssyncset.done $0x0  }
0x317: {  	[sflag:s24] =	ssyncadd.s32 $0xFFFFE000  }
0x318: {  	v5 =	vor.u32 s0, v0;
	v4 =	vld [tilespmem:s0+$0x0];
	_ =	sdelay $0x4  }
0x319: {  	[tilespmem:v5+s25+$0x0] =	vst.idx.msk $0xffff, v4  }
0x31a: {  	v5 =	vor.u32 s0, v1;
	v4 =	vld [tilespmem:s28+$0x0];
	_ =	sdelay $0x4  }
0x31b: {  	[tilespmem:v5+s25+$0x0] =	vst.idx.msk $0xffff, v4  }
0x31c: {  	v5 =	vor.u32 s0, v2;
	v4 =	vld [tilespmem:s29+$0x0];
	_ =	sdelay $0x4  }
0x31d: {  	[tilespmem:v5+s25+$0x0] =	vst.idx.msk $0xffff, v4  }
0x31e: {  	v5 =	vor.u32 s0, v3;
	v4 =	vld [tilespmem:s31+$0x0];
	_ =	sdelay $0x4  }
0x31f: {  	s1 =	simm.s32 $0x10;
	s0 =	simm.s32 $0x80;
	[tilespmem:v5+s25+$0x0] =	vst.idx.msk $0xffff, v4  }
0x320: {  	s3 =	simm.s32 $0x100;
	v5 =	vor.u32 s0, v0;
	v4 =	vld [tilespmem:s1+$0x0]  }
.LBB2_30:
0x321: {  	p0 =	sne.s32 s3, $0xFF80;
	_ =	sdelay $0x3  }
0x322: {  	s28 =	sadd.s32 $0x10, s28;
	[tilespmem:v5+s25+$0x0] =	vst.idx.msk $0xffff, v4  }
0x323: {  	v5 =	vor.u32 s0, v1;
	v4 =	vld [tilespmem:s28+$0x0];
	_ =	sdelay $0x4  }
0x324: {  	s29 =	sadd.s32 $0x10, s29;
	[tilespmem:v5+s25+$0x0] =	vst.idx.msk $0xffff, v4  }
0x325: {  	v5 =	vor.u32 s0, v2;
	v4 =	vld [tilespmem:s29+$0x0];
	_ =	sdelay $0x4  }
0x326: {  	s31 =	sadd.s32 $0x10, s31;
	[tilespmem:v5+s25+$0x0] =	vst.idx.msk $0xffff, v4  }
0x327: {  	v5 =	vor.u32 s0, v3;
	s0 =	smov.u32 s3;
	v4 =	vld [tilespmem:s31+$0x0];
	_ =	sdelay $0x1  }
.Ltmp14:
0x328: {  	(pc) =	sbr.rel @p0 .LBB2_30-.Ltmp14, $3  }
0x329: {  	_ =	sdelay $0x1  }
0x32a: {  	s1 =	sadd.s32 $0x10, s1;
	[tilespmem:v5+s25+$0x0] =	vst.idx.msk $0xffff, v4  }
0x32b: {  	s3 =	sadd.s32 $0x80, s3;
	v5 =	vor.u32 s0, v0;
	v4 =	vld [tilespmem:s1+$0x0]  }
0x32c: {  	_ =	sdelay $0x3  }
0x32d: {  	s1 =	sadd.s32 $0x10, s28;
	[tilespmem:v5+s25+$0x0] =	vst.idx.msk $0xffff, v4  }
0x32e: {  	v5 =	vor.u32 s0, v1;
	v4 =	vld [tilespmem:s1+$0x0];
	_ =	sdelay $0x4  }
0x32f: {  	s3 =	sadd.s32 $0x10, s29;
	[tilespmem:v5+s25+$0x0] =	vst.idx.msk $0xffff, v4  }
0x330: {  	v5 =	vor.u32 s0, v2;
	v4 =	vld [tilespmem:s3+$0x0];
	_ =	sdelay $0x4  }
0x331: {  	s3 =	sadd.s32 $0x10, s31;
	[tilespmem:v5+s25+$0x0] =	vst.idx.msk $0xffff, v4  }
0x332: {  	v5 =	vor.u32 s0, v3;
	v4 =	vld [tilespmem:s3+$0x0];
	_ =	sdelay $0x4  }
0x333: {  	s0 =	simm.s32 $0x0;
	[tilespmem:v5+s25+$0x0] =	vst.idx.msk $0xffff, v4  }
0x334: {  	[hbm4b:s18+s0] =	stream.linear.scatter [tilespmem:s25], [sflag:$0x1], $0x10000, $0x38;
	[tilespmem:$0x18000] =	vst v63  }
0x335: {  	_ =	swait.ge [sflag:s24], $0x10000  }
0x336: {  	s3 =	sld [smem:$0x7FD]  }
0x337: {  	[sflag:s24] =	ssyncset.done $0x0  }
0x338: {  	[sflag:s24] =	ssyncadd.s32 $0xFFFF0000  }
0x339: {  	[tilespmem:s0], [sflag:$0x1] =	stream.linear.gather [hbm4b:s3+s0], $0x2000, $0x38;
	[tilespmem:$0x18000] =	vst v63  }
0x33a: {  	_ =	swait.ge [sflag:s24], $0x2000  }
0x33b: {  	[sflag:s24] =	ssyncset.done $0x0  }
0x33c: {  	s28 =	simm.s32 $0x2000;
	[sflag:s24] =	ssyncadd.s32 $0xFFFFE000  }
0x33d: {  	[tilespmem:s28], [sflag:$0x1] =	stream.linear.gather [hbm4b:s5+s0], $0x2000, $0x38;
	[tilespmem:$0x18000] =	vst v63  }
0x33e: {  	_ =	swait.ge [sflag:s24], $0x2000  }
0x33f: {  	[sflag:s24] =	ssyncset.done $0x0  }
0x340: {  	s29 =	simm.s32 $0x4000;
	[sflag:s24] =	ssyncadd.s32 $0xFFFFE000  }
0x341: {  	[tilespmem:s29], [sflag:$0x1] =	stream.linear.gather [hbm4b:s6+s0], $0x2000, $0x38;
	[tilespmem:$0x18000] =	vst v63  }
0x342: {  	_ =	swait.ge [sflag:s24], $0x2000  }
0x343: {  	[sflag:s24] =	ssyncset.done $0x0  }
0x344: {  	s31 =	simm.s32 $0x6000;
	[sflag:s24] =	ssyncadd.s32 $0xFFFFE000  }
0x345: {  	[tilespmem:s31], [sflag:$0x1] =	stream.linear.gather [hbm4b:s8+s0], $0x2000, $0x38;
	[tilespmem:$0x18000] =	vst v63  }
0x346: {  	_ =	swait.ge [sflag:s24], $0x2000  }
0x347: {  	[sflag:s24] =	ssyncset.done $0x0  }
0x348: {  	[sflag:s24] =	ssyncadd.s32 $0xFFFFE000  }
0x349: {  	v5 =	vor.u32 s0, v0;
	v4 =	vld [tilespmem:s0+$0x0];
	_ =	sdelay $0x4  }
0x34a: {  	[tilespmem:v5+s25+$0x0] =	vst.idx.msk $0xffff, v4  }
0x34b: {  	v5 =	vor.u32 s0, v1;
	v4 =	vld [tilespmem:s28+$0x0];
	_ =	sdelay $0x4  }
0x34c: {  	[tilespmem:v5+s25+$0x0] =	vst.idx.msk $0xffff, v4  }
0x34d: {  	v5 =	vor.u32 s0, v2;
	v4 =	vld [tilespmem:s29+$0x0];
	_ =	sdelay $0x4  }
0x34e: {  	[tilespmem:v5+s25+$0x0] =	vst.idx.msk $0xffff, v4  }
0x34f: {  	v5 =	vor.u32 s0, v3;
	v4 =	vld [tilespmem:s31+$0x0];
	_ =	sdelay $0x4  }
0x350: {  	s1 =	simm.s32 $0x10;
	s0 =	simm.s32 $0x80;
	[tilespmem:v5+s25+$0x0] =	vst.idx.msk $0xffff, v4  }
0x351: {  	s3 =	simm.s32 $0x100;
	v5 =	vor.u32 s0, v0;
	v4 =	vld [tilespmem:s1+$0x0]  }
.LBB2_32:
0x352: {  	p0 =	sne.s32 s3, $0xFF80;
	_ =	sdelay $0x3  }
0x353: {  	s28 =	sadd.s32 $0x10, s28;
	[tilespmem:v5+s25+$0x0] =	vst.idx.msk $0xffff, v4  }
0x354: {  	v5 =	vor.u32 s0, v1;
	v4 =	vld [tilespmem:s28+$0x0];
	_ =	sdelay $0x4  }
0x355: {  	s29 =	sadd.s32 $0x10, s29;
	[tilespmem:v5+s25+$0x0] =	vst.idx.msk $0xffff, v4  }
0x356: {  	v5 =	vor.u32 s0, v2;
	v4 =	vld [tilespmem:s29+$0x0];
	_ =	sdelay $0x4  }
0x357: {  	s31 =	sadd.s32 $0x10, s31;
	[tilespmem:v5+s25+$0x0] =	vst.idx.msk $0xffff, v4  }
0x358: {  	v5 =	vor.u32 s0, v3;
	s0 =	smov.u32 s3;
	v4 =	vld [tilespmem:s31+$0x0];
	_ =	sdelay $0x1  }
.Ltmp15:
0x359: {  	(pc) =	sbr.rel @p0 .LBB2_32-.Ltmp15, $3  }
0x35a: {  	_ =	sdelay $0x1  }
0x35b: {  	s1 =	sadd.s32 $0x10, s1;
	[tilespmem:v5+s25+$0x0] =	vst.idx.msk $0xffff, v4  }
0x35c: {  	s3 =	sadd.s32 $0x80, s3;
	v5 =	vor.u32 s0, v0;
	v4 =	vld [tilespmem:s1+$0x0]  }
0x35d: {  	_ =	sdelay $0x3  }
0x35e: {  	s1 =	sadd.s32 $0x10, s28;
	[tilespmem:v5+s25+$0x0] =	vst.idx.msk $0xffff, v4  }
0x35f: {  	v5 =	vor.u32 s0, v1;
	v4 =	vld [tilespmem:s1+$0x0];
	_ =	sdelay $0x4  }
0x360: {  	s29 =	sadd.s32 $0x10, s29;
	[tilespmem:v5+s25+$0x0] =	vst.idx.msk $0xffff, v4  }
0x361: {  	v5 =	vor.u32 s0, v2;
	v4 =	vld [tilespmem:s29+$0x0];
	_ =	sdelay $0x4  }
0x362: {  	s31 =	sadd.s32 $0x10, s31;
	[tilespmem:v5+s25+$0x0] =	vst.idx.msk $0xffff, v4  }
0x363: {  	v5 =	vor.u32 s0, v3;
	v4 =	vld [tilespmem:s31+$0x0];
	_ =	sdelay $0x2  }
0x364: {  	s26 =	sadd.s32 $0x1, s26  }
0x365: {  	p0 =	sne.s32 s26, s20  }
.Ltmp16:
0x366: {  	[tilespmem:v5+s25+$0x0] =	vst.idx.msk $0xffff, v4;
	(pc) =	sbr.rel @p0 .LBB2_1-.Ltmp16, $4  }
0x367: {  	[hbm4b:s19+s2] =	stream.linear.scatter [tilespmem:s25], [sflag:$0x1], $0x10000, $0x38;
	[tilespmem:$0x18000] =	vst v63  }
0x368: {  	_ =	swait.ge [sflag:s24], $0x10000  }
0x369: {  	[sflag:s24] =	ssyncset.done $0x0  }
0x36a: {  	[sflag:s24] =	ssyncadd.s32 $0xFFFF0000  }
0x36b: {  	_ =	sfence.sel $0x180000  }
0x36c: {  	[bflag:$0x0] =	sbarrier.arrive $0xFFFF  }
0x36d: {  	_ =	strace $0x90000047  }
0x36e: {  	s0 =	stileid.u32;
	[bflag:$0x2] =	sbarrier.arrive $0xFFFF  }
0x36f: {  	p0 =	sne.s32 s0, $0x0;
	s0 =	rddreg [dreg:$0x2]  }
0x370: {  	s0 =	sadd.s32 @!p0 $0x100000, s0  }
0x371: {  	[sflag:s0] =	ssyncadd.tile.s32 @!p0 $0x1;
	_ =	shalt  }
.Lfunc_end2:
_tile_overlayer_lowered:
.L_overlay_start_2:
0x372: {  	(tag) =	ssettag $0x2  }
0x373: {  	s0 =	rddreg [dreg:$0x0];
	s2 =	stileid.u32  }
0x374: {  	s1 =	rddreg [dreg:$0x1];
	p0 =	sne.s32 s2, $0x0  }
0x375: {  	s3 =	rddreg [dreg:$0x2];
	[bflag:$0x3] =	sbarrier.arrive $0xFFFF;
	s2 =	simm.s32 @!p0 $0x1C01  }
0x376: {  	[timem:s3], [sflag:s2] =	dma.local @!p0 [hbm:s0], s1  }
0x377: {  	s0 =	simm.s32 @!p0 $0x1  }
0x378: {  	_ =	swait.ge @!p0 [sflag:s0], s1  }
0x379: {  	s1 =	ssub.s32 @!p0 $0x0, s1;
	[sflag:s0] =	ssyncset.done @!p0 $0x0  }
0x37a: {  	[sflag:s0] =	ssyncadd.s32 @!p0 s1  }
0x37b: {  	[bflag:$0x3] =	sbarrier.arrive $0xFFFF  }
0x37c: {  	_ =	shalt  }

</sc_bundles>
